<compile_context>
chip_gen: v7x
topology: tpu7x:2x2x1
jax: 0.10.2.dev20260603
libtpu: 0.0.44.dev20260713+nightly
codegen_flags: <defaults>
</compile_context>

<pallas_src>
import functools

import jax
import jax.numpy as jnp
from jax import lax
from jax.experimental import pallas as pl
from jax.experimental.pallas import tpu as pltpu
from jax.experimental.pallas import tpu_sc as plsc

B = 2
C = 8
D = 64
H = 192
W = 192
SC_D = 24
TC_D = D - SC_D
DC = 8
NW = 32
RCH = 24
NRC = H // RCH
UNITS = B * SC_D * NRC
UPW = UNITS // NW
LANES = 16
NKEY = B * C * C
ACC_LEN = NKEY * LANES

_mesh = plsc.VectorSubcoreMesh(core_axis_name="c", subcore_axis_name="s")


@functools.partial(
    pl.kernel,
    mesh=_mesh,
    out_type=jax.ShapeDtypeStruct((NW, ACC_LEN), jnp.float32),
    compiler_params=pltpu.CompilerParams(needs_layout_passes=False),
    scratch_types=[
        pltpu.VMEM((2, C, RCH, W), jnp.float32),
        pltpu.VMEM((2, RCH, W), jnp.int32),
        pltpu.VMEM((ACC_LEN,), jnp.float32),
        pltpu.SemaphoreType.DMA,
        pltpu.SemaphoreType.DMA,
    ],
)
def _sc_hist(x_hbm, t_hbm, out_hbm, inb, tgb, acc, sem0, sem1):
    nc = 2
    wid = lax.axis_index("s") * nc + lax.axis_index("c")
    ubase = wid * UPW
    sems = (sem0, sem1)

    zero16 = jnp.zeros((LANES,), jnp.float32)

    def _zero(i, carry):
        acc[pl.ds(i * LANES, LANES)] = zero16
        return carry

    lax.fori_loop(0, NKEY, _zero, 0)

    def _unit_coords(u):
        unit = ubase + u
        b = unit // (SC_D * NRC)
        rem = unit % (SC_D * NRC)
        d = rem // NRC
        r0 = (rem % NRC) * RCH
        return b, d, r0

    def _start(u, slot):
        b, d, r0 = _unit_coords(u)
        pltpu.async_copy(
            x_hbm.at[b, :, d, pl.ds(r0, RCH), :], inb.at[slot], sems[slot])
        pltpu.async_copy(
            t_hbm.at[b, d, pl.ds(r0, RCH), :], tgb.at[slot], sems[slot])

    def _wait(slot):
        pltpu.make_async_copy(
            x_hbm.at[0, :, 0, pl.ds(0, RCH), :], inb.at[slot],
            sems[slot]).wait()
        pltpu.make_async_copy(
            t_hbm.at[0, 0, pl.ds(0, RCH), :], tgb.at[slot], sems[slot]).wait()

    lane = lax.iota(jnp.int32, LANES)
    ones = jnp.ones((LANES,), jnp.float32)
    npr = W // LANES

    def _compute(u, slot):
        b, _, _ = _unit_coords(u)
        kbase = b * (C * C * LANES)

        def body(r, carry):
            for i in range(npr):
                p = i * LANES
                best = inb[slot, 0, r, pl.ds(p, LANES)]
                idx = jnp.zeros((LANES,), jnp.int32)
                for c in range(1, C):
                    v = inb[slot, c, r, pl.ds(p, LANES)]
                    m = v > best
                    best = jnp.where(m, v, best)
                    idx = jnp.where(m, jnp.full((LANES,), c, jnp.int32), idx)
                t = tgb[slot, r, pl.ds(p, LANES)]
                addr = kbase + (idx * C + t) * LANES + lane
                plsc.addupdate_scatter(acc, [addr], ones)
            return carry

        lax.fori_loop(0, RCH, body, 0)

    _start(0, 0)

    def outer(k, carry):
        _start(2 * k + 1, 1)
        _wait(0)
        _compute(2 * k, 0)

        @pl.when(k < UPW // 2 - 1)
        def _():
            _start(2 * k + 2, 0)

        _wait(1)
        _compute(2 * k + 1, 1)
        return carry

    lax.fori_loop(0, UPW // 2, outer, 0)

    pltpu.sync_copy(acc, out_hbm.at[wid])


def _tc_hist_body(x_ref, t_ref, o_ref):
    bi = pl.program_id(0)
    j = pl.program_id(1)

    @pl.when((bi == 0) & (j == 0))
    def _():
        o_ref[...] = jnp.zeros_like(o_ref)

    nb = DC * H // 8

    def band(hb, carry):
        xs = x_ref[0, :, pl.ds(hb * 8, 8), :]
        ts = t_ref[0, pl.ds(hb * 8, 8), :]
        best = xs[0]
        idx = jnp.zeros((8, W), jnp.int32)
        for c in range(1, C):
            v = xs[c]
            m = v > best
            best = jnp.where(m, v, best)
            idx = jnp.where(m, c, idx)
        out = []
        for c in range(1, C):
            a_tps, a_np, a_nt = carry[c - 1]
            pc = idx == c
            tc = ts == c
            a_tps = a_tps + jnp.where(pc & tc, 1.0, 0.0)
            a_np = a_np + jnp.where(pc, 1.0, 0.0)
            a_nt = a_nt + jnp.where(tc, 1.0, 0.0)
            out.append((a_tps, a_np, a_nt))
        return tuple(out)

    z = jnp.zeros((8, W), jnp.float32)
    init = tuple((z, z, z) for _ in range(1, C))
    accs = lax.fori_loop(0, nb, band, init)

    rows = lax.broadcasted_iota(jnp.int32, (16, 128), 0)
    lanes = lax.broadcasted_iota(jnp.int32, (16, 128), 1)
    acc = o_ref[...]
    for c in range(1, C):
        a_tps, a_np, a_nt = accs[c - 1]
        tps = jnp.sum(a_tps)
        npred = jnp.sum(a_np)
        nt = jnp.sum(a_nt)
        row = bi * 8 + c
        upd = jnp.where(lanes == 0, tps,
                        jnp.where(lanes == 1, npred,
                                  jnp.where(lanes == 2, nt, 0.0)))
        acc = jnp.where(rows == row, acc + upd, acc)
    o_ref[...] = acc


def _dice_body(p_ref, q_ref, o_ref):
    x = p_ref[:]
    tot = jnp.sum(x, axis=0, keepdims=True)
    l = lax.broadcasted_iota(jnp.int32, (1, ACC_LEN), 1)
    key = l // LANES
    b_l = key // (C * C)
    p_l = (key // C) % C
    t_l = key % C
    q = q_ref[:]
    eps = 1e-5
    res = []
    for b in range(B):
        mb = b_l == b
        s = 0.0
        for c in range(1, C):
            tps = (jnp.sum(jnp.where(mb & (p_l == c) & (t_l == c), tot, 0.0))
                   + q[b * 8 + c, 0])
            npred = (jnp.sum(jnp.where(mb & (p_l == c), tot, 0.0))
                     + q[b * 8 + c, 1])
            nt = (jnp.sum(jnp.where(mb & (t_l == c), tot, 0.0))
                  + q[b * 8 + c, 2])
            s = s + 2.0 * tps / (npred + nt + eps)
        res.append(s / (C - 1))
    rows = lax.broadcasted_iota(jnp.int32, (8, 128), 0)
    lanes = lax.broadcasted_iota(jnp.int32, (8, 128), 1)
    out = jnp.where((rows == 0) & (lanes == 0), res[0], 0.0)
    out = jnp.where((rows == 1) & (lanes == 0), res[1], out)
    o_ref[:] = out


def kernel(inputs, targets):
    t = targets.astype(jnp.int32)
    partial = _sc_hist(inputs, t)
    x4 = inputs.reshape(B, C, D * H, W)
    t3 = t.reshape(B, D * H, W)
    tc_counts = pl.pallas_call(
        _tc_hist_body,
        grid=(B, TC_D // DC),
        in_specs=[
            pl.BlockSpec((1, C, DC * H, W),
                         lambda b, j: (b, 0, SC_D // DC + j, 0)),
            pl.BlockSpec((1, DC * H, W),
                         lambda b, j: (b, SC_D // DC + j, 0)),
        ],
        out_specs=pl.BlockSpec((16, 128), lambda b, j: (0, 0)),
        out_shape=jax.ShapeDtypeStruct((16, 128), jnp.float32),
    )(x4, t3)
    out = pl.pallas_call(
        _dice_body,
        out_shape=jax.ShapeDtypeStruct((8, 128), jnp.float32),
    )(partial, tc_counts)
    return out[0:2, 0]

# --- scband reference (transcript-rebuilt; emitter-appended) ---
"""Pipeline reference for scband-dice-metric-4793183502894 (READ-ONLY COPY).

The authoritative reference and input builder live on the scoring server;
editing this copy changes nothing except your own understanding.
"""

import jax, jax.numpy as jnp
import numpy as np


def one_hot(gt, categories):
    # torch version scatters into a zero tensor then permutes (0,4,1,2,3);
    # jax.nn.one_hot + moveaxis reproduces the same [B, C, D, H, W] layout.
    oh = jax.nn.one_hot(gt, categories, dtype=jnp.float32)
    return jnp.moveaxis(oh, -1, 1)


def setup_inputs(seed: int = 0):
    key = jax.random.key(seed)
    k1, k2 = jax.random.split(key)
    inputs = jax.random.normal(k1, (2, 8, 64, 192, 192), dtype=jnp.float32)
    targets = jax.random.randint(k2, (2, 64, 192, 192), 0, 8).astype(jnp.int64)
    return {"inputs": inputs, "targets": targets}


def reference(inputs, targets):
    eps = 1e-05
    categories = inputs.shape[1]
    t = one_hot(targets, categories)
    preds = jnp.argmax(jax.nn.softmax(inputs, axis=1), axis=1)
    i = one_hot(preds, categories)
    dims = tuple(range(2, t.ndim))
    tps = jnp.sum(i * t, axis=dims)
    fps = jnp.sum(i * (1.0 - t), axis=dims)
    fns = jnp.sum((1.0 - i) * t, axis=dims)
    loss = 2.0 * tps / (2.0 * tps + fps + fns + eps)
    return loss[:, 1:].mean(axis=1)

if __name__ == "__main__":
    import jax
    _d = setup_inputs()
    print(jax.jit(kernel)(*tuple(_d.values())))

</pallas_src>

<mosaic_0001>
#map = affine_map<(d0, d1) -> (0, 0, 0, 0, 0)>
#map1 = affine_map<(d0, d1) -> (0, 0, 0, 0)>
#map2 = affine_map<(d0, d1) -> (0, 0)>
module attributes {stable_mosaic.version = 14 : i64} {
  func.func @_sc_hist(%arg0: i32, %arg1: i32, %arg2: memref<2x8x64x192x192xf32, #tpu.memory_space<hbm>>, %arg3: memref<2x64x192x192xi32, #tpu.memory_space<hbm>>, %arg4: memref<32x2048xf32, #tpu.memory_space<hbm>>, %arg5: memref<2x8x24x192xf32, #tpu.memory_space<vmem>>, %arg6: memref<2x24x192xi32, #tpu.memory_space<vmem>>, %arg7: memref<2048xf32, #tpu.memory_space<vmem>>, %arg8: memref<!tpu.dma_semaphore, #tpu.memory_space<semaphore_mem>>, %arg9: memref<!tpu.dma_semaphore, #tpu.memory_space<semaphore_mem>>) attributes {dimension_semantics = [#tpu.dimension_semantics<core_parallel>, #tpu.dimension_semantics<subcore_parallel>], iteration_bounds = array<i64: 2, 16>, scalar_prefetch = 0 : i64, scratch_operands = 5 : i64, tpu.core_type = #tpu.core_type<sc_vector_subcore>, window_params = [{transform_indices = #map}, {transform_indices = #map1}, {transform_indices = #map2}]} {
    %mul3A = arith.constant 2 : i32
    %mul3A_0 = arith.muli %arg1, %mul3A : i32
    %add3A = arith.addi %mul3A_0, %arg0 : i32
    %mul3A_1 = arith.constant 12 : i32
    %mul3A_2 = arith.muli %add3A, %mul3A_1 : i32
    %broadcast_in_dim3A = arith.constant 0.000000e+00 : f32
    %broadcast_in_dim3A_3 = vector.broadcast %broadcast_in_dim3A : f32 to vector<16xf32>
    %scan3A = arith.constant 0 : i32
    %scan3A_4 = arith.constant 0 : i32
    %scan3A_5 = arith.constant 128 : i32
    %scan3A_6 = arith.addi %scan3A_4, %scan3A_5 : i32
    %scan3A_7 = arith.constant 1 : i32
    scf.for %scan3A_124 = %scan3A_4 to %scan3A_6 step %scan3A_7  : i32 {
      %mul3A_125 = arith.constant 16 : i32
      %mul3A_126 = arith.muli %scan3A_124, %mul3A_125 : i32
      %swap3A = arith.index_cast %mul3A_126 : i32 to index
      %swap3A_127 = tpu.vector_load %arg7[%swap3A] {strides = array<i32>} : memref<2048xf32, #tpu.memory_space<vmem>>, vector<16xf32>,
      tpu.vector_store %arg7[%swap3A], %broadcast_in_dim3A_3 {strides = array<i32>} : memref<2048xf32, #tpu.memory_space<vmem>>, vector<16xf32>,
    }
    %scan3A_8 = arith.constant 128 : i32
    %iota3A = tpu.iota {dimensions = array<i32: 0>} : vector<16xi32>
    %broadcast_in_dim3A_9 = arith.constant 1.000000e+00 : f32
    %broadcast_in_dim3A_10 = vector.broadcast %broadcast_in_dim3A_9 : f32 to vector<16xf32>
    %add3A_11 = arith.constant 0 : i32
    %add3A_12 = arith.addi %mul3A_2, %add3A_11 : i32
    %jit3A = arith.constant 192 : i32
    %div3A = arith.divsi %add3A_12, %jit3A : i32
    %sign3A = arith.constant 0 : i32
    %sign3A_13 = arith.cmpi sgt, %add3A_12, %sign3A : i32
    %sign3A_14 = arith.extui %sign3A_13 : i1 to i32
    %sign3A_15 = arith.constant 0 : i32
    %sign3A_16 = arith.cmpi slt, %add3A_12, %sign3A_15 : i32
    %sign3A_17 = arith.extui %sign3A_16 : i1 to i32
    %sign3A_18 = arith.subi %sign3A_14, %sign3A_17 : i32
    %sign3A_19 = arith.constant 0 : i32
    %sign3A_20 = arith.cmpi sgt, %jit3A, %sign3A_19 : i32
    %sign3A_21 = arith.extui %sign3A_20 : i1 to i32
    %sign3A_22 = arith.constant 0 : i32
    %sign3A_23 = arith.cmpi slt, %jit3A, %sign3A_22 : i32
    %sign3A_24 = arith.extui %sign3A_23 : i1 to i32
    %sign3A_25 = arith.subi %sign3A_21, %sign3A_24 : i32
    %ne3A = arith.cmpi ne, %sign3A_18, %sign3A_25 : i32
    %rem3A = arith.remsi %add3A_12, %jit3A : i32
    %ne3A_26 = arith.constant 0 : i32
    %ne3A_27 = arith.cmpi ne, %rem3A, %ne3A_26 : i32
    %and3A = arith.andi %ne3A, %ne3A_27 : i1
    %sub3A = arith.constant 1 : i32
    %sub3A_28 = arith.subi %div3A, %sub3A : i32
    %select_n3A = arith.select %and3A, %sub3A_28, %div3A : i32
    %jit3A_29 = arith.constant 192 : i32
    %eq3A = arith.constant 0 : i32
    %eq3A_30 = arith.cmpi eq, %jit3A_29, %eq3A : i32
    %jit3A_31 = arith.constant 1 : i32
    %select_n3A_32 = arith.select %eq3A_30, %jit3A_31, %jit3A_29 : i32
    %rem3A_33 = arith.remsi %add3A_12, %select_n3A_32 : i32
    %ne3A_34 = arith.constant 0 : i32
    %ne3A_35 = arith.cmpi ne, %rem3A_33, %ne3A_34 : i32
    %lt3A = arith.constant 0 : i32
    %lt3A_36 = arith.cmpi slt, %rem3A_33, %lt3A : i32
    %lt3A_37 = arith.constant 0 : i32
    %lt3A_38 = arith.cmpi slt, %select_n3A_32, %lt3A_37 : i32
    %ne3A_39 = arith.xori %lt3A_36, %lt3A_38 : i1
    %and3A_40 = arith.andi %ne3A_39, %ne3A_35 : i1
    %add3A_41 = arith.addi %rem3A_33, %select_n3A_32 : i32
    %select_n3A_42 = arith.select %and3A_40, %add3A_41, %rem3A_33 : i32
    %jit3A_43 = arith.constant 8 : i32
    %div3A_44 = arith.divsi %select_n3A_42, %jit3A_43 : i32
    %sign3A_45 = arith.constant 0 : i32
    %sign3A_46 = arith.cmpi sgt, %select_n3A_42, %sign3A_45 : i32
    %sign3A_47 = arith.extui %sign3A_46 : i1 to i32
    %sign3A_48 = arith.constant 0 : i32
    %sign3A_49 = arith.cmpi slt, %select_n3A_42, %sign3A_48 : i32
    %sign3A_50 = arith.extui %sign3A_49 : i1 to i32
    %sign3A_51 = arith.subi %sign3A_47, %sign3A_50 : i32
    %sign3A_52 = arith.constant 0 : i32
    %sign3A_53 = arith.cmpi sgt, %jit3A_43, %sign3A_52 : i32
    %sign3A_54 = arith.extui %sign3A_53 : i1 to i32
    %sign3A_55 = arith.constant 0 : i32
    %sign3A_56 = arith.cmpi slt, %jit3A_43, %sign3A_55 : i32
    %sign3A_57 = arith.extui %sign3A_56 : i1 to i32
    %sign3A_58 = arith.subi %sign3A_54, %sign3A_57 : i32
    %ne3A_59 = arith.cmpi ne, %sign3A_51, %sign3A_58 : i32
    %rem3A_60 = arith.remsi %select_n3A_42, %jit3A_43 : i32
    %ne3A_61 = arith.constant 0 : i32
    %ne3A_62 = arith.cmpi ne, %rem3A_60, %ne3A_61 : i32
    %and3A_63 = arith.andi %ne3A_59, %ne3A_62 : i1
    %sub3A_64 = arith.constant 1 : i32
    %sub3A_65 = arith.subi %div3A_44, %sub3A_64 : i32
    %select_n3A_66 = arith.select %and3A_63, %sub3A_65, %div3A_44 : i32
    %jit3A_67 = arith.constant 8 : i32
    %eq3A_68 = arith.constant 0 : i32
    %eq3A_69 = arith.cmpi eq, %jit3A_67, %eq3A_68 : i32
    %jit3A_70 = arith.constant 1 : i32
    %select_n3A_71 = arith.select %eq3A_69, %jit3A_70, %jit3A_67 : i32
    %rem3A_72 = arith.remsi %select_n3A_42, %select_n3A_71 : i32
    %ne3A_73 = arith.constant 0 : i32
    %ne3A_74 = arith.cmpi ne, %rem3A_72, %ne3A_73 : i32
    %lt3A_75 = arith.constant 0 : i32
    %lt3A_76 = arith.cmpi slt, %rem3A_72, %lt3A_75 : i32
    %lt3A_77 = arith.constant 0 : i32
    %lt3A_78 = arith.cmpi slt, %select_n3A_71, %lt3A_77 : i32
    %ne3A_79 = arith.xori %lt3A_76, %lt3A_78 : i1
    %and3A_80 = arith.andi %ne3A_79, %ne3A_74 : i1
    %add3A_81 = arith.addi %rem3A_72, %select_n3A_71 : i32
    %select_n3A_82 = arith.select %and3A_80, %add3A_81, %rem3A_72 : i32
    %mul3A_83 = arith.constant 24 : i32
    %mul3A_84 = arith.muli %select_n3A_82, %mul3A_83 : i32
    %dma_start3A = arith.constant 0 : i32
    %dma_start3A_85 = arith.constant 0 : i32
    %dma_start3A_86 = arith.constant 0 : i32
    %dma_start3A_87 = arith.constant 0 : i32
    %dma_start3A_88 = tpu.memref_slice %arg5[%dma_start3A, %dma_start3A_85, %dma_start3A_86, %dma_start3A_87] : memref<2x8x24x192xf32, #tpu.memory_space<vmem>> -> memref<1x8x24x192xf32, #tpu.memory_space<vmem>>
    %dma_start3A_89 = tpu.memref_squeeze %dma_start3A_88 : memref<1x8x24x192xf32, #tpu.memory_space<vmem>> -> memref<8x24x192xf32, #tpu.memory_space<vmem>>
    %dma_start3A_90 = arith.constant 0 : i32
    %dma_start3A_91 = arith.constant 0 : i32
    %dma_start3A_92 = tpu.memref_slice %arg2[%select_n3A, %dma_start3A_90, %select_n3A_66, %mul3A_84, %dma_start3A_91] : memref<2x8x64x192x192xf32, #tpu.memory_space<hbm>> -> memref<1x8x1x24x192xf32, #tpu.memory_space<hbm>>
    %dma_start3A_93 = tpu.memref_squeeze %dma_start3A_92 : memref<1x8x1x24x192xf32, #tpu.memory_space<hbm>> -> memref<8x24x192xf32, #tpu.memory_space<hbm>>
    %dma_start3A_94 = arith.constant 0 : i32
    %dma_start3A_95 = arith.constant 0 : i32
    %dma_start3A_96 = arith.constant 0 : i32
    %dma_start3A_97 = tpu.memref_slice %arg5[%dma_start3A, %dma_start3A_94, %dma_start3A_95, %dma_start3A_96] : memref<2x8x24x192xf32, #tpu.memory_space<vmem>> -> memref<1x8x24x192xf32, #tpu.memory_space<vmem>>
    %dma_start3A_98 = tpu.memref_squeeze %dma_start3A_97 : memref<1x8x24x192xf32, #tpu.memory_space<vmem>> -> memref<8x24x192xf32, #tpu.memory_space<vmem>>
    %dma_start3A_99 = arith.constant 0 : i32
    %dma_start3A_100 = arith.constant 0 : i32
    %dma_start3A_101 = tpu.memref_slice %arg2[%select_n3A, %dma_start3A_99, %select_n3A_66, %mul3A_84, %dma_start3A_100] : memref<2x8x64x192x192xf32, #tpu.memory_space<hbm>> -> memref<1x8x1x24x192xf32, #tpu.memory_space<hbm>>
    %dma_start3A_102 = tpu.memref_squeeze %dma_start3A_101 : memref<1x8x1x24x192xf32, #tpu.memory_space<hbm>> -> memref<8x24x192xf32, #tpu.memory_space<hbm>>
    tpu.enqueue_dma source(%dma_start3A_102 : memref<8x24x192xf32, #tpu.memory_space<hbm>>) target(%dma_start3A_98 : memref<8x24x192xf32, #tpu.memory_space<vmem>>) target_semaphore(%arg8 : memref<!tpu.dma_semaphore, #tpu.memory_space<semaphore_mem>>)
    %dma_start3A_103 = arith.constant 0 : i32
    %dma_start3A_104 = arith.constant 0 : i32
    %dma_start3A_105 = arith.constant 0 : i32
    %dma_start3A_106 = tpu.memref_slice %arg6[%dma_start3A_103, %dma_start3A_104, %dma_start3A_105] : memref<2x24x192xi32, #tpu.memory_space<vmem>> -> memref<1x24x192xi32, #tpu.memory_space<vmem>>
    %dma_start3A_107 = tpu.memref_squeeze %dma_start3A_106 : memref<1x24x192xi32, #tpu.memory_space<vmem>> -> memref<24x192xi32, #tpu.memory_space<vmem>>
    %dma_start3A_108 = arith.constant 0 : i32
    %dma_start3A_109 = tpu.memref_slice %arg3[%select_n3A, %select_n3A_66, %mul3A_84, %dma_start3A_108] : memref<2x64x192x192xi32, #tpu.memory_space<hbm>> -> memref<1x1x24x192xi32, #tpu.memory_space<hbm>>
    %dma_start3A_110 = tpu.memref_squeeze %dma_start3A_109 : memref<1x1x24x192xi32, #tpu.memory_space<hbm>> -> memref<24x192xi32, #tpu.memory_space<hbm>>
    %dma_start3A_111 = arith.constant 0 : i32
    %dma_start3A_112 = arith.constant 0 : i32
    %dma_start3A_113 = tpu.memref_slice %arg6[%dma_start3A_103, %dma_start3A_111, %dma_start3A_112] : memref<2x24x192xi32, #tpu.memory_space<vmem>> -> memref<1x24x192xi32, #tpu.memory_space<vmem>>
    %dma_start3A_114 = tpu.memref_squeeze %dma_start3A_113 : memref<1x24x192xi32, #tpu.memory_space<vmem>> -> memref<24x192xi32, #tpu.memory_space<vmem>>
    %dma_start3A_115 = arith.constant 0 : i32
    %dma_start3A_116 = tpu.memref_slice %arg3[%select_n3A, %select_n3A_66, %mul3A_84, %dma_start3A_115] : memref<2x64x192x192xi32, #tpu.memory_space<hbm>> -> memref<1x1x24x192xi32, #tpu.memory_space<hbm>>
    %dma_start3A_117 = tpu.memref_squeeze %dma_start3A_116 : memref<1x1x24x192xi32, #tpu.memory_space<hbm>> -> memref<24x192xi32, #tpu.memory_space<hbm>>
    tpu.enqueue_dma source(%dma_start3A_117 : memref<24x192xi32, #tpu.memory_space<hbm>>) target(%dma_start3A_114 : memref<24x192xi32, #tpu.memory_space<vmem>>) target_semaphore(%arg8 : memref<!tpu.dma_semaphore, #tpu.memory_space<semaphore_mem>>)
    %scan3A_118 = arith.constant 0 : i32
    %scan3A_119 = arith.constant 0 : i32
    %scan3A_120 = arith.constant 6 : i32
    %scan3A_121 = arith.addi %scan3A_119, %scan3A_120 : i32
    %scan3A_122 = arith.constant 1 : i32
    scf.for %scan3A_124 = %scan3A_119 to %scan3A_121 step %scan3A_122  : i32 {
      %mul3A_125 = arith.constant 2 : i32
      %mul3A_126 = arith.muli %mul3A_125, %scan3A_124 : i32
      %add3A_127 = arith.constant 1 : i32
      %add3A_128 = arith.addi %mul3A_126, %add3A_127 : i32
      %add3A_129 = arith.addi %mul3A_2, %add3A_128 : i32
      %jit3A_130 = arith.constant 192 : i32
      %div3A_131 = arith.divsi %add3A_129, %jit3A_130 : i32
      %sign3A_132 = arith.constant 0 : i32
      %sign3A_133 = arith.cmpi sgt, %add3A_129, %sign3A_132 : i32
      %sign3A_134 = arith.extui %sign3A_133 : i1 to i32
      %sign3A_135 = arith.constant 0 : i32
      %sign3A_136 = arith.cmpi slt, %add3A_129, %sign3A_135 : i32
      %sign3A_137 = arith.extui %sign3A_136 : i1 to i32
      %sign3A_138 = arith.subi %sign3A_134, %sign3A_137 : i32
      %sign3A_139 = arith.constant 0 : i32
      %sign3A_140 = arith.cmpi sgt, %jit3A_130, %sign3A_139 : i32
      %sign3A_141 = arith.extui %sign3A_140 : i1 to i32
      %sign3A_142 = arith.constant 0 : i32
      %sign3A_143 = arith.cmpi slt, %jit3A_130, %sign3A_142 : i32
      %sign3A_144 = arith.extui %sign3A_143 : i1 to i32
      %sign3A_145 = arith.subi %sign3A_141, %sign3A_144 : i32
      %ne3A_146 = arith.cmpi ne, %sign3A_138, %sign3A_145 : i32
      %rem3A_147 = arith.remsi %add3A_129, %jit3A_130 : i32
      %ne3A_148 = arith.constant 0 : i32
      %ne3A_149 = arith.cmpi ne, %rem3A_147, %ne3A_148 : i32
      %and3A_150 = arith.andi %ne3A_146, %ne3A_149 : i1
      %sub3A_151 = arith.constant 1 : i32
      %sub3A_152 = arith.subi %div3A_131, %sub3A_151 : i32
      %select_n3A_153 = arith.select %and3A_150, %sub3A_152, %div3A_131 : i32
      %jit3A_154 = arith.constant 192 : i32
      %eq3A_155 = arith.constant 0 : i32
      %eq3A_156 = arith.cmpi eq, %jit3A_154, %eq3A_155 : i32
      %jit3A_157 = arith.constant 1 : i32
      %select_n3A_158 = arith.select %eq3A_156, %jit3A_157, %jit3A_154 : i32
      %rem3A_159 = arith.remsi %add3A_129, %select_n3A_158 : i32
      %ne3A_160 = arith.constant 0 : i32
      %ne3A_161 = arith.cmpi ne, %rem3A_159, %ne3A_160 : i32
      %lt3A_162 = arith.constant 0 : i32
      %lt3A_163 = arith.cmpi slt, %rem3A_159, %lt3A_162 : i32
      %lt3A_164 = arith.constant 0 : i32
      %lt3A_165 = arith.cmpi slt, %select_n3A_158, %lt3A_164 : i32
      %ne3A_166 = arith.xori %lt3A_163, %lt3A_165 : i1
      %and3A_167 = arith.andi %ne3A_166, %ne3A_161 : i1
      %add3A_168 = arith.addi %rem3A_159, %select_n3A_158 : i32
      %select_n3A_169 = arith.select %and3A_167, %add3A_168, %rem3A_159 : i32
      %jit3A_170 = arith.constant 8 : i32
      %div3A_171 = arith.divsi %select_n3A_169, %jit3A_170 : i32
      %sign3A_172 = arith.constant 0 : i32
      %sign3A_173 = arith.cmpi sgt, %select_n3A_169, %sign3A_172 : i32
      %sign3A_174 = arith.extui %sign3A_173 : i1 to i32
      %sign3A_175 = arith.constant 0 : i32
      %sign3A_176 = arith.cmpi slt, %select_n3A_169, %sign3A_175 : i32
      %sign3A_177 = arith.extui %sign3A_176 : i1 to i32
      %sign3A_178 = arith.subi %sign3A_174, %sign3A_177 : i32
      %sign3A_179 = arith.constant 0 : i32
      %sign3A_180 = arith.cmpi sgt, %jit3A_170, %sign3A_179 : i32
      %sign3A_181 = arith.extui %sign3A_180 : i1 to i32
      %sign3A_182 = arith.constant 0 : i32
      %sign3A_183 = arith.cmpi slt, %jit3A_170, %sign3A_182 : i32
      %sign3A_184 = arith.extui %sign3A_183 : i1 to i32
      %sign3A_185 = arith.subi %sign3A_181, %sign3A_184 : i32
      %ne3A_186 = arith.cmpi ne, %sign3A_178, %sign3A_185 : i32
      %rem3A_187 = arith.remsi %select_n3A_169, %jit3A_170 : i32
      %ne3A_188 = arith.constant 0 : i32
      %ne3A_189 = arith.cmpi ne, %rem3A_187, %ne3A_188 : i32
      %and3A_190 = arith.andi %ne3A_186, %ne3A_189 : i1
      %sub3A_191 = arith.constant 1 : i32
      %sub3A_192 = arith.subi %div3A_171, %sub3A_191 : i32
      %select_n3A_193 = arith.select %and3A_190, %sub3A_192, %div3A_171 : i32
      %jit3A_194 = arith.constant 8 : i32
      %eq3A_195 = arith.constant 0 : i32
      %eq3A_196 = arith.cmpi eq, %jit3A_194, %eq3A_195 : i32
      %jit3A_197 = arith.constant 1 : i32
      %select_n3A_198 = arith.select %eq3A_196, %jit3A_197, %jit3A_194 : i32
      %rem3A_199 = arith.remsi %select_n3A_169, %select_n3A_198 : i32
      %ne3A_200 = arith.constant 0 : i32
      %ne3A_201 = arith.cmpi ne, %rem3A_199, %ne3A_200 : i32
      %lt3A_202 = arith.constant 0 : i32
      %lt3A_203 = arith.cmpi slt, %rem3A_199, %lt3A_202 : i32
      %lt3A_204 = arith.constant 0 : i32
      %lt3A_205 = arith.cmpi slt, %select_n3A_198, %lt3A_204 : i32
      %ne3A_206 = arith.xori %lt3A_203, %lt3A_205 : i1
      %and3A_207 = arith.andi %ne3A_206, %ne3A_201 : i1
      %add3A_208 = arith.addi %rem3A_199, %select_n3A_198 : i32
      %select_n3A_209 = arith.select %and3A_207, %add3A_208, %rem3A_199 : i32
      %mul3A_210 = arith.constant 24 : i32
      %mul3A_211 = arith.muli %select_n3A_209, %mul3A_210 : i32
      %dma_start3A_212 = arith.constant 1 : i32
      %dma_start3A_213 = arith.constant 0 : i32
      %dma_start3A_214 = arith.constant 0 : i32
      %dma_start3A_215 = arith.constant 0 : i32
      %dma_start3A_216 = tpu.memref_slice %arg5[%dma_start3A_212, %dma_start3A_213, %dma_start3A_214, %dma_start3A_215] : memref<2x8x24x192xf32, #tpu.memory_space<vmem>> -> memref<1x8x24x192xf32, #tpu.memory_space<vmem>>
      %dma_start3A_217 = tpu.memref_squeeze %dma_start3A_216 : memref<1x8x24x192xf32, #tpu.memory_space<vmem>> -> memref<8x24x192xf32, #tpu.memory_space<vmem>>
      %dma_start3A_218 = arith.constant 0 : i32
      %dma_start3A_219 = arith.constant 0 : i32
      %dma_start3A_220 = tpu.memref_slice %arg2[%select_n3A_153, %dma_start3A_218, %select_n3A_193, %mul3A_211, %dma_start3A_219] : memref<2x8x64x192x192xf32, #tpu.memory_space<hbm>> -> memref<1x8x1x24x192xf32, #tpu.memory_space<hbm>>
      %dma_start3A_221 = tpu.memref_squeeze %dma_start3A_220 : memref<1x8x1x24x192xf32, #tpu.memory_space<hbm>> -> memref<8x24x192xf32, #tpu.memory_space<hbm>>
      %dma_start3A_222 = arith.constant 0 : i32
      %dma_start3A_223 = arith.constant 0 : i32
      %dma_start3A_224 = arith.constant 0 : i32
      %dma_start3A_225 = tpu.memref_slice %arg5[%dma_start3A_212, %dma_start3A_222, %dma_start3A_223, %dma_start3A_224] : memref<2x8x24x192xf32, #tpu.memory_space<vmem>> -> memref<1x8x24x192xf32, #tpu.memory_space<vmem>>
      %dma_start3A_226 = tpu.memref_squeeze %dma_start3A_225 : memref<1x8x24x192xf32, #tpu.memory_space<vmem>> -> memref<8x24x192xf32, #tpu.memory_space<vmem>>
      %dma_start3A_227 = arith.constant 0 : i32
      %dma_start3A_228 = arith.constant 0 : i32
      %dma_start3A_229 = tpu.memref_slice %arg2[%select_n3A_153, %dma_start3A_227, %select_n3A_193, %mul3A_211, %dma_start3A_228] : memref<2x8x64x192x192xf32, #tpu.memory_space<hbm>> -> memref<1x8x1x24x192xf32, #tpu.memory_space<hbm>>
      %dma_start3A_230 = tpu.memref_squeeze %dma_start3A_229 : memref<1x8x1x24x192xf32, #tpu.memory_space<hbm>> -> memref<8x24x192xf32, #tpu.memory_space<hbm>>
      tpu.enqueue_dma source(%dma_start3A_230 : memref<8x24x192xf32, #tpu.memory_space<hbm>>) target(%dma_start3A_226 : memref<8x24x192xf32, #tpu.memory_space<vmem>>) target_semaphore(%arg9 : memref<!tpu.dma_semaphore, #tpu.memory_space<semaphore_mem>>)
      %dma_start3A_231 = arith.constant 1 : i32
      %dma_start3A_232 = arith.constant 0 : i32
      %dma_start3A_233 = arith.constant 0 : i32
      %dma_start3A_234 = tpu.memref_slice %arg6[%dma_start3A_231, %dma_start3A_232, %dma_start3A_233] : memref<2x24x192xi32, #tpu.memory_space<vmem>> -> memref<1x24x192xi32, #tpu.memory_space<vmem>>
      %dma_start3A_235 = tpu.memref_squeeze %dma_start3A_234 : memref<1x24x192xi32, #tpu.memory_space<vmem>> -> memref<24x192xi32, #tpu.memory_space<vmem>>
      %dma_start3A_236 = arith.constant 0 : i32
      %dma_start3A_237 = tpu.memref_slice %arg3[%select_n3A_153, %select_n3A_193, %mul3A_211, %dma_start3A_236] : memref<2x64x192x192xi32, #tpu.memory_space<hbm>> -> memref<1x1x24x192xi32, #tpu.memory_space<hbm>>
      %dma_start3A_238 = tpu.memref_squeeze %dma_start3A_237 : memref<1x1x24x192xi32, #tpu.memory_space<hbm>> -> memref<24x192xi32, #tpu.memory_space<hbm>>
      %dma_start3A_239 = arith.constant 0 : i32
      %dma_start3A_240 = arith.constant 0 : i32
      %dma_start3A_241 = tpu.memref_slice %arg6[%dma_start3A_231, %dma_start3A_239, %dma_start3A_240] : memref<2x24x192xi32, #tpu.memory_space<vmem>> -> memref<1x24x192xi32, #tpu.memory_space<vmem>>
      %dma_start3A_242 = tpu.memref_squeeze %dma_start3A_241 : memref<1x24x192xi32, #tpu.memory_space<vmem>> -> memref<24x192xi32, #tpu.memory_space<vmem>>
      %dma_start3A_243 = arith.constant 0 : i32
      %dma_start3A_244 = tpu.memref_slice %arg3[%select_n3A_153, %select_n3A_193, %mul3A_211, %dma_start3A_243] : memref<2x64x192x192xi32, #tpu.memory_space<hbm>> -> memref<1x1x24x192xi32, #tpu.memory_space<hbm>>
      %dma_start3A_245 = tpu.memref_squeeze %dma_start3A_244 : memref<1x1x24x192xi32, #tpu.memory_space<hbm>> -> memref<24x192xi32, #tpu.memory_space<hbm>>
      tpu.enqueue_dma source(%dma_start3A_245 : memref<24x192xi32, #tpu.memory_space<hbm>>) target(%dma_start3A_242 : memref<24x192xi32, #tpu.memory_space<vmem>>) target_semaphore(%arg9 : memref<!tpu.dma_semaphore, #tpu.memory_space<semaphore_mem>>)
      %dma_wait3A = arith.constant 0 : i32
      %dma_wait3A_246 = arith.constant 0 : i32
      %dma_wait3A_247 = arith.constant 0 : i32
      %dma_wait3A_248 = arith.constant 0 : i32
      %dma_wait3A_249 = arith.constant 0 : i32
      %dma_wait3A_250 = arith.constant 0 : i32
      %dma_wait3A_251 = tpu.memref_slice %arg5[%dma_wait3A_247, %dma_wait3A_248, %dma_wait3A_249, %dma_wait3A_250] : memref<2x8x24x192xf32, #tpu.memory_space<vmem>> -> memref<1x8x24x192xf32, #tpu.memory_space<vmem>>
      %dma_wait3A_252 = tpu.memref_squeeze %dma_wait3A_251 : memref<1x8x24x192xf32, #tpu.memory_space<vmem>> -> memref<8x24x192xf32, #tpu.memory_space<vmem>>
      %dma_wait3A_253 = arith.constant 0 : i32
      %dma_wait3A_254 = arith.constant 0 : i32
      %dma_wait3A_255 = arith.constant 0 : i32
      %dma_wait3A_256 = tpu.memref_slice %arg2[%dma_wait3A, %dma_wait3A_253, %dma_wait3A_246, %dma_wait3A_254, %dma_wait3A_255] : memref<2x8x64x192x192xf32, #tpu.memory_space<hbm>> -> memref<1x8x1x24x192xf32, #tpu.memory_space<hbm>>
      %dma_wait3A_257 = tpu.memref_squeeze %dma_wait3A_256 : memref<1x8x1x24x192xf32, #tpu.memory_space<hbm>> -> memref<8x24x192xf32, #tpu.memory_space<hbm>>
      %dma_wait3A_258 = arith.constant 0 : i32
      %dma_wait3A_259 = arith.constant 0 : i32
      %dma_wait3A_260 = arith.constant 0 : i32
      %dma_wait3A_261 = tpu.memref_slice %arg5[%dma_wait3A_247, %dma_wait3A_258, %dma_wait3A_259, %dma_wait3A_260] : memref<2x8x24x192xf32, #tpu.memory_space<vmem>> -> memref<1x8x24x192xf32, #tpu.memory_space<vmem>>
      %dma_wait3A_262 = tpu.memref_squeeze %dma_wait3A_261 : memref<1x8x24x192xf32, #tpu.memory_space<vmem>> -> memref<8x24x192xf32, #tpu.memory_space<vmem>>
      %dma_wait3A_263 = arith.constant 0 : i32
      %dma_wait3A_264 = arith.constant 0 : i32
      %dma_wait3A_265 = arith.constant 0 : i32
      %dma_wait3A_266 = tpu.memref_slice %arg2[%dma_wait3A, %dma_wait3A_263, %dma_wait3A_246, %dma_wait3A_264, %dma_wait3A_265] : memref<2x8x64x192x192xf32, #tpu.memory_space<hbm>> -> memref<1x8x1x24x192xf32, #tpu.memory_space<hbm>>
      %dma_wait3A_267 = tpu.memref_squeeze %dma_wait3A_266 : memref<1x8x1x24x192xf32, #tpu.memory_space<hbm>> -> memref<8x24x192xf32, #tpu.memory_space<hbm>>
      tpu.wait_dma2 semaphore(%arg8 : memref<!tpu.dma_semaphore, #tpu.memory_space<semaphore_mem>>) src(%dma_wait3A_267 : memref<8x24x192xf32, #tpu.memory_space<hbm>>) dst(%dma_wait3A_262 : memref<8x24x192xf32, #tpu.memory_space<vmem>>)
      %dma_wait3A_268 = arith.constant 0 : i32
      %dma_wait3A_269 = arith.constant 0 : i32
      %dma_wait3A_270 = arith.constant 0 : i32
      %dma_wait3A_271 = arith.constant 0 : i32
      %dma_wait3A_272 = arith.constant 0 : i32
      %dma_wait3A_273 = tpu.memref_slice %arg6[%dma_wait3A_270, %dma_wait3A_271, %dma_wait3A_272] : memref<2x24x192xi32, #tpu.memory_space<vmem>> -> memref<1x24x192xi32, #tpu.memory_space<vmem>>
      %dma_wait3A_274 = tpu.memref_squeeze %dma_wait3A_273 : memref<1x24x192xi32, #tpu.memory_space<vmem>> -> memref<24x192xi32, #tpu.memory_space<vmem>>
      %dma_wait3A_275 = arith.constant 0 : i32
      %dma_wait3A_276 = arith.constant 0 : i32
      %dma_wait3A_277 = tpu.memref_slice %arg3[%dma_wait3A_268, %dma_wait3A_269, %dma_wait3A_275, %dma_wait3A_276] : memref<2x64x192x192xi32, #tpu.memory_space<hbm>> -> memref<1x1x24x192xi32, #tpu.memory_space<hbm>>
      %dma_wait3A_278 = tpu.memref_squeeze %dma_wait3A_277 : memref<1x1x24x192xi32, #tpu.memory_space<hbm>> -> memref<24x192xi32, #tpu.memory_space<hbm>>
      %dma_wait3A_279 = arith.constant 0 : i32
      %dma_wait3A_280 = arith.constant 0 : i32
      %dma_wait3A_281 = tpu.memref_slice %arg6[%dma_wait3A_270, %dma_wait3A_279, %dma_wait3A_280] : memref<2x24x192xi32, #tpu.memory_space<vmem>> -> memref<1x24x192xi32, #tpu.memory_space<vmem>>
      %dma_wait3A_282 = tpu.memref_squeeze %dma_wait3A_281 : memref<1x24x192xi32, #tpu.memory_space<vmem>> -> memref<24x192xi32, #tpu.memory_space<vmem>>
      %dma_wait3A_283 = arith.constant 0 : i32
      %dma_wait3A_284 = arith.constant 0 : i32
      %dma_wait3A_285 = tpu.memref_slice %arg3[%dma_wait3A_268, %dma_wait3A_269, %dma_wait3A_283, %dma_wait3A_284] : memref<2x64x192x192xi32, #tpu.memory_space<hbm>> -> memref<1x1x24x192xi32, #tpu.memory_space<hbm>>
      %dma_wait3A_286 = tpu.memref_squeeze %dma_wait3A_285 : memref<1x1x24x192xi32, #tpu.memory_space<hbm>> -> memref<24x192xi32, #tpu.memory_space<hbm>>
      tpu.wait_dma2 semaphore(%arg8 : memref<!tpu.dma_semaphore, #tpu.memory_space<semaphore_mem>>) src(%dma_wait3A_286 : memref<24x192xi32, #tpu.memory_space<hbm>>) dst(%dma_wait3A_282 : memref<24x192xi32, #tpu.memory_space<vmem>>)
      %mul3A_287 = arith.constant 2 : i32
      %mul3A_288 = arith.muli %mul3A_287, %scan3A_124 : i32
      %add3A_289 = arith.addi %mul3A_2, %mul3A_288 : i32
      %jit3A_290 = arith.constant 192 : i32
      %div3A_291 = arith.divsi %add3A_289, %jit3A_290 : i32
      %sign3A_292 = arith.constant 0 : i32
      %sign3A_293 = arith.cmpi sgt, %add3A_289, %sign3A_292 : i32
      %sign3A_294 = arith.extui %sign3A_293 : i1 to i32
      %sign3A_295 = arith.constant 0 : i32
      %sign3A_296 = arith.cmpi slt, %add3A_289, %sign3A_295 : i32
      %sign3A_297 = arith.extui %sign3A_296 : i1 to i32
      %sign3A_298 = arith.subi %sign3A_294, %sign3A_297 : i32
      %sign3A_299 = arith.constant 0 : i32
      %sign3A_300 = arith.cmpi sgt, %jit3A_290, %sign3A_299 : i32
      %sign3A_301 = arith.extui %sign3A_300 : i1 to i32
      %sign3A_302 = arith.constant 0 : i32
      %sign3A_303 = arith.cmpi slt, %jit3A_290, %sign3A_302 : i32
      %sign3A_304 = arith.extui %sign3A_303 : i1 to i32
      %sign3A_305 = arith.subi %sign3A_301, %sign3A_304 : i32
      %ne3A_306 = arith.cmpi ne, %sign3A_298, %sign3A_305 : i32
      %rem3A_307 = arith.remsi %add3A_289, %jit3A_290 : i32
      %ne3A_308 = arith.constant 0 : i32
      %ne3A_309 = arith.cmpi ne, %rem3A_307, %ne3A_308 : i32
      %and3A_310 = arith.andi %ne3A_306, %ne3A_309 : i1
      %sub3A_311 = arith.constant 1 : i32
      %sub3A_312 = arith.subi %div3A_291, %sub3A_311 : i32
      %select_n3A_313 = arith.select %and3A_310, %sub3A_312, %div3A_291 : i32
      %jit3A_314 = arith.constant 192 : i32
      %eq3A_315 = arith.constant 0 : i32
      %eq3A_316 = arith.cmpi eq, %jit3A_314, %eq3A_315 : i32
      %jit3A_317 = arith.constant 1 : i32
      %select_n3A_318 = arith.select %eq3A_316, %jit3A_317, %jit3A_314 : i32
      %rem3A_319 = arith.remsi %add3A_289, %select_n3A_318 : i32
      %ne3A_320 = arith.constant 0 : i32
      %ne3A_321 = arith.cmpi ne, %rem3A_319, %ne3A_320 : i32
      %lt3A_322 = arith.constant 0 : i32
      %lt3A_323 = arith.cmpi slt, %rem3A_319, %lt3A_322 : i32
      %lt3A_324 = arith.constant 0 : i32
      %lt3A_325 = arith.cmpi slt, %select_n3A_318, %lt3A_324 : i32
      %ne3A_326 = arith.xori %lt3A_323, %lt3A_325 : i1
      %and3A_327 = arith.andi %ne3A_326, %ne3A_321 : i1
      %add3A_328 = arith.addi %rem3A_319, %select_n3A_318 : i32
      %select_n3A_329 = arith.select %and3A_327, %add3A_328, %rem3A_319 : i32
      %jit3A_330 = arith.constant 8 : i32
      %div3A_331 = arith.divsi %select_n3A_329, %jit3A_330 : i32
      %sign3A_332 = arith.constant 0 : i32
      %sign3A_333 = arith.cmpi sgt, %select_n3A_329, %sign3A_332 : i32
      %sign3A_334 = arith.extui %sign3A_333 : i1 to i32
      %sign3A_335 = arith.constant 0 : i32
      %sign3A_336 = arith.cmpi slt, %select_n3A_329, %sign3A_335 : i32
      %sign3A_337 = arith.extui %sign3A_336 : i1 to i32
      %sign3A_338 = arith.subi %sign3A_334, %sign3A_337 : i32
      %sign3A_339 = arith.constant 0 : i32
      %sign3A_340 = arith.cmpi sgt, %jit3A_330, %sign3A_339 : i32
      %sign3A_341 = arith.extui %sign3A_340 : i1 to i32
      %sign3A_342 = arith.constant 0 : i32
      %sign3A_343 = arith.cmpi slt, %jit3A_330, %sign3A_342 : i32
      %sign3A_344 = arith.extui %sign3A_343 : i1 to i32
      %sign3A_345 = arith.subi %sign3A_341, %sign3A_344 : i32
      %ne3A_346 = arith.cmpi ne, %sign3A_338, %sign3A_345 : i32
      %rem3A_347 = arith.remsi %select_n3A_329, %jit3A_330 : i32
      %ne3A_348 = arith.constant 0 : i32
      %ne3A_349 = arith.cmpi ne, %rem3A_347, %ne3A_348 : i32
      %and3A_350 = arith.andi %ne3A_346, %ne3A_349 : i1
      %sub3A_351 = arith.constant 1 : i32
      %sub3A_352 = arith.subi %div3A_331, %sub3A_351 : i32
      %select_n3A_353 = arith.select %and3A_350, %sub3A_352, %div3A_331 : i32
      %jit3A_354 = arith.constant 8 : i32
      %eq3A_355 = arith.constant 0 : i32
      %eq3A_356 = arith.cmpi eq, %jit3A_354, %eq3A_355 : i32
      %jit3A_357 = arith.constant 1 : i32
      %select_n3A_358 = arith.select %eq3A_356, %jit3A_357, %jit3A_354 : i32
      %rem3A_359 = arith.remsi %select_n3A_329, %select_n3A_358 : i32
      %ne3A_360 = arith.constant 0 : i32
      %ne3A_361 = arith.cmpi ne, %rem3A_359, %ne3A_360 : i32
      %lt3A_362 = arith.constant 0 : i32
      %lt3A_363 = arith.cmpi slt, %rem3A_359, %lt3A_362 : i32
      %lt3A_364 = arith.constant 0 : i32
      %lt3A_365 = arith.cmpi slt, %select_n3A_358, %lt3A_364 : i32
      %ne3A_366 = arith.xori %lt3A_363, %lt3A_365 : i1
      %and3A_367 = arith.andi %ne3A_366, %ne3A_361 : i1
      %add3A_368 = arith.addi %rem3A_359, %select_n3A_358 : i32
      %select_n3A_369 = arith.select %and3A_367, %add3A_368, %rem3A_359 : i32
      %mul3A_370 = arith.constant 24 : i32
      %mul3A_371 = arith.muli %select_n3A_369, %mul3A_370 : i32
      %mul3A_372 = arith.constant 1024 : i32
      %mul3A_373 = arith.muli %select_n3A_313, %mul3A_372 : i32
      %scan3A_374 = arith.constant 0 : i32
      %scan3A_375 = arith.constant 0 : i32
      %scan3A_376 = arith.constant 24 : i32
      %scan3A_377 = arith.addi %scan3A_375, %scan3A_376 : i32
      %scan3A_378 = arith.constant 1 : i32
      scf.for %scan3A_520 = %scan3A_375 to %scan3A_377 step %scan3A_378  : i32 {
        %get3A = arith.constant 0 : i32
        %get3A_521 = arith.constant 0 : i32
        %get3A_522 = arith.index_cast %get3A : i32 to index
        %get3A_523 = arith.index_cast %get3A_521 : i32 to index
        %get3A_524 = arith.index_cast %scan3A_520 : i32 to index
        %get3A_525 = arith.constant 0 : index
        %get3A_526 = tpu.vector_load %arg5[%get3A_522, %get3A_523, %get3A_524, %get3A_525] {strides = array<i32>} : memref<2x8x24x192xf32, #tpu.memory_space<vmem>>, vector<16xf32>,
        %broadcast_in_dim3A_527 = arith.constant 0 : i32
        %broadcast_in_dim3A_528 = vector.broadcast %broadcast_in_dim3A_527 : i32 to vector<16xi32>
        %get3A_529 = arith.constant 0 : i32
        %get3A_530 = arith.constant 1 : i32
        %get3A_531 = arith.index_cast %get3A_529 : i32 to index
        %get3A_532 = arith.index_cast %get3A_530 : i32 to index
        %get3A_533 = arith.index_cast %scan3A_520 : i32 to index
        %get3A_534 = arith.constant 0 : index
        %get3A_535 = tpu.vector_load %arg5[%get3A_531, %get3A_532, %get3A_533, %get3A_534] {strides = array<i32>} : memref<2x8x24x192xf32, #tpu.memory_space<vmem>>, vector<16xf32>,
        %gt3A = arith.cmpf ogt, %get3A_535, %get3A_526 : vector<16xf32>
        %select_n3A_536 = arith.select %gt3A, %get3A_535, %get3A_526 : vector<16xi1>, vector<16xf32>
        %broadcast_in_dim3A_537 = arith.constant 1 : i32
        %broadcast_in_dim3A_538 = vector.broadcast %broadcast_in_dim3A_537 : i32 to vector<16xi32>
        %select_n3A_539 = arith.select %gt3A, %broadcast_in_dim3A_538, %broadcast_in_dim3A_528 : vector<16xi1>, vector<16xi32>
        %get3A_540 = arith.constant 0 : i32
        %get3A_541 = arith.constant 2 : i32
        %get3A_542 = arith.index_cast %get3A_540 : i32 to index
        %get3A_543 = arith.index_cast %get3A_541 : i32 to index
        %get3A_544 = arith.index_cast %scan3A_520 : i32 to index
        %get3A_545 = arith.constant 0 : index
        %get3A_546 = tpu.vector_load %arg5[%get3A_542, %get3A_543, %get3A_544, %get3A_545] {strides = array<i32>} : memref<2x8x24x192xf32, #tpu.memory_space<vmem>>, vector<16xf32>,
        %gt3A_547 = arith.cmpf ogt, %get3A_546, %select_n3A_536 : vector<16xf32>
        %select_n3A_548 = arith.select %gt3A_547, %get3A_546, %select_n3A_536 : vector<16xi1>, vector<16xf32>
        %broadcast_in_dim3A_549 = arith.constant 2 : i32
        %broadcast_in_dim3A_550 = vector.broadcast %broadcast_in_dim3A_549 : i32 to vector<16xi32>
        %select_n3A_551 = arith.select %gt3A_547, %broadcast_in_dim3A_550, %select_n3A_539 : vector<16xi1>, vector<16xi32>
        %get3A_552 = arith.constant 0 : i32
        %get3A_553 = arith.constant 3 : i32
        %get3A_554 = arith.index_cast %get3A_552 : i32 to index
        %get3A_555 = arith.index_cast %get3A_553 : i32 to index
        %get3A_556 = arith.index_cast %scan3A_520 : i32 to index
        %get3A_557 = arith.constant 0 : index
        %get3A_558 = tpu.vector_load %arg5[%get3A_554, %get3A_555, %get3A_556, %get3A_557] {strides = array<i32>} : memref<2x8x24x192xf32, #tpu.memory_space<vmem>>, vector<16xf32>,
        %gt3A_559 = arith.cmpf ogt, %get3A_558, %select_n3A_548 : vector<16xf32>
        %select_n3A_560 = arith.select %gt3A_559, %get3A_558, %select_n3A_548 : vector<16xi1>, vector<16xf32>
        %broadcast_in_dim3A_561 = arith.constant 3 : i32
        %broadcast_in_dim3A_562 = vector.broadcast %broadcast_in_dim3A_561 : i32 to vector<16xi32>
        %select_n3A_563 = arith.select %gt3A_559, %broadcast_in_dim3A_562, %select_n3A_551 : vector<16xi1>, vector<16xi32>
        %get3A_564 = arith.constant 0 : i32
        %get3A_565 = arith.constant 4 : i32
        %get3A_566 = arith.index_cast %get3A_564 : i32 to index
        %get3A_567 = arith.index_cast %get3A_565 : i32 to index
        %get3A_568 = arith.index_cast %scan3A_520 : i32 to index
        %get3A_569 = arith.constant 0 : index
        %get3A_570 = tpu.vector_load %arg5[%get3A_566, %get3A_567, %get3A_568, %get3A_569] {strides = array<i32>} : memref<2x8x24x192xf32, #tpu.memory_space<vmem>>, vector<16xf32>,
        %gt3A_571 = arith.cmpf ogt, %get3A_570, %select_n3A_560 : vector<16xf32>
        %select_n3A_572 = arith.select %gt3A_571, %get3A_570, %select_n3A_560 : vector<16xi1>, vector<16xf32>
        %broadcast_in_dim3A_573 = arith.constant 4 : i32
        %broadcast_in_dim3A_574 = vector.broadcast %broadcast_in_dim3A_573 : i32 to vector<16xi32>
        %select_n3A_575 = arith.select %gt3A_571, %broadcast_in_dim3A_574, %select_n3A_563 : vector<16xi1>, vector<16xi32>
        %get3A_576 = arith.constant 0 : i32
        %get3A_577 = arith.constant 5 : i32
        %get3A_578 = arith.index_cast %get3A_576 : i32 to index
        %get3A_579 = arith.index_cast %get3A_577 : i32 to index
        %get3A_580 = arith.index_cast %scan3A_520 : i32 to index
        %get3A_581 = arith.constant 0 : index
        %get3A_582 = tpu.vector_load %arg5[%get3A_578, %get3A_579, %get3A_580, %get3A_581] {strides = array<i32>} : memref<2x8x24x192xf32, #tpu.memory_space<vmem>>, vector<16xf32>,
        %gt3A_583 = arith.cmpf ogt, %get3A_582, %select_n3A_572 : vector<16xf32>
        %select_n3A_584 = arith.select %gt3A_583, %get3A_582, %select_n3A_572 : vector<16xi1>, vector<16xf32>
        %broadcast_in_dim3A_585 = arith.constant 5 : i32
        %broadcast_in_dim3A_586 = vector.broadcast %broadcast_in_dim3A_585 : i32 to vector<16xi32>
        %select_n3A_587 = arith.select %gt3A_583, %broadcast_in_dim3A_586, %select_n3A_575 : vector<16xi1>, vector<16xi32>
        %get3A_588 = arith.constant 0 : i32
        %get3A_589 = arith.constant 6 : i32
        %get3A_590 = arith.index_cast %get3A_588 : i32 to index
        %get3A_591 = arith.index_cast %get3A_589 : i32 to index
        %get3A_592 = arith.index_cast %scan3A_520 : i32 to index
        %get3A_593 = arith.constant 0 : index
        %get3A_594 = tpu.vector_load %arg5[%get3A_590, %get3A_591, %get3A_592, %get3A_593] {strides = array<i32>} : memref<2x8x24x192xf32, #tpu.memory_space<vmem>>, vector<16xf32>,
        %gt3A_595 = arith.cmpf ogt, %get3A_594, %select_n3A_584 : vector<16xf32>
        %select_n3A_596 = arith.select %gt3A_595, %get3A_594, %select_n3A_584 : vector<16xi1>, vector<16xf32>
        %broadcast_in_dim3A_597 = arith.constant 6 : i32
        %broadcast_in_dim3A_598 = vector.broadcast %broadcast_in_dim3A_597 : i32 to vector<16xi32>
        %select_n3A_599 = arith.select %gt3A_595, %broadcast_in_dim3A_598, %select_n3A_587 : vector<16xi1>, vector<16xi32>
        %get3A_600 = arith.constant 0 : i32
        %get3A_601 = arith.constant 7 : i32
        %get3A_602 = arith.index_cast %get3A_600 : i32 to index
        %get3A_603 = arith.index_cast %get3A_601 : i32 to index
        %get3A_604 = arith.index_cast %scan3A_520 : i32 to index
        %get3A_605 = arith.constant 0 : index
        %get3A_606 = tpu.vector_load %arg5[%get3A_602, %get3A_603, %get3A_604, %get3A_605] {strides = array<i32>} : memref<2x8x24x192xf32, #tpu.memory_space<vmem>>, vector<16xf32>,
        %gt3A_607 = arith.cmpf ogt, %get3A_606, %select_n3A_596 : vector<16xf32>
        %select_n3A_608 = arith.select %gt3A_607, %get3A_606, %select_n3A_596 : vector<16xi1>, vector<16xf32>
        %broadcast_in_dim3A_609 = arith.constant 7 : i32
        %broadcast_in_dim3A_610 = vector.broadcast %broadcast_in_dim3A_609 : i32 to vector<16xi32>
        %select_n3A_611 = arith.select %gt3A_607, %broadcast_in_dim3A_610, %select_n3A_599 : vector<16xi1>, vector<16xi32>
        %get3A_612 = arith.constant 0 : i32
        %get3A_613 = arith.index_cast %get3A_612 : i32 to index
        %get3A_614 = arith.index_cast %scan3A_520 : i32 to index
        %get3A_615 = arith.constant 0 : index
        %get3A_616 = tpu.vector_load %arg6[%get3A_613, %get3A_614, %get3A_615] {strides = array<i32>} : memref<2x24x192xi32, #tpu.memory_space<vmem>>, vector<16xi32>,
        %mul3A_617 = arith.constant 8 : i32
        %mul3A_618 = vector.broadcast %mul3A_617 : i32 to vector<16xi32>
        %mul3A_619 = arith.muli %select_n3A_611, %mul3A_618 : vector<16xi32>
        %add3A_620 = arith.addi %mul3A_619, %get3A_616 : vector<16xi32>
        %mul3A_621 = arith.constant 16 : i32
        %mul3A_622 = vector.broadcast %mul3A_621 : i32 to vector<16xi32>
        %mul3A_623 = arith.muli %add3A_620, %mul3A_622 : vector<16xi32>
        %add3A_624 = vector.broadcast %mul3A_373 : i32 to vector<16xi32>
        %add3A_625 = arith.addi %add3A_624, %mul3A_623 : vector<16xi32>
        %add3A_626 = arith.addi %add3A_625, %iota3A : vector<16xi32>
        tpu.vector_store_idx %arg7[%add3A_626], %broadcast_in_dim3A_10 {add = true} : memref<2048xf32, #tpu.memory_space<vmem>>[vector<16xi32>], vector<16xf32>,
        %get3A_627 = arith.constant 0 : i32
        %get3A_628 = arith.constant 0 : i32
        %get3A_629 = arith.index_cast %get3A_627 : i32 to index
        %get3A_630 = arith.index_cast %get3A_628 : i32 to index
        %get3A_631 = arith.index_cast %scan3A_520 : i32 to index
        %get3A_632 = arith.constant 16 : index
        %get3A_633 = tpu.vector_load %arg5[%get3A_629, %get3A_630, %get3A_631, %get3A_632] {strides = array<i32>} : memref<2x8x24x192xf32, #tpu.memory_space<vmem>>, vector<16xf32>,
        %broadcast_in_dim3A_634 = arith.constant 0 : i32
        %broadcast_in_dim3A_635 = vector.broadcast %broadcast_in_dim3A_634 : i32 to vector<16xi32>
        %get3A_636 = arith.constant 0 : i32
        %get3A_637 = arith.constant 1 : i32
        %get3A_638 = arith.index_cast %get3A_636 : i32 to index
        %get3A_639 = arith.index_cast %get3A_637 : i32 to index
        %get3A_640 = arith.index_cast %scan3A_520 : i32 to index
        %get3A_641 = arith.constant 16 : index
        %get3A_642 = tpu.vector_load %arg5[%get3A_638, %get3A_639, %get3A_640, %get3A_641] {strides = array<i32>} : memref<2x8x24x192xf32, #tpu.memory_space<vmem>>, vector<16xf32>,
        %gt3A_643 = arith.cmpf ogt, %get3A_642, %get3A_633 : vector<16xf32>
        %select_n3A_644 = arith.select %gt3A_643, %get3A_642, %get3A_633 : vector<16xi1>, vector<16xf32>
        %broadcast_in_dim3A_645 = arith.constant 1 : i32
        %broadcast_in_dim3A_646 = vector.broadcast %broadcast_in_dim3A_645 : i32 to vector<16xi32>
        %select_n3A_647 = arith.select %gt3A_643, %broadcast_in_dim3A_646, %broadcast_in_dim3A_635 : vector<16xi1>, vector<16xi32>
        %get3A_648 = arith.constant 0 : i32
        %get3A_649 = arith.constant 2 : i32
        %get3A_650 = arith.index_cast %get3A_648 : i32 to index
        %get3A_651 = arith.index_cast %get3A_649 : i32 to index
        %get3A_652 = arith.index_cast %scan3A_520 : i32 to index
        %get3A_653 = arith.constant 16 : index
        %get3A_654 = tpu.vector_load %arg5[%get3A_650, %get3A_651, %get3A_652, %get3A_653] {strides = array<i32>} : memref<2x8x24x192xf32, #tpu.memory_space<vmem>>, vector<16xf32>,
        %gt3A_655 = arith.cmpf ogt, %get3A_654, %select_n3A_644 : vector<16xf32>
        %select_n3A_656 = arith.select %gt3A_655, %get3A_654, %select_n3A_644 : vector<16xi1>, vector<16xf32>
        %broadcast_in_dim3A_657 = arith.constant 2 : i32
        %broadcast_in_dim3A_658 = vector.broadcast %broadcast_in_dim3A_657 : i32 to vector<16xi32>
        %select_n3A_659 = arith.select %gt3A_655, %broadcast_in_dim3A_658, %select_n3A_647 : vector<16xi1>, vector<16xi32>
        %get3A_660 = arith.constant 0 : i32
        %get3A_661 = arith.constant 3 : i32
        %get3A_662 = arith.index_cast %get3A_660 : i32 to index
        %get3A_663 = arith.index_cast %get3A_661 : i32 to index
        %get3A_664 = arith.index_cast %scan3A_520 : i32 to index
        %get3A_665 = arith.constant 16 : index
        %get3A_666 = tpu.vector_load %arg5[%get3A_662, %get3A_663, %get3A_664, %get3A_665] {strides = array<i32>} : memref<2x8x24x192xf32, #tpu.memory_space<vmem>>, vector<16xf32>,
        %gt3A_667 = arith.cmpf ogt, %get3A_666, %select_n3A_656 : vector<16xf32>
        %select_n3A_668 = arith.select %gt3A_667, %get3A_666, %select_n3A_656 : vector<16xi1>, vector<16xf32>
        %broadcast_in_dim3A_669 = arith.constant 3 : i32
        %broadcast_in_dim3A_670 = vector.broadcast %broadcast_in_dim3A_669 : i32 to vector<16xi32>
        %select_n3A_671 = arith.select %gt3A_667, %broadcast_in_dim3A_670, %select_n3A_659 : vector<16xi1>, vector<16xi32>
        %get3A_672 = arith.constant 0 : i32
        %get3A_673 = arith.constant 4 : i32
        %get3A_674 = arith.index_cast %get3A_672 : i32 to index
        %get3A_675 = arith.index_cast %get3A_673 : i32 to index
        %get3A_676 = arith.index_cast %scan3A_520 : i32 to index
        %get3A_677 = arith.constant 16 : index
        %get3A_678 = tpu.vector_load %arg5[%get3A_674, %get3A_675, %get3A_676, %get3A_677] {strides = array<i32>} : memref<2x8x24x192xf32, #tpu.memory_space<vmem>>, vector<16xf32>,
        %gt3A_679 = arith.cmpf ogt, %get3A_678, %select_n3A_668 : vector<16xf32>
        %select_n3A_680 = arith.select %gt3A_679, %get3A_678, %select_n3A_668 : vector<16xi1>, vector<16xf32>
        %broadcast_in_dim3A_681 = arith.constant 4 : i32
        %broadcast_in_dim3A_682 = vector.broadcast %broadcast_in_dim3A_681 : i32 to vector<16xi32>
        %select_n3A_683 = arith.select %gt3A_679, %broadcast_in_dim3A_682, %select_n3A_671 : vector<16xi1>, vector<16xi32>
        %get3A_684 = arith.constant 0 : i32
        %get3A_685 = arith.constant 5 : i32
        %get3A_686 = arith.index_cast %get3A_684 : i32 to index
        %get3A_687 = arith.index_cast %get3A_685 : i32 to index
        %get3A_688 = arith.index_cast %scan3A_520 : i32 to index
        %get3A_689 = arith.constant 16 : index
        %get3A_690 = tpu.vector_load %arg5[%get3A_686, %get3A_687, %get3A_688, %get3A_689] {strides = array<i32>} : memref<2x8x24x192xf32, #tpu.memory_space<vmem>>, vector<16xf32>,
        %gt3A_691 = arith.cmpf ogt, %get3A_690, %select_n3A_680 : vector<16xf32>
        %select_n3A_692 = arith.select %gt3A_691, %get3A_690, %select_n3A_680 : vector<16xi1>, vector<16xf32>
        %broadcast_in_dim3A_693 = arith.constant 5 : i32
        %broadcast_in_dim3A_694 = vector.broadcast %broadcast_in_dim3A_693 : i32 to vector<16xi32>
        %select_n3A_695 = arith.select %gt3A_691, %broadcast_in_dim3A_694, %select_n3A_683 : vector<16xi1>, vector<16xi32>
        %get3A_696 = arith.constant 0 : i32
        %get3A_697 = arith.constant 6 : i32
        %get3A_698 = arith.index_cast %get3A_696 : i32 to index
        %get3A_699 = arith.index_cast %get3A_697 : i32 to index
        %get3A_700 = arith.index_cast %scan3A_520 : i32 to index
        %get3A_701 = arith.constant 16 : index
        %get3A_702 = tpu.vector_load %arg5[%get3A_698, %get3A_699, %get3A_700, %get3A_701] {strides = array<i32>} : memref<2x8x24x192xf32, #tpu.memory_space<vmem>>, vector<16xf32>,
        %gt3A_703 = arith.cmpf ogt, %get3A_702, %select_n3A_692 : vector<16xf32>
        %select_n3A_704 = arith.select %gt3A_703, %get3A_702, %select_n3A_692 : vector<16xi1>, vector<16xf32>
        %broadcast_in_dim3A_705 = arith.constant 6 : i32
        %broadcast_in_dim3A_706 = vector.broadcast %broadcast_in_dim3A_705 : i32 to vector<16xi32>
        %select_n3A_707 = arith.select %gt3A_703, %broadcast_in_dim3A_706, %select_n3A_695 : vector<16xi1>, vector<16xi32>
        %get3A_708 = arith.constant 0 : i32
        %get3A_709 = arith.constant 7 : i32
        %get3A_710 = arith.index_cast %get3A_708 : i32 to index
        %get3A_711 = arith.index_cast %get3A_709 : i32 to index
        %get3A_712 = arith.index_cast %scan3A_520 : i32 to index
        %get3A_713 = arith.constant 16 : index
        %get3A_714 = tpu.vector_load %arg5[%get3A_710, %get3A_711, %get3A_712, %get3A_713] {strides = array<i32>} : memref<2x8x24x192xf32, #tpu.memory_space<vmem>>, vector<16xf32>,
        %gt3A_715 = arith.cmpf ogt, %get3A_714, %select_n3A_704 : vector<16xf32>
        %select_n3A_716 = arith.select %gt3A_715, %get3A_714, %select_n3A_704 : vector<16xi1>, vector<16xf32>
        %broadcast_in_dim3A_717 = arith.constant 7 : i32
        %broadcast_in_dim3A_718 = vector.broadcast %broadcast_in_dim3A_717 : i32 to vector<16xi32>
        %select_n3A_719 = arith.select %gt3A_715, %broadcast_in_dim3A_718, %select_n3A_707 : vector<16xi1>, vector<16xi32>
        %get3A_720 = arith.constant 0 : i32
        %get3A_721 = arith.index_cast %get3A_720 : i32 to index
        %get3A_722 = arith.index_cast %scan3A_520 : i32 to index
        %get3A_723 = arith.constant 16 : index
        %get3A_724 = tpu.vector_load %arg6[%get3A_721, %get3A_722, %get3A_723] {strides = array<i32>} : memref<2x24x192xi32, #tpu.memory_space<vmem>>, vector<16xi32>,
        %mul3A_725 = arith.constant 8 : i32
        %mul3A_726 = vector.broadcast %mul3A_725 : i32 to vector<16xi32>
        %mul3A_727 = arith.muli %select_n3A_719, %mul3A_726 : vector<16xi32>
        %add3A_728 = arith.addi %mul3A_727, %get3A_724 : vector<16xi32>
        %mul3A_729 = arith.constant 16 : i32
        %mul3A_730 = vector.broadcast %mul3A_729 : i32 to vector<16xi32>
        %mul3A_731 = arith.muli %add3A_728, %mul3A_730 : vector<16xi32>
        %add3A_732 = vector.broadcast %mul3A_373 : i32 to vector<16xi32>
        %add3A_733 = arith.addi %add3A_732, %mul3A_731 : vector<16xi32>
        %add3A_734 = arith.addi %add3A_733, %iota3A : vector<16xi32>
        tpu.vector_store_idx %arg7[%add3A_734], %broadcast_in_dim3A_10 {add = true} : memref<2048xf32, #tpu.memory_space<vmem>>[vector<16xi32>], vector<16xf32>,
        %get3A_735 = arith.constant 0 : i32
        %get3A_736 = arith.constant 0 : i32
        %get3A_737 = arith.index_cast %get3A_735 : i32 to index
        %get3A_738 = arith.index_cast %get3A_736 : i32 to index
        %get3A_739 = arith.index_cast %scan3A_520 : i32 to index
        %get3A_740 = arith.constant 32 : index
        %get3A_741 = tpu.vector_load %arg5[%get3A_737, %get3A_738, %get3A_739, %get3A_740] {strides = array<i32>} : memref<2x8x24x192xf32, #tpu.memory_space<vmem>>, vector<16xf32>,
        %broadcast_in_dim3A_742 = arith.constant 0 : i32
        %broadcast_in_dim3A_743 = vector.broadcast %broadcast_in_dim3A_742 : i32 to vector<16xi32>
        %get3A_744 = arith.constant 0 : i32
        %get3A_745 = arith.constant 1 : i32
        %get3A_746 = arith.index_cast %get3A_744 : i32 to index
        %get3A_747 = arith.index_cast %get3A_745 : i32 to index
        %get3A_748 = arith.index_cast %scan3A_520 : i32 to index
        %get3A_749 = arith.constant 32 : index
        %get3A_750 = tpu.vector_load %arg5[%get3A_746, %get3A_747, %get3A_748, %get3A_749] {strides = array<i32>} : memref<2x8x24x192xf32, #tpu.memory_space<vmem>>, vector<16xf32>,
        %gt3A_751 = arith.cmpf ogt, %get3A_750, %get3A_741 : vector<16xf32>
        %select_n3A_752 = arith.select %gt3A_751, %get3A_750, %get3A_741 : vector<16xi1>, vector<16xf32>
        %broadcast_in_dim3A_753 = arith.constant 1 : i32
        %broadcast_in_dim3A_754 = vector.broadcast %broadcast_in_dim3A_753 : i32 to vector<16xi32>
        %select_n3A_755 = arith.select %gt3A_751, %broadcast_in_dim3A_754, %broadcast_in_dim3A_743 : vector<16xi1>, vector<16xi32>
        %get3A_756 = arith.constant 0 : i32
        %get3A_757 = arith.constant 2 : i32
        %get3A_758 = arith.index_cast %get3A_756 : i32 to index
        %get3A_759 = arith.index_cast %get3A_757 : i32 to index
        %get3A_760 = arith.index_cast %scan3A_520 : i32 to index
        %get3A_761 = arith.constant 32 : index
        %get3A_762 = tpu.vector_load %arg5[%get3A_758, %get3A_759, %get3A_760, %get3A_761] {strides = array<i32>} : memref<2x8x24x192xf32, #tpu.memory_space<vmem>>, vector<16xf32>,
        %gt3A_763 = arith.cmpf ogt, %get3A_762, %select_n3A_752 : vector<16xf32>
        %select_n3A_764 = arith.select %gt3A_763, %get3A_762, %select_n3A_752 : vector<16xi1>, vector<16xf32>
        %broadcast_in_dim3A_765 = arith.constant 2 : i32
        %broadcast_in_dim3A_766 = vector.broadcast %broadcast_in_dim3A_765 : i32 to vector<16xi32>
        %select_n3A_767 = arith.select %gt3A_763, %broadcast_in_dim3A_766, %select_n3A_755 : vector<16xi1>, vector<16xi32>
        %get3A_768 = arith.constant 0 : i32
        %get3A_769 = arith.constant 3 : i32
        %get3A_770 = arith.index_cast %get3A_768 : i32 to index
        %get3A_771 = arith.index_cast %get3A_769 : i32 to index
        %get3A_772 = arith.index_cast %scan3A_520 : i32 to index
        %get3A_773 = arith.constant 32 : index
        %get3A_774 = tpu.vector_load %arg5[%get3A_770, %get3A_771, %get3A_772, %get3A_773] {strides = array<i32>} : memref<2x8x24x192xf32, #tpu.memory_space<vmem>>, vector<16xf32>,
        %gt3A_775 = arith.cmpf ogt, %get3A_774, %select_n3A_764 : vector<16xf32>
        %select_n3A_776 = arith.select %gt3A_775, %get3A_774, %select_n3A_764 : vector<16xi1>, vector<16xf32>
        %broadcast_in_dim3A_777 = arith.constant 3 : i32
        %broadcast_in_dim3A_778 = vector.broadcast %broadcast_in_dim3A_777 : i32 to vector<16xi32>
        %select_n3A_779 = arith.select %gt3A_775, %broadcast_in_dim3A_778, %select_n3A_767 : vector<16xi1>, vector<16xi32>
        %get3A_780 = arith.constant 0 : i32
        %get3A_781 = arith.constant 4 : i32
        %get3A_782 = arith.index_cast %get3A_780 : i32 to index
        %get3A_783 = arith.index_cast %get3A_781 : i32 to index
        %get3A_784 = arith.index_cast %scan3A_520 : i32 to index
        %get3A_785 = arith.constant 32 : index
        %get3A_786 = tpu.vector_load %arg5[%get3A_782, %get3A_783, %get3A_784, %get3A_785] {strides = array<i32>} : memref<2x8x24x192xf32, #tpu.memory_space<vmem>>, vector<16xf32>,
        %gt3A_787 = arith.cmpf ogt, %get3A_786, %select_n3A_776 : vector<16xf32>
        %select_n3A_788 = arith.select %gt3A_787, %get3A_786, %select_n3A_776 : vector<16xi1>, vector<16xf32>
        %broadcast_in_dim3A_789 = arith.constant 4 : i32
        %broadcast_in_dim3A_790 = vector.broadcast %broadcast_in_dim3A_789 : i32 to vector<16xi32>
        %select_n3A_791 = arith.select %gt3A_787, %broadcast_in_dim3A_790, %select_n3A_779 : vector<16xi1>, vector<16xi32>
        %get3A_792 = arith.constant 0 : i32
        %get3A_793 = arith.constant 5 : i32
        %get3A_794 = arith.index_cast %get3A_792 : i32 to index
        %get3A_795 = arith.index_cast %get3A_793 : i32 to index
        %get3A_796 = arith.index_cast %scan3A_520 : i32 to index
        %get3A_797 = arith.constant 32 : index
        %get3A_798 = tpu.vector_load %arg5[%get3A_794, %get3A_795, %get3A_796, %get3A_797] {strides = array<i32>} : memref<2x8x24x192xf32, #tpu.memory_space<vmem>>, vector<16xf32>,
        %gt3A_799 = arith.cmpf ogt, %get3A_798, %select_n3A_788 : vector<16xf32>
        %select_n3A_800 = arith.select %gt3A_799, %get3A_798, %select_n3A_788 : vector<16xi1>, vector<16xf32>
        %broadcast_in_dim3A_801 = arith.constant 5 : i32
        %broadcast_in_dim3A_802 = vector.broadcast %broadcast_in_dim3A_801 : i32 to vector<16xi32>
        %select_n3A_803 = arith.select %gt3A_799, %broadcast_in_dim3A_802, %select_n3A_791 : vector<16xi1>, vector<16xi32>
        %get3A_804 = arith.constant 0 : i32
        %get3A_805 = arith.constant 6 : i32
        %get3A_806 = arith.index_cast %get3A_804 : i32 to index
        %get3A_807 = arith.index_cast %get3A_805 : i32 to index
        %get3A_808 = arith.index_cast %scan3A_520 : i32 to index
        %get3A_809 = arith.constant 32 : index
        %get3A_810 = tpu.vector_load %arg5[%get3A_806, %get3A_807, %get3A_808, %get3A_809] {strides = array<i32>} : memref<2x8x24x192xf32, #tpu.memory_space<vmem>>, vector<16xf32>,
        %gt3A_811 = arith.cmpf ogt, %get3A_810, %select_n3A_800 : vector<16xf32>
        %select_n3A_812 = arith.select %gt3A_811, %get3A_810, %select_n3A_800 : vector<16xi1>, vector<16xf32>
        %broadcast_in_dim3A_813 = arith.constant 6 : i32
        %broadcast_in_dim3A_814 = vector.broadcast %broadcast_in_dim3A_813 : i32 to vector<16xi32>
        %select_n3A_815 = arith.select %gt3A_811, %broadcast_in_dim3A_814, %select_n3A_803 : vector<16xi1>, vector<16xi32>
        %get3A_816 = arith.constant 0 : i32
        %get3A_817 = arith.constant 7 : i32
        %get3A_818 = arith.index_cast %get3A_816 : i32 to index
        %get3A_819 = arith.index_cast %get3A_817 : i32 to index
        %get3A_820 = arith.index_cast %scan3A_520 : i32 to index
        %get3A_821 = arith.constant 32 : index
        %get3A_822 = tpu.vector_load %arg5[%get3A_818, %get3A_819, %get3A_820, %get3A_821] {strides = array<i32>} : memref<2x8x24x192xf32, #tpu.memory_space<vmem>>, vector<16xf32>,
        %gt3A_823 = arith.cmpf ogt, %get3A_822, %select_n3A_812 : vector<16xf32>
        %select_n3A_824 = arith.select %gt3A_823, %get3A_822, %select_n3A_812 : vector<16xi1>, vector<16xf32>
        %broadcast_in_dim3A_825 = arith.constant 7 : i32
        %broadcast_in_dim3A_826 = vector.broadcast %broadcast_in_dim3A_825 : i32 to vector<16xi32>
        %select_n3A_827 = arith.select %gt3A_823, %broadcast_in_dim3A_826, %select_n3A_815 : vector<16xi1>, vector<16xi32>
        %get3A_828 = arith.constant 0 : i32
        %get3A_829 = arith.index_cast %get3A_828 : i32 to index
        %get3A_830 = arith.index_cast %scan3A_520 : i32 to index
        %get3A_831 = arith.constant 32 : index
        %get3A_832 = tpu.vector_load %arg6[%get3A_829, %get3A_830, %get3A_831] {strides = array<i32>} : memref<2x24x192xi32, #tpu.memory_space<vmem>>, vector<16xi32>,
        %mul3A_833 = arith.constant 8 : i32
        %mul3A_834 = vector.broadcast %mul3A_833 : i32 to vector<16xi32>
        %mul3A_835 = arith.muli %select_n3A_827, %mul3A_834 : vector<16xi32>
        %add3A_836 = arith.addi %mul3A_835, %get3A_832 : vector<16xi32>
        %mul3A_837 = arith.constant 16 : i32
        %mul3A_838 = vector.broadcast %mul3A_837 : i32 to vector<16xi32>
        %mul3A_839 = arith.muli %add3A_836, %mul3A_838 : vector<16xi32>
        %add3A_840 = vector.broadcast %mul3A_373 : i32 to vector<16xi32>
        %add3A_841 = arith.addi %add3A_840, %mul3A_839 : vector<16xi32>
        %add3A_842 = arith.addi %add3A_841, %iota3A : vector<16xi32>
        tpu.vector_store_idx %arg7[%add3A_842], %broadcast_in_dim3A_10 {add = true} : memref<2048xf32, #tpu.memory_space<vmem>>[vector<16xi32>], vector<16xf32>,
        %get3A_843 = arith.constant 0 : i32
        %get3A_844 = arith.constant 0 : i32
        %get3A_845 = arith.index_cast %get3A_843 : i32 to index
        %get3A_846 = arith.index_cast %get3A_844 : i32 to index
        %get3A_847 = arith.index_cast %scan3A_520 : i32 to index
        %get3A_848 = arith.constant 48 : index
        %get3A_849 = tpu.vector_load %arg5[%get3A_845, %get3A_846, %get3A_847, %get3A_848] {strides = array<i32>} : memref<2x8x24x192xf32, #tpu.memory_space<vmem>>, vector<16xf32>,
        %broadcast_in_dim3A_850 = arith.constant 0 : i32
        %broadcast_in_dim3A_851 = vector.broadcast %broadcast_in_dim3A_850 : i32 to vector<16xi32>
        %get3A_852 = arith.constant 0 : i32
        %get3A_853 = arith.constant 1 : i32
        %get3A_854 = arith.index_cast %get3A_852 : i32 to index
        %get3A_855 = arith.index_cast %get3A_853 : i32 to index
        %get3A_856 = arith.index_cast %scan3A_520 : i32 to index
        %get3A_857 = arith.constant 48 : index
        %get3A_858 = tpu.vector_load %arg5[%get3A_854, %get3A_855, %get3A_856, %get3A_857] {strides = array<i32>} : memref<2x8x24x192xf32, #tpu.memory_space<vmem>>, vector<16xf32>,
        %gt3A_859 = arith.cmpf ogt, %get3A_858, %get3A_849 : vector<16xf32>
        %select_n3A_860 = arith.select %gt3A_859, %get3A_858, %get3A_849 : vector<16xi1>, vector<16xf32>
        %broadcast_in_dim3A_861 = arith.constant 1 : i32
        %broadcast_in_dim3A_862 = vector.broadcast %broadcast_in_dim3A_861 : i32 to vector<16xi32>
        %select_n3A_863 = arith.select %gt3A_859, %broadcast_in_dim3A_862, %broadcast_in_dim3A_851 : vector<16xi1>, vector<16xi32>
        %get3A_864 = arith.constant 0 : i32
        %get3A_865 = arith.constant 2 : i32
        %get3A_866 = arith.index_cast %get3A_864 : i32 to index
        %get3A_867 = arith.index_cast %get3A_865 : i32 to index
        %get3A_868 = arith.index_cast %scan3A_520 : i32 to index
        %get3A_869 = arith.constant 48 : index
        %get3A_870 = tpu.vector_load %arg5[%get3A_866, %get3A_867, %get3A_868, %get3A_869] {strides = array<i32>} : memref<2x8x24x192xf32, #tpu.memory_space<vmem>>, vector<16xf32>,
        %gt3A_871 = arith.cmpf ogt, %get3A_870, %select_n3A_860 : vector<16xf32>
        %select_n3A_872 = arith.select %gt3A_871, %get3A_870, %select_n3A_860 : vector<16xi1>, vector<16xf32>
        %broadcast_in_dim3A_873 = arith.constant 2 : i32
        %broadcast_in_dim3A_874 = vector.broadcast %broadcast_in_dim3A_873 : i32 to vector<16xi32>
        %select_n3A_875 = arith.select %gt3A_871, %broadcast_in_dim3A_874, %select_n3A_863 : vector<16xi1>, vector<16xi32>
        %get3A_876 = arith.constant 0 : i32
        %get3A_877 = arith.constant 3 : i32
        %get3A_878 = arith.index_cast %get3A_876 : i32 to index
        %get3A_879 = arith.index_cast %get3A_877 : i32 to index
        %get3A_880 = arith.index_cast %scan3A_520 : i32 to index
        %get3A_881 = arith.constant 48 : index
        %get3A_882 = tpu.vector_load %arg5[%get3A_878, %get3A_879, %get3A_880, %get3A_881] {strides = array<i32>} : memref<2x8x24x192xf32, #tpu.memory_space<vmem>>, vector<16xf32>,
        %gt3A_883 = arith.cmpf ogt, %get3A_882, %select_n3A_872 : vector<16xf32>
        %select_n3A_884 = arith.select %gt3A_883, %get3A_882, %select_n3A_872 : vector<16xi1>, vector<16xf32>
        %broadcast_in_dim3A_885 = arith.constant 3 : i32
        %broadcast_in_dim3A_886 = vector.broadcast %broadcast_in_dim3A_885 : i32 to vector<16xi32>
        %select_n3A_887 = arith.select %gt3A_883, %broadcast_in_dim3A_886, %select_n3A_875 : vector<16xi1>, vector<16xi32>
        %get3A_888 = arith.constant 0 : i32
        %get3A_889 = arith.constant 4 : i32
        %get3A_890 = arith.index_cast %get3A_888 : i32 to index
        %get3A_891 = arith.index_cast %get3A_889 : i32 to index
        %get3A_892 = arith.index_cast %scan3A_520 : i32 to index
        %get3A_893 = arith.constant 48 : index
        %get3A_894 = tpu.vector_load %arg5[%get3A_890, %get3A_891, %get3A_892, %get3A_893] {strides = array<i32>} : memref<2x8x24x192xf32, #tpu.memory_space<vmem>>, vector<16xf32>,
        %gt3A_895 = arith.cmpf ogt, %get3A_894, %select_n3A_884 : vector<16xf32>
        %select_n3A_896 = arith.select %gt3A_895, %get3A_894, %select_n3A_884 : vector<16xi1>, vector<16xf32>
        %broadcast_in_dim3A_897 = arith.constant 4 : i32
        %broadcast_in_dim3A_898 = vector.broadcast %broadcast_in_dim3A_897 : i32 to vector<16xi32>
        %select_n3A_899 = arith.select %gt3A_895, %broadcast_in_dim3A_898, %select_n3A_887 : vector<16xi1>, vector<16xi32>
        %get3A_900 = arith.constant 0 : i32
        %get3A_901 = arith.constant 5 : i32
        %get3A_902 = arith.index_cast %get3A_900 : i32 to index
        %get3A_903 = arith.index_cast %get3A_901 : i32 to index
        %get3A_904 = arith.index_cast %scan3A_520 : i32 to index
        %get3A_905 = arith.constant 48 : index
        %get3A_906 = tpu.vector_load %arg5[%get3A_902, %get3A_903, %get3A_904, %get3A_905] {strides = array<i32>} : memref<2x8x24x192xf32, #tpu.memory_space<vmem>>, vector<16xf32>,
        %gt3A_907 = arith.cmpf ogt, %get3A_906, %select_n3A_896 : vector<16xf32>
        %select_n3A_908 = arith.select %gt3A_907, %get3A_906, %select_n3A_896 : vector<16xi1>, vector<16xf32>
        %broadcast_in_dim3A_909 = arith.constant 5 : i32
        %broadcast_in_dim3A_910 = vector.broadcast %broadcast_in_dim3A_909 : i32 to vector<16xi32>
        %select_n3A_911 = arith.select %gt3A_907, %broadcast_in_dim3A_910, %select_n3A_899 : vector<16xi1>, vector<16xi32>
        %get3A_912 = arith.constant 0 : i32
        %get3A_913 = arith.constant 6 : i32
        %get3A_914 = arith.index_cast %get3A_912 : i32 to index
        %get3A_915 = arith.index_cast %get3A_913 : i32 to index
        %get3A_916 = arith.index_cast %scan3A_520 : i32 to index
        %get3A_917 = arith.constant 48 : index
        %get3A_918 = tpu.vector_load %arg5[%get3A_914, %get3A_915, %get3A_916, %get3A_917] {strides = array<i32>} : memref<2x8x24x192xf32, #tpu.memory_space<vmem>>, vector<16xf32>,
        %gt3A_919 = arith.cmpf ogt, %get3A_918, %select_n3A_908 : vector<16xf32>
        %select_n3A_920 = arith.select %gt3A_919, %get3A_918, %select_n3A_908 : vector<16xi1>, vector<16xf32>
        %broadcast_in_dim3A_921 = arith.constant 6 : i32
        %broadcast_in_dim3A_922 = vector.broadcast %broadcast_in_dim3A_921 : i32 to vector<16xi32>
        %select_n3A_923 = arith.select %gt3A_919, %broadcast_in_dim3A_922, %select_n3A_911 : vector<16xi1>, vector<16xi32>
        %get3A_924 = arith.constant 0 : i32
        %get3A_925 = arith.constant 7 : i32
        %get3A_926 = arith.index_cast %get3A_924 : i32 to index
        %get3A_927 = arith.index_cast %get3A_925 : i32 to index
        %get3A_928 = arith.index_cast %scan3A_520 : i32 to index
        %get3A_929 = arith.constant 48 : index
        %get3A_930 = tpu.vector_load %arg5[%get3A_926, %get3A_927, %get3A_928, %get3A_929] {strides = array<i32>} : memref<2x8x24x192xf32, #tpu.memory_space<vmem>>, vector<16xf32>,
        %gt3A_931 = arith.cmpf ogt, %get3A_930, %select_n3A_920 : vector<16xf32>
        %select_n3A_932 = arith.select %gt3A_931, %get3A_930, %select_n3A_920 : vector<16xi1>, vector<16xf32>
        %broadcast_in_dim3A_933 = arith.constant 7 : i32
        %broadcast_in_dim3A_934 = vector.broadcast %broadcast_in_dim3A_933 : i32 to vector<16xi32>
        %select_n3A_935 = arith.select %gt3A_931, %broadcast_in_dim3A_934, %select_n3A_923 : vector<16xi1>, vector<16xi32>
        %get3A_936 = arith.constant 0 : i32
        %get3A_937 = arith.index_cast %get3A_936 : i32 to index
        %get3A_938 = arith.index_cast %scan3A_520 : i32 to index
        %get3A_939 = arith.constant 48 : index
        %get3A_940 = tpu.vector_load %arg6[%get3A_937, %get3A_938, %get3A_939] {strides = array<i32>} : memref<2x24x192xi32, #tpu.memory_space<vmem>>, vector<16xi32>,
        %mul3A_941 = arith.constant 8 : i32
        %mul3A_942 = vector.broadcast %mul3A_941 : i32 to vector<16xi32>
        %mul3A_943 = arith.muli %select_n3A_935, %mul3A_942 : vector<16xi32>
        %add3A_944 = arith.addi %mul3A_943, %get3A_940 : vector<16xi32>
        %mul3A_945 = arith.constant 16 : i32
        %mul3A_946 = vector.broadcast %mul3A_945 : i32 to vector<16xi32>
        %mul3A_947 = arith.muli %add3A_944, %mul3A_946 : vector<16xi32>
        %add3A_948 = vector.broadcast %mul3A_373 : i32 to vector<16xi32>
        %add3A_949 = arith.addi %add3A_948, %mul3A_947 : vector<16xi32>
        %add3A_950 = arith.addi %add3A_949, %iota3A : vector<16xi32>
        tpu.vector_store_idx %arg7[%add3A_950], %broadcast_in_dim3A_10 {add = true} : memref<2048xf32, #tpu.memory_space<vmem>>[vector<16xi32>], vector<16xf32>,
        %get3A_951 = arith.constant 0 : i32
        %get3A_952 = arith.constant 0 : i32
        %get3A_953 = arith.index_cast %get3A_951 : i32 to index
        %get3A_954 = arith.index_cast %get3A_952 : i32 to index
        %get3A_955 = arith.index_cast %scan3A_520 : i32 to index
        %get3A_956 = arith.constant 64 : index
        %get3A_957 = tpu.vector_load %arg5[%get3A_953, %get3A_954, %get3A_955, %get3A_956] {strides = array<i32>} : memref<2x8x24x192xf32, #tpu.memory_space<vmem>>, vector<16xf32>,
        %broadcast_in_dim3A_958 = arith.constant 0 : i32
        %broadcast_in_dim3A_959 = vector.broadcast %broadcast_in_dim3A_958 : i32 to vector<16xi32>
        %get3A_960 = arith.constant 0 : i32
        %get3A_961 = arith.constant 1 : i32
        %get3A_962 = arith.index_cast %get3A_960 : i32 to index
        %get3A_963 = arith.index_cast %get3A_961 : i32 to index
        %get3A_964 = arith.index_cast %scan3A_520 : i32 to index
        %get3A_965 = arith.constant 64 : index
        %get3A_966 = tpu.vector_load %arg5[%get3A_962, %get3A_963, %get3A_964, %get3A_965] {strides = array<i32>} : memref<2x8x24x192xf32, #tpu.memory_space<vmem>>, vector<16xf32>,
        %gt3A_967 = arith.cmpf ogt, %get3A_966, %get3A_957 : vector<16xf32>
        %select_n3A_968 = arith.select %gt3A_967, %get3A_966, %get3A_957 : vector<16xi1>, vector<16xf32>
        %broadcast_in_dim3A_969 = arith.constant 1 : i32
        %broadcast_in_dim3A_970 = vector.broadcast %broadcast_in_dim3A_969 : i32 to vector<16xi32>
        %select_n3A_971 = arith.select %gt3A_967, %broadcast_in_dim3A_970, %broadcast_in_dim3A_959 : vector<16xi1>, vector<16xi32>
        %get3A_972 = arith.constant 0 : i32
        %get3A_973 = arith.constant 2 : i32
        %get3A_974 = arith.index_cast %get3A_972 : i32 to index
        %get3A_975 = arith.index_cast %get3A_973 : i32 to index
        %get3A_976 = arith.index_cast %scan3A_520 : i32 to index
        %get3A_977 = arith.constant 64 : index
        %get3A_978 = tpu.vector_load %arg5[%get3A_974, %get3A_975, %get3A_976, %get3A_977] {strides = array<i32>} : memref<2x8x24x192xf32, #tpu.memory_space<vmem>>, vector<16xf32>,
        %gt3A_979 = arith.cmpf ogt, %get3A_978, %select_n3A_968 : vector<16xf32>
        %select_n3A_980 = arith.select %gt3A_979, %get3A_978, %select_n3A_968 : vector<16xi1>, vector<16xf32>
        %broadcast_in_dim3A_981 = arith.constant 2 : i32
        %broadcast_in_dim3A_982 = vector.broadcast %broadcast_in_dim3A_981 : i32 to vector<16xi32>
        %select_n3A_983 = arith.select %gt3A_979, %broadcast_in_dim3A_982, %select_n3A_971 : vector<16xi1>, vector<16xi32>
        %get3A_984 = arith.constant 0 : i32
        %get3A_985 = arith.constant 3 : i32
        %get3A_986 = arith.index_cast %get3A_984 : i32 to index
        %get3A_987 = arith.index_cast %get3A_985 : i32 to index
        %get3A_988 = arith.index_cast %scan3A_520 : i32 to index
        %get3A_989 = arith.constant 64 : index
        %get3A_990 = tpu.vector_load %arg5[%get3A_986, %get3A_987, %get3A_988, %get3A_989] {strides = array<i32>} : memref<2x8x24x192xf32, #tpu.memory_space<vmem>>, vector<16xf32>,
        %gt3A_991 = arith.cmpf ogt, %get3A_990, %select_n3A_980 : vector<16xf32>
        %select_n3A_992 = arith.select %gt3A_991, %get3A_990, %select_n3A_980 : vector<16xi1>, vector<16xf32>
        %broadcast_in_dim3A_993 = arith.constant 3 : i32
        %broadcast_in_dim3A_994 = vector.broadcast %broadcast_in_dim3A_993 : i32 to vector<16xi32>
        %select_n3A_995 = arith.select %gt3A_991, %broadcast_in_dim3A_994, %select_n3A_983 : vector<16xi1>, vector<16xi32>
        %get3A_996 = arith.constant 0 : i32
        %get3A_997 = arith.constant 4 : i32
        %get3A_998 = arith.index_cast %get3A_996 : i32 to index
        %get3A_999 = arith.index_cast %get3A_997 : i32 to index
        %get3A_1000 = arith.index_cast %scan3A_520 : i32 to index
        %get3A_1001 = arith.constant 64 : index
        %get3A_1002 = tpu.vector_load %arg5[%get3A_998, %get3A_999, %get3A_1000, %get3A_1001] {strides = array<i32>} : memref<2x8x24x192xf32, #tpu.memory_space<vmem>>, vector<16xf32>,
        %gt3A_1003 = arith.cmpf ogt, %get3A_1002, %select_n3A_992 : vector<16xf32>
        %select_n3A_1004 = arith.select %gt3A_1003, %get3A_1002, %select_n3A_992 : vector<16xi1>, vector<16xf32>
        %broadcast_in_dim3A_1005 = arith.constant 4 : i32
        %broadcast_in_dim3A_1006 = vector.broadcast %broadcast_in_dim3A_1005 : i32 to vector<16xi32>
        %select_n3A_1007 = arith.select %gt3A_1003, %broadcast_in_dim3A_1006, %select_n3A_995 : vector<16xi1>, vector<16xi32>
        %get3A_1008 = arith.constant 0 : i32
        %get3A_1009 = arith.constant 5 : i32
        %get3A_1010 = arith.index_cast %get3A_1008 : i32 to index
        %get3A_1011 = arith.index_cast %get3A_1009 : i32 to index
        %get3A_1012 = arith.index_cast %scan3A_520 : i32 to index
        %get3A_1013 = arith.constant 64 : index
        %get3A_1014 = tpu.vector_load %arg5[%get3A_1010, %get3A_1011, %get3A_1012, %get3A_1013] {strides = array<i32>} : memref<2x8x24x192xf32, #tpu.memory_space<vmem>>, vector<16xf32>,
        %gt3A_1015 = arith.cmpf ogt, %get3A_1014, %select_n3A_1004 : vector<16xf32>
        %select_n3A_1016 = arith.select %gt3A_1015, %get3A_1014, %select_n3A_1004 : vector<16xi1>, vector<16xf32>
        %broadcast_in_dim3A_1017 = arith.constant 5 : i32
        %broadcast_in_dim3A_1018 = vector.broadcast %broadcast_in_dim3A_1017 : i32 to vector<16xi32>
        %select_n3A_1019 = arith.select %gt3A_1015, %broadcast_in_dim3A_1018, %select_n3A_1007 : vector<16xi1>, vector<16xi32>
        %get3A_1020 = arith.constant 0 : i32
        %get3A_1021 = arith.constant 6 : i32
        %get3A_1022 = arith.index_cast %get3A_1020 : i32 to index
        %get3A_1023 = arith.index_cast %get3A_1021 : i32 to index
        %get3A_1024 = arith.index_cast %scan3A_520 : i32 to index
        %get3A_1025 = arith.constant 64 : index
        %get3A_1026 = tpu.vector_load %arg5[%get3A_1022, %get3A_1023, %get3A_1024, %get3A_1025] {strides = array<i32>} : memref<2x8x24x192xf32, #tpu.memory_space<vmem>>, vector<16xf32>,
        %gt3A_1027 = arith.cmpf ogt, %get3A_1026, %select_n3A_1016 : vector<16xf32>
        %select_n3A_1028 = arith.select %gt3A_1027, %get3A_1026, %select_n3A_1016 : vector<16xi1>, vector<16xf32>
        %broadcast_in_dim3A_1029 = arith.constant 6 : i32
        %broadcast_in_dim3A_1030 = vector.broadcast %broadcast_in_dim3A_1029 : i32 to vector<16xi32>
        %select_n3A_1031 = arith.select %gt3A_1027, %broadcast_in_dim3A_1030, %select_n3A_1019 : vector<16xi1>, vector<16xi32>
        %get3A_1032 = arith.constant 0 : i32
        %get3A_1033 = arith.constant 7 : i32
        %get3A_1034 = arith.index_cast %get3A_1032 : i32 to index
        %get3A_1035 = arith.index_cast %get3A_1033 : i32 to index
        %get3A_1036 = arith.index_cast %scan3A_520 : i32 to index
        %get3A_1037 = arith.constant 64 : index
        %get3A_1038 = tpu.vector_load %arg5[%get3A_1034, %get3A_1035, %get3A_1036, %get3A_1037] {strides = array<i32>} : memref<2x8x24x192xf32, #tpu.memory_space<vmem>>, vector<16xf32>,
        %gt3A_1039 = arith.cmpf ogt, %get3A_1038, %select_n3A_1028 : vector<16xf32>
        %select_n3A_1040 = arith.select %gt3A_1039, %get3A_1038, %select_n3A_1028 : vector<16xi1>, vector<16xf32>
        %broadcast_in_dim3A_1041 = arith.constant 7 : i32
        %broadcast_in_dim3A_1042 = vector.broadcast %broadcast_in_dim3A_1041 : i32 to vector<16xi32>
        %select_n3A_1043 = arith.select %gt3A_1039, %broadcast_in_dim3A_1042, %select_n3A_1031 : vector<16xi1>, vector<16xi32>
        %get3A_1044 = arith.constant 0 : i32
        %get3A_1045 = arith.index_cast %get3A_1044 : i32 to index
        %get3A_1046 = arith.index_cast %scan3A_520 : i32 to index
        %get3A_1047 = arith.constant 64 : index
        %get3A_1048 = tpu.vector_load %arg6[%get3A_1045, %get3A_1046, %get3A_1047] {strides = array<i32>} : memref<2x24x192xi32, #tpu.memory_space<vmem>>, vector<16xi32>,
        %mul3A_1049 = arith.constant 8 : i32
        %mul3A_1050 = vector.broadcast %mul3A_1049 : i32 to vector<16xi32>
        %mul3A_1051 = arith.muli %select_n3A_1043, %mul3A_1050 : vector<16xi32>
        %add3A_1052 = arith.addi %mul3A_1051, %get3A_1048 : vector<16xi32>
        %mul3A_1053 = arith.constant 16 : i32
        %mul3A_1054 = vector.broadcast %mul3A_1053 : i32 to vector<16xi32>
        %mul3A_1055 = arith.muli %add3A_1052, %mul3A_1054 : vector<16xi32>
        %add3A_1056 = vector.broadcast %mul3A_373 : i32 to vector<16xi32>
        %add3A_1057 = arith.addi %add3A_1056, %mul3A_1055 : vector<16xi32>
        %add3A_1058 = arith.addi %add3A_1057, %iota3A : vector<16xi32>
        tpu.vector_store_idx %arg7[%add3A_1058], %broadcast_in_dim3A_10 {add = true} : memref<2048xf32, #tpu.memory_space<vmem>>[vector<16xi32>], vector<16xf32>,
        %get3A_1059 = arith.constant 0 : i32
        %get3A_1060 = arith.constant 0 : i32
        %get3A_1061 = arith.index_cast %get3A_1059 : i32 to index
        %get3A_1062 = arith.index_cast %get3A_1060 : i32 to index
        %get3A_1063 = arith.index_cast %scan3A_520 : i32 to index
        %get3A_1064 = arith.constant 80 : index
        %get3A_1065 = tpu.vector_load %arg5[%get3A_1061, %get3A_1062, %get3A_1063, %get3A_1064] {strides = array<i32>} : memref<2x8x24x192xf32, #tpu.memory_space<vmem>>, vector<16xf32>,
        %broadcast_in_dim3A_1066 = arith.constant 0 : i32
        %broadcast_in_dim3A_1067 = vector.broadcast %broadcast_in_dim3A_1066 : i32 to vector<16xi32>
        %get3A_1068 = arith.constant 0 : i32
        %get3A_1069 = arith.constant 1 : i32
        %get3A_1070 = arith.index_cast %get3A_1068 : i32 to index
        %get3A_1071 = arith.index_cast %get3A_1069 : i32 to index
        %get3A_1072 = arith.index_cast %scan3A_520 : i32 to index
        %get3A_1073 = arith.constant 80 : index
        %get3A_1074 = tpu.vector_load %arg5[%get3A_1070, %get3A_1071, %get3A_1072, %get3A_1073] {strides = array<i32>} : memref<2x8x24x192xf32, #tpu.memory_space<vmem>>, vector<16xf32>,
        %gt3A_1075 = arith.cmpf ogt, %get3A_1074, %get3A_1065 : vector<16xf32>
        %select_n3A_1076 = arith.select %gt3A_1075, %get3A_1074, %get3A_1065 : vector<16xi1>, vector<16xf32>
        %broadcast_in_dim3A_1077 = arith.constant 1 : i32
        %broadcast_in_dim3A_1078 = vector.broadcast %broadcast_in_dim3A_1077 : i32 to vector<16xi32>
        %select_n3A_1079 = arith.select %gt3A_1075, %broadcast_in_dim3A_1078, %broadcast_in_dim3A_1067 : vector<16xi1>, vector<16xi32>
        %get3A_1080 = arith.constant 0 : i32
        %get3A_1081 = arith.constant 2 : i32
        %get3A_1082 = arith.index_cast %get3A_1080 : i32 to index
        %get3A_1083 = arith.index_cast %get3A_1081 : i32 to index
        %get3A_1084 = arith.index_cast %scan3A_520 : i32 to index
        %get3A_1085 = arith.constant 80 : index
        %get3A_1086 = tpu.vector_load %arg5[%get3A_1082, %get3A_1083, %get3A_1084, %get3A_1085] {strides = array<i32>} : memref<2x8x24x192xf32, #tpu.memory_space<vmem>>, vector<16xf32>,
        %gt3A_1087 = arith.cmpf ogt, %get3A_1086, %select_n3A_1076 : vector<16xf32>
        %select_n3A_1088 = arith.select %gt3A_1087, %get3A_1086, %select_n3A_1076 : vector<16xi1>, vector<16xf32>
        %broadcast_in_dim3A_1089 = arith.constant 2 : i32
        %broadcast_in_dim3A_1090 = vector.broadcast %broadcast_in_dim3A_1089 : i32 to vector<16xi32>
        %select_n3A_1091 = arith.select %gt3A_1087, %broadcast_in_dim3A_1090, %select_n3A_1079 : vector<16xi1>, vector<16xi32>
        %get3A_1092 = arith.constant 0 : i32
        %get3A_1093 = arith.constant 3 : i32
        %get3A_1094 = arith.index_cast %get3A_1092 : i32 to index
        %get3A_1095 = arith.index_cast %get3A_1093 : i32 to index
        %get3A_1096 = arith.index_cast %scan3A_520 : i32 to index
        %get3A_1097 = arith.constant 80 : index
        %get3A_1098 = tpu.vector_load %arg5[%get3A_1094, %get3A_1095, %get3A_1096, %get3A_1097] {strides = array<i32>} : memref<2x8x24x192xf32, #tpu.memory_space<vmem>>, vector<16xf32>,
        %gt3A_1099 = arith.cmpf ogt, %get3A_1098, %select_n3A_1088 : vector<16xf32>
        %select_n3A_1100 = arith.select %gt3A_1099, %get3A_1098, %select_n3A_1088 : vector<16xi1>, vector<16xf32>
        %broadcast_in_dim3A_1101 = arith.constant 3 : i32
        %broadcast_in_dim3A_1102 = vector.broadcast %broadcast_in_dim3A_1101 : i32 to vector<16xi32>
        %select_n3A_1103 = arith.select %gt3A_1099, %broadcast_in_dim3A_1102, %select_n3A_1091 : vector<16xi1>, vector<16xi32>
        %get3A_1104 = arith.constant 0 : i32
        %get3A_1105 = arith.constant 4 : i32
        %get3A_1106 = arith.index_cast %get3A_1104 : i32 to index
        %get3A_1107 = arith.index_cast %get3A_1105 : i32 to index
        %get3A_1108 = arith.index_cast %scan3A_520 : i32 to index
        %get3A_1109 = arith.constant 80 : index
        %get3A_1110 = tpu.vector_load %arg5[%get3A_1106, %get3A_1107, %get3A_1108, %get3A_1109] {strides = array<i32>} : memref<2x8x24x192xf32, #tpu.memory_space<vmem>>, vector<16xf32>,
        %gt3A_1111 = arith.cmpf ogt, %get3A_1110, %select_n3A_1100 : vector<16xf32>
        %select_n3A_1112 = arith.select %gt3A_1111, %get3A_1110, %select_n3A_1100 : vector<16xi1>, vector<16xf32>
        %broadcast_in_dim3A_1113 = arith.constant 4 : i32
        %broadcast_in_dim3A_1114 = vector.broadcast %broadcast_in_dim3A_1113 : i32 to vector<16xi32>
        %select_n3A_1115 = arith.select %gt3A_1111, %broadcast_in_dim3A_1114, %select_n3A_1103 : vector<16xi1>, vector<16xi32>
        %get3A_1116 = arith.constant 0 : i32
        %get3A_1117 = arith.constant 5 : i32
        %get3A_1118 = arith.index_cast %get3A_1116 : i32 to index
        %get3A_1119 = arith.index_cast %get3A_1117 : i32 to index
        %get3A_1120 = arith.index_cast %scan3A_520 : i32 to index
        %get3A_1121 = arith.constant 80 : index
        %get3A_1122 = tpu.vector_load %arg5[%get3A_1118, %get3A_1119, %get3A_1120, %get3A_1121] {strides = array<i32>} : memref<2x8x24x192xf32, #tpu.memory_space<vmem>>, vector<16xf32>,
        %gt3A_1123 = arith.cmpf ogt, %get3A_1122, %select_n3A_1112 : vector<16xf32>
        %select_n3A_1124 = arith.select %gt3A_1123, %get3A_1122, %select_n3A_1112 : vector<16xi1>, vector<16xf32>
        %broadcast_in_dim3A_1125 = arith.constant 5 : i32
        %broadcast_in_dim3A_1126 = vector.broadcast %broadcast_in_dim3A_1125 : i32 to vector<16xi32>
        %select_n3A_1127 = arith.select %gt3A_1123, %broadcast_in_dim3A_1126, %select_n3A_1115 : vector<16xi1>, vector<16xi32>
        %get3A_1128 = arith.constant 0 : i32
        %get3A_1129 = arith.constant 6 : i32
        %get3A_1130 = arith.index_cast %get3A_1128 : i32 to index
        %get3A_1131 = arith.index_cast %get3A_1129 : i32 to index
        %get3A_1132 = arith.index_cast %scan3A_520 : i32 to index
        %get3A_1133 = arith.constant 80 : index
        %get3A_1134 = tpu.vector_load %arg5[%get3A_1130, %get3A_1131, %get3A_1132, %get3A_1133] {strides = array<i32>} : memref<2x8x24x192xf32, #tpu.memory_space<vmem>>, vector<16xf32>,
        %gt3A_1135 = arith.cmpf ogt, %get3A_1134, %select_n3A_1124 : vector<16xf32>
        %select_n3A_1136 = arith.select %gt3A_1135, %get3A_1134, %select_n3A_1124 : vector<16xi1>, vector<16xf32>
        %broadcast_in_dim3A_1137 = arith.constant 6 : i32
        %broadcast_in_dim3A_1138 = vector.broadcast %broadcast_in_dim3A_1137 : i32 to vector<16xi32>
        %select_n3A_1139 = arith.select %gt3A_1135, %broadcast_in_dim3A_1138, %select_n3A_1127 : vector<16xi1>, vector<16xi32>
        %get3A_1140 = arith.constant 0 : i32
        %get3A_1141 = arith.constant 7 : i32
        %get3A_1142 = arith.index_cast %get3A_1140 : i32 to index
        %get3A_1143 = arith.index_cast %get3A_1141 : i32 to index
        %get3A_1144 = arith.index_cast %scan3A_520 : i32 to index
        %get3A_1145 = arith.constant 80 : index
        %get3A_1146 = tpu.vector_load %arg5[%get3A_1142, %get3A_1143, %get3A_1144, %get3A_1145] {strides = array<i32>} : memref<2x8x24x192xf32, #tpu.memory_space<vmem>>, vector<16xf32>,
        %gt3A_1147 = arith.cmpf ogt, %get3A_1146, %select_n3A_1136 : vector<16xf32>
        %select_n3A_1148 = arith.select %gt3A_1147, %get3A_1146, %select_n3A_1136 : vector<16xi1>, vector<16xf32>
        %broadcast_in_dim3A_1149 = arith.constant 7 : i32
        %broadcast_in_dim3A_1150 = vector.broadcast %broadcast_in_dim3A_1149 : i32 to vector<16xi32>
        %select_n3A_1151 = arith.select %gt3A_1147, %broadcast_in_dim3A_1150, %select_n3A_1139 : vector<16xi1>, vector<16xi32>
        %get3A_1152 = arith.constant 0 : i32
        %get3A_1153 = arith.index_cast %get3A_1152 : i32 to index
        %get3A_1154 = arith.index_cast %scan3A_520 : i32 to index
        %get3A_1155 = arith.constant 80 : index
        %get3A_1156 = tpu.vector_load %arg6[%get3A_1153, %get3A_1154, %get3A_1155] {strides = array<i32>} : memref<2x24x192xi32, #tpu.memory_space<vmem>>, vector<16xi32>,
        %mul3A_1157 = arith.constant 8 : i32
        %mul3A_1158 = vector.broadcast %mul3A_1157 : i32 to vector<16xi32>
        %mul3A_1159 = arith.muli %select_n3A_1151, %mul3A_1158 : vector<16xi32>
        %add3A_1160 = arith.addi %mul3A_1159, %get3A_1156 : vector<16xi32>
        %mul3A_1161 = arith.constant 16 : i32
        %mul3A_1162 = vector.broadcast %mul3A_1161 : i32 to vector<16xi32>
        %mul3A_1163 = arith.muli %add3A_1160, %mul3A_1162 : vector<16xi32>
        %add3A_1164 = vector.broadcast %mul3A_373 : i32 to vector<16xi32>
        %add3A_1165 = arith.addi %add3A_1164, %mul3A_1163 : vector<16xi32>
        %add3A_1166 = arith.addi %add3A_1165, %iota3A : vector<16xi32>
        tpu.vector_store_idx %arg7[%add3A_1166], %broadcast_in_dim3A_10 {add = true} : memref<2048xf32, #tpu.memory_space<vmem>>[vector<16xi32>], vector<16xf32>,
        %get3A_1167 = arith.constant 0 : i32
        %get3A_1168 = arith.constant 0 : i32
        %get3A_1169 = arith.index_cast %get3A_1167 : i32 to index
        %get3A_1170 = arith.index_cast %get3A_1168 : i32 to index
        %get3A_1171 = arith.index_cast %scan3A_520 : i32 to index
        %get3A_1172 = arith.constant 96 : index
        %get3A_1173 = tpu.vector_load %arg5[%get3A_1169, %get3A_1170, %get3A_1171, %get3A_1172] {strides = array<i32>} : memref<2x8x24x192xf32, #tpu.memory_space<vmem>>, vector<16xf32>,
        %broadcast_in_dim3A_1174 = arith.constant 0 : i32
        %broadcast_in_dim3A_1175 = vector.broadcast %broadcast_in_dim3A_1174 : i32 to vector<16xi32>
        %get3A_1176 = arith.constant 0 : i32
        %get3A_1177 = arith.constant 1 : i32
        %get3A_1178 = arith.index_cast %get3A_1176 : i32 to index
        %get3A_1179 = arith.index_cast %get3A_1177 : i32 to index
        %get3A_1180 = arith.index_cast %scan3A_520 : i32 to index
        %get3A_1181 = arith.constant 96 : index
        %get3A_1182 = tpu.vector_load %arg5[%get3A_1178, %get3A_1179, %get3A_1180, %get3A_1181] {strides = array<i32>} : memref<2x8x24x192xf32, #tpu.memory_space<vmem>>, vector<16xf32>,
        %gt3A_1183 = arith.cmpf ogt, %get3A_1182, %get3A_1173 : vector<16xf32>
        %select_n3A_1184 = arith.select %gt3A_1183, %get3A_1182, %get3A_1173 : vector<16xi1>, vector<16xf32>
        %broadcast_in_dim3A_1185 = arith.constant 1 : i32
        %broadcast_in_dim3A_1186 = vector.broadcast %broadcast_in_dim3A_1185 : i32 to vector<16xi32>
        %select_n3A_1187 = arith.select %gt3A_1183, %broadcast_in_dim3A_1186, %broadcast_in_dim3A_1175 : vector<16xi1>, vector<16xi32>
        %get3A_1188 = arith.constant 0 : i32
        %get3A_1189 = arith.constant 2 : i32
        %get3A_1190 = arith.index_cast %get3A_1188 : i32 to index
        %get3A_1191 = arith.index_cast %get3A_1189 : i32 to index
        %get3A_1192 = arith.index_cast %scan3A_520 : i32 to index
        %get3A_1193 = arith.constant 96 : index
        %get3A_1194 = tpu.vector_load %arg5[%get3A_1190, %get3A_1191, %get3A_1192, %get3A_1193] {strides = array<i32>} : memref<2x8x24x192xf32, #tpu.memory_space<vmem>>, vector<16xf32>,
        %gt3A_1195 = arith.cmpf ogt, %get3A_1194, %select_n3A_1184 : vector<16xf32>
        %select_n3A_1196 = arith.select %gt3A_1195, %get3A_1194, %select_n3A_1184 : vector<16xi1>, vector<16xf32>
        %broadcast_in_dim3A_1197 = arith.constant 2 : i32
        %broadcast_in_dim3A_1198 = vector.broadcast %broadcast_in_dim3A_1197 : i32 to vector<16xi32>
        %select_n3A_1199 = arith.select %gt3A_1195, %broadcast_in_dim3A_1198, %select_n3A_1187 : vector<16xi1>, vector<16xi32>
        %get3A_1200 = arith.constant 0 : i32
        %get3A_1201 = arith.constant 3 : i32
        %get3A_1202 = arith.index_cast %get3A_1200 : i32 to index
        %get3A_1203 = arith.index_cast %get3A_1201 : i32 to index
        %get3A_1204 = arith.index_cast %scan3A_520 : i32 to index
        %get3A_1205 = arith.constant 96 : index
        %get3A_1206 = tpu.vector_load %arg5[%get3A_1202, %get3A_1203, %get3A_1204, %get3A_1205] {strides = array<i32>} : memref<2x8x24x192xf32, #tpu.memory_space<vmem>>, vector<16xf32>,
        %gt3A_1207 = arith.cmpf ogt, %get3A_1206, %select_n3A_1196 : vector<16xf32>
        %select_n3A_1208 = arith.select %gt3A_1207, %get3A_1206, %select_n3A_1196 : vector<16xi1>, vector<16xf32>
        %broadcast_in_dim3A_1209 = arith.constant 3 : i32
        %broadcast_in_dim3A_1210 = vector.broadcast %broadcast_in_dim3A_1209 : i32 to vector<16xi32>
        %select_n3A_1211 = arith.select %gt3A_1207, %broadcast_in_dim3A_1210, %select_n3A_1199 : vector<16xi1>, vector<16xi32>
        %get3A_1212 = arith.constant 0 : i32
        %get3A_1213 = arith.constant 4 : i32
        %get3A_1214 = arith.index_cast %get3A_1212 : i32 to index
        %get3A_1215 = arith.index_cast %get3A_1213 : i32 to index
        %get3A_1216 = arith.index_cast %scan3A_520 : i32 to index
        %get3A_1217 = arith.constant 96 : index
        %get3A_1218 = tpu.vector_load %arg5[%get3A_1214, %get3A_1215, %get3A_1216, %get3A_1217] {strides = array<i32>} : memref<2x8x24x192xf32, #tpu.memory_space<vmem>>, vector<16xf32>,
        %gt3A_1219 = arith.cmpf ogt, %get3A_1218, %select_n3A_1208 : vector<16xf32>
        %select_n3A_1220 = arith.select %gt3A_1219, %get3A_1218, %select_n3A_1208 : vector<16xi1>, vector<16xf32>
        %broadcast_in_dim3A_1221 = arith.constant 4 : i32
        %broadcast_in_dim3A_1222 = vector.broadcast %broadcast_in_dim3A_1221 : i32 to vector<16xi32>
        %select_n3A_1223 = arith.select %gt3A_1219, %broadcast_in_dim3A_1222, %select_n3A_1211 : vector<16xi1>, vector<16xi32>
        %get3A_1224 = arith.constant 0 : i32
        %get3A_1225 = arith.constant 5 : i32
        %get3A_1226 = arith.index_cast %get3A_1224 : i32 to index
        %get3A_1227 = arith.index_cast %get3A_1225 : i32 to index
        %get3A_1228 = arith.index_cast %scan3A_520 : i32 to index
        %get3A_1229 = arith.constant 96 : index
        %get3A_1230 = tpu.vector_load %arg5[%get3A_1226, %get3A_1227, %get3A_1228, %get3A_1229] {strides = array<i32>} : memref<2x8x24x192xf32, #tpu.memory_space<vmem>>, vector<16xf32>,
        %gt3A_1231 = arith.cmpf ogt, %get3A_1230, %select_n3A_1220 : vector<16xf32>
        %select_n3A_1232 = arith.select %gt3A_1231, %get3A_1230, %select_n3A_1220 : vector<16xi1>, vector<16xf32>
        %broadcast_in_dim3A_1233 = arith.constant 5 : i32
        %broadcast_in_dim3A_1234 = vector.broadcast %broadcast_in_dim3A_1233 : i32 to vector<16xi32>
        %select_n3A_1235 = arith.select %gt3A_1231, %broadcast_in_dim3A_1234, %select_n3A_1223 : vector<16xi1>, vector<16xi32>
        %get3A_1236 = arith.constant 0 : i32
        %get3A_1237 = arith.constant 6 : i32
        %get3A_1238 = arith.index_cast %get3A_1236 : i32 to index
        %get3A_1239 = arith.index_cast %get3A_1237 : i32 to index
        %get3A_1240 = arith.index_cast %scan3A_520 : i32 to index
        %get3A_1241 = arith.constant 96 : index
        %get3A_1242 = tpu.vector_load %arg5[%get3A_1238, %get3A_1239, %get3A_1240, %get3A_1241] {strides = array<i32>} : memref<2x8x24x192xf32, #tpu.memory_space<vmem>>, vector<16xf32>,
        %gt3A_1243 = arith.cmpf ogt, %get3A_1242, %select_n3A_1232 : vector<16xf32>
        %select_n3A_1244 = arith.select %gt3A_1243, %get3A_1242, %select_n3A_1232 : vector<16xi1>, vector<16xf32>
        %broadcast_in_dim3A_1245 = arith.constant 6 : i32
        %broadcast_in_dim3A_1246 = vector.broadcast %broadcast_in_dim3A_1245 : i32 to vector<16xi32>
        %select_n3A_1247 = arith.select %gt3A_1243, %broadcast_in_dim3A_1246, %select_n3A_1235 : vector<16xi1>, vector<16xi32>
        %get3A_1248 = arith.constant 0 : i32
        %get3A_1249 = arith.constant 7 : i32
        %get3A_1250 = arith.index_cast %get3A_1248 : i32 to index
        %get3A_1251 = arith.index_cast %get3A_1249 : i32 to index
        %get3A_1252 = arith.index_cast %scan3A_520 : i32 to index
        %get3A_1253 = arith.constant 96 : index
        %get3A_1254 = tpu.vector_load %arg5[%get3A_1250, %get3A_1251, %get3A_1252, %get3A_1253] {strides = array<i32>} : memref<2x8x24x192xf32, #tpu.memory_space<vmem>>, vector<16xf32>,
        %gt3A_1255 = arith.cmpf ogt, %get3A_1254, %select_n3A_1244 : vector<16xf32>
        %select_n3A_1256 = arith.select %gt3A_1255, %get3A_1254, %select_n3A_1244 : vector<16xi1>, vector<16xf32>
        %broadcast_in_dim3A_1257 = arith.constant 7 : i32
        %broadcast_in_dim3A_1258 = vector.broadcast %broadcast_in_dim3A_1257 : i32 to vector<16xi32>
        %select_n3A_1259 = arith.select %gt3A_1255, %broadcast_in_dim3A_1258, %select_n3A_1247 : vector<16xi1>, vector<16xi32>
        %get3A_1260 = arith.constant 0 : i32
        %get3A_1261 = arith.index_cast %get3A_1260 : i32 to index
        %get3A_1262 = arith.index_cast %scan3A_520 : i32 to index
        %get3A_1263 = arith.constant 96 : index
        %get3A_1264 = tpu.vector_load %arg6[%get3A_1261, %get3A_1262, %get3A_1263] {strides = array<i32>} : memref<2x24x192xi32, #tpu.memory_space<vmem>>, vector<16xi32>,
        %mul3A_1265 = arith.constant 8 : i32
        %mul3A_1266 = vector.broadcast %mul3A_1265 : i32 to vector<16xi32>
        %mul3A_1267 = arith.muli %select_n3A_1259, %mul3A_1266 : vector<16xi32>
        %add3A_1268 = arith.addi %mul3A_1267, %get3A_1264 : vector<16xi32>
        %mul3A_1269 = arith.constant 16 : i32
        %mul3A_1270 = vector.broadcast %mul3A_1269 : i32 to vector<16xi32>
        %mul3A_1271 = arith.muli %add3A_1268, %mul3A_1270 : vector<16xi32>
        %add3A_1272 = vector.broadcast %mul3A_373 : i32 to vector<16xi32>
        %add3A_1273 = arith.addi %add3A_1272, %mul3A_1271 : vector<16xi32>
        %add3A_1274 = arith.addi %add3A_1273, %iota3A : vector<16xi32>
        tpu.vector_store_idx %arg7[%add3A_1274], %broadcast_in_dim3A_10 {add = true} : memref<2048xf32, #tpu.memory_space<vmem>>[vector<16xi32>], vector<16xf32>,
        %get3A_1275 = arith.constant 0 : i32
        %get3A_1276 = arith.constant 0 : i32
        %get3A_1277 = arith.index_cast %get3A_1275 : i32 to index
        %get3A_1278 = arith.index_cast %get3A_1276 : i32 to index
        %get3A_1279 = arith.index_cast %scan3A_520 : i32 to index
        %get3A_1280 = arith.constant 112 : index
        %get3A_1281 = tpu.vector_load %arg5[%get3A_1277, %get3A_1278, %get3A_1279, %get3A_1280] {strides = array<i32>} : memref<2x8x24x192xf32, #tpu.memory_space<vmem>>, vector<16xf32>,
        %broadcast_in_dim3A_1282 = arith.constant 0 : i32
        %broadcast_in_dim3A_1283 = vector.broadcast %broadcast_in_dim3A_1282 : i32 to vector<16xi32>
        %get3A_1284 = arith.constant 0 : i32
        %get3A_1285 = arith.constant 1 : i32
        %get3A_1286 = arith.index_cast %get3A_1284 : i32 to index
        %get3A_1287 = arith.index_cast %get3A_1285 : i32 to index
        %get3A_1288 = arith.index_cast %scan3A_520 : i32 to index
        %get3A_1289 = arith.constant 112 : index
        %get3A_1290 = tpu.vector_load %arg5[%get3A_1286, %get3A_1287, %get3A_1288, %get3A_1289] {strides = array<i32>} : memref<2x8x24x192xf32, #tpu.memory_space<vmem>>, vector<16xf32>,
        %gt3A_1291 = arith.cmpf ogt, %get3A_1290, %get3A_1281 : vector<16xf32>
        %select_n3A_1292 = arith.select %gt3A_1291, %get3A_1290, %get3A_1281 : vector<16xi1>, vector<16xf32>
        %broadcast_in_dim3A_1293 = arith.constant 1 : i32
        %broadcast_in_dim3A_1294 = vector.broadcast %broadcast_in_dim3A_1293 : i32 to vector<16xi32>
        %select_n3A_1295 = arith.select %gt3A_1291, %broadcast_in_dim3A_1294, %broadcast_in_dim3A_1283 : vector<16xi1>, vector<16xi32>
        %get3A_1296 = arith.constant 0 : i32
        %get3A_1297 = arith.constant 2 : i32
        %get3A_1298 = arith.index_cast %get3A_1296 : i32 to index
        %get3A_1299 = arith.index_cast %get3A_1297 : i32 to index
        %get3A_1300 = arith.index_cast %scan3A_520 : i32 to index
        %get3A_1301 = arith.constant 112 : index
        %get3A_1302 = tpu.vector_load %arg5[%get3A_1298, %get3A_1299, %get3A_1300, %get3A_1301] {strides = array<i32>} : memref<2x8x24x192xf32, #tpu.memory_space<vmem>>, vector<16xf32>,
        %gt3A_1303 = arith.cmpf ogt, %get3A_1302, %select_n3A_1292 : vector<16xf32>
        %select_n3A_1304 = arith.select %gt3A_1303, %get3A_1302, %select_n3A_1292 : vector<16xi1>, vector<16xf32>
        %broadcast_in_dim3A_1305 = arith.constant 2 : i32
        %broadcast_in_dim3A_1306 = vector.broadcast %broadcast_in_dim3A_1305 : i32 to vector<16xi32>
        %select_n3A_1307 = arith.select %gt3A_1303, %broadcast_in_dim3A_1306, %select_n3A_1295 : vector<16xi1>, vector<16xi32>
        %get3A_1308 = arith.constant 0 : i32
        %get3A_1309 = arith.constant 3 : i32
        %get3A_1310 = arith.index_cast %get3A_1308 : i32 to index
        %get3A_1311 = arith.index_cast %get3A_1309 : i32 to index
        %get3A_1312 = arith.index_cast %scan3A_520 : i32 to index
        %get3A_1313 = arith.constant 112 : index
        %get3A_1314 = tpu.vector_load %arg5[%get3A_1310, %get3A_1311, %get3A_1312, %get3A_1313] {strides = array<i32>} : memref<2x8x24x192xf32, #tpu.memory_space<vmem>>, vector<16xf32>,
        %gt3A_1315 = arith.cmpf ogt, %get3A_1314, %select_n3A_1304 : vector<16xf32>
        %select_n3A_1316 = arith.select %gt3A_1315, %get3A_1314, %select_n3A_1304 : vector<16xi1>, vector<16xf32>
        %broadcast_in_dim3A_1317 = arith.constant 3 : i32
        %broadcast_in_dim3A_1318 = vector.broadcast %broadcast_in_dim3A_1317 : i32 to vector<16xi32>
        %select_n3A_1319 = arith.select %gt3A_1315, %broadcast_in_dim3A_1318, %select_n3A_1307 : vector<16xi1>, vector<16xi32>
        %get3A_1320 = arith.constant 0 : i32
        %get3A_1321 = arith.constant 4 : i32
        %get3A_1322 = arith.index_cast %get3A_1320 : i32 to index
        %get3A_1323 = arith.index_cast %get3A_1321 : i32 to index
        %get3A_1324 = arith.index_cast %scan3A_520 : i32 to index
        %get3A_1325 = arith.constant 112 : index
        %get3A_1326 = tpu.vector_load %arg5[%get3A_1322, %get3A_1323, %get3A_1324, %get3A_1325] {strides = array<i32>} : memref<2x8x24x192xf32, #tpu.memory_space<vmem>>, vector<16xf32>,
        %gt3A_1327 = arith.cmpf ogt, %get3A_1326, %select_n3A_1316 : vector<16xf32>
        %select_n3A_1328 = arith.select %gt3A_1327, %get3A_1326, %select_n3A_1316 : vector<16xi1>, vector<16xf32>
        %broadcast_in_dim3A_1329 = arith.constant 4 : i32
        %broadcast_in_dim3A_1330 = vector.broadcast %broadcast_in_dim3A_1329 : i32 to vector<16xi32>
        %select_n3A_1331 = arith.select %gt3A_1327, %broadcast_in_dim3A_1330, %select_n3A_1319 : vector<16xi1>, vector<16xi32>
        %get3A_1332 = arith.constant 0 : i32
        %get3A_1333 = arith.constant 5 : i32
        %get3A_1334 = arith.index_cast %get3A_1332 : i32 to index
        %get3A_1335 = arith.index_cast %get3A_1333 : i32 to index
        %get3A_1336 = arith.index_cast %scan3A_520 : i32 to index
        %get3A_1337 = arith.constant 112 : index
        %get3A_1338 = tpu.vector_load %arg5[%get3A_1334, %get3A_1335, %get3A_1336, %get3A_1337] {strides = array<i32>} : memref<2x8x24x192xf32, #tpu.memory_space<vmem>>, vector<16xf32>,
        %gt3A_1339 = arith.cmpf ogt, %get3A_1338, %select_n3A_1328 : vector<16xf32>
        %select_n3A_1340 = arith.select %gt3A_1339, %get3A_1338, %select_n3A_1328 : vector<16xi1>, vector<16xf32>
        %broadcast_in_dim3A_1341 = arith.constant 5 : i32
        %broadcast_in_dim3A_1342 = vector.broadcast %broadcast_in_dim3A_1341 : i32 to vector<16xi32>
        %select_n3A_1343 = arith.select %gt3A_1339, %broadcast_in_dim3A_1342, %select_n3A_1331 : vector<16xi1>, vector<16xi32>
        %get3A_1344 = arith.constant 0 : i32
        %get3A_1345 = arith.constant 6 : i32
        %get3A_1346 = arith.index_cast %get3A_1344 : i32 to index
        %get3A_1347 = arith.index_cast %get3A_1345 : i32 to index
        %get3A_1348 = arith.index_cast %scan3A_520 : i32 to index
        %get3A_1349 = arith.constant 112 : index
        %get3A_1350 = tpu.vector_load %arg5[%get3A_1346, %get3A_1347, %get3A_1348, %get3A_1349] {strides = array<i32>} : memref<2x8x24x192xf32, #tpu.memory_space<vmem>>, vector<16xf32>,
        %gt3A_1351 = arith.cmpf ogt, %get3A_1350, %select_n3A_1340 : vector<16xf32>
        %select_n3A_1352 = arith.select %gt3A_1351, %get3A_1350, %select_n3A_1340 : vector<16xi1>, vector<16xf32>
        %broadcast_in_dim3A_1353 = arith.constant 6 : i32
        %broadcast_in_dim3A_1354 = vector.broadcast %broadcast_in_dim3A_1353 : i32 to vector<16xi32>
        %select_n3A_1355 = arith.select %gt3A_1351, %broadcast_in_dim3A_1354, %select_n3A_1343 : vector<16xi1>, vector<16xi32>
        %get3A_1356 = arith.constant 0 : i32
        %get3A_1357 = arith.constant 7 : i32
        %get3A_1358 = arith.index_cast %get3A_1356 : i32 to index
        %get3A_1359 = arith.index_cast %get3A_1357 : i32 to index
        %get3A_1360 = arith.index_cast %scan3A_520 : i32 to index
        %get3A_1361 = arith.constant 112 : index
        %get3A_1362 = tpu.vector_load %arg5[%get3A_1358, %get3A_1359, %get3A_1360, %get3A_1361] {strides = array<i32>} : memref<2x8x24x192xf32, #tpu.memory_space<vmem>>, vector<16xf32>,
        %gt3A_1363 = arith.cmpf ogt, %get3A_1362, %select_n3A_1352 : vector<16xf32>
        %select_n3A_1364 = arith.select %gt3A_1363, %get3A_1362, %select_n3A_1352 : vector<16xi1>, vector<16xf32>
        %broadcast_in_dim3A_1365 = arith.constant 7 : i32
        %broadcast_in_dim3A_1366 = vector.broadcast %broadcast_in_dim3A_1365 : i32 to vector<16xi32>
        %select_n3A_1367 = arith.select %gt3A_1363, %broadcast_in_dim3A_1366, %select_n3A_1355 : vector<16xi1>, vector<16xi32>
        %get3A_1368 = arith.constant 0 : i32
        %get3A_1369 = arith.index_cast %get3A_1368 : i32 to index
        %get3A_1370 = arith.index_cast %scan3A_520 : i32 to index
        %get3A_1371 = arith.constant 112 : index
        %get3A_1372 = tpu.vector_load %arg6[%get3A_1369, %get3A_1370, %get3A_1371] {strides = array<i32>} : memref<2x24x192xi32, #tpu.memory_space<vmem>>, vector<16xi32>,
        %mul3A_1373 = arith.constant 8 : i32
        %mul3A_1374 = vector.broadcast %mul3A_1373 : i32 to vector<16xi32>
        %mul3A_1375 = arith.muli %select_n3A_1367, %mul3A_1374 : vector<16xi32>
        %add3A_1376 = arith.addi %mul3A_1375, %get3A_1372 : vector<16xi32>
        %mul3A_1377 = arith.constant 16 : i32
        %mul3A_1378 = vector.broadcast %mul3A_1377 : i32 to vector<16xi32>
        %mul3A_1379 = arith.muli %add3A_1376, %mul3A_1378 : vector<16xi32>
        %add3A_1380 = vector.broadcast %mul3A_373 : i32 to vector<16xi32>
        %add3A_1381 = arith.addi %add3A_1380, %mul3A_1379 : vector<16xi32>
        %add3A_1382 = arith.addi %add3A_1381, %iota3A : vector<16xi32>
        tpu.vector_store_idx %arg7[%add3A_1382], %broadcast_in_dim3A_10 {add = true} : memref<2048xf32, #tpu.memory_space<vmem>>[vector<16xi32>], vector<16xf32>,
        %get3A_1383 = arith.constant 0 : i32
        %get3A_1384 = arith.constant 0 : i32
        %get3A_1385 = arith.index_cast %get3A_1383 : i32 to index
        %get3A_1386 = arith.index_cast %get3A_1384 : i32 to index
        %get3A_1387 = arith.index_cast %scan3A_520 : i32 to index
        %get3A_1388 = arith.constant 128 : index
        %get3A_1389 = tpu.vector_load %arg5[%get3A_1385, %get3A_1386, %get3A_1387, %get3A_1388] {strides = array<i32>} : memref<2x8x24x192xf32, #tpu.memory_space<vmem>>, vector<16xf32>,
        %broadcast_in_dim3A_1390 = arith.constant 0 : i32
        %broadcast_in_dim3A_1391 = vector.broadcast %broadcast_in_dim3A_1390 : i32 to vector<16xi32>
        %get3A_1392 = arith.constant 0 : i32
        %get3A_1393 = arith.constant 1 : i32
        %get3A_1394 = arith.index_cast %get3A_1392 : i32 to index
        %get3A_1395 = arith.index_cast %get3A_1393 : i32 to index
        %get3A_1396 = arith.index_cast %scan3A_520 : i32 to index
        %get3A_1397 = arith.constant 128 : index
        %get3A_1398 = tpu.vector_load %arg5[%get3A_1394, %get3A_1395, %get3A_1396, %get3A_1397] {strides = array<i32>} : memref<2x8x24x192xf32, #tpu.memory_space<vmem>>, vector<16xf32>,
        %gt3A_1399 = arith.cmpf ogt, %get3A_1398, %get3A_1389 : vector<16xf32>
        %select_n3A_1400 = arith.select %gt3A_1399, %get3A_1398, %get3A_1389 : vector<16xi1>, vector<16xf32>
        %broadcast_in_dim3A_1401 = arith.constant 1 : i32
        %broadcast_in_dim3A_1402 = vector.broadcast %broadcast_in_dim3A_1401 : i32 to vector<16xi32>
        %select_n3A_1403 = arith.select %gt3A_1399, %broadcast_in_dim3A_1402, %broadcast_in_dim3A_1391 : vector<16xi1>, vector<16xi32>
        %get3A_1404 = arith.constant 0 : i32
        %get3A_1405 = arith.constant 2 : i32
        %get3A_1406 = arith.index_cast %get3A_1404 : i32 to index
        %get3A_1407 = arith.index_cast %get3A_1405 : i32 to index
        %get3A_1408 = arith.index_cast %scan3A_520 : i32 to index
        %get3A_1409 = arith.constant 128 : index
        %get3A_1410 = tpu.vector_load %arg5[%get3A_1406, %get3A_1407, %get3A_1408, %get3A_1409] {strides = array<i32>} : memref<2x8x24x192xf32, #tpu.memory_space<vmem>>, vector<16xf32>,
        %gt3A_1411 = arith.cmpf ogt, %get3A_1410, %select_n3A_1400 : vector<16xf32>
        %select_n3A_1412 = arith.select %gt3A_1411, %get3A_1410, %select_n3A_1400 : vector<16xi1>, vector<16xf32>
        %broadcast_in_dim3A_1413 = arith.constant 2 : i32
        %broadcast_in_dim3A_1414 = vector.broadcast %broadcast_in_dim3A_1413 : i32 to vector<16xi32>
        %select_n3A_1415 = arith.select %gt3A_1411, %broadcast_in_dim3A_1414, %select_n3A_1403 : vector<16xi1>, vector<16xi32>
        %get3A_1416 = arith.constant 0 : i32
        %get3A_1417 = arith.constant 3 : i32
        %get3A_1418 = arith.index_cast %get3A_1416 : i32 to index
        %get3A_1419 = arith.index_cast %get3A_1417 : i32 to index
        %get3A_1420 = arith.index_cast %scan3A_520 : i32 to index
        %get3A_1421 = arith.constant 128 : index
        %get3A_1422 = tpu.vector_load %arg5[%get3A_1418, %get3A_1419, %get3A_1420, %get3A_1421] {strides = array<i32>} : memref<2x8x24x192xf32, #tpu.memory_space<vmem>>, vector<16xf32>,
        %gt3A_1423 = arith.cmpf ogt, %get3A_1422, %select_n3A_1412 : vector<16xf32>
        %select_n3A_1424 = arith.select %gt3A_1423, %get3A_1422, %select_n3A_1412 : vector<16xi1>, vector<16xf32>
        %broadcast_in_dim3A_1425 = arith.constant 3 : i32
        %broadcast_in_dim3A_1426 = vector.broadcast %broadcast_in_dim3A_1425 : i32 to vector<16xi32>
        %select_n3A_1427 = arith.select %gt3A_1423, %broadcast_in_dim3A_1426, %select_n3A_1415 : vector<16xi1>, vector<16xi32>
        %get3A_1428 = arith.constant 0 : i32
        %get3A_1429 = arith.constant 4 : i32
        %get3A_1430 = arith.index_cast %get3A_1428 : i32 to index
        %get3A_1431 = arith.index_cast %get3A_1429 : i32 to index
        %get3A_1432 = arith.index_cast %scan3A_520 : i32 to index
        %get3A_1433 = arith.constant 128 : index
        %get3A_1434 = tpu.vector_load %arg5[%get3A_1430, %get3A_1431, %get3A_1432, %get3A_1433] {strides = array<i32>} : memref<2x8x24x192xf32, #tpu.memory_space<vmem>>, vector<16xf32>,
        %gt3A_1435 = arith.cmpf ogt, %get3A_1434, %select_n3A_1424 : vector<16xf32>
        %select_n3A_1436 = arith.select %gt3A_1435, %get3A_1434, %select_n3A_1424 : vector<16xi1>, vector<16xf32>
        %broadcast_in_dim3A_1437 = arith.constant 4 : i32
        %broadcast_in_dim3A_1438 = vector.broadcast %broadcast_in_dim3A_1437 : i32 to vector<16xi32>
        %select_n3A_1439 = arith.select %gt3A_1435, %broadcast_in_dim3A_1438, %select_n3A_1427 : vector<16xi1>, vector<16xi32>
        %get3A_1440 = arith.constant 0 : i32
        %get3A_1441 = arith.constant 5 : i32
        %get3A_1442 = arith.index_cast %get3A_1440 : i32 to index
        %get3A_1443 = arith.index_cast %get3A_1441 : i32 to index
        %get3A_1444 = arith.index_cast %scan3A_520 : i32 to index
        %get3A_1445 = arith.constant 128 : index
        %get3A_1446 = tpu.vector_load %arg5[%get3A_1442, %get3A_1443, %get3A_1444, %get3A_1445] {strides = array<i32>} : memref<2x8x24x192xf32, #tpu.memory_space<vmem>>, vector<16xf32>,
        %gt3A_1447 = arith.cmpf ogt, %get3A_1446, %select_n3A_1436 : vector<16xf32>
        %select_n3A_1448 = arith.select %gt3A_1447, %get3A_1446, %select_n3A_1436 : vector<16xi1>, vector<16xf32>
        %broadcast_in_dim3A_1449 = arith.constant 5 : i32
        %broadcast_in_dim3A_1450 = vector.broadcast %broadcast_in_dim3A_1449 : i32 to vector<16xi32>
        %select_n3A_1451 = arith.select %gt3A_1447, %broadcast_in_dim3A_1450, %select_n3A_1439 : vector<16xi1>, vector<16xi32>
        %get3A_1452 = arith.constant 0 : i32
        %get3A_1453 = arith.constant 6 : i32
        %get3A_1454 = arith.index_cast %get3A_1452 : i32 to index
        %get3A_1455 = arith.index_cast %get3A_1453 : i32 to index
        %get3A_1456 = arith.index_cast %scan3A_520 : i32 to index
        %get3A_1457 = arith.constant 128 : index
        %get3A_1458 = tpu.vector_load %arg5[%get3A_1454, %get3A_1455, %get3A_1456, %get3A_1457] {strides = array<i32>} : memref<2x8x24x192xf32, #tpu.memory_space<vmem>>, vector<16xf32>,
        %gt3A_1459 = arith.cmpf ogt, %get3A_1458, %select_n3A_1448 : vector<16xf32>
        %select_n3A_1460 = arith.select %gt3A_1459, %get3A_1458, %select_n3A_1448 : vector<16xi1>, vector<16xf32>
        %broadcast_in_dim3A_1461 = arith.constant 6 : i32
        %broadcast_in_dim3A_1462 = vector.broadcast %broadcast_in_dim3A_1461 : i32 to vector<16xi32>
        %select_n3A_1463 = arith.select %gt3A_1459, %broadcast_in_dim3A_1462, %select_n3A_1451 : vector<16xi1>, vector<16xi32>
        %get3A_1464 = arith.constant 0 : i32
        %get3A_1465 = arith.constant 7 : i32
        %get3A_1466 = arith.index_cast %get3A_1464 : i32 to index
        %get3A_1467 = arith.index_cast %get3A_1465 : i32 to index
        %get3A_1468 = arith.index_cast %scan3A_520 : i32 to index
        %get3A_1469 = arith.constant 128 : index
        %get3A_1470 = tpu.vector_load %arg5[%get3A_1466, %get3A_1467, %get3A_1468, %get3A_1469] {strides = array<i32>} : memref<2x8x24x192xf32, #tpu.memory_space<vmem>>, vector<16xf32>,
        %gt3A_1471 = arith.cmpf ogt, %get3A_1470, %select_n3A_1460 : vector<16xf32>
        %select_n3A_1472 = arith.select %gt3A_1471, %get3A_1470, %select_n3A_1460 : vector<16xi1>, vector<16xf32>
        %broadcast_in_dim3A_1473 = arith.constant 7 : i32
        %broadcast_in_dim3A_1474 = vector.broadcast %broadcast_in_dim3A_1473 : i32 to vector<16xi32>
        %select_n3A_1475 = arith.select %gt3A_1471, %broadcast_in_dim3A_1474, %select_n3A_1463 : vector<16xi1>, vector<16xi32>
        %get3A_1476 = arith.constant 0 : i32
        %get3A_1477 = arith.index_cast %get3A_1476 : i32 to index
        %get3A_1478 = arith.index_cast %scan3A_520 : i32 to index
        %get3A_1479 = arith.constant 128 : index
        %get3A_1480 = tpu.vector_load %arg6[%get3A_1477, %get3A_1478, %get3A_1479] {strides = array<i32>} : memref<2x24x192xi32, #tpu.memory_space<vmem>>, vector<16xi32>,
        %mul3A_1481 = arith.constant 8 : i32
        %mul3A_1482 = vector.broadcast %mul3A_1481 : i32 to vector<16xi32>
        %mul3A_1483 = arith.muli %select_n3A_1475, %mul3A_1482 : vector<16xi32>
        %add3A_1484 = arith.addi %mul3A_1483, %get3A_1480 : vector<16xi32>
        %mul3A_1485 = arith.constant 16 : i32
        %mul3A_1486 = vector.broadcast %mul3A_1485 : i32 to vector<16xi32>
        %mul3A_1487 = arith.muli %add3A_1484, %mul3A_1486 : vector<16xi32>
        %add3A_1488 = vector.broadcast %mul3A_373 : i32 to vector<16xi32>
        %add3A_1489 = arith.addi %add3A_1488, %mul3A_1487 : vector<16xi32>
        %add3A_1490 = arith.addi %add3A_1489, %iota3A : vector<16xi32>
        tpu.vector_store_idx %arg7[%add3A_1490], %broadcast_in_dim3A_10 {add = true} : memref<2048xf32, #tpu.memory_space<vmem>>[vector<16xi32>], vector<16xf32>,
        %get3A_1491 = arith.constant 0 : i32
        %get3A_1492 = arith.constant 0 : i32
        %get3A_1493 = arith.index_cast %get3A_1491 : i32 to index
        %get3A_1494 = arith.index_cast %get3A_1492 : i32 to index
        %get3A_1495 = arith.index_cast %scan3A_520 : i32 to index
        %get3A_1496 = arith.constant 144 : index
        %get3A_1497 = tpu.vector_load %arg5[%get3A_1493, %get3A_1494, %get3A_1495, %get3A_1496] {strides = array<i32>} : memref<2x8x24x192xf32, #tpu.memory_space<vmem>>, vector<16xf32>,
        %broadcast_in_dim3A_1498 = arith.constant 0 : i32
        %broadcast_in_dim3A_1499 = vector.broadcast %broadcast_in_dim3A_1498 : i32 to vector<16xi32>
        %get3A_1500 = arith.constant 0 : i32
        %get3A_1501 = arith.constant 1 : i32
        %get3A_1502 = arith.index_cast %get3A_1500 : i32 to index
        %get3A_1503 = arith.index_cast %get3A_1501 : i32 to index
        %get3A_1504 = arith.index_cast %scan3A_520 : i32 to index
        %get3A_1505 = arith.constant 144 : index
        %get3A_1506 = tpu.vector_load %arg5[%get3A_1502, %get3A_1503, %get3A_1504, %get3A_1505] {strides = array<i32>} : memref<2x8x24x192xf32, #tpu.memory_space<vmem>>, vector<16xf32>,
        %gt3A_1507 = arith.cmpf ogt, %get3A_1506, %get3A_1497 : vector<16xf32>
        %select_n3A_1508 = arith.select %gt3A_1507, %get3A_1506, %get3A_1497 : vector<16xi1>, vector<16xf32>
        %broadcast_in_dim3A_1509 = arith.constant 1 : i32
        %broadcast_in_dim3A_1510 = vector.broadcast %broadcast_in_dim3A_1509 : i32 to vector<16xi32>
        %select_n3A_1511 = arith.select %gt3A_1507, %broadcast_in_dim3A_1510, %broadcast_in_dim3A_1499 : vector<16xi1>, vector<16xi32>
        %get3A_1512 = arith.constant 0 : i32
        %get3A_1513 = arith.constant 2 : i32
        %get3A_1514 = arith.index_cast %get3A_1512 : i32 to index
        %get3A_1515 = arith.index_cast %get3A_1513 : i32 to index
        %get3A_1516 = arith.index_cast %scan3A_520 : i32 to index
        %get3A_1517 = arith.constant 144 : index
        %get3A_1518 = tpu.vector_load %arg5[%get3A_1514, %get3A_1515, %get3A_1516, %get3A_1517] {strides = array<i32>} : memref<2x8x24x192xf32, #tpu.memory_space<vmem>>, vector<16xf32>,
        %gt3A_1519 = arith.cmpf ogt, %get3A_1518, %select_n3A_1508 : vector<16xf32>
        %select_n3A_1520 = arith.select %gt3A_1519, %get3A_1518, %select_n3A_1508 : vector<16xi1>, vector<16xf32>
        %broadcast_in_dim3A_1521 = arith.constant 2 : i32
        %broadcast_in_dim3A_1522 = vector.broadcast %broadcast_in_dim3A_1521 : i32 to vector<16xi32>
        %select_n3A_1523 = arith.select %gt3A_1519, %broadcast_in_dim3A_1522, %select_n3A_1511 : vector<16xi1>, vector<16xi32>
        %get3A_1524 = arith.constant 0 : i32
        %get3A_1525 = arith.constant 3 : i32
        %get3A_1526 = arith.index_cast %get3A_1524 : i32 to index
        %get3A_1527 = arith.index_cast %get3A_1525 : i32 to index
        %get3A_1528 = arith.index_cast %scan3A_520 : i32 to index
        %get3A_1529 = arith.constant 144 : index
        %get3A_1530 = tpu.vector_load %arg5[%get3A_1526, %get3A_1527, %get3A_1528, %get3A_1529] {strides = array<i32>} : memref<2x8x24x192xf32, #tpu.memory_space<vmem>>, vector<16xf32>,
        %gt3A_1531 = arith.cmpf ogt, %get3A_1530, %select_n3A_1520 : vector<16xf32>
        %select_n3A_1532 = arith.select %gt3A_1531, %get3A_1530, %select_n3A_1520 : vector<16xi1>, vector<16xf32>
        %broadcast_in_dim3A_1533 = arith.constant 3 : i32
        %broadcast_in_dim3A_1534 = vector.broadcast %broadcast_in_dim3A_1533 : i32 to vector<16xi32>
        %select_n3A_1535 = arith.select %gt3A_1531, %broadcast_in_dim3A_1534, %select_n3A_1523 : vector<16xi1>, vector<16xi32>
        %get3A_1536 = arith.constant 0 : i32
        %get3A_1537 = arith.constant 4 : i32
        %get3A_1538 = arith.index_cast %get3A_1536 : i32 to index
        %get3A_1539 = arith.index_cast %get3A_1537 : i32 to index
        %get3A_1540 = arith.index_cast %scan3A_520 : i32 to index
        %get3A_1541 = arith.constant 144 : index
        %get3A_1542 = tpu.vector_load %arg5[%get3A_1538, %get3A_1539, %get3A_1540, %get3A_1541] {strides = array<i32>} : memref<2x8x24x192xf32, #tpu.memory_space<vmem>>, vector<16xf32>,
        %gt3A_1543 = arith.cmpf ogt, %get3A_1542, %select_n3A_1532 : vector<16xf32>
        %select_n3A_1544 = arith.select %gt3A_1543, %get3A_1542, %select_n3A_1532 : vector<16xi1>, vector<16xf32>
        %broadcast_in_dim3A_1545 = arith.constant 4 : i32
        %broadcast_in_dim3A_1546 = vector.broadcast %broadcast_in_dim3A_1545 : i32 to vector<16xi32>
        %select_n3A_1547 = arith.select %gt3A_1543, %broadcast_in_dim3A_1546, %select_n3A_1535 : vector<16xi1>, vector<16xi32>
        %get3A_1548 = arith.constant 0 : i32
        %get3A_1549 = arith.constant 5 : i32
        %get3A_1550 = arith.index_cast %get3A_1548 : i32 to index
        %get3A_1551 = arith.index_cast %get3A_1549 : i32 to index
        %get3A_1552 = arith.index_cast %scan3A_520 : i32 to index
        %get3A_1553 = arith.constant 144 : index
        %get3A_1554 = tpu.vector_load %arg5[%get3A_1550, %get3A_1551, %get3A_1552, %get3A_1553] {strides = array<i32>} : memref<2x8x24x192xf32, #tpu.memory_space<vmem>>, vector<16xf32>,
        %gt3A_1555 = arith.cmpf ogt, %get3A_1554, %select_n3A_1544 : vector<16xf32>
        %select_n3A_1556 = arith.select %gt3A_1555, %get3A_1554, %select_n3A_1544 : vector<16xi1>, vector<16xf32>
        %broadcast_in_dim3A_1557 = arith.constant 5 : i32
        %broadcast_in_dim3A_1558 = vector.broadcast %broadcast_in_dim3A_1557 : i32 to vector<16xi32>
        %select_n3A_1559 = arith.select %gt3A_1555, %broadcast_in_dim3A_1558, %select_n3A_1547 : vector<16xi1>, vector<16xi32>
        %get3A_1560 = arith.constant 0 : i32
        %get3A_1561 = arith.constant 6 : i32
        %get3A_1562 = arith.index_cast %get3A_1560 : i32 to index
        %get3A_1563 = arith.index_cast %get3A_1561 : i32 to index
        %get3A_1564 = arith.index_cast %scan3A_520 : i32 to index
        %get3A_1565 = arith.constant 144 : index
        %get3A_1566 = tpu.vector_load %arg5[%get3A_1562, %get3A_1563, %get3A_1564, %get3A_1565] {strides = array<i32>} : memref<2x8x24x192xf32, #tpu.memory_space<vmem>>, vector<16xf32>,
        %gt3A_1567 = arith.cmpf ogt, %get3A_1566, %select_n3A_1556 : vector<16xf32>
        %select_n3A_1568 = arith.select %gt3A_1567, %get3A_1566, %select_n3A_1556 : vector<16xi1>, vector<16xf32>
        %broadcast_in_dim3A_1569 = arith.constant 6 : i32
        %broadcast_in_dim3A_1570 = vector.broadcast %broadcast_in_dim3A_1569 : i32 to vector<16xi32>
        %select_n3A_1571 = arith.select %gt3A_1567, %broadcast_in_dim3A_1570, %select_n3A_1559 : vector<16xi1>, vector<16xi32>
        %get3A_1572 = arith.constant 0 : i32
        %get3A_1573 = arith.constant 7 : i32
        %get3A_1574 = arith.index_cast %get3A_1572 : i32 to index
        %get3A_1575 = arith.index_cast %get3A_1573 : i32 to index
        %get3A_1576 = arith.index_cast %scan3A_520 : i32 to index
        %get3A_1577 = arith.constant 144 : index
        %get3A_1578 = tpu.vector_load %arg5[%get3A_1574, %get3A_1575, %get3A_1576, %get3A_1577] {strides = array<i32>} : memref<2x8x24x192xf32, #tpu.memory_space<vmem>>, vector<16xf32>,
        %gt3A_1579 = arith.cmpf ogt, %get3A_1578, %select_n3A_1568 : vector<16xf32>
        %select_n3A_1580 = arith.select %gt3A_1579, %get3A_1578, %select_n3A_1568 : vector<16xi1>, vector<16xf32>
        %broadcast_in_dim3A_1581 = arith.constant 7 : i32
        %broadcast_in_dim3A_1582 = vector.broadcast %broadcast_in_dim3A_1581 : i32 to vector<16xi32>
        %select_n3A_1583 = arith.select %gt3A_1579, %broadcast_in_dim3A_1582, %select_n3A_1571 : vector<16xi1>, vector<16xi32>
        %get3A_1584 = arith.constant 0 : i32
        %get3A_1585 = arith.index_cast %get3A_1584 : i32 to index
        %get3A_1586 = arith.index_cast %scan3A_520 : i32 to index
        %get3A_1587 = arith.constant 144 : index
        %get3A_1588 = tpu.vector_load %arg6[%get3A_1585, %get3A_1586, %get3A_1587] {strides = array<i32>} : memref<2x24x192xi32, #tpu.memory_space<vmem>>, vector<16xi32>,
        %mul3A_1589 = arith.constant 8 : i32
        %mul3A_1590 = vector.broadcast %mul3A_1589 : i32 to vector<16xi32>
        %mul3A_1591 = arith.muli %select_n3A_1583, %mul3A_1590 : vector<16xi32>
        %add3A_1592 = arith.addi %mul3A_1591, %get3A_1588 : vector<16xi32>
        %mul3A_1593 = arith.constant 16 : i32
        %mul3A_1594 = vector.broadcast %mul3A_1593 : i32 to vector<16xi32>
        %mul3A_1595 = arith.muli %add3A_1592, %mul3A_1594 : vector<16xi32>
        %add3A_1596 = vector.broadcast %mul3A_373 : i32 to vector<16xi32>
        %add3A_1597 = arith.addi %add3A_1596, %mul3A_1595 : vector<16xi32>
        %add3A_1598 = arith.addi %add3A_1597, %iota3A : vector<16xi32>
        tpu.vector_store_idx %arg7[%add3A_1598], %broadcast_in_dim3A_10 {add = true} : memref<2048xf32, #tpu.memory_space<vmem>>[vector<16xi32>], vector<16xf32>,
        %get3A_1599 = arith.constant 0 : i32
        %get3A_1600 = arith.constant 0 : i32
        %get3A_1601 = arith.index_cast %get3A_1599 : i32 to index
        %get3A_1602 = arith.index_cast %get3A_1600 : i32 to index
        %get3A_1603 = arith.index_cast %scan3A_520 : i32 to index
        %get3A_1604 = arith.constant 160 : index
        %get3A_1605 = tpu.vector_load %arg5[%get3A_1601, %get3A_1602, %get3A_1603, %get3A_1604] {strides = array<i32>} : memref<2x8x24x192xf32, #tpu.memory_space<vmem>>, vector<16xf32>,
        %broadcast_in_dim3A_1606 = arith.constant 0 : i32
        %broadcast_in_dim3A_1607 = vector.broadcast %broadcast_in_dim3A_1606 : i32 to vector<16xi32>
        %get3A_1608 = arith.constant 0 : i32
        %get3A_1609 = arith.constant 1 : i32
        %get3A_1610 = arith.index_cast %get3A_1608 : i32 to index
        %get3A_1611 = arith.index_cast %get3A_1609 : i32 to index
        %get3A_1612 = arith.index_cast %scan3A_520 : i32 to index
        %get3A_1613 = arith.constant 160 : index
        %get3A_1614 = tpu.vector_load %arg5[%get3A_1610, %get3A_1611, %get3A_1612, %get3A_1613] {strides = array<i32>} : memref<2x8x24x192xf32, #tpu.memory_space<vmem>>, vector<16xf32>,
        %gt3A_1615 = arith.cmpf ogt, %get3A_1614, %get3A_1605 : vector<16xf32>
        %select_n3A_1616 = arith.select %gt3A_1615, %get3A_1614, %get3A_1605 : vector<16xi1>, vector<16xf32>
        %broadcast_in_dim3A_1617 = arith.constant 1 : i32
        %broadcast_in_dim3A_1618 = vector.broadcast %broadcast_in_dim3A_1617 : i32 to vector<16xi32>
        %select_n3A_1619 = arith.select %gt3A_1615, %broadcast_in_dim3A_1618, %broadcast_in_dim3A_1607 : vector<16xi1>, vector<16xi32>
        %get3A_1620 = arith.constant 0 : i32
        %get3A_1621 = arith.constant 2 : i32
        %get3A_1622 = arith.index_cast %get3A_1620 : i32 to index
        %get3A_1623 = arith.index_cast %get3A_1621 : i32 to index
        %get3A_1624 = arith.index_cast %scan3A_520 : i32 to index
        %get3A_1625 = arith.constant 160 : index
        %get3A_1626 = tpu.vector_load %arg5[%get3A_1622, %get3A_1623, %get3A_1624, %get3A_1625] {strides = array<i32>} : memref<2x8x24x192xf32, #tpu.memory_space<vmem>>, vector<16xf32>,
        %gt3A_1627 = arith.cmpf ogt, %get3A_1626, %select_n3A_1616 : vector<16xf32>
        %select_n3A_1628 = arith.select %gt3A_1627, %get3A_1626, %select_n3A_1616 : vector<16xi1>, vector<16xf32>
        %broadcast_in_dim3A_1629 = arith.constant 2 : i32
        %broadcast_in_dim3A_1630 = vector.broadcast %broadcast_in_dim3A_1629 : i32 to vector<16xi32>
        %select_n3A_1631 = arith.select %gt3A_1627, %broadcast_in_dim3A_1630, %select_n3A_1619 : vector<16xi1>, vector<16xi32>
        %get3A_1632 = arith.constant 0 : i32
        %get3A_1633 = arith.constant 3 : i32
        %get3A_1634 = arith.index_cast %get3A_1632 : i32 to index
        %get3A_1635 = arith.index_cast %get3A_1633 : i32 to index
        %get3A_1636 = arith.index_cast %scan3A_520 : i32 to index
        %get3A_1637 = arith.constant 160 : index
        %get3A_1638 = tpu.vector_load %arg5[%get3A_1634, %get3A_1635, %get3A_1636, %get3A_1637] {strides = array<i32>} : memref<2x8x24x192xf32, #tpu.memory_space<vmem>>, vector<16xf32>,
        %gt3A_1639 = arith.cmpf ogt, %get3A_1638, %select_n3A_1628 : vector<16xf32>
        %select_n3A_1640 = arith.select %gt3A_1639, %get3A_1638, %select_n3A_1628 : vector<16xi1>, vector<16xf32>
        %broadcast_in_dim3A_1641 = arith.constant 3 : i32
        %broadcast_in_dim3A_1642 = vector.broadcast %broadcast_in_dim3A_1641 : i32 to vector<16xi32>
        %select_n3A_1643 = arith.select %gt3A_1639, %broadcast_in_dim3A_1642, %select_n3A_1631 : vector<16xi1>, vector<16xi32>
        %get3A_1644 = arith.constant 0 : i32
        %get3A_1645 = arith.constant 4 : i32
        %get3A_1646 = arith.index_cast %get3A_1644 : i32 to index
        %get3A_1647 = arith.index_cast %get3A_1645 : i32 to index
        %get3A_1648 = arith.index_cast %scan3A_520 : i32 to index
        %get3A_1649 = arith.constant 160 : index
        %get3A_1650 = tpu.vector_load %arg5[%get3A_1646, %get3A_1647, %get3A_1648, %get3A_1649] {strides = array<i32>} : memref<2x8x24x192xf32, #tpu.memory_space<vmem>>, vector<16xf32>,
        %gt3A_1651 = arith.cmpf ogt, %get3A_1650, %select_n3A_1640 : vector<16xf32>
        %select_n3A_1652 = arith.select %gt3A_1651, %get3A_1650, %select_n3A_1640 : vector<16xi1>, vector<16xf32>
        %broadcast_in_dim3A_1653 = arith.constant 4 : i32
        %broadcast_in_dim3A_1654 = vector.broadcast %broadcast_in_dim3A_1653 : i32 to vector<16xi32>
        %select_n3A_1655 = arith.select %gt3A_1651, %broadcast_in_dim3A_1654, %select_n3A_1643 : vector<16xi1>, vector<16xi32>
        %get3A_1656 = arith.constant 0 : i32
        %get3A_1657 = arith.constant 5 : i32
        %get3A_1658 = arith.index_cast %get3A_1656 : i32 to index
        %get3A_1659 = arith.index_cast %get3A_1657 : i32 to index
        %get3A_1660 = arith.index_cast %scan3A_520 : i32 to index
        %get3A_1661 = arith.constant 160 : index
        %get3A_1662 = tpu.vector_load %arg5[%get3A_1658, %get3A_1659, %get3A_1660, %get3A_1661] {strides = array<i32>} : memref<2x8x24x192xf32, #tpu.memory_space<vmem>>, vector<16xf32>,
        %gt3A_1663 = arith.cmpf ogt, %get3A_1662, %select_n3A_1652 : vector<16xf32>
        %select_n3A_1664 = arith.select %gt3A_1663, %get3A_1662, %select_n3A_1652 : vector<16xi1>, vector<16xf32>
        %broadcast_in_dim3A_1665 = arith.constant 5 : i32
        %broadcast_in_dim3A_1666 = vector.broadcast %broadcast_in_dim3A_1665 : i32 to vector<16xi32>
        %select_n3A_1667 = arith.select %gt3A_1663, %broadcast_in_dim3A_1666, %select_n3A_1655 : vector<16xi1>, vector<16xi32>
        %get3A_1668 = arith.constant 0 : i32
        %get3A_1669 = arith.constant 6 : i32
        %get3A_1670 = arith.index_cast %get3A_1668 : i32 to index
        %get3A_1671 = arith.index_cast %get3A_1669 : i32 to index
        %get3A_1672 = arith.index_cast %scan3A_520 : i32 to index
        %get3A_1673 = arith.constant 160 : index
        %get3A_1674 = tpu.vector_load %arg5[%get3A_1670, %get3A_1671, %get3A_1672, %get3A_1673] {strides = array<i32>} : memref<2x8x24x192xf32, #tpu.memory_space<vmem>>, vector<16xf32>,
        %gt3A_1675 = arith.cmpf ogt, %get3A_1674, %select_n3A_1664 : vector<16xf32>
        %select_n3A_1676 = arith.select %gt3A_1675, %get3A_1674, %select_n3A_1664 : vector<16xi1>, vector<16xf32>
        %broadcast_in_dim3A_1677 = arith.constant 6 : i32
        %broadcast_in_dim3A_1678 = vector.broadcast %broadcast_in_dim3A_1677 : i32 to vector<16xi32>
        %select_n3A_1679 = arith.select %gt3A_1675, %broadcast_in_dim3A_1678, %select_n3A_1667 : vector<16xi1>, vector<16xi32>
        %get3A_1680 = arith.constant 0 : i32
        %get3A_1681 = arith.constant 7 : i32
        %get3A_1682 = arith.index_cast %get3A_1680 : i32 to index
        %get3A_1683 = arith.index_cast %get3A_1681 : i32 to index
        %get3A_1684 = arith.index_cast %scan3A_520 : i32 to index
        %get3A_1685 = arith.constant 160 : index
        %get3A_1686 = tpu.vector_load %arg5[%get3A_1682, %get3A_1683, %get3A_1684, %get3A_1685] {strides = array<i32>} : memref<2x8x24x192xf32, #tpu.memory_space<vmem>>, vector<16xf32>,
        %gt3A_1687 = arith.cmpf ogt, %get3A_1686, %select_n3A_1676 : vector<16xf32>
        %select_n3A_1688 = arith.select %gt3A_1687, %get3A_1686, %select_n3A_1676 : vector<16xi1>, vector<16xf32>
        %broadcast_in_dim3A_1689 = arith.constant 7 : i32
        %broadcast_in_dim3A_1690 = vector.broadcast %broadcast_in_dim3A_1689 : i32 to vector<16xi32>
        %select_n3A_1691 = arith.select %gt3A_1687, %broadcast_in_dim3A_1690, %select_n3A_1679 : vector<16xi1>, vector<16xi32>
        %get3A_1692 = arith.constant 0 : i32
        %get3A_1693 = arith.index_cast %get3A_1692 : i32 to index
        %get3A_1694 = arith.index_cast %scan3A_520 : i32 to index
        %get3A_1695 = arith.constant 160 : index
        %get3A_1696 = tpu.vector_load %arg6[%get3A_1693, %get3A_1694, %get3A_1695] {strides = array<i32>} : memref<2x24x192xi32, #tpu.memory_space<vmem>>, vector<16xi32>,
        %mul3A_1697 = arith.constant 8 : i32
        %mul3A_1698 = vector.broadcast %mul3A_1697 : i32 to vector<16xi32>
        %mul3A_1699 = arith.muli %select_n3A_1691, %mul3A_1698 : vector<16xi32>
        %add3A_1700 = arith.addi %mul3A_1699, %get3A_1696 : vector<16xi32>
        %mul3A_1701 = arith.constant 16 : i32
        %mul3A_1702 = vector.broadcast %mul3A_1701 : i32 to vector<16xi32>
        %mul3A_1703 = arith.muli %add3A_1700, %mul3A_1702 : vector<16xi32>
        %add3A_1704 = vector.broadcast %mul3A_373 : i32 to vector<16xi32>
        %add3A_1705 = arith.addi %add3A_1704, %mul3A_1703 : vector<16xi32>
        %add3A_1706 = arith.addi %add3A_1705, %iota3A : vector<16xi32>
        tpu.vector_store_idx %arg7[%add3A_1706], %broadcast_in_dim3A_10 {add = true} : memref<2048xf32, #tpu.memory_space<vmem>>[vector<16xi32>], vector<16xf32>,
        %get3A_1707 = arith.constant 0 : i32
        %get3A_1708 = arith.constant 0 : i32
        %get3A_1709 = arith.index_cast %get3A_1707 : i32 to index
        %get3A_1710 = arith.index_cast %get3A_1708 : i32 to index
        %get3A_1711 = arith.index_cast %scan3A_520 : i32 to index
        %get3A_1712 = arith.constant 176 : index
        %get3A_1713 = tpu.vector_load %arg5[%get3A_1709, %get3A_1710, %get3A_1711, %get3A_1712] {strides = array<i32>} : memref<2x8x24x192xf32, #tpu.memory_space<vmem>>, vector<16xf32>,
        %broadcast_in_dim3A_1714 = arith.constant 0 : i32
        %broadcast_in_dim3A_1715 = vector.broadcast %broadcast_in_dim3A_1714 : i32 to vector<16xi32>
        %get3A_1716 = arith.constant 0 : i32
        %get3A_1717 = arith.constant 1 : i32
        %get3A_1718 = arith.index_cast %get3A_1716 : i32 to index
        %get3A_1719 = arith.index_cast %get3A_1717 : i32 to index
        %get3A_1720 = arith.index_cast %scan3A_520 : i32 to index
        %get3A_1721 = arith.constant 176 : index
        %get3A_1722 = tpu.vector_load %arg5[%get3A_1718, %get3A_1719, %get3A_1720, %get3A_1721] {strides = array<i32>} : memref<2x8x24x192xf32, #tpu.memory_space<vmem>>, vector<16xf32>,
        %gt3A_1723 = arith.cmpf ogt, %get3A_1722, %get3A_1713 : vector<16xf32>
        %select_n3A_1724 = arith.select %gt3A_1723, %get3A_1722, %get3A_1713 : vector<16xi1>, vector<16xf32>
        %broadcast_in_dim3A_1725 = arith.constant 1 : i32
        %broadcast_in_dim3A_1726 = vector.broadcast %broadcast_in_dim3A_1725 : i32 to vector<16xi32>
        %select_n3A_1727 = arith.select %gt3A_1723, %broadcast_in_dim3A_1726, %broadcast_in_dim3A_1715 : vector<16xi1>, vector<16xi32>
        %get3A_1728 = arith.constant 0 : i32
        %get3A_1729 = arith.constant 2 : i32
        %get3A_1730 = arith.index_cast %get3A_1728 : i32 to index
        %get3A_1731 = arith.index_cast %get3A_1729 : i32 to index
        %get3A_1732 = arith.index_cast %scan3A_520 : i32 to index
        %get3A_1733 = arith.constant 176 : index
        %get3A_1734 = tpu.vector_load %arg5[%get3A_1730, %get3A_1731, %get3A_1732, %get3A_1733] {strides = array<i32>} : memref<2x8x24x192xf32, #tpu.memory_space<vmem>>, vector<16xf32>,
        %gt3A_1735 = arith.cmpf ogt, %get3A_1734, %select_n3A_1724 : vector<16xf32>
        %select_n3A_1736 = arith.select %gt3A_1735, %get3A_1734, %select_n3A_1724 : vector<16xi1>, vector<16xf32>
        %broadcast_in_dim3A_1737 = arith.constant 2 : i32
        %broadcast_in_dim3A_1738 = vector.broadcast %broadcast_in_dim3A_1737 : i32 to vector<16xi32>
        %select_n3A_1739 = arith.select %gt3A_1735, %broadcast_in_dim3A_1738, %select_n3A_1727 : vector<16xi1>, vector<16xi32>
        %get3A_1740 = arith.constant 0 : i32
        %get3A_1741 = arith.constant 3 : i32
        %get3A_1742 = arith.index_cast %get3A_1740 : i32 to index
        %get3A_1743 = arith.index_cast %get3A_1741 : i32 to index
        %get3A_1744 = arith.index_cast %scan3A_520 : i32 to index
        %get3A_1745 = arith.constant 176 : index
        %get3A_1746 = tpu.vector_load %arg5[%get3A_1742, %get3A_1743, %get3A_1744, %get3A_1745] {strides = array<i32>} : memref<2x8x24x192xf32, #tpu.memory_space<vmem>>, vector<16xf32>,
        %gt3A_1747 = arith.cmpf ogt, %get3A_1746, %select_n3A_1736 : vector<16xf32>
        %select_n3A_1748 = arith.select %gt3A_1747, %get3A_1746, %select_n3A_1736 : vector<16xi1>, vector<16xf32>
        %broadcast_in_dim3A_1749 = arith.constant 3 : i32
        %broadcast_in_dim3A_1750 = vector.broadcast %broadcast_in_dim3A_1749 : i32 to vector<16xi32>
        %select_n3A_1751 = arith.select %gt3A_1747, %broadcast_in_dim3A_1750, %select_n3A_1739 : vector<16xi1>, vector<16xi32>
        %get3A_1752 = arith.constant 0 : i32
        %get3A_1753 = arith.constant 4 : i32
        %get3A_1754 = arith.index_cast %get3A_1752 : i32 to index
        %get3A_1755 = arith.index_cast %get3A_1753 : i32 to index
        %get3A_1756 = arith.index_cast %scan3A_520 : i32 to index
        %get3A_1757 = arith.constant 176 : index
        %get3A_1758 = tpu.vector_load %arg5[%get3A_1754, %get3A_1755, %get3A_1756, %get3A_1757] {strides = array<i32>} : memref<2x8x24x192xf32, #tpu.memory_space<vmem>>, vector<16xf32>,
        %gt3A_1759 = arith.cmpf ogt, %get3A_1758, %select_n3A_1748 : vector<16xf32>
        %select_n3A_1760 = arith.select %gt3A_1759, %get3A_1758, %select_n3A_1748 : vector<16xi1>, vector<16xf32>
        %broadcast_in_dim3A_1761 = arith.constant 4 : i32
        %broadcast_in_dim3A_1762 = vector.broadcast %broadcast_in_dim3A_1761 : i32 to vector<16xi32>
        %select_n3A_1763 = arith.select %gt3A_1759, %broadcast_in_dim3A_1762, %select_n3A_1751 : vector<16xi1>, vector<16xi32>
        %get3A_1764 = arith.constant 0 : i32
        %get3A_1765 = arith.constant 5 : i32
        %get3A_1766 = arith.index_cast %get3A_1764 : i32 to index
        %get3A_1767 = arith.index_cast %get3A_1765 : i32 to index
        %get3A_1768 = arith.index_cast %scan3A_520 : i32 to index
        %get3A_1769 = arith.constant 176 : index
        %get3A_1770 = tpu.vector_load %arg5[%get3A_1766, %get3A_1767, %get3A_1768, %get3A_1769] {strides = array<i32>} : memref<2x8x24x192xf32, #tpu.memory_space<vmem>>, vector<16xf32>,
        %gt3A_1771 = arith.cmpf ogt, %get3A_1770, %select_n3A_1760 : vector<16xf32>
        %select_n3A_1772 = arith.select %gt3A_1771, %get3A_1770, %select_n3A_1760 : vector<16xi1>, vector<16xf32>
        %broadcast_in_dim3A_1773 = arith.constant 5 : i32
        %broadcast_in_dim3A_1774 = vector.broadcast %broadcast_in_dim3A_1773 : i32 to vector<16xi32>
        %select_n3A_1775 = arith.select %gt3A_1771, %broadcast_in_dim3A_1774, %select_n3A_1763 : vector<16xi1>, vector<16xi32>
        %get3A_1776 = arith.constant 0 : i32
        %get3A_1777 = arith.constant 6 : i32
        %get3A_1778 = arith.index_cast %get3A_1776 : i32 to index
        %get3A_1779 = arith.index_cast %get3A_1777 : i32 to index
        %get3A_1780 = arith.index_cast %scan3A_520 : i32 to index
        %get3A_1781 = arith.constant 176 : index
        %get3A_1782 = tpu.vector_load %arg5[%get3A_1778, %get3A_1779, %get3A_1780, %get3A_1781] {strides = array<i32>} : memref<2x8x24x192xf32, #tpu.memory_space<vmem>>, vector<16xf32>,
        %gt3A_1783 = arith.cmpf ogt, %get3A_1782, %select_n3A_1772 : vector<16xf32>
        %select_n3A_1784 = arith.select %gt3A_1783, %get3A_1782, %select_n3A_1772 : vector<16xi1>, vector<16xf32>
        %broadcast_in_dim3A_1785 = arith.constant 6 : i32
        %broadcast_in_dim3A_1786 = vector.broadcast %broadcast_in_dim3A_1785 : i32 to vector<16xi32>
        %select_n3A_1787 = arith.select %gt3A_1783, %broadcast_in_dim3A_1786, %select_n3A_1775 : vector<16xi1>, vector<16xi32>
        %get3A_1788 = arith.constant 0 : i32
        %get3A_1789 = arith.constant 7 : i32
        %get3A_1790 = arith.index_cast %get3A_1788 : i32 to index
        %get3A_1791 = arith.index_cast %get3A_1789 : i32 to index
        %get3A_1792 = arith.index_cast %scan3A_520 : i32 to index
        %get3A_1793 = arith.constant 176 : index
        %get3A_1794 = tpu.vector_load %arg5[%get3A_1790, %get3A_1791, %get3A_1792, %get3A_1793] {strides = array<i32>} : memref<2x8x24x192xf32, #tpu.memory_space<vmem>>, vector<16xf32>,
        %gt3A_1795 = arith.cmpf ogt, %get3A_1794, %select_n3A_1784 : vector<16xf32>
        %select_n3A_1796 = arith.select %gt3A_1795, %get3A_1794, %select_n3A_1784 : vector<16xi1>, vector<16xf32>
        %broadcast_in_dim3A_1797 = arith.constant 7 : i32
        %broadcast_in_dim3A_1798 = vector.broadcast %broadcast_in_dim3A_1797 : i32 to vector<16xi32>
        %select_n3A_1799 = arith.select %gt3A_1795, %broadcast_in_dim3A_1798, %select_n3A_1787 : vector<16xi1>, vector<16xi32>
        %get3A_1800 = arith.constant 0 : i32
        %get3A_1801 = arith.index_cast %get3A_1800 : i32 to index
        %get3A_1802 = arith.index_cast %scan3A_520 : i32 to index
        %get3A_1803 = arith.constant 176 : index
        %get3A_1804 = tpu.vector_load %arg6[%get3A_1801, %get3A_1802, %get3A_1803] {strides = array<i32>} : memref<2x24x192xi32, #tpu.memory_space<vmem>>, vector<16xi32>,
        %mul3A_1805 = arith.constant 8 : i32
        %mul3A_1806 = vector.broadcast %mul3A_1805 : i32 to vector<16xi32>
        %mul3A_1807 = arith.muli %select_n3A_1799, %mul3A_1806 : vector<16xi32>
        %add3A_1808 = arith.addi %mul3A_1807, %get3A_1804 : vector<16xi32>
        %mul3A_1809 = arith.constant 16 : i32
        %mul3A_1810 = vector.broadcast %mul3A_1809 : i32 to vector<16xi32>
        %mul3A_1811 = arith.muli %add3A_1808, %mul3A_1810 : vector<16xi32>
        %add3A_1812 = vector.broadcast %mul3A_373 : i32 to vector<16xi32>
        %add3A_1813 = arith.addi %add3A_1812, %mul3A_1811 : vector<16xi32>
        %add3A_1814 = arith.addi %add3A_1813, %iota3A : vector<16xi32>
        tpu.vector_store_idx %arg7[%add3A_1814], %broadcast_in_dim3A_10 {add = true} : memref<2048xf32, #tpu.memory_space<vmem>>[vector<16xi32>], vector<16xf32>,
      }
      %scan3A_379 = arith.constant 24 : i32
      %lt3A_380 = arith.constant 5 : i32
      %lt3A_381 = arith.cmpi slt, %scan3A_124, %lt3A_380 : i32
      %convert_element_type3A = arith.extui %lt3A_381 : i1 to i32
      %cond3A = arith.constant 0 : i32
      %cond3A_382 = arith.cmpi ne, %convert_element_type3A, %cond3A : i32
      scf.if %cond3A_382 {
        %mul3A_520 = arith.constant 2 : i32
        %mul3A_521 = arith.muli %mul3A_520, %scan3A_124 : i32
        %add3A_522 = arith.constant 2 : i32
        %add3A_523 = arith.addi %mul3A_521, %add3A_522 : i32
        %add3A_524 = arith.addi %mul3A_2, %add3A_523 : i32
        %jit3A_525 = arith.constant 192 : i32
        %div3A_526 = arith.divsi %add3A_524, %jit3A_525 : i32
        %sign3A_527 = arith.constant 0 : i32
        %sign3A_528 = arith.cmpi sgt, %add3A_524, %sign3A_527 : i32
        %sign3A_529 = arith.extui %sign3A_528 : i1 to i32
        %sign3A_530 = arith.constant 0 : i32
        %sign3A_531 = arith.cmpi slt, %add3A_524, %sign3A_530 : i32
        %sign3A_532 = arith.extui %sign3A_531 : i1 to i32
        %sign3A_533 = arith.subi %sign3A_529, %sign3A_532 : i32
        %sign3A_534 = arith.constant 0 : i32
        %sign3A_535 = arith.cmpi sgt, %jit3A_525, %sign3A_534 : i32
        %sign3A_536 = arith.extui %sign3A_535 : i1 to i32
        %sign3A_537 = arith.constant 0 : i32
        %sign3A_538 = arith.cmpi slt, %jit3A_525, %sign3A_537 : i32
        %sign3A_539 = arith.extui %sign3A_538 : i1 to i32
        %sign3A_540 = arith.subi %sign3A_536, %sign3A_539 : i32
        %ne3A_541 = arith.cmpi ne, %sign3A_533, %sign3A_540 : i32
        %rem3A_542 = arith.remsi %add3A_524, %jit3A_525 : i32
        %ne3A_543 = arith.constant 0 : i32
        %ne3A_544 = arith.cmpi ne, %rem3A_542, %ne3A_543 : i32
        %and3A_545 = arith.andi %ne3A_541, %ne3A_544 : i1
        %sub3A_546 = arith.constant 1 : i32
        %sub3A_547 = arith.subi %div3A_526, %sub3A_546 : i32
        %select_n3A_548 = arith.select %and3A_545, %sub3A_547, %div3A_526 : i32
        %jit3A_549 = arith.constant 192 : i32
        %eq3A_550 = arith.constant 0 : i32
        %eq3A_551 = arith.cmpi eq, %jit3A_549, %eq3A_550 : i32
        %jit3A_552 = arith.constant 1 : i32
        %select_n3A_553 = arith.select %eq3A_551, %jit3A_552, %jit3A_549 : i32
        %rem3A_554 = arith.remsi %add3A_524, %select_n3A_553 : i32
        %ne3A_555 = arith.constant 0 : i32
        %ne3A_556 = arith.cmpi ne, %rem3A_554, %ne3A_555 : i32
        %lt3A_557 = arith.constant 0 : i32
        %lt3A_558 = arith.cmpi slt, %rem3A_554, %lt3A_557 : i32
        %lt3A_559 = arith.constant 0 : i32
        %lt3A_560 = arith.cmpi slt, %select_n3A_553, %lt3A_559 : i32
        %ne3A_561 = arith.xori %lt3A_558, %lt3A_560 : i1
        %and3A_562 = arith.andi %ne3A_561, %ne3A_556 : i1
        %add3A_563 = arith.addi %rem3A_554, %select_n3A_553 : i32
        %select_n3A_564 = arith.select %and3A_562, %add3A_563, %rem3A_554 : i32
        %jit3A_565 = arith.constant 8 : i32
        %div3A_566 = arith.divsi %select_n3A_564, %jit3A_565 : i32
        %sign3A_567 = arith.constant 0 : i32
        %sign3A_568 = arith.cmpi sgt, %select_n3A_564, %sign3A_567 : i32
        %sign3A_569 = arith.extui %sign3A_568 : i1 to i32
        %sign3A_570 = arith.constant 0 : i32
        %sign3A_571 = arith.cmpi slt, %select_n3A_564, %sign3A_570 : i32
        %sign3A_572 = arith.extui %sign3A_571 : i1 to i32
        %sign3A_573 = arith.subi %sign3A_569, %sign3A_572 : i32
        %sign3A_574 = arith.constant 0 : i32
        %sign3A_575 = arith.cmpi sgt, %jit3A_565, %sign3A_574 : i32
        %sign3A_576 = arith.extui %sign3A_575 : i1 to i32
        %sign3A_577 = arith.constant 0 : i32
        %sign3A_578 = arith.cmpi slt, %jit3A_565, %sign3A_577 : i32
        %sign3A_579 = arith.extui %sign3A_578 : i1 to i32
        %sign3A_580 = arith.subi %sign3A_576, %sign3A_579 : i32
        %ne3A_581 = arith.cmpi ne, %sign3A_573, %sign3A_580 : i32
        %rem3A_582 = arith.remsi %select_n3A_564, %jit3A_565 : i32
        %ne3A_583 = arith.constant 0 : i32
        %ne3A_584 = arith.cmpi ne, %rem3A_582, %ne3A_583 : i32
        %and3A_585 = arith.andi %ne3A_581, %ne3A_584 : i1
        %sub3A_586 = arith.constant 1 : i32
        %sub3A_587 = arith.subi %div3A_566, %sub3A_586 : i32
        %select_n3A_588 = arith.select %and3A_585, %sub3A_587, %div3A_566 : i32
        %jit3A_589 = arith.constant 8 : i32
        %eq3A_590 = arith.constant 0 : i32
        %eq3A_591 = arith.cmpi eq, %jit3A_589, %eq3A_590 : i32
        %jit3A_592 = arith.constant 1 : i32
        %select_n3A_593 = arith.select %eq3A_591, %jit3A_592, %jit3A_589 : i32
        %rem3A_594 = arith.remsi %select_n3A_564, %select_n3A_593 : i32
        %ne3A_595 = arith.constant 0 : i32
        %ne3A_596 = arith.cmpi ne, %rem3A_594, %ne3A_595 : i32
        %lt3A_597 = arith.constant 0 : i32
        %lt3A_598 = arith.cmpi slt, %rem3A_594, %lt3A_597 : i32
        %lt3A_599 = arith.constant 0 : i32
        %lt3A_600 = arith.cmpi slt, %select_n3A_593, %lt3A_599 : i32
        %ne3A_601 = arith.xori %lt3A_598, %lt3A_600 : i1
        %and3A_602 = arith.andi %ne3A_601, %ne3A_596 : i1
        %add3A_603 = arith.addi %rem3A_594, %select_n3A_593 : i32
        %select_n3A_604 = arith.select %and3A_602, %add3A_603, %rem3A_594 : i32
        %mul3A_605 = arith.constant 24 : i32
        %mul3A_606 = arith.muli %select_n3A_604, %mul3A_605 : i32
        %dma_start3A_607 = arith.constant 0 : i32
        %dma_start3A_608 = arith.constant 0 : i32
        %dma_start3A_609 = arith.constant 0 : i32
        %dma_start3A_610 = arith.constant 0 : i32
        %dma_start3A_611 = tpu.memref_slice %arg5[%dma_start3A_607, %dma_start3A_608, %dma_start3A_609, %dma_start3A_610] : memref<2x8x24x192xf32, #tpu.memory_space<vmem>> -> memref<1x8x24x192xf32, #tpu.memory_space<vmem>>
        %dma_start3A_612 = tpu.memref_squeeze %dma_start3A_611 : memref<1x8x24x192xf32, #tpu.memory_space<vmem>> -> memref<8x24x192xf32, #tpu.memory_space<vmem>>
        %dma_start3A_613 = arith.constant 0 : i32
        %dma_start3A_614 = arith.constant 0 : i32
        %dma_start3A_615 = tpu.memref_slice %arg2[%select_n3A_548, %dma_start3A_613, %select_n3A_588, %mul3A_606, %dma_start3A_614] : memref<2x8x64x192x192xf32, #tpu.memory_space<hbm>> -> memref<1x8x1x24x192xf32, #tpu.memory_space<hbm>>
        %dma_start3A_616 = tpu.memref_squeeze %dma_start3A_615 : memref<1x8x1x24x192xf32, #tpu.memory_space<hbm>> -> memref<8x24x192xf32, #tpu.memory_space<hbm>>
        %dma_start3A_617 = arith.constant 0 : i32
        %dma_start3A_618 = arith.constant 0 : i32
        %dma_start3A_619 = arith.constant 0 : i32
        %dma_start3A_620 = tpu.memref_slice %arg5[%dma_start3A_607, %dma_start3A_617, %dma_start3A_618, %dma_start3A_619] : memref<2x8x24x192xf32, #tpu.memory_space<vmem>> -> memref<1x8x24x192xf32, #tpu.memory_space<vmem>>
        %dma_start3A_621 = tpu.memref_squeeze %dma_start3A_620 : memref<1x8x24x192xf32, #tpu.memory_space<vmem>> -> memref<8x24x192xf32, #tpu.memory_space<vmem>>
        %dma_start3A_622 = arith.constant 0 : i32
        %dma_start3A_623 = arith.constant 0 : i32
        %dma_start3A_624 = tpu.memref_slice %arg2[%select_n3A_548, %dma_start3A_622, %select_n3A_588, %mul3A_606, %dma_start3A_623] : memref<2x8x64x192x192xf32, #tpu.memory_space<hbm>> -> memref<1x8x1x24x192xf32, #tpu.memory_space<hbm>>
        %dma_start3A_625 = tpu.memref_squeeze %dma_start3A_624 : memref<1x8x1x24x192xf32, #tpu.memory_space<hbm>> -> memref<8x24x192xf32, #tpu.memory_space<hbm>>
        tpu.enqueue_dma source(%dma_start3A_625 : memref<8x24x192xf32, #tpu.memory_space<hbm>>) target(%dma_start3A_621 : memref<8x24x192xf32, #tpu.memory_space<vmem>>) target_semaphore(%arg8 : memref<!tpu.dma_semaphore, #tpu.memory_space<semaphore_mem>>)
        %dma_start3A_626 = arith.constant 0 : i32
        %dma_start3A_627 = arith.constant 0 : i32
        %dma_start3A_628 = arith.constant 0 : i32
        %dma_start3A_629 = tpu.memref_slice %arg6[%dma_start3A_626, %dma_start3A_627, %dma_start3A_628] : memref<2x24x192xi32, #tpu.memory_space<vmem>> -> memref<1x24x192xi32, #tpu.memory_space<vmem>>
        %dma_start3A_630 = tpu.memref_squeeze %dma_start3A_629 : memref<1x24x192xi32, #tpu.memory_space<vmem>> -> memref<24x192xi32, #tpu.memory_space<vmem>>
        %dma_start3A_631 = arith.constant 0 : i32
        %dma_start3A_632 = tpu.memref_slice %arg3[%select_n3A_548, %select_n3A_588, %mul3A_606, %dma_start3A_631] : memref<2x64x192x192xi32, #tpu.memory_space<hbm>> -> memref<1x1x24x192xi32, #tpu.memory_space<hbm>>
        %dma_start3A_633 = tpu.memref_squeeze %dma_start3A_632 : memref<1x1x24x192xi32, #tpu.memory_space<hbm>> -> memref<24x192xi32, #tpu.memory_space<hbm>>
        %dma_start3A_634 = arith.constant 0 : i32
        %dma_start3A_635 = arith.constant 0 : i32
        %dma_start3A_636 = tpu.memref_slice %arg6[%dma_start3A_626, %dma_start3A_634, %dma_start3A_635] : memref<2x24x192xi32, #tpu.memory_space<vmem>> -> memref<1x24x192xi32, #tpu.memory_space<vmem>>
        %dma_start3A_637 = tpu.memref_squeeze %dma_start3A_636 : memref<1x24x192xi32, #tpu.memory_space<vmem>> -> memref<24x192xi32, #tpu.memory_space<vmem>>
        %dma_start3A_638 = arith.constant 0 : i32
        %dma_start3A_639 = tpu.memref_slice %arg3[%select_n3A_548, %select_n3A_588, %mul3A_606, %dma_start3A_638] : memref<2x64x192x192xi32, #tpu.memory_space<hbm>> -> memref<1x1x24x192xi32, #tpu.memory_space<hbm>>
        %dma_start3A_640 = tpu.memref_squeeze %dma_start3A_639 : memref<1x1x24x192xi32, #tpu.memory_space<hbm>> -> memref<24x192xi32, #tpu.memory_space<hbm>>
        tpu.enqueue_dma source(%dma_start3A_640 : memref<24x192xi32, #tpu.memory_space<hbm>>) target(%dma_start3A_637 : memref<24x192xi32, #tpu.memory_space<vmem>>) target_semaphore(%arg8 : memref<!tpu.dma_semaphore, #tpu.memory_space<semaphore_mem>>)
      } else {
      }
      %dma_wait3A_383 = arith.constant 0 : i32
      %dma_wait3A_384 = arith.constant 0 : i32
      %dma_wait3A_385 = arith.constant 1 : i32
      %dma_wait3A_386 = arith.constant 0 : i32
      %dma_wait3A_387 = arith.constant 0 : i32
      %dma_wait3A_388 = arith.constant 0 : i32
      %dma_wait3A_389 = tpu.memref_slice %arg5[%dma_wait3A_385, %dma_wait3A_386, %dma_wait3A_387, %dma_wait3A_388] : memref<2x8x24x192xf32, #tpu.memory_space<vmem>> -> memref<1x8x24x192xf32, #tpu.memory_space<vmem>>
      %dma_wait3A_390 = tpu.memref_squeeze %dma_wait3A_389 : memref<1x8x24x192xf32, #tpu.memory_space<vmem>> -> memref<8x24x192xf32, #tpu.memory_space<vmem>>
      %dma_wait3A_391 = arith.constant 0 : i32
      %dma_wait3A_392 = arith.constant 0 : i32
      %dma_wait3A_393 = arith.constant 0 : i32
      %dma_wait3A_394 = tpu.memref_slice %arg2[%dma_wait3A_383, %dma_wait3A_391, %dma_wait3A_384, %dma_wait3A_392, %dma_wait3A_393] : memref<2x8x64x192x192xf32, #tpu.memory_space<hbm>> -> memref<1x8x1x24x192xf32, #tpu.memory_space<hbm>>
      %dma_wait3A_395 = tpu.memref_squeeze %dma_wait3A_394 : memref<1x8x1x24x192xf32, #tpu.memory_space<hbm>> -> memref<8x24x192xf32, #tpu.memory_space<hbm>>
      %dma_wait3A_396 = arith.constant 0 : i32
      %dma_wait3A_397 = arith.constant 0 : i32
      %dma_wait3A_398 = arith.constant 0 : i32
      %dma_wait3A_399 = tpu.memref_slice %arg5[%dma_wait3A_385, %dma_wait3A_396, %dma_wait3A_397, %dma_wait3A_398] : memref<2x8x24x192xf32, #tpu.memory_space<vmem>> -> memref<1x8x24x192xf32, #tpu.memory_space<vmem>>
      %dma_wait3A_400 = tpu.memref_squeeze %dma_wait3A_399 : memref<1x8x24x192xf32, #tpu.memory_space<vmem>> -> memref<8x24x192xf32, #tpu.memory_space<vmem>>
      %dma_wait3A_401 = arith.constant 0 : i32
      %dma_wait3A_402 = arith.constant 0 : i32
      %dma_wait3A_403 = arith.constant 0 : i32
      %dma_wait3A_404 = tpu.memref_slice %arg2[%dma_wait3A_383, %dma_wait3A_401, %dma_wait3A_384, %dma_wait3A_402, %dma_wait3A_403] : memref<2x8x64x192x192xf32, #tpu.memory_space<hbm>> -> memref<1x8x1x24x192xf32, #tpu.memory_space<hbm>>
      %dma_wait3A_405 = tpu.memref_squeeze %dma_wait3A_404 : memref<1x8x1x24x192xf32, #tpu.memory_space<hbm>> -> memref<8x24x192xf32, #tpu.memory_space<hbm>>
      tpu.wait_dma2 semaphore(%arg9 : memref<!tpu.dma_semaphore, #tpu.memory_space<semaphore_mem>>) src(%dma_wait3A_405 : memref<8x24x192xf32, #tpu.memory_space<hbm>>) dst(%dma_wait3A_400 : memref<8x24x192xf32, #tpu.memory_space<vmem>>)
      %dma_wait3A_406 = arith.constant 0 : i32
      %dma_wait3A_407 = arith.constant 0 : i32
      %dma_wait3A_408 = arith.constant 1 : i32
      %dma_wait3A_409 = arith.constant 0 : i32
      %dma_wait3A_410 = arith.constant 0 : i32
      %dma_wait3A_411 = tpu.memref_slice %arg6[%dma_wait3A_408, %dma_wait3A_409, %dma_wait3A_410] : memref<2x24x192xi32, #tpu.memory_space<vmem>> -> memref<1x24x192xi32, #tpu.memory_space<vmem>>
      %dma_wait3A_412 = tpu.memref_squeeze %dma_wait3A_411 : memref<1x24x192xi32, #tpu.memory_space<vmem>> -> memref<24x192xi32, #tpu.memory_space<vmem>>
      %dma_wait3A_413 = arith.constant 0 : i32
      %dma_wait3A_414 = arith.constant 0 : i32
      %dma_wait3A_415 = tpu.memref_slice %arg3[%dma_wait3A_406, %dma_wait3A_407, %dma_wait3A_413, %dma_wait3A_414] : memref<2x64x192x192xi32, #tpu.memory_space<hbm>> -> memref<1x1x24x192xi32, #tpu.memory_space<hbm>>
      %dma_wait3A_416 = tpu.memref_squeeze %dma_wait3A_415 : memref<1x1x24x192xi32, #tpu.memory_space<hbm>> -> memref<24x192xi32, #tpu.memory_space<hbm>>
      %dma_wait3A_417 = arith.constant 0 : i32
      %dma_wait3A_418 = arith.constant 0 : i32
      %dma_wait3A_419 = tpu.memref_slice %arg6[%dma_wait3A_408, %dma_wait3A_417, %dma_wait3A_418] : memref<2x24x192xi32, #tpu.memory_space<vmem>> -> memref<1x24x192xi32, #tpu.memory_space<vmem>>
      %dma_wait3A_420 = tpu.memref_squeeze %dma_wait3A_419 : memref<1x24x192xi32, #tpu.memory_space<vmem>> -> memref<24x192xi32, #tpu.memory_space<vmem>>
      %dma_wait3A_421 = arith.constant 0 : i32
      %dma_wait3A_422 = arith.constant 0 : i32
      %dma_wait3A_423 = tpu.memref_slice %arg3[%dma_wait3A_406, %dma_wait3A_407, %dma_wait3A_421, %dma_wait3A_422] : memref<2x64x192x192xi32, #tpu.memory_space<hbm>> -> memref<1x1x24x192xi32, #tpu.memory_space<hbm>>
      %dma_wait3A_424 = tpu.memref_squeeze %dma_wait3A_423 : memref<1x1x24x192xi32, #tpu.memory_space<hbm>> -> memref<24x192xi32, #tpu.memory_space<hbm>>
      tpu.wait_dma2 semaphore(%arg9 : memref<!tpu.dma_semaphore, #tpu.memory_space<semaphore_mem>>) src(%dma_wait3A_424 : memref<24x192xi32, #tpu.memory_space<hbm>>) dst(%dma_wait3A_420 : memref<24x192xi32, #tpu.memory_space<vmem>>)
      %mul3A_425 = arith.constant 2 : i32
      %mul3A_426 = arith.muli %mul3A_425, %scan3A_124 : i32
      %add3A_427 = arith.constant 1 : i32
      %add3A_428 = arith.addi %mul3A_426, %add3A_427 : i32
      %add3A_429 = arith.addi %mul3A_2, %add3A_428 : i32
      %jit3A_430 = arith.constant 192 : i32
      %div3A_431 = arith.divsi %add3A_429, %jit3A_430 : i32
      %sign3A_432 = arith.constant 0 : i32
      %sign3A_433 = arith.cmpi sgt, %add3A_429, %sign3A_432 : i32
      %sign3A_434 = arith.extui %sign3A_433 : i1 to i32
      %sign3A_435 = arith.constant 0 : i32
      %sign3A_436 = arith.cmpi slt, %add3A_429, %sign3A_435 : i32
      %sign3A_437 = arith.extui %sign3A_436 : i1 to i32
      %sign3A_438 = arith.subi %sign3A_434, %sign3A_437 : i32
      %sign3A_439 = arith.constant 0 : i32
      %sign3A_440 = arith.cmpi sgt, %jit3A_430, %sign3A_439 : i32
      %sign3A_441 = arith.extui %sign3A_440 : i1 to i32
      %sign3A_442 = arith.constant 0 : i32
      %sign3A_443 = arith.cmpi slt, %jit3A_430, %sign3A_442 : i32
      %sign3A_444 = arith.extui %sign3A_443 : i1 to i32
      %sign3A_445 = arith.subi %sign3A_441, %sign3A_444 : i32
      %ne3A_446 = arith.cmpi ne, %sign3A_438, %sign3A_445 : i32
      %rem3A_447 = arith.remsi %add3A_429, %jit3A_430 : i32
      %ne3A_448 = arith.constant 0 : i32
      %ne3A_449 = arith.cmpi ne, %rem3A_447, %ne3A_448 : i32
      %and3A_450 = arith.andi %ne3A_446, %ne3A_449 : i1
      %sub3A_451 = arith.constant 1 : i32
      %sub3A_452 = arith.subi %div3A_431, %sub3A_451 : i32
      %select_n3A_453 = arith.select %and3A_450, %sub3A_452, %div3A_431 : i32
      %jit3A_454 = arith.constant 192 : i32
      %eq3A_455 = arith.constant 0 : i32
      %eq3A_456 = arith.cmpi eq, %jit3A_454, %eq3A_455 : i32
      %jit3A_457 = arith.constant 1 : i32
      %select_n3A_458 = arith.select %eq3A_456, %jit3A_457, %jit3A_454 : i32
      %rem3A_459 = arith.remsi %add3A_429, %select_n3A_458 : i32
      %ne3A_460 = arith.constant 0 : i32
      %ne3A_461 = arith.cmpi ne, %rem3A_459, %ne3A_460 : i32
      %lt3A_462 = arith.constant 0 : i32
      %lt3A_463 = arith.cmpi slt, %rem3A_459, %lt3A_462 : i32
      %lt3A_464 = arith.constant 0 : i32
      %lt3A_465 = arith.cmpi slt, %select_n3A_458, %lt3A_464 : i32
      %ne3A_466 = arith.xori %lt3A_463, %lt3A_465 : i1
      %and3A_467 = arith.andi %ne3A_466, %ne3A_461 : i1
      %add3A_468 = arith.addi %rem3A_459, %select_n3A_458 : i32
      %select_n3A_469 = arith.select %and3A_467, %add3A_468, %rem3A_459 : i32
      %jit3A_470 = arith.constant 8 : i32
      %div3A_471 = arith.divsi %select_n3A_469, %jit3A_470 : i32
      %sign3A_472 = arith.constant 0 : i32
      %sign3A_473 = arith.cmpi sgt, %select_n3A_469, %sign3A_472 : i32
      %sign3A_474 = arith.extui %sign3A_473 : i1 to i32
      %sign3A_475 = arith.constant 0 : i32
      %sign3A_476 = arith.cmpi slt, %select_n3A_469, %sign3A_475 : i32
      %sign3A_477 = arith.extui %sign3A_476 : i1 to i32
      %sign3A_478 = arith.subi %sign3A_474, %sign3A_477 : i32
      %sign3A_479 = arith.constant 0 : i32
      %sign3A_480 = arith.cmpi sgt, %jit3A_470, %sign3A_479 : i32
      %sign3A_481 = arith.extui %sign3A_480 : i1 to i32
      %sign3A_482 = arith.constant 0 : i32
      %sign3A_483 = arith.cmpi slt, %jit3A_470, %sign3A_482 : i32
      %sign3A_484 = arith.extui %sign3A_483 : i1 to i32
      %sign3A_485 = arith.subi %sign3A_481, %sign3A_484 : i32
      %ne3A_486 = arith.cmpi ne, %sign3A_478, %sign3A_485 : i32
      %rem3A_487 = arith.remsi %select_n3A_469, %jit3A_470 : i32
      %ne3A_488 = arith.constant 0 : i32
      %ne3A_489 = arith.cmpi ne, %rem3A_487, %ne3A_488 : i32
      %and3A_490 = arith.andi %ne3A_486, %ne3A_489 : i1
      %sub3A_491 = arith.constant 1 : i32
      %sub3A_492 = arith.subi %div3A_471, %sub3A_491 : i32
      %select_n3A_493 = arith.select %and3A_490, %sub3A_492, %div3A_471 : i32
      %jit3A_494 = arith.constant 8 : i32
      %eq3A_495 = arith.constant 0 : i32
      %eq3A_496 = arith.cmpi eq, %jit3A_494, %eq3A_495 : i32
      %jit3A_497 = arith.constant 1 : i32
      %select_n3A_498 = arith.select %eq3A_496, %jit3A_497, %jit3A_494 : i32
      %rem3A_499 = arith.remsi %select_n3A_469, %select_n3A_498 : i32
      %ne3A_500 = arith.constant 0 : i32
      %ne3A_501 = arith.cmpi ne, %rem3A_499, %ne3A_500 : i32
      %lt3A_502 = arith.constant 0 : i32
      %lt3A_503 = arith.cmpi slt, %rem3A_499, %lt3A_502 : i32
      %lt3A_504 = arith.constant 0 : i32
      %lt3A_505 = arith.cmpi slt, %select_n3A_498, %lt3A_504 : i32
      %ne3A_506 = arith.xori %lt3A_503, %lt3A_505 : i1
      %and3A_507 = arith.andi %ne3A_506, %ne3A_501 : i1
      %add3A_508 = arith.addi %rem3A_499, %select_n3A_498 : i32
      %select_n3A_509 = arith.select %and3A_507, %add3A_508, %rem3A_499 : i32
      %mul3A_510 = arith.constant 24 : i32
      %mul3A_511 = arith.muli %select_n3A_509, %mul3A_510 : i32
      %mul3A_512 = arith.constant 1024 : i32
      %mul3A_513 = arith.muli %select_n3A_453, %mul3A_512 : i32
      %scan3A_514 = arith.constant 0 : i32
      %scan3A_515 = arith.constant 0 : i32
      %scan3A_516 = arith.constant 24 : i32
      %scan3A_517 = arith.addi %scan3A_515, %scan3A_516 : i32
      %scan3A_518 = arith.constant 1 : i32
      scf.for %scan3A_520 = %scan3A_515 to %scan3A_517 step %scan3A_518  : i32 {
        %get3A = arith.constant 1 : i32
        %get3A_521 = arith.constant 0 : i32
        %get3A_522 = arith.index_cast %get3A : i32 to index
        %get3A_523 = arith.index_cast %get3A_521 : i32 to index
        %get3A_524 = arith.index_cast %scan3A_520 : i32 to index
        %get3A_525 = arith.constant 0 : index
        %get3A_526 = tpu.vector_load %arg5[%get3A_522, %get3A_523, %get3A_524, %get3A_525] {strides = array<i32>} : memref<2x8x24x192xf32, #tpu.memory_space<vmem>>, vector<16xf32>,
        %broadcast_in_dim3A_527 = arith.constant 0 : i32
        %broadcast_in_dim3A_528 = vector.broadcast %broadcast_in_dim3A_527 : i32 to vector<16xi32>
        %get3A_529 = arith.constant 1 : i32
        %get3A_530 = arith.constant 1 : i32
        %get3A_531 = arith.index_cast %get3A_529 : i32 to index
        %get3A_532 = arith.index_cast %get3A_530 : i32 to index
        %get3A_533 = arith.index_cast %scan3A_520 : i32 to index
        %get3A_534 = arith.constant 0 : index
        %get3A_535 = tpu.vector_load %arg5[%get3A_531, %get3A_532, %get3A_533, %get3A_534] {strides = array<i32>} : memref<2x8x24x192xf32, #tpu.memory_space<vmem>>, vector<16xf32>,
        %gt3A = arith.cmpf ogt, %get3A_535, %get3A_526 : vector<16xf32>
        %select_n3A_536 = arith.select %gt3A, %get3A_535, %get3A_526 : vector<16xi1>, vector<16xf32>
        %broadcast_in_dim3A_537 = arith.constant 1 : i32
        %broadcast_in_dim3A_538 = vector.broadcast %broadcast_in_dim3A_537 : i32 to vector<16xi32>
        %select_n3A_539 = arith.select %gt3A, %broadcast_in_dim3A_538, %broadcast_in_dim3A_528 : vector<16xi1>, vector<16xi32>
        %get3A_540 = arith.constant 1 : i32
        %get3A_541 = arith.constant 2 : i32
        %get3A_542 = arith.index_cast %get3A_540 : i32 to index
        %get3A_543 = arith.index_cast %get3A_541 : i32 to index
        %get3A_544 = arith.index_cast %scan3A_520 : i32 to index
        %get3A_545 = arith.constant 0 : index
        %get3A_546 = tpu.vector_load %arg5[%get3A_542, %get3A_543, %get3A_544, %get3A_545] {strides = array<i32>} : memref<2x8x24x192xf32, #tpu.memory_space<vmem>>, vector<16xf32>,
        %gt3A_547 = arith.cmpf ogt, %get3A_546, %select_n3A_536 : vector<16xf32>
        %select_n3A_548 = arith.select %gt3A_547, %get3A_546, %select_n3A_536 : vector<16xi1>, vector<16xf32>
        %broadcast_in_dim3A_549 = arith.constant 2 : i32
        %broadcast_in_dim3A_550 = vector.broadcast %broadcast_in_dim3A_549 : i32 to vector<16xi32>
        %select_n3A_551 = arith.select %gt3A_547, %broadcast_in_dim3A_550, %select_n3A_539 : vector<16xi1>, vector<16xi32>
        %get3A_552 = arith.constant 1 : i32
        %get3A_553 = arith.constant 3 : i32
        %get3A_554 = arith.index_cast %get3A_552 : i32 to index
        %get3A_555 = arith.index_cast %get3A_553 : i32 to index
        %get3A_556 = arith.index_cast %scan3A_520 : i32 to index
        %get3A_557 = arith.constant 0 : index
        %get3A_558 = tpu.vector_load %arg5[%get3A_554, %get3A_555, %get3A_556, %get3A_557] {strides = array<i32>} : memref<2x8x24x192xf32, #tpu.memory_space<vmem>>, vector<16xf32>,
        %gt3A_559 = arith.cmpf ogt, %get3A_558, %select_n3A_548 : vector<16xf32>
        %select_n3A_560 = arith.select %gt3A_559, %get3A_558, %select_n3A_548 : vector<16xi1>, vector<16xf32>
        %broadcast_in_dim3A_561 = arith.constant 3 : i32
        %broadcast_in_dim3A_562 = vector.broadcast %broadcast_in_dim3A_561 : i32 to vector<16xi32>
        %select_n3A_563 = arith.select %gt3A_559, %broadcast_in_dim3A_562, %select_n3A_551 : vector<16xi1>, vector<16xi32>
        %get3A_564 = arith.constant 1 : i32
        %get3A_565 = arith.constant 4 : i32
        %get3A_566 = arith.index_cast %get3A_564 : i32 to index
        %get3A_567 = arith.index_cast %get3A_565 : i32 to index
        %get3A_568 = arith.index_cast %scan3A_520 : i32 to index
        %get3A_569 = arith.constant 0 : index
        %get3A_570 = tpu.vector_load %arg5[%get3A_566, %get3A_567, %get3A_568, %get3A_569] {strides = array<i32>} : memref<2x8x24x192xf32, #tpu.memory_space<vmem>>, vector<16xf32>,
        %gt3A_571 = arith.cmpf ogt, %get3A_570, %select_n3A_560 : vector<16xf32>
        %select_n3A_572 = arith.select %gt3A_571, %get3A_570, %select_n3A_560 : vector<16xi1>, vector<16xf32>
        %broadcast_in_dim3A_573 = arith.constant 4 : i32
        %broadcast_in_dim3A_574 = vector.broadcast %broadcast_in_dim3A_573 : i32 to vector<16xi32>
        %select_n3A_575 = arith.select %gt3A_571, %broadcast_in_dim3A_574, %select_n3A_563 : vector<16xi1>, vector<16xi32>
        %get3A_576 = arith.constant 1 : i32
        %get3A_577 = arith.constant 5 : i32
        %get3A_578 = arith.index_cast %get3A_576 : i32 to index
        %get3A_579 = arith.index_cast %get3A_577 : i32 to index
        %get3A_580 = arith.index_cast %scan3A_520 : i32 to index
        %get3A_581 = arith.constant 0 : index
        %get3A_582 = tpu.vector_load %arg5[%get3A_578, %get3A_579, %get3A_580, %get3A_581] {strides = array<i32>} : memref<2x8x24x192xf32, #tpu.memory_space<vmem>>, vector<16xf32>,
        %gt3A_583 = arith.cmpf ogt, %get3A_582, %select_n3A_572 : vector<16xf32>
        %select_n3A_584 = arith.select %gt3A_583, %get3A_582, %select_n3A_572 : vector<16xi1>, vector<16xf32>
        %broadcast_in_dim3A_585 = arith.constant 5 : i32
        %broadcast_in_dim3A_586 = vector.broadcast %broadcast_in_dim3A_585 : i32 to vector<16xi32>
        %select_n3A_587 = arith.select %gt3A_583, %broadcast_in_dim3A_586, %select_n3A_575 : vector<16xi1>, vector<16xi32>
        %get3A_588 = arith.constant 1 : i32
        %get3A_589 = arith.constant 6 : i32
        %get3A_590 = arith.index_cast %get3A_588 : i32 to index
        %get3A_591 = arith.index_cast %get3A_589 : i32 to index
        %get3A_592 = arith.index_cast %scan3A_520 : i32 to index
        %get3A_593 = arith.constant 0 : index
        %get3A_594 = tpu.vector_load %arg5[%get3A_590, %get3A_591, %get3A_592, %get3A_593] {strides = array<i32>} : memref<2x8x24x192xf32, #tpu.memory_space<vmem>>, vector<16xf32>,
        %gt3A_595 = arith.cmpf ogt, %get3A_594, %select_n3A_584 : vector<16xf32>
        %select_n3A_596 = arith.select %gt3A_595, %get3A_594, %select_n3A_584 : vector<16xi1>, vector<16xf32>
        %broadcast_in_dim3A_597 = arith.constant 6 : i32
        %broadcast_in_dim3A_598 = vector.broadcast %broadcast_in_dim3A_597 : i32 to vector<16xi32>
        %select_n3A_599 = arith.select %gt3A_595, %broadcast_in_dim3A_598, %select_n3A_587 : vector<16xi1>, vector<16xi32>
        %get3A_600 = arith.constant 1 : i32
        %get3A_601 = arith.constant 7 : i32
        %get3A_602 = arith.index_cast %get3A_600 : i32 to index
        %get3A_603 = arith.index_cast %get3A_601 : i32 to index
        %get3A_604 = arith.index_cast %scan3A_520 : i32 to index
        %get3A_605 = arith.constant 0 : index
        %get3A_606 = tpu.vector_load %arg5[%get3A_602, %get3A_603, %get3A_604, %get3A_605] {strides = array<i32>} : memref<2x8x24x192xf32, #tpu.memory_space<vmem>>, vector<16xf32>,
        %gt3A_607 = arith.cmpf ogt, %get3A_606, %select_n3A_596 : vector<16xf32>
        %select_n3A_608 = arith.select %gt3A_607, %get3A_606, %select_n3A_596 : vector<16xi1>, vector<16xf32>
        %broadcast_in_dim3A_609 = arith.constant 7 : i32
        %broadcast_in_dim3A_610 = vector.broadcast %broadcast_in_dim3A_609 : i32 to vector<16xi32>
        %select_n3A_611 = arith.select %gt3A_607, %broadcast_in_dim3A_610, %select_n3A_599 : vector<16xi1>, vector<16xi32>
        %get3A_612 = arith.constant 1 : i32
        %get3A_613 = arith.index_cast %get3A_612 : i32 to index
        %get3A_614 = arith.index_cast %scan3A_520 : i32 to index
        %get3A_615 = arith.constant 0 : index
        %get3A_616 = tpu.vector_load %arg6[%get3A_613, %get3A_614, %get3A_615] {strides = array<i32>} : memref<2x24x192xi32, #tpu.memory_space<vmem>>, vector<16xi32>,
        %mul3A_617 = arith.constant 8 : i32
        %mul3A_618 = vector.broadcast %mul3A_617 : i32 to vector<16xi32>
        %mul3A_619 = arith.muli %select_n3A_611, %mul3A_618 : vector<16xi32>
        %add3A_620 = arith.addi %mul3A_619, %get3A_616 : vector<16xi32>
        %mul3A_621 = arith.constant 16 : i32
        %mul3A_622 = vector.broadcast %mul3A_621 : i32 to vector<16xi32>
        %mul3A_623 = arith.muli %add3A_620, %mul3A_622 : vector<16xi32>
        %add3A_624 = vector.broadcast %mul3A_513 : i32 to vector<16xi32>
        %add3A_625 = arith.addi %add3A_624, %mul3A_623 : vector<16xi32>
        %add3A_626 = arith.addi %add3A_625, %iota3A : vector<16xi32>
        tpu.vector_store_idx %arg7[%add3A_626], %broadcast_in_dim3A_10 {add = true} : memref<2048xf32, #tpu.memory_space<vmem>>[vector<16xi32>], vector<16xf32>,
        %get3A_627 = arith.constant 1 : i32
        %get3A_628 = arith.constant 0 : i32
        %get3A_629 = arith.index_cast %get3A_627 : i32 to index
        %get3A_630 = arith.index_cast %get3A_628 : i32 to index
        %get3A_631 = arith.index_cast %scan3A_520 : i32 to index
        %get3A_632 = arith.constant 16 : index
        %get3A_633 = tpu.vector_load %arg5[%get3A_629, %get3A_630, %get3A_631, %get3A_632] {strides = array<i32>} : memref<2x8x24x192xf32, #tpu.memory_space<vmem>>, vector<16xf32>,
        %broadcast_in_dim3A_634 = arith.constant 0 : i32
        %broadcast_in_dim3A_635 = vector.broadcast %broadcast_in_dim3A_634 : i32 to vector<16xi32>
        %get3A_636 = arith.constant 1 : i32
        %get3A_637 = arith.constant 1 : i32
        %get3A_638 = arith.index_cast %get3A_636 : i32 to index
        %get3A_639 = arith.index_cast %get3A_637 : i32 to index
        %get3A_640 = arith.index_cast %scan3A_520 : i32 to index
        %get3A_641 = arith.constant 16 : index
        %get3A_642 = tpu.vector_load %arg5[%get3A_638, %get3A_639, %get3A_640, %get3A_641] {strides = array<i32>} : memref<2x8x24x192xf32, #tpu.memory_space<vmem>>, vector<16xf32>,
        %gt3A_643 = arith.cmpf ogt, %get3A_642, %get3A_633 : vector<16xf32>
        %select_n3A_644 = arith.select %gt3A_643, %get3A_642, %get3A_633 : vector<16xi1>, vector<16xf32>
        %broadcast_in_dim3A_645 = arith.constant 1 : i32
        %broadcast_in_dim3A_646 = vector.broadcast %broadcast_in_dim3A_645 : i32 to vector<16xi32>
        %select_n3A_647 = arith.select %gt3A_643, %broadcast_in_dim3A_646, %broadcast_in_dim3A_635 : vector<16xi1>, vector<16xi32>
        %get3A_648 = arith.constant 1 : i32
        %get3A_649 = arith.constant 2 : i32
        %get3A_650 = arith.index_cast %get3A_648 : i32 to index
        %get3A_651 = arith.index_cast %get3A_649 : i32 to index
        %get3A_652 = arith.index_cast %scan3A_520 : i32 to index
        %get3A_653 = arith.constant 16 : index
        %get3A_654 = tpu.vector_load %arg5[%get3A_650, %get3A_651, %get3A_652, %get3A_653] {strides = array<i32>} : memref<2x8x24x192xf32, #tpu.memory_space<vmem>>, vector<16xf32>,
        %gt3A_655 = arith.cmpf ogt, %get3A_654, %select_n3A_644 : vector<16xf32>
        %select_n3A_656 = arith.select %gt3A_655, %get3A_654, %select_n3A_644 : vector<16xi1>, vector<16xf32>
        %broadcast_in_dim3A_657 = arith.constant 2 : i32
        %broadcast_in_dim3A_658 = vector.broadcast %broadcast_in_dim3A_657 : i32 to vector<16xi32>
        %select_n3A_659 = arith.select %gt3A_655, %broadcast_in_dim3A_658, %select_n3A_647 : vector<16xi1>, vector<16xi32>
        %get3A_660 = arith.constant 1 : i32
        %get3A_661 = arith.constant 3 : i32
        %get3A_662 = arith.index_cast %get3A_660 : i32 to index
        %get3A_663 = arith.index_cast %get3A_661 : i32 to index
        %get3A_664 = arith.index_cast %scan3A_520 : i32 to index
        %get3A_665 = arith.constant 16 : index
        %get3A_666 = tpu.vector_load %arg5[%get3A_662, %get3A_663, %get3A_664, %get3A_665] {strides = array<i32>} : memref<2x8x24x192xf32, #tpu.memory_space<vmem>>, vector<16xf32>,
        %gt3A_667 = arith.cmpf ogt, %get3A_666, %select_n3A_656 : vector<16xf32>
        %select_n3A_668 = arith.select %gt3A_667, %get3A_666, %select_n3A_656 : vector<16xi1>, vector<16xf32>
        %broadcast_in_dim3A_669 = arith.constant 3 : i32
        %broadcast_in_dim3A_670 = vector.broadcast %broadcast_in_dim3A_669 : i32 to vector<16xi32>
        %select_n3A_671 = arith.select %gt3A_667, %broadcast_in_dim3A_670, %select_n3A_659 : vector<16xi1>, vector<16xi32>
        %get3A_672 = arith.constant 1 : i32
        %get3A_673 = arith.constant 4 : i32
        %get3A_674 = arith.index_cast %get3A_672 : i32 to index
        %get3A_675 = arith.index_cast %get3A_673 : i32 to index
        %get3A_676 = arith.index_cast %scan3A_520 : i32 to index
        %get3A_677 = arith.constant 16 : index
        %get3A_678 = tpu.vector_load %arg5[%get3A_674, %get3A_675, %get3A_676, %get3A_677] {strides = array<i32>} : memref<2x8x24x192xf32, #tpu.memory_space<vmem>>, vector<16xf32>,
        %gt3A_679 = arith.cmpf ogt, %get3A_678, %select_n3A_668 : vector<16xf32>
        %select_n3A_680 = arith.select %gt3A_679, %get3A_678, %select_n3A_668 : vector<16xi1>, vector<16xf32>
        %broadcast_in_dim3A_681 = arith.constant 4 : i32
        %broadcast_in_dim3A_682 = vector.broadcast %broadcast_in_dim3A_681 : i32 to vector<16xi32>
        %select_n3A_683 = arith.select %gt3A_679, %broadcast_in_dim3A_682, %select_n3A_671 : vector<16xi1>, vector<16xi32>
        %get3A_684 = arith.constant 1 : i32
        %get3A_685 = arith.constant 5 : i32
        %get3A_686 = arith.index_cast %get3A_684 : i32 to index
        %get3A_687 = arith.index_cast %get3A_685 : i32 to index
        %get3A_688 = arith.index_cast %scan3A_520 : i32 to index
        %get3A_689 = arith.constant 16 : index
        %get3A_690 = tpu.vector_load %arg5[%get3A_686, %get3A_687, %get3A_688, %get3A_689] {strides = array<i32>} : memref<2x8x24x192xf32, #tpu.memory_space<vmem>>, vector<16xf32>,
        %gt3A_691 = arith.cmpf ogt, %get3A_690, %select_n3A_680 : vector<16xf32>
        %select_n3A_692 = arith.select %gt3A_691, %get3A_690, %select_n3A_680 : vector<16xi1>, vector<16xf32>
        %broadcast_in_dim3A_693 = arith.constant 5 : i32
        %broadcast_in_dim3A_694 = vector.broadcast %broadcast_in_dim3A_693 : i32 to vector<16xi32>
        %select_n3A_695 = arith.select %gt3A_691, %broadcast_in_dim3A_694, %select_n3A_683 : vector<16xi1>, vector<16xi32>
        %get3A_696 = arith.constant 1 : i32
        %get3A_697 = arith.constant 6 : i32
        %get3A_698 = arith.index_cast %get3A_696 : i32 to index
        %get3A_699 = arith.index_cast %get3A_697 : i32 to index
        %get3A_700 = arith.index_cast %scan3A_520 : i32 to index
        %get3A_701 = arith.constant 16 : index
        %get3A_702 = tpu.vector_load %arg5[%get3A_698, %get3A_699, %get3A_700, %get3A_701] {strides = array<i32>} : memref<2x8x24x192xf32, #tpu.memory_space<vmem>>, vector<16xf32>,
        %gt3A_703 = arith.cmpf ogt, %get3A_702, %select_n3A_692 : vector<16xf32>
        %select_n3A_704 = arith.select %gt3A_703, %get3A_702, %select_n3A_692 : vector<16xi1>, vector<16xf32>
        %broadcast_in_dim3A_705 = arith.constant 6 : i32
        %broadcast_in_dim3A_706 = vector.broadcast %broadcast_in_dim3A_705 : i32 to vector<16xi32>
        %select_n3A_707 = arith.select %gt3A_703, %broadcast_in_dim3A_706, %select_n3A_695 : vector<16xi1>, vector<16xi32>
        %get3A_708 = arith.constant 1 : i32
        %get3A_709 = arith.constant 7 : i32
        %get3A_710 = arith.index_cast %get3A_708 : i32 to index
        %get3A_711 = arith.index_cast %get3A_709 : i32 to index
        %get3A_712 = arith.index_cast %scan3A_520 : i32 to index
        %get3A_713 = arith.constant 16 : index
        %get3A_714 = tpu.vector_load %arg5[%get3A_710, %get3A_711, %get3A_712, %get3A_713] {strides = array<i32>} : memref<2x8x24x192xf32, #tpu.memory_space<vmem>>, vector<16xf32>,
        %gt3A_715 = arith.cmpf ogt, %get3A_714, %select_n3A_704 : vector<16xf32>
        %select_n3A_716 = arith.select %gt3A_715, %get3A_714, %select_n3A_704 : vector<16xi1>, vector<16xf32>
        %broadcast_in_dim3A_717 = arith.constant 7 : i32
        %broadcast_in_dim3A_718 = vector.broadcast %broadcast_in_dim3A_717 : i32 to vector<16xi32>
        %select_n3A_719 = arith.select %gt3A_715, %broadcast_in_dim3A_718, %select_n3A_707 : vector<16xi1>, vector<16xi32>
        %get3A_720 = arith.constant 1 : i32
        %get3A_721 = arith.index_cast %get3A_720 : i32 to index
        %get3A_722 = arith.index_cast %scan3A_520 : i32 to index
        %get3A_723 = arith.constant 16 : index
        %get3A_724 = tpu.vector_load %arg6[%get3A_721, %get3A_722, %get3A_723] {strides = array<i32>} : memref<2x24x192xi32, #tpu.memory_space<vmem>>, vector<16xi32>,
        %mul3A_725 = arith.constant 8 : i32
        %mul3A_726 = vector.broadcast %mul3A_725 : i32 to vector<16xi32>
        %mul3A_727 = arith.muli %select_n3A_719, %mul3A_726 : vector<16xi32>
        %add3A_728 = arith.addi %mul3A_727, %get3A_724 : vector<16xi32>
        %mul3A_729 = arith.constant 16 : i32
        %mul3A_730 = vector.broadcast %mul3A_729 : i32 to vector<16xi32>
        %mul3A_731 = arith.muli %add3A_728, %mul3A_730 : vector<16xi32>
        %add3A_732 = vector.broadcast %mul3A_513 : i32 to vector<16xi32>
        %add3A_733 = arith.addi %add3A_732, %mul3A_731 : vector<16xi32>
        %add3A_734 = arith.addi %add3A_733, %iota3A : vector<16xi32>
        tpu.vector_store_idx %arg7[%add3A_734], %broadcast_in_dim3A_10 {add = true} : memref<2048xf32, #tpu.memory_space<vmem>>[vector<16xi32>], vector<16xf32>,
        %get3A_735 = arith.constant 1 : i32
        %get3A_736 = arith.constant 0 : i32
        %get3A_737 = arith.index_cast %get3A_735 : i32 to index
        %get3A_738 = arith.index_cast %get3A_736 : i32 to index
        %get3A_739 = arith.index_cast %scan3A_520 : i32 to index
        %get3A_740 = arith.constant 32 : index
        %get3A_741 = tpu.vector_load %arg5[%get3A_737, %get3A_738, %get3A_739, %get3A_740] {strides = array<i32>} : memref<2x8x24x192xf32, #tpu.memory_space<vmem>>, vector<16xf32>,
        %broadcast_in_dim3A_742 = arith.constant 0 : i32
        %broadcast_in_dim3A_743 = vector.broadcast %broadcast_in_dim3A_742 : i32 to vector<16xi32>
        %get3A_744 = arith.constant 1 : i32
        %get3A_745 = arith.constant 1 : i32
        %get3A_746 = arith.index_cast %get3A_744 : i32 to index
        %get3A_747 = arith.index_cast %get3A_745 : i32 to index
        %get3A_748 = arith.index_cast %scan3A_520 : i32 to index
        %get3A_749 = arith.constant 32 : index
        %get3A_750 = tpu.vector_load %arg5[%get3A_746, %get3A_747, %get3A_748, %get3A_749] {strides = array<i32>} : memref<2x8x24x192xf32, #tpu.memory_space<vmem>>, vector<16xf32>,
        %gt3A_751 = arith.cmpf ogt, %get3A_750, %get3A_741 : vector<16xf32>
        %select_n3A_752 = arith.select %gt3A_751, %get3A_750, %get3A_741 : vector<16xi1>, vector<16xf32>
        %broadcast_in_dim3A_753 = arith.constant 1 : i32
        %broadcast_in_dim3A_754 = vector.broadcast %broadcast_in_dim3A_753 : i32 to vector<16xi32>
        %select_n3A_755 = arith.select %gt3A_751, %broadcast_in_dim3A_754, %broadcast_in_dim3A_743 : vector<16xi1>, vector<16xi32>
        %get3A_756 = arith.constant 1 : i32
        %get3A_757 = arith.constant 2 : i32
        %get3A_758 = arith.index_cast %get3A_756 : i32 to index
        %get3A_759 = arith.index_cast %get3A_757 : i32 to index
        %get3A_760 = arith.index_cast %scan3A_520 : i32 to index
        %get3A_761 = arith.constant 32 : index
        %get3A_762 = tpu.vector_load %arg5[%get3A_758, %get3A_759, %get3A_760, %get3A_761] {strides = array<i32>} : memref<2x8x24x192xf32, #tpu.memory_space<vmem>>, vector<16xf32>,
        %gt3A_763 = arith.cmpf ogt, %get3A_762, %select_n3A_752 : vector<16xf32>
        %select_n3A_764 = arith.select %gt3A_763, %get3A_762, %select_n3A_752 : vector<16xi1>, vector<16xf32>
        %broadcast_in_dim3A_765 = arith.constant 2 : i32
        %broadcast_in_dim3A_766 = vector.broadcast %broadcast_in_dim3A_765 : i32 to vector<16xi32>
        %select_n3A_767 = arith.select %gt3A_763, %broadcast_in_dim3A_766, %select_n3A_755 : vector<16xi1>, vector<16xi32>
        %get3A_768 = arith.constant 1 : i32
        %get3A_769 = arith.constant 3 : i32
        %get3A_770 = arith.index_cast %get3A_768 : i32 to index
        %get3A_771 = arith.index_cast %get3A_769 : i32 to index
        %get3A_772 = arith.index_cast %scan3A_520 : i32 to index
        %get3A_773 = arith.constant 32 : index
        %get3A_774 = tpu.vector_load %arg5[%get3A_770, %get3A_771, %get3A_772, %get3A_773] {strides = array<i32>} : memref<2x8x24x192xf32, #tpu.memory_space<vmem>>, vector<16xf32>,
        %gt3A_775 = arith.cmpf ogt, %get3A_774, %select_n3A_764 : vector<16xf32>
        %select_n3A_776 = arith.select %gt3A_775, %get3A_774, %select_n3A_764 : vector<16xi1>, vector<16xf32>
        %broadcast_in_dim3A_777 = arith.constant 3 : i32
        %broadcast_in_dim3A_778 = vector.broadcast %broadcast_in_dim3A_777 : i32 to vector<16xi32>
        %select_n3A_779 = arith.select %gt3A_775, %broadcast_in_dim3A_778, %select_n3A_767 : vector<16xi1>, vector<16xi32>
        %get3A_780 = arith.constant 1 : i32
        %get3A_781 = arith.constant 4 : i32
        %get3A_782 = arith.index_cast %get3A_780 : i32 to index
        %get3A_783 = arith.index_cast %get3A_781 : i32 to index
        %get3A_784 = arith.index_cast %scan3A_520 : i32 to index
        %get3A_785 = arith.constant 32 : index
        %get3A_786 = tpu.vector_load %arg5[%get3A_782, %get3A_783, %get3A_784, %get3A_785] {strides = array<i32>} : memref<2x8x24x192xf32, #tpu.memory_space<vmem>>, vector<16xf32>,
        %gt3A_787 = arith.cmpf ogt, %get3A_786, %select_n3A_776 : vector<16xf32>
        %select_n3A_788 = arith.select %gt3A_787, %get3A_786, %select_n3A_776 : vector<16xi1>, vector<16xf32>
        %broadcast_in_dim3A_789 = arith.constant 4 : i32
        %broadcast_in_dim3A_790 = vector.broadcast %broadcast_in_dim3A_789 : i32 to vector<16xi32>
        %select_n3A_791 = arith.select %gt3A_787, %broadcast_in_dim3A_790, %select_n3A_779 : vector<16xi1>, vector<16xi32>
        %get3A_792 = arith.constant 1 : i32
        %get3A_793 = arith.constant 5 : i32
        %get3A_794 = arith.index_cast %get3A_792 : i32 to index
        %get3A_795 = arith.index_cast %get3A_793 : i32 to index
        %get3A_796 = arith.index_cast %scan3A_520 : i32 to index
        %get3A_797 = arith.constant 32 : index
        %get3A_798 = tpu.vector_load %arg5[%get3A_794, %get3A_795, %get3A_796, %get3A_797] {strides = array<i32>} : memref<2x8x24x192xf32, #tpu.memory_space<vmem>>, vector<16xf32>,
        %gt3A_799 = arith.cmpf ogt, %get3A_798, %select_n3A_788 : vector<16xf32>
        %select_n3A_800 = arith.select %gt3A_799, %get3A_798, %select_n3A_788 : vector<16xi1>, vector<16xf32>
        %broadcast_in_dim3A_801 = arith.constant 5 : i32
        %broadcast_in_dim3A_802 = vector.broadcast %broadcast_in_dim3A_801 : i32 to vector<16xi32>
        %select_n3A_803 = arith.select %gt3A_799, %broadcast_in_dim3A_802, %select_n3A_791 : vector<16xi1>, vector<16xi32>
        %get3A_804 = arith.constant 1 : i32
        %get3A_805 = arith.constant 6 : i32
        %get3A_806 = arith.index_cast %get3A_804 : i32 to index
        %get3A_807 = arith.index_cast %get3A_805 : i32 to index
        %get3A_808 = arith.index_cast %scan3A_520 : i32 to index
        %get3A_809 = arith.constant 32 : index
        %get3A_810 = tpu.vector_load %arg5[%get3A_806, %get3A_807, %get3A_808, %get3A_809] {strides = array<i32>} : memref<2x8x24x192xf32, #tpu.memory_space<vmem>>, vector<16xf32>,
        %gt3A_811 = arith.cmpf ogt, %get3A_810, %select_n3A_800 : vector<16xf32>
        %select_n3A_812 = arith.select %gt3A_811, %get3A_810, %select_n3A_800 : vector<16xi1>, vector<16xf32>
        %broadcast_in_dim3A_813 = arith.constant 6 : i32
        %broadcast_in_dim3A_814 = vector.broadcast %broadcast_in_dim3A_813 : i32 to vector<16xi32>
        %select_n3A_815 = arith.select %gt3A_811, %broadcast_in_dim3A_814, %select_n3A_803 : vector<16xi1>, vector<16xi32>
        %get3A_816 = arith.constant 1 : i32
        %get3A_817 = arith.constant 7 : i32
        %get3A_818 = arith.index_cast %get3A_816 : i32 to index
        %get3A_819 = arith.index_cast %get3A_817 : i32 to index
        %get3A_820 = arith.index_cast %scan3A_520 : i32 to index
        %get3A_821 = arith.constant 32 : index
        %get3A_822 = tpu.vector_load %arg5[%get3A_818, %get3A_819, %get3A_820, %get3A_821] {strides = array<i32>} : memref<2x8x24x192xf32, #tpu.memory_space<vmem>>, vector<16xf32>,
        %gt3A_823 = arith.cmpf ogt, %get3A_822, %select_n3A_812 : vector<16xf32>
        %select_n3A_824 = arith.select %gt3A_823, %get3A_822, %select_n3A_812 : vector<16xi1>, vector<16xf32>
        %broadcast_in_dim3A_825 = arith.constant 7 : i32
        %broadcast_in_dim3A_826 = vector.broadcast %broadcast_in_dim3A_825 : i32 to vector<16xi32>
        %select_n3A_827 = arith.select %gt3A_823, %broadcast_in_dim3A_826, %select_n3A_815 : vector<16xi1>, vector<16xi32>
        %get3A_828 = arith.constant 1 : i32
        %get3A_829 = arith.index_cast %get3A_828 : i32 to index
        %get3A_830 = arith.index_cast %scan3A_520 : i32 to index
        %get3A_831 = arith.constant 32 : index
        %get3A_832 = tpu.vector_load %arg6[%get3A_829, %get3A_830, %get3A_831] {strides = array<i32>} : memref<2x24x192xi32, #tpu.memory_space<vmem>>, vector<16xi32>,
        %mul3A_833 = arith.constant 8 : i32
        %mul3A_834 = vector.broadcast %mul3A_833 : i32 to vector<16xi32>
        %mul3A_835 = arith.muli %select_n3A_827, %mul3A_834 : vector<16xi32>
        %add3A_836 = arith.addi %mul3A_835, %get3A_832 : vector<16xi32>
        %mul3A_837 = arith.constant 16 : i32
        %mul3A_838 = vector.broadcast %mul3A_837 : i32 to vector<16xi32>
        %mul3A_839 = arith.muli %add3A_836, %mul3A_838 : vector<16xi32>
        %add3A_840 = vector.broadcast %mul3A_513 : i32 to vector<16xi32>
        %add3A_841 = arith.addi %add3A_840, %mul3A_839 : vector<16xi32>
        %add3A_842 = arith.addi %add3A_841, %iota3A : vector<16xi32>
        tpu.vector_store_idx %arg7[%add3A_842], %broadcast_in_dim3A_10 {add = true} : memref<2048xf32, #tpu.memory_space<vmem>>[vector<16xi32>], vector<16xf32>,
        %get3A_843 = arith.constant 1 : i32
        %get3A_844 = arith.constant 0 : i32
        %get3A_845 = arith.index_cast %get3A_843 : i32 to index
        %get3A_846 = arith.index_cast %get3A_844 : i32 to index
        %get3A_847 = arith.index_cast %scan3A_520 : i32 to index
        %get3A_848 = arith.constant 48 : index
        %get3A_849 = tpu.vector_load %arg5[%get3A_845, %get3A_846, %get3A_847, %get3A_848] {strides = array<i32>} : memref<2x8x24x192xf32, #tpu.memory_space<vmem>>, vector<16xf32>,
        %broadcast_in_dim3A_850 = arith.constant 0 : i32
        %broadcast_in_dim3A_851 = vector.broadcast %broadcast_in_dim3A_850 : i32 to vector<16xi32>
        %get3A_852 = arith.constant 1 : i32
        %get3A_853 = arith.constant 1 : i32
        %get3A_854 = arith.index_cast %get3A_852 : i32 to index
        %get3A_855 = arith.index_cast %get3A_853 : i32 to index
        %get3A_856 = arith.index_cast %scan3A_520 : i32 to index
        %get3A_857 = arith.constant 48 : index
        %get3A_858 = tpu.vector_load %arg5[%get3A_854, %get3A_855, %get3A_856, %get3A_857] {strides = array<i32>} : memref<2x8x24x192xf32, #tpu.memory_space<vmem>>, vector<16xf32>,
        %gt3A_859 = arith.cmpf ogt, %get3A_858, %get3A_849 : vector<16xf32>
        %select_n3A_860 = arith.select %gt3A_859, %get3A_858, %get3A_849 : vector<16xi1>, vector<16xf32>
        %broadcast_in_dim3A_861 = arith.constant 1 : i32
        %broadcast_in_dim3A_862 = vector.broadcast %broadcast_in_dim3A_861 : i32 to vector<16xi32>
        %select_n3A_863 = arith.select %gt3A_859, %broadcast_in_dim3A_862, %broadcast_in_dim3A_851 : vector<16xi1>, vector<16xi32>
        %get3A_864 = arith.constant 1 : i32
        %get3A_865 = arith.constant 2 : i32
        %get3A_866 = arith.index_cast %get3A_864 : i32 to index
        %get3A_867 = arith.index_cast %get3A_865 : i32 to index
        %get3A_868 = arith.index_cast %scan3A_520 : i32 to index
        %get3A_869 = arith.constant 48 : index
        %get3A_870 = tpu.vector_load %arg5[%get3A_866, %get3A_867, %get3A_868, %get3A_869] {strides = array<i32>} : memref<2x8x24x192xf32, #tpu.memory_space<vmem>>, vector<16xf32>,
        %gt3A_871 = arith.cmpf ogt, %get3A_870, %select_n3A_860 : vector<16xf32>
        %select_n3A_872 = arith.select %gt3A_871, %get3A_870, %select_n3A_860 : vector<16xi1>, vector<16xf32>
        %broadcast_in_dim3A_873 = arith.constant 2 : i32
        %broadcast_in_dim3A_874 = vector.broadcast %broadcast_in_dim3A_873 : i32 to vector<16xi32>
        %select_n3A_875 = arith.select %gt3A_871, %broadcast_in_dim3A_874, %select_n3A_863 : vector<16xi1>, vector<16xi32>
        %get3A_876 = arith.constant 1 : i32
        %get3A_877 = arith.constant 3 : i32
        %get3A_878 = arith.index_cast %get3A_876 : i32 to index
        %get3A_879 = arith.index_cast %get3A_877 : i32 to index
        %get3A_880 = arith.index_cast %scan3A_520 : i32 to index
        %get3A_881 = arith.constant 48 : index
        %get3A_882 = tpu.vector_load %arg5[%get3A_878, %get3A_879, %get3A_880, %get3A_881] {strides = array<i32>} : memref<2x8x24x192xf32, #tpu.memory_space<vmem>>, vector<16xf32>,
        %gt3A_883 = arith.cmpf ogt, %get3A_882, %select_n3A_872 : vector<16xf32>
        %select_n3A_884 = arith.select %gt3A_883, %get3A_882, %select_n3A_872 : vector<16xi1>, vector<16xf32>
        %broadcast_in_dim3A_885 = arith.constant 3 : i32
        %broadcast_in_dim3A_886 = vector.broadcast %broadcast_in_dim3A_885 : i32 to vector<16xi32>
        %select_n3A_887 = arith.select %gt3A_883, %broadcast_in_dim3A_886, %select_n3A_875 : vector<16xi1>, vector<16xi32>
        %get3A_888 = arith.constant 1 : i32
        %get3A_889 = arith.constant 4 : i32
        %get3A_890 = arith.index_cast %get3A_888 : i32 to index
        %get3A_891 = arith.index_cast %get3A_889 : i32 to index
        %get3A_892 = arith.index_cast %scan3A_520 : i32 to index
        %get3A_893 = arith.constant 48 : index
        %get3A_894 = tpu.vector_load %arg5[%get3A_890, %get3A_891, %get3A_892, %get3A_893] {strides = array<i32>} : memref<2x8x24x192xf32, #tpu.memory_space<vmem>>, vector<16xf32>,
        %gt3A_895 = arith.cmpf ogt, %get3A_894, %select_n3A_884 : vector<16xf32>
        %select_n3A_896 = arith.select %gt3A_895, %get3A_894, %select_n3A_884 : vector<16xi1>, vector<16xf32>
        %broadcast_in_dim3A_897 = arith.constant 4 : i32
        %broadcast_in_dim3A_898 = vector.broadcast %broadcast_in_dim3A_897 : i32 to vector<16xi32>
        %select_n3A_899 = arith.select %gt3A_895, %broadcast_in_dim3A_898, %select_n3A_887 : vector<16xi1>, vector<16xi32>
        %get3A_900 = arith.constant 1 : i32
        %get3A_901 = arith.constant 5 : i32
        %get3A_902 = arith.index_cast %get3A_900 : i32 to index
        %get3A_903 = arith.index_cast %get3A_901 : i32 to index
        %get3A_904 = arith.index_cast %scan3A_520 : i32 to index
        %get3A_905 = arith.constant 48 : index
        %get3A_906 = tpu.vector_load %arg5[%get3A_902, %get3A_903, %get3A_904, %get3A_905] {strides = array<i32>} : memref<2x8x24x192xf32, #tpu.memory_space<vmem>>, vector<16xf32>,
        %gt3A_907 = arith.cmpf ogt, %get3A_906, %select_n3A_896 : vector<16xf32>
        %select_n3A_908 = arith.select %gt3A_907, %get3A_906, %select_n3A_896 : vector<16xi1>, vector<16xf32>
        %broadcast_in_dim3A_909 = arith.constant 5 : i32
        %broadcast_in_dim3A_910 = vector.broadcast %broadcast_in_dim3A_909 : i32 to vector<16xi32>
        %select_n3A_911 = arith.select %gt3A_907, %broadcast_in_dim3A_910, %select_n3A_899 : vector<16xi1>, vector<16xi32>
        %get3A_912 = arith.constant 1 : i32
        %get3A_913 = arith.constant 6 : i32
        %get3A_914 = arith.index_cast %get3A_912 : i32 to index
        %get3A_915 = arith.index_cast %get3A_913 : i32 to index
        %get3A_916 = arith.index_cast %scan3A_520 : i32 to index
        %get3A_917 = arith.constant 48 : index
        %get3A_918 = tpu.vector_load %arg5[%get3A_914, %get3A_915, %get3A_916, %get3A_917] {strides = array<i32>} : memref<2x8x24x192xf32, #tpu.memory_space<vmem>>, vector<16xf32>,
        %gt3A_919 = arith.cmpf ogt, %get3A_918, %select_n3A_908 : vector<16xf32>
        %select_n3A_920 = arith.select %gt3A_919, %get3A_918, %select_n3A_908 : vector<16xi1>, vector<16xf32>
        %broadcast_in_dim3A_921 = arith.constant 6 : i32
        %broadcast_in_dim3A_922 = vector.broadcast %broadcast_in_dim3A_921 : i32 to vector<16xi32>
        %select_n3A_923 = arith.select %gt3A_919, %broadcast_in_dim3A_922, %select_n3A_911 : vector<16xi1>, vector<16xi32>
        %get3A_924 = arith.constant 1 : i32
        %get3A_925 = arith.constant 7 : i32
        %get3A_926 = arith.index_cast %get3A_924 : i32 to index
        %get3A_927 = arith.index_cast %get3A_925 : i32 to index
        %get3A_928 = arith.index_cast %scan3A_520 : i32 to index
        %get3A_929 = arith.constant 48 : index
        %get3A_930 = tpu.vector_load %arg5[%get3A_926, %get3A_927, %get3A_928, %get3A_929] {strides = array<i32>} : memref<2x8x24x192xf32, #tpu.memory_space<vmem>>, vector<16xf32>,
        %gt3A_931 = arith.cmpf ogt, %get3A_930, %select_n3A_920 : vector<16xf32>
        %select_n3A_932 = arith.select %gt3A_931, %get3A_930, %select_n3A_920 : vector<16xi1>, vector<16xf32>
        %broadcast_in_dim3A_933 = arith.constant 7 : i32
        %broadcast_in_dim3A_934 = vector.broadcast %broadcast_in_dim3A_933 : i32 to vector<16xi32>
        %select_n3A_935 = arith.select %gt3A_931, %broadcast_in_dim3A_934, %select_n3A_923 : vector<16xi1>, vector<16xi32>
        %get3A_936 = arith.constant 1 : i32
        %get3A_937 = arith.index_cast %get3A_936 : i32 to index
        %get3A_938 = arith.index_cast %scan3A_520 : i32 to index
        %get3A_939 = arith.constant 48 : index
        %get3A_940 = tpu.vector_load %arg6[%get3A_937, %get3A_938, %get3A_939] {strides = array<i32>} : memref<2x24x192xi32, #tpu.memory_space<vmem>>, vector<16xi32>,
        %mul3A_941 = arith.constant 8 : i32
        %mul3A_942 = vector.broadcast %mul3A_941 : i32 to vector<16xi32>
        %mul3A_943 = arith.muli %select_n3A_935, %mul3A_942 : vector<16xi32>
        %add3A_944 = arith.addi %mul3A_943, %get3A_940 : vector<16xi32>
        %mul3A_945 = arith.constant 16 : i32
        %mul3A_946 = vector.broadcast %mul3A_945 : i32 to vector<16xi32>
        %mul3A_947 = arith.muli %add3A_944, %mul3A_946 : vector<16xi32>
        %add3A_948 = vector.broadcast %mul3A_513 : i32 to vector<16xi32>
        %add3A_949 = arith.addi %add3A_948, %mul3A_947 : vector<16xi32>
        %add3A_950 = arith.addi %add3A_949, %iota3A : vector<16xi32>
        tpu.vector_store_idx %arg7[%add3A_950], %broadcast_in_dim3A_10 {add = true} : memref<2048xf32, #tpu.memory_space<vmem>>[vector<16xi32>], vector<16xf32>,
        %get3A_951 = arith.constant 1 : i32
        %get3A_952 = arith.constant 0 : i32
        %get3A_953 = arith.index_cast %get3A_951 : i32 to index
        %get3A_954 = arith.index_cast %get3A_952 : i32 to index
        %get3A_955 = arith.index_cast %scan3A_520 : i32 to index
        %get3A_956 = arith.constant 64 : index
        %get3A_957 = tpu.vector_load %arg5[%get3A_953, %get3A_954, %get3A_955, %get3A_956] {strides = array<i32>} : memref<2x8x24x192xf32, #tpu.memory_space<vmem>>, vector<16xf32>,
        %broadcast_in_dim3A_958 = arith.constant 0 : i32
        %broadcast_in_dim3A_959 = vector.broadcast %broadcast_in_dim3A_958 : i32 to vector<16xi32>
        %get3A_960 = arith.constant 1 : i32
        %get3A_961 = arith.constant 1 : i32
        %get3A_962 = arith.index_cast %get3A_960 : i32 to index
        %get3A_963 = arith.index_cast %get3A_961 : i32 to index
        %get3A_964 = arith.index_cast %scan3A_520 : i32 to index
        %get3A_965 = arith.constant 64 : index
        %get3A_966 = tpu.vector_load %arg5[%get3A_962, %get3A_963, %get3A_964, %get3A_965] {strides = array<i32>} : memref<2x8x24x192xf32, #tpu.memory_space<vmem>>, vector<16xf32>,
        %gt3A_967 = arith.cmpf ogt, %get3A_966, %get3A_957 : vector<16xf32>
        %select_n3A_968 = arith.select %gt3A_967, %get3A_966, %get3A_957 : vector<16xi1>, vector<16xf32>
        %broadcast_in_dim3A_969 = arith.constant 1 : i32
        %broadcast_in_dim3A_970 = vector.broadcast %broadcast_in_dim3A_969 : i32 to vector<16xi32>
        %select_n3A_971 = arith.select %gt3A_967, %broadcast_in_dim3A_970, %broadcast_in_dim3A_959 : vector<16xi1>, vector<16xi32>
        %get3A_972 = arith.constant 1 : i32
        %get3A_973 = arith.constant 2 : i32
        %get3A_974 = arith.index_cast %get3A_972 : i32 to index
        %get3A_975 = arith.index_cast %get3A_973 : i32 to index
        %get3A_976 = arith.index_cast %scan3A_520 : i32 to index
        %get3A_977 = arith.constant 64 : index
        %get3A_978 = tpu.vector_load %arg5[%get3A_974, %get3A_975, %get3A_976, %get3A_977] {strides = array<i32>} : memref<2x8x24x192xf32, #tpu.memory_space<vmem>>, vector<16xf32>,
        %gt3A_979 = arith.cmpf ogt, %get3A_978, %select_n3A_968 : vector<16xf32>
        %select_n3A_980 = arith.select %gt3A_979, %get3A_978, %select_n3A_968 : vector<16xi1>, vector<16xf32>
        %broadcast_in_dim3A_981 = arith.constant 2 : i32
        %broadcast_in_dim3A_982 = vector.broadcast %broadcast_in_dim3A_981 : i32 to vector<16xi32>
        %select_n3A_983 = arith.select %gt3A_979, %broadcast_in_dim3A_982, %select_n3A_971 : vector<16xi1>, vector<16xi32>
        %get3A_984 = arith.constant 1 : i32
        %get3A_985 = arith.constant 3 : i32
        %get3A_986 = arith.index_cast %get3A_984 : i32 to index
        %get3A_987 = arith.index_cast %get3A_985 : i32 to index
        %get3A_988 = arith.index_cast %scan3A_520 : i32 to index
        %get3A_989 = arith.constant 64 : index
        %get3A_990 = tpu.vector_load %arg5[%get3A_986, %get3A_987, %get3A_988, %get3A_989] {strides = array<i32>} : memref<2x8x24x192xf32, #tpu.memory_space<vmem>>, vector<16xf32>,
        %gt3A_991 = arith.cmpf ogt, %get3A_990, %select_n3A_980 : vector<16xf32>
        %select_n3A_992 = arith.select %gt3A_991, %get3A_990, %select_n3A_980 : vector<16xi1>, vector<16xf32>
        %broadcast_in_dim3A_993 = arith.constant 3 : i32
        %broadcast_in_dim3A_994 = vector.broadcast %broadcast_in_dim3A_993 : i32 to vector<16xi32>
        %select_n3A_995 = arith.select %gt3A_991, %broadcast_in_dim3A_994, %select_n3A_983 : vector<16xi1>, vector<16xi32>
        %get3A_996 = arith.constant 1 : i32
        %get3A_997 = arith.constant 4 : i32
        %get3A_998 = arith.index_cast %get3A_996 : i32 to index
        %get3A_999 = arith.index_cast %get3A_997 : i32 to index
        %get3A_1000 = arith.index_cast %scan3A_520 : i32 to index
        %get3A_1001 = arith.constant 64 : index
        %get3A_1002 = tpu.vector_load %arg5[%get3A_998, %get3A_999, %get3A_1000, %get3A_1001] {strides = array<i32>} : memref<2x8x24x192xf32, #tpu.memory_space<vmem>>, vector<16xf32>,
        %gt3A_1003 = arith.cmpf ogt, %get3A_1002, %select_n3A_992 : vector<16xf32>
        %select_n3A_1004 = arith.select %gt3A_1003, %get3A_1002, %select_n3A_992 : vector<16xi1>, vector<16xf32>
        %broadcast_in_dim3A_1005 = arith.constant 4 : i32
        %broadcast_in_dim3A_1006 = vector.broadcast %broadcast_in_dim3A_1005 : i32 to vector<16xi32>
        %select_n3A_1007 = arith.select %gt3A_1003, %broadcast_in_dim3A_1006, %select_n3A_995 : vector<16xi1>, vector<16xi32>
        %get3A_1008 = arith.constant 1 : i32
        %get3A_1009 = arith.constant 5 : i32
        %get3A_1010 = arith.index_cast %get3A_1008 : i32 to index
        %get3A_1011 = arith.index_cast %get3A_1009 : i32 to index
        %get3A_1012 = arith.index_cast %scan3A_520 : i32 to index
        %get3A_1013 = arith.constant 64 : index
        %get3A_1014 = tpu.vector_load %arg5[%get3A_1010, %get3A_1011, %get3A_1012, %get3A_1013] {strides = array<i32>} : memref<2x8x24x192xf32, #tpu.memory_space<vmem>>, vector<16xf32>,
        %gt3A_1015 = arith.cmpf ogt, %get3A_1014, %select_n3A_1004 : vector<16xf32>
        %select_n3A_1016 = arith.select %gt3A_1015, %get3A_1014, %select_n3A_1004 : vector<16xi1>, vector<16xf32>
        %broadcast_in_dim3A_1017 = arith.constant 5 : i32
        %broadcast_in_dim3A_1018 = vector.broadcast %broadcast_in_dim3A_1017 : i32 to vector<16xi32>
        %select_n3A_1019 = arith.select %gt3A_1015, %broadcast_in_dim3A_1018, %select_n3A_1007 : vector<16xi1>, vector<16xi32>
        %get3A_1020 = arith.constant 1 : i32
        %get3A_1021 = arith.constant 6 : i32
        %get3A_1022 = arith.index_cast %get3A_1020 : i32 to index
        %get3A_1023 = arith.index_cast %get3A_1021 : i32 to index
        %get3A_1024 = arith.index_cast %scan3A_520 : i32 to index
        %get3A_1025 = arith.constant 64 : index
        %get3A_1026 = tpu.vector_load %arg5[%get3A_1022, %get3A_1023, %get3A_1024, %get3A_1025] {strides = array<i32>} : memref<2x8x24x192xf32, #tpu.memory_space<vmem>>, vector<16xf32>,
        %gt3A_1027 = arith.cmpf ogt, %get3A_1026, %select_n3A_1016 : vector<16xf32>
        %select_n3A_1028 = arith.select %gt3A_1027, %get3A_1026, %select_n3A_1016 : vector<16xi1>, vector<16xf32>
        %broadcast_in_dim3A_1029 = arith.constant 6 : i32
        %broadcast_in_dim3A_1030 = vector.broadcast %broadcast_in_dim3A_1029 : i32 to vector<16xi32>
        %select_n3A_1031 = arith.select %gt3A_1027, %broadcast_in_dim3A_1030, %select_n3A_1019 : vector<16xi1>, vector<16xi32>
        %get3A_1032 = arith.constant 1 : i32
        %get3A_1033 = arith.constant 7 : i32
        %get3A_1034 = arith.index_cast %get3A_1032 : i32 to index
        %get3A_1035 = arith.index_cast %get3A_1033 : i32 to index
        %get3A_1036 = arith.index_cast %scan3A_520 : i32 to index
        %get3A_1037 = arith.constant 64 : index
        %get3A_1038 = tpu.vector_load %arg5[%get3A_1034, %get3A_1035, %get3A_1036, %get3A_1037] {strides = array<i32>} : memref<2x8x24x192xf32, #tpu.memory_space<vmem>>, vector<16xf32>,
        %gt3A_1039 = arith.cmpf ogt, %get3A_1038, %select_n3A_1028 : vector<16xf32>
        %select_n3A_1040 = arith.select %gt3A_1039, %get3A_1038, %select_n3A_1028 : vector<16xi1>, vector<16xf32>
        %broadcast_in_dim3A_1041 = arith.constant 7 : i32
        %broadcast_in_dim3A_1042 = vector.broadcast %broadcast_in_dim3A_1041 : i32 to vector<16xi32>
        %select_n3A_1043 = arith.select %gt3A_1039, %broadcast_in_dim3A_1042, %select_n3A_1031 : vector<16xi1>, vector<16xi32>
        %get3A_1044 = arith.constant 1 : i32
        %get3A_1045 = arith.index_cast %get3A_1044 : i32 to index
        %get3A_1046 = arith.index_cast %scan3A_520 : i32 to index
        %get3A_1047 = arith.constant 64 : index
        %get3A_1048 = tpu.vector_load %arg6[%get3A_1045, %get3A_1046, %get3A_1047] {strides = array<i32>} : memref<2x24x192xi32, #tpu.memory_space<vmem>>, vector<16xi32>,
        %mul3A_1049 = arith.constant 8 : i32
        %mul3A_1050 = vector.broadcast %mul3A_1049 : i32 to vector<16xi32>
        %mul3A_1051 = arith.muli %select_n3A_1043, %mul3A_1050 : vector<16xi32>
        %add3A_1052 = arith.addi %mul3A_1051, %get3A_1048 : vector<16xi32>
        %mul3A_1053 = arith.constant 16 : i32
        %mul3A_1054 = vector.broadcast %mul3A_1053 : i32 to vector<16xi32>
        %mul3A_1055 = arith.muli %add3A_1052, %mul3A_1054 : vector<16xi32>
        %add3A_1056 = vector.broadcast %mul3A_513 : i32 to vector<16xi32>
        %add3A_1057 = arith.addi %add3A_1056, %mul3A_1055 : vector<16xi32>
        %add3A_1058 = arith.addi %add3A_1057, %iota3A : vector<16xi32>
        tpu.vector_store_idx %arg7[%add3A_1058], %broadcast_in_dim3A_10 {add = true} : memref<2048xf32, #tpu.memory_space<vmem>>[vector<16xi32>], vector<16xf32>,
        %get3A_1059 = arith.constant 1 : i32
        %get3A_1060 = arith.constant 0 : i32
        %get3A_1061 = arith.index_cast %get3A_1059 : i32 to index
        %get3A_1062 = arith.index_cast %get3A_1060 : i32 to index
        %get3A_1063 = arith.index_cast %scan3A_520 : i32 to index
        %get3A_1064 = arith.constant 80 : index
        %get3A_1065 = tpu.vector_load %arg5[%get3A_1061, %get3A_1062, %get3A_1063, %get3A_1064] {strides = array<i32>} : memref<2x8x24x192xf32, #tpu.memory_space<vmem>>, vector<16xf32>,
        %broadcast_in_dim3A_1066 = arith.constant 0 : i32
        %broadcast_in_dim3A_1067 = vector.broadcast %broadcast_in_dim3A_1066 : i32 to vector<16xi32>
        %get3A_1068 = arith.constant 1 : i32
        %get3A_1069 = arith.constant 1 : i32
        %get3A_1070 = arith.index_cast %get3A_1068 : i32 to index
        %get3A_1071 = arith.index_cast %get3A_1069 : i32 to index
        %get3A_1072 = arith.index_cast %scan3A_520 : i32 to index
        %get3A_1073 = arith.constant 80 : index
        %get3A_1074 = tpu.vector_load %arg5[%get3A_1070, %get3A_1071, %get3A_1072, %get3A_1073] {strides = array<i32>} : memref<2x8x24x192xf32, #tpu.memory_space<vmem>>, vector<16xf32>,
        %gt3A_1075 = arith.cmpf ogt, %get3A_1074, %get3A_1065 : vector<16xf32>
        %select_n3A_1076 = arith.select %gt3A_1075, %get3A_1074, %get3A_1065 : vector<16xi1>, vector<16xf32>
        %broadcast_in_dim3A_1077 = arith.constant 1 : i32
        %broadcast_in_dim3A_1078 = vector.broadcast %broadcast_in_dim3A_1077 : i32 to vector<16xi32>
        %select_n3A_1079 = arith.select %gt3A_1075, %broadcast_in_dim3A_1078, %broadcast_in_dim3A_1067 : vector<16xi1>, vector<16xi32>
        %get3A_1080 = arith.constant 1 : i32
        %get3A_1081 = arith.constant 2 : i32
        %get3A_1082 = arith.index_cast %get3A_1080 : i32 to index
        %get3A_1083 = arith.index_cast %get3A_1081 : i32 to index
        %get3A_1084 = arith.index_cast %scan3A_520 : i32 to index
        %get3A_1085 = arith.constant 80 : index
        %get3A_1086 = tpu.vector_load %arg5[%get3A_1082, %get3A_1083, %get3A_1084, %get3A_1085] {strides = array<i32>} : memref<2x8x24x192xf32, #tpu.memory_space<vmem>>, vector<16xf32>,
        %gt3A_1087 = arith.cmpf ogt, %get3A_1086, %select_n3A_1076 : vector<16xf32>
        %select_n3A_1088 = arith.select %gt3A_1087, %get3A_1086, %select_n3A_1076 : vector<16xi1>, vector<16xf32>
        %broadcast_in_dim3A_1089 = arith.constant 2 : i32
        %broadcast_in_dim3A_1090 = vector.broadcast %broadcast_in_dim3A_1089 : i32 to vector<16xi32>
        %select_n3A_1091 = arith.select %gt3A_1087, %broadcast_in_dim3A_1090, %select_n3A_1079 : vector<16xi1>, vector<16xi32>
        %get3A_1092 = arith.constant 1 : i32
        %get3A_1093 = arith.constant 3 : i32
        %get3A_1094 = arith.index_cast %get3A_1092 : i32 to index
        %get3A_1095 = arith.index_cast %get3A_1093 : i32 to index
        %get3A_1096 = arith.index_cast %scan3A_520 : i32 to index
        %get3A_1097 = arith.constant 80 : index
        %get3A_1098 = tpu.vector_load %arg5[%get3A_1094, %get3A_1095, %get3A_1096, %get3A_1097] {strides = array<i32>} : memref<2x8x24x192xf32, #tpu.memory_space<vmem>>, vector<16xf32>,
        %gt3A_1099 = arith.cmpf ogt, %get3A_1098, %select_n3A_1088 : vector<16xf32>
        %select_n3A_1100 = arith.select %gt3A_1099, %get3A_1098, %select_n3A_1088 : vector<16xi1>, vector<16xf32>
        %broadcast_in_dim3A_1101 = arith.constant 3 : i32
        %broadcast_in_dim3A_1102 = vector.broadcast %broadcast_in_dim3A_1101 : i32 to vector<16xi32>
        %select_n3A_1103 = arith.select %gt3A_1099, %broadcast_in_dim3A_1102, %select_n3A_1091 : vector<16xi1>, vector<16xi32>
        %get3A_1104 = arith.constant 1 : i32
        %get3A_1105 = arith.constant 4 : i32
        %get3A_1106 = arith.index_cast %get3A_1104 : i32 to index
        %get3A_1107 = arith.index_cast %get3A_1105 : i32 to index
        %get3A_1108 = arith.index_cast %scan3A_520 : i32 to index
        %get3A_1109 = arith.constant 80 : index
        %get3A_1110 = tpu.vector_load %arg5[%get3A_1106, %get3A_1107, %get3A_1108, %get3A_1109] {strides = array<i32>} : memref<2x8x24x192xf32, #tpu.memory_space<vmem>>, vector<16xf32>,
        %gt3A_1111 = arith.cmpf ogt, %get3A_1110, %select_n3A_1100 : vector<16xf32>
        %select_n3A_1112 = arith.select %gt3A_1111, %get3A_1110, %select_n3A_1100 : vector<16xi1>, vector<16xf32>
        %broadcast_in_dim3A_1113 = arith.constant 4 : i32
        %broadcast_in_dim3A_1114 = vector.broadcast %broadcast_in_dim3A_1113 : i32 to vector<16xi32>
        %select_n3A_1115 = arith.select %gt3A_1111, %broadcast_in_dim3A_1114, %select_n3A_1103 : vector<16xi1>, vector<16xi32>
        %get3A_1116 = arith.constant 1 : i32
        %get3A_1117 = arith.constant 5 : i32
        %get3A_1118 = arith.index_cast %get3A_1116 : i32 to index
        %get3A_1119 = arith.index_cast %get3A_1117 : i32 to index
        %get3A_1120 = arith.index_cast %scan3A_520 : i32 to index
        %get3A_1121 = arith.constant 80 : index
        %get3A_1122 = tpu.vector_load %arg5[%get3A_1118, %get3A_1119, %get3A_1120, %get3A_1121] {strides = array<i32>} : memref<2x8x24x192xf32, #tpu.memory_space<vmem>>, vector<16xf32>,
        %gt3A_1123 = arith.cmpf ogt, %get3A_1122, %select_n3A_1112 : vector<16xf32>
        %select_n3A_1124 = arith.select %gt3A_1123, %get3A_1122, %select_n3A_1112 : vector<16xi1>, vector<16xf32>
        %broadcast_in_dim3A_1125 = arith.constant 5 : i32
        %broadcast_in_dim3A_1126 = vector.broadcast %broadcast_in_dim3A_1125 : i32 to vector<16xi32>
        %select_n3A_1127 = arith.select %gt3A_1123, %broadcast_in_dim3A_1126, %select_n3A_1115 : vector<16xi1>, vector<16xi32>
        %get3A_1128 = arith.constant 1 : i32
        %get3A_1129 = arith.constant 6 : i32
        %get3A_1130 = arith.index_cast %get3A_1128 : i32 to index
        %get3A_1131 = arith.index_cast %get3A_1129 : i32 to index
        %get3A_1132 = arith.index_cast %scan3A_520 : i32 to index
        %get3A_1133 = arith.constant 80 : index
        %get3A_1134 = tpu.vector_load %arg5[%get3A_1130, %get3A_1131, %get3A_1132, %get3A_1133] {strides = array<i32>} : memref<2x8x24x192xf32, #tpu.memory_space<vmem>>, vector<16xf32>,
        %gt3A_1135 = arith.cmpf ogt, %get3A_1134, %select_n3A_1124 : vector<16xf32>
        %select_n3A_1136 = arith.select %gt3A_1135, %get3A_1134, %select_n3A_1124 : vector<16xi1>, vector<16xf32>
        %broadcast_in_dim3A_1137 = arith.constant 6 : i32
        %broadcast_in_dim3A_1138 = vector.broadcast %broadcast_in_dim3A_1137 : i32 to vector<16xi32>
        %select_n3A_1139 = arith.select %gt3A_1135, %broadcast_in_dim3A_1138, %select_n3A_1127 : vector<16xi1>, vector<16xi32>
        %get3A_1140 = arith.constant 1 : i32
        %get3A_1141 = arith.constant 7 : i32
        %get3A_1142 = arith.index_cast %get3A_1140 : i32 to index
        %get3A_1143 = arith.index_cast %get3A_1141 : i32 to index
        %get3A_1144 = arith.index_cast %scan3A_520 : i32 to index
        %get3A_1145 = arith.constant 80 : index
        %get3A_1146 = tpu.vector_load %arg5[%get3A_1142, %get3A_1143, %get3A_1144, %get3A_1145] {strides = array<i32>} : memref<2x8x24x192xf32, #tpu.memory_space<vmem>>, vector<16xf32>,
        %gt3A_1147 = arith.cmpf ogt, %get3A_1146, %select_n3A_1136 : vector<16xf32>
        %select_n3A_1148 = arith.select %gt3A_1147, %get3A_1146, %select_n3A_1136 : vector<16xi1>, vector<16xf32>
        %broadcast_in_dim3A_1149 = arith.constant 7 : i32
        %broadcast_in_dim3A_1150 = vector.broadcast %broadcast_in_dim3A_1149 : i32 to vector<16xi32>
        %select_n3A_1151 = arith.select %gt3A_1147, %broadcast_in_dim3A_1150, %select_n3A_1139 : vector<16xi1>, vector<16xi32>
        %get3A_1152 = arith.constant 1 : i32
        %get3A_1153 = arith.index_cast %get3A_1152 : i32 to index
        %get3A_1154 = arith.index_cast %scan3A_520 : i32 to index
        %get3A_1155 = arith.constant 80 : index
        %get3A_1156 = tpu.vector_load %arg6[%get3A_1153, %get3A_1154, %get3A_1155] {strides = array<i32>} : memref<2x24x192xi32, #tpu.memory_space<vmem>>, vector<16xi32>,
        %mul3A_1157 = arith.constant 8 : i32
        %mul3A_1158 = vector.broadcast %mul3A_1157 : i32 to vector<16xi32>
        %mul3A_1159 = arith.muli %select_n3A_1151, %mul3A_1158 : vector<16xi32>
        %add3A_1160 = arith.addi %mul3A_1159, %get3A_1156 : vector<16xi32>
        %mul3A_1161 = arith.constant 16 : i32
        %mul3A_1162 = vector.broadcast %mul3A_1161 : i32 to vector<16xi32>
        %mul3A_1163 = arith.muli %add3A_1160, %mul3A_1162 : vector<16xi32>
        %add3A_1164 = vector.broadcast %mul3A_513 : i32 to vector<16xi32>
        %add3A_1165 = arith.addi %add3A_1164, %mul3A_1163 : vector<16xi32>
        %add3A_1166 = arith.addi %add3A_1165, %iota3A : vector<16xi32>
        tpu.vector_store_idx %arg7[%add3A_1166], %broadcast_in_dim3A_10 {add = true} : memref<2048xf32, #tpu.memory_space<vmem>>[vector<16xi32>], vector<16xf32>,
        %get3A_1167 = arith.constant 1 : i32
        %get3A_1168 = arith.constant 0 : i32
        %get3A_1169 = arith.index_cast %get3A_1167 : i32 to index
        %get3A_1170 = arith.index_cast %get3A_1168 : i32 to index
        %get3A_1171 = arith.index_cast %scan3A_520 : i32 to index
        %get3A_1172 = arith.constant 96 : index
        %get3A_1173 = tpu.vector_load %arg5[%get3A_1169, %get3A_1170, %get3A_1171, %get3A_1172] {strides = array<i32>} : memref<2x8x24x192xf32, #tpu.memory_space<vmem>>, vector<16xf32>,
        %broadcast_in_dim3A_1174 = arith.constant 0 : i32
        %broadcast_in_dim3A_1175 = vector.broadcast %broadcast_in_dim3A_1174 : i32 to vector<16xi32>
        %get3A_1176 = arith.constant 1 : i32
        %get3A_1177 = arith.constant 1 : i32
        %get3A_1178 = arith.index_cast %get3A_1176 : i32 to index
        %get3A_1179 = arith.index_cast %get3A_1177 : i32 to index
        %get3A_1180 = arith.index_cast %scan3A_520 : i32 to index
        %get3A_1181 = arith.constant 96 : index
        %get3A_1182 = tpu.vector_load %arg5[%get3A_1178, %get3A_1179, %get3A_1180, %get3A_1181] {strides = array<i32>} : memref<2x8x24x192xf32, #tpu.memory_space<vmem>>, vector<16xf32>,
        %gt3A_1183 = arith.cmpf ogt, %get3A_1182, %get3A_1173 : vector<16xf32>
        %select_n3A_1184 = arith.select %gt3A_1183, %get3A_1182, %get3A_1173 : vector<16xi1>, vector<16xf32>
        %broadcast_in_dim3A_1185 = arith.constant 1 : i32
        %broadcast_in_dim3A_1186 = vector.broadcast %broadcast_in_dim3A_1185 : i32 to vector<16xi32>
        %select_n3A_1187 = arith.select %gt3A_1183, %broadcast_in_dim3A_1186, %broadcast_in_dim3A_1175 : vector<16xi1>, vector<16xi32>
        %get3A_1188 = arith.constant 1 : i32
        %get3A_1189 = arith.constant 2 : i32
        %get3A_1190 = arith.index_cast %get3A_1188 : i32 to index
        %get3A_1191 = arith.index_cast %get3A_1189 : i32 to index
        %get3A_1192 = arith.index_cast %scan3A_520 : i32 to index
        %get3A_1193 = arith.constant 96 : index
        %get3A_1194 = tpu.vector_load %arg5[%get3A_1190, %get3A_1191, %get3A_1192, %get3A_1193] {strides = array<i32>} : memref<2x8x24x192xf32, #tpu.memory_space<vmem>>, vector<16xf32>,
        %gt3A_1195 = arith.cmpf ogt, %get3A_1194, %select_n3A_1184 : vector<16xf32>
        %select_n3A_1196 = arith.select %gt3A_1195, %get3A_1194, %select_n3A_1184 : vector<16xi1>, vector<16xf32>
        %broadcast_in_dim3A_1197 = arith.constant 2 : i32
        %broadcast_in_dim3A_1198 = vector.broadcast %broadcast_in_dim3A_1197 : i32 to vector<16xi32>
        %select_n3A_1199 = arith.select %gt3A_1195, %broadcast_in_dim3A_1198, %select_n3A_1187 : vector<16xi1>, vector<16xi32>
        %get3A_1200 = arith.constant 1 : i32
        %get3A_1201 = arith.constant 3 : i32
        %get3A_1202 = arith.index_cast %get3A_1200 : i32 to index
        %get3A_1203 = arith.index_cast %get3A_1201 : i32 to index
        %get3A_1204 = arith.index_cast %scan3A_520 : i32 to index
        %get3A_1205 = arith.constant 96 : index
        %get3A_1206 = tpu.vector_load %arg5[%get3A_1202, %get3A_1203, %get3A_1204, %get3A_1205] {strides = array<i32>} : memref<2x8x24x192xf32, #tpu.memory_space<vmem>>, vector<16xf32>,
        %gt3A_1207 = arith.cmpf ogt, %get3A_1206, %select_n3A_1196 : vector<16xf32>
        %select_n3A_1208 = arith.select %gt3A_1207, %get3A_1206, %select_n3A_1196 : vector<16xi1>, vector<16xf32>
        %broadcast_in_dim3A_1209 = arith.constant 3 : i32
        %broadcast_in_dim3A_1210 = vector.broadcast %broadcast_in_dim3A_1209 : i32 to vector<16xi32>
        %select_n3A_1211 = arith.select %gt3A_1207, %broadcast_in_dim3A_1210, %select_n3A_1199 : vector<16xi1>, vector<16xi32>
        %get3A_1212 = arith.constant 1 : i32
        %get3A_1213 = arith.constant 4 : i32
        %get3A_1214 = arith.index_cast %get3A_1212 : i32 to index
        %get3A_1215 = arith.index_cast %get3A_1213 : i32 to index
        %get3A_1216 = arith.index_cast %scan3A_520 : i32 to index
        %get3A_1217 = arith.constant 96 : index
        %get3A_1218 = tpu.vector_load %arg5[%get3A_1214, %get3A_1215, %get3A_1216, %get3A_1217] {strides = array<i32>} : memref<2x8x24x192xf32, #tpu.memory_space<vmem>>, vector<16xf32>,
        %gt3A_1219 = arith.cmpf ogt, %get3A_1218, %select_n3A_1208 : vector<16xf32>
        %select_n3A_1220 = arith.select %gt3A_1219, %get3A_1218, %select_n3A_1208 : vector<16xi1>, vector<16xf32>
        %broadcast_in_dim3A_1221 = arith.constant 4 : i32
        %broadcast_in_dim3A_1222 = vector.broadcast %broadcast_in_dim3A_1221 : i32 to vector<16xi32>
        %select_n3A_1223 = arith.select %gt3A_1219, %broadcast_in_dim3A_1222, %select_n3A_1211 : vector<16xi1>, vector<16xi32>
        %get3A_1224 = arith.constant 1 : i32
        %get3A_1225 = arith.constant 5 : i32
        %get3A_1226 = arith.index_cast %get3A_1224 : i32 to index
        %get3A_1227 = arith.index_cast %get3A_1225 : i32 to index
        %get3A_1228 = arith.index_cast %scan3A_520 : i32 to index
        %get3A_1229 = arith.constant 96 : index
        %get3A_1230 = tpu.vector_load %arg5[%get3A_1226, %get3A_1227, %get3A_1228, %get3A_1229] {strides = array<i32>} : memref<2x8x24x192xf32, #tpu.memory_space<vmem>>, vector<16xf32>,
        %gt3A_1231 = arith.cmpf ogt, %get3A_1230, %select_n3A_1220 : vector<16xf32>
        %select_n3A_1232 = arith.select %gt3A_1231, %get3A_1230, %select_n3A_1220 : vector<16xi1>, vector<16xf32>
        %broadcast_in_dim3A_1233 = arith.constant 5 : i32
        %broadcast_in_dim3A_1234 = vector.broadcast %broadcast_in_dim3A_1233 : i32 to vector<16xi32>
        %select_n3A_1235 = arith.select %gt3A_1231, %broadcast_in_dim3A_1234, %select_n3A_1223 : vector<16xi1>, vector<16xi32>
        %get3A_1236 = arith.constant 1 : i32
        %get3A_1237 = arith.constant 6 : i32
        %get3A_1238 = arith.index_cast %get3A_1236 : i32 to index
        %get3A_1239 = arith.index_cast %get3A_1237 : i32 to index
        %get3A_1240 = arith.index_cast %scan3A_520 : i32 to index
        %get3A_1241 = arith.constant 96 : index
        %get3A_1242 = tpu.vector_load %arg5[%get3A_1238, %get3A_1239, %get3A_1240, %get3A_1241] {strides = array<i32>} : memref<2x8x24x192xf32, #tpu.memory_space<vmem>>, vector<16xf32>,
        %gt3A_1243 = arith.cmpf ogt, %get3A_1242, %select_n3A_1232 : vector<16xf32>
        %select_n3A_1244 = arith.select %gt3A_1243, %get3A_1242, %select_n3A_1232 : vector<16xi1>, vector<16xf32>
        %broadcast_in_dim3A_1245 = arith.constant 6 : i32
        %broadcast_in_dim3A_1246 = vector.broadcast %broadcast_in_dim3A_1245 : i32 to vector<16xi32>
        %select_n3A_1247 = arith.select %gt3A_1243, %broadcast_in_dim3A_1246, %select_n3A_1235 : vector<16xi1>, vector<16xi32>
        %get3A_1248 = arith.constant 1 : i32
        %get3A_1249 = arith.constant 7 : i32
        %get3A_1250 = arith.index_cast %get3A_1248 : i32 to index
        %get3A_1251 = arith.index_cast %get3A_1249 : i32 to index
        %get3A_1252 = arith.index_cast %scan3A_520 : i32 to index
        %get3A_1253 = arith.constant 96 : index
        %get3A_1254 = tpu.vector_load %arg5[%get3A_1250, %get3A_1251, %get3A_1252, %get3A_1253] {strides = array<i32>} : memref<2x8x24x192xf32, #tpu.memory_space<vmem>>, vector<16xf32>,
        %gt3A_1255 = arith.cmpf ogt, %get3A_1254, %select_n3A_1244 : vector<16xf32>
        %select_n3A_1256 = arith.select %gt3A_1255, %get3A_1254, %select_n3A_1244 : vector<16xi1>, vector<16xf32>
        %broadcast_in_dim3A_1257 = arith.constant 7 : i32
        %broadcast_in_dim3A_1258 = vector.broadcast %broadcast_in_dim3A_1257 : i32 to vector<16xi32>
        %select_n3A_1259 = arith.select %gt3A_1255, %broadcast_in_dim3A_1258, %select_n3A_1247 : vector<16xi1>, vector<16xi32>
        %get3A_1260 = arith.constant 1 : i32
        %get3A_1261 = arith.index_cast %get3A_1260 : i32 to index
        %get3A_1262 = arith.index_cast %scan3A_520 : i32 to index
        %get3A_1263 = arith.constant 96 : index
        %get3A_1264 = tpu.vector_load %arg6[%get3A_1261, %get3A_1262, %get3A_1263] {strides = array<i32>} : memref<2x24x192xi32, #tpu.memory_space<vmem>>, vector<16xi32>,
        %mul3A_1265 = arith.constant 8 : i32
        %mul3A_1266 = vector.broadcast %mul3A_1265 : i32 to vector<16xi32>
        %mul3A_1267 = arith.muli %select_n3A_1259, %mul3A_1266 : vector<16xi32>
        %add3A_1268 = arith.addi %mul3A_1267, %get3A_1264 : vector<16xi32>
        %mul3A_1269 = arith.constant 16 : i32
        %mul3A_1270 = vector.broadcast %mul3A_1269 : i32 to vector<16xi32>
        %mul3A_1271 = arith.muli %add3A_1268, %mul3A_1270 : vector<16xi32>
        %add3A_1272 = vector.broadcast %mul3A_513 : i32 to vector<16xi32>
        %add3A_1273 = arith.addi %add3A_1272, %mul3A_1271 : vector<16xi32>
        %add3A_1274 = arith.addi %add3A_1273, %iota3A : vector<16xi32>
        tpu.vector_store_idx %arg7[%add3A_1274], %broadcast_in_dim3A_10 {add = true} : memref<2048xf32, #tpu.memory_space<vmem>>[vector<16xi32>], vector<16xf32>,
        %get3A_1275 = arith.constant 1 : i32
        %get3A_1276 = arith.constant 0 : i32
        %get3A_1277 = arith.index_cast %get3A_1275 : i32 to index
        %get3A_1278 = arith.index_cast %get3A_1276 : i32 to index
        %get3A_1279 = arith.index_cast %scan3A_520 : i32 to index
        %get3A_1280 = arith.constant 112 : index
        %get3A_1281 = tpu.vector_load %arg5[%get3A_1277, %get3A_1278, %get3A_1279, %get3A_1280] {strides = array<i32>} : memref<2x8x24x192xf32, #tpu.memory_space<vmem>>, vector<16xf32>,
        %broadcast_in_dim3A_1282 = arith.constant 0 : i32
        %broadcast_in_dim3A_1283 = vector.broadcast %broadcast_in_dim3A_1282 : i32 to vector<16xi32>
        %get3A_1284 = arith.constant 1 : i32
        %get3A_1285 = arith.constant 1 : i32
        %get3A_1286 = arith.index_cast %get3A_1284 : i32 to index
        %get3A_1287 = arith.index_cast %get3A_1285 : i32 to index
        %get3A_1288 = arith.index_cast %scan3A_520 : i32 to index
        %get3A_1289 = arith.constant 112 : index
        %get3A_1290 = tpu.vector_load %arg5[%get3A_1286, %get3A_1287, %get3A_1288, %get3A_1289] {strides = array<i32>} : memref<2x8x24x192xf32, #tpu.memory_space<vmem>>, vector<16xf32>,
        %gt3A_1291 = arith.cmpf ogt, %get3A_1290, %get3A_1281 : vector<16xf32>
        %select_n3A_1292 = arith.select %gt3A_1291, %get3A_1290, %get3A_1281 : vector<16xi1>, vector<16xf32>
        %broadcast_in_dim3A_1293 = arith.constant 1 : i32
        %broadcast_in_dim3A_1294 = vector.broadcast %broadcast_in_dim3A_1293 : i32 to vector<16xi32>
        %select_n3A_1295 = arith.select %gt3A_1291, %broadcast_in_dim3A_1294, %broadcast_in_dim3A_1283 : vector<16xi1>, vector<16xi32>
        %get3A_1296 = arith.constant 1 : i32
        %get3A_1297 = arith.constant 2 : i32
        %get3A_1298 = arith.index_cast %get3A_1296 : i32 to index
        %get3A_1299 = arith.index_cast %get3A_1297 : i32 to index
        %get3A_1300 = arith.index_cast %scan3A_520 : i32 to index
        %get3A_1301 = arith.constant 112 : index
        %get3A_1302 = tpu.vector_load %arg5[%get3A_1298, %get3A_1299, %get3A_1300, %get3A_1301] {strides = array<i32>} : memref<2x8x24x192xf32, #tpu.memory_space<vmem>>, vector<16xf32>,
        %gt3A_1303 = arith.cmpf ogt, %get3A_1302, %select_n3A_1292 : vector<16xf32>
        %select_n3A_1304 = arith.select %gt3A_1303, %get3A_1302, %select_n3A_1292 : vector<16xi1>, vector<16xf32>
        %broadcast_in_dim3A_1305 = arith.constant 2 : i32
        %broadcast_in_dim3A_1306 = vector.broadcast %broadcast_in_dim3A_1305 : i32 to vector<16xi32>
        %select_n3A_1307 = arith.select %gt3A_1303, %broadcast_in_dim3A_1306, %select_n3A_1295 : vector<16xi1>, vector<16xi32>
        %get3A_1308 = arith.constant 1 : i32
        %get3A_1309 = arith.constant 3 : i32
        %get3A_1310 = arith.index_cast %get3A_1308 : i32 to index
        %get3A_1311 = arith.index_cast %get3A_1309 : i32 to index
        %get3A_1312 = arith.index_cast %scan3A_520 : i32 to index
        %get3A_1313 = arith.constant 112 : index
        %get3A_1314 = tpu.vector_load %arg5[%get3A_1310, %get3A_1311, %get3A_1312, %get3A_1313] {strides = array<i32>} : memref<2x8x24x192xf32, #tpu.memory_space<vmem>>, vector<16xf32>,
        %gt3A_1315 = arith.cmpf ogt, %get3A_1314, %select_n3A_1304 : vector<16xf32>
        %select_n3A_1316 = arith.select %gt3A_1315, %get3A_1314, %select_n3A_1304 : vector<16xi1>, vector<16xf32>
        %broadcast_in_dim3A_1317 = arith.constant 3 : i32
        %broadcast_in_dim3A_1318 = vector.broadcast %broadcast_in_dim3A_1317 : i32 to vector<16xi32>
        %select_n3A_1319 = arith.select %gt3A_1315, %broadcast_in_dim3A_1318, %select_n3A_1307 : vector<16xi1>, vector<16xi32>
        %get3A_1320 = arith.constant 1 : i32
        %get3A_1321 = arith.constant 4 : i32
        %get3A_1322 = arith.index_cast %get3A_1320 : i32 to index
        %get3A_1323 = arith.index_cast %get3A_1321 : i32 to index
        %get3A_1324 = arith.index_cast %scan3A_520 : i32 to index
        %get3A_1325 = arith.constant 112 : index
        %get3A_1326 = tpu.vector_load %arg5[%get3A_1322, %get3A_1323, %get3A_1324, %get3A_1325] {strides = array<i32>} : memref<2x8x24x192xf32, #tpu.memory_space<vmem>>, vector<16xf32>,
        %gt3A_1327 = arith.cmpf ogt, %get3A_1326, %select_n3A_1316 : vector<16xf32>
        %select_n3A_1328 = arith.select %gt3A_1327, %get3A_1326, %select_n3A_1316 : vector<16xi1>, vector<16xf32>
        %broadcast_in_dim3A_1329 = arith.constant 4 : i32
        %broadcast_in_dim3A_1330 = vector.broadcast %broadcast_in_dim3A_1329 : i32 to vector<16xi32>
        %select_n3A_1331 = arith.select %gt3A_1327, %broadcast_in_dim3A_1330, %select_n3A_1319 : vector<16xi1>, vector<16xi32>
        %get3A_1332 = arith.constant 1 : i32
        %get3A_1333 = arith.constant 5 : i32
        %get3A_1334 = arith.index_cast %get3A_1332 : i32 to index
        %get3A_1335 = arith.index_cast %get3A_1333 : i32 to index
        %get3A_1336 = arith.index_cast %scan3A_520 : i32 to index
        %get3A_1337 = arith.constant 112 : index
        %get3A_1338 = tpu.vector_load %arg5[%get3A_1334, %get3A_1335, %get3A_1336, %get3A_1337] {strides = array<i32>} : memref<2x8x24x192xf32, #tpu.memory_space<vmem>>, vector<16xf32>,
        %gt3A_1339 = arith.cmpf ogt, %get3A_1338, %select_n3A_1328 : vector<16xf32>
        %select_n3A_1340 = arith.select %gt3A_1339, %get3A_1338, %select_n3A_1328 : vector<16xi1>, vector<16xf32>
        %broadcast_in_dim3A_1341 = arith.constant 5 : i32
        %broadcast_in_dim3A_1342 = vector.broadcast %broadcast_in_dim3A_1341 : i32 to vector<16xi32>
        %select_n3A_1343 = arith.select %gt3A_1339, %broadcast_in_dim3A_1342, %select_n3A_1331 : vector<16xi1>, vector<16xi32>
        %get3A_1344 = arith.constant 1 : i32
        %get3A_1345 = arith.constant 6 : i32
        %get3A_1346 = arith.index_cast %get3A_1344 : i32 to index
        %get3A_1347 = arith.index_cast %get3A_1345 : i32 to index
        %get3A_1348 = arith.index_cast %scan3A_520 : i32 to index
        %get3A_1349 = arith.constant 112 : index
        %get3A_1350 = tpu.vector_load %arg5[%get3A_1346, %get3A_1347, %get3A_1348, %get3A_1349] {strides = array<i32>} : memref<2x8x24x192xf32, #tpu.memory_space<vmem>>, vector<16xf32>,
        %gt3A_1351 = arith.cmpf ogt, %get3A_1350, %select_n3A_1340 : vector<16xf32>
        %select_n3A_1352 = arith.select %gt3A_1351, %get3A_1350, %select_n3A_1340 : vector<16xi1>, vector<16xf32>
        %broadcast_in_dim3A_1353 = arith.constant 6 : i32
        %broadcast_in_dim3A_1354 = vector.broadcast %broadcast_in_dim3A_1353 : i32 to vector<16xi32>
        %select_n3A_1355 = arith.select %gt3A_1351, %broadcast_in_dim3A_1354, %select_n3A_1343 : vector<16xi1>, vector<16xi32>
        %get3A_1356 = arith.constant 1 : i32
        %get3A_1357 = arith.constant 7 : i32
        %get3A_1358 = arith.index_cast %get3A_1356 : i32 to index
        %get3A_1359 = arith.index_cast %get3A_1357 : i32 to index
        %get3A_1360 = arith.index_cast %scan3A_520 : i32 to index
        %get3A_1361 = arith.constant 112 : index
        %get3A_1362 = tpu.vector_load %arg5[%get3A_1358, %get3A_1359, %get3A_1360, %get3A_1361] {strides = array<i32>} : memref<2x8x24x192xf32, #tpu.memory_space<vmem>>, vector<16xf32>,
        %gt3A_1363 = arith.cmpf ogt, %get3A_1362, %select_n3A_1352 : vector<16xf32>
        %select_n3A_1364 = arith.select %gt3A_1363, %get3A_1362, %select_n3A_1352 : vector<16xi1>, vector<16xf32>
        %broadcast_in_dim3A_1365 = arith.constant 7 : i32
        %broadcast_in_dim3A_1366 = vector.broadcast %broadcast_in_dim3A_1365 : i32 to vector<16xi32>
        %select_n3A_1367 = arith.select %gt3A_1363, %broadcast_in_dim3A_1366, %select_n3A_1355 : vector<16xi1>, vector<16xi32>
        %get3A_1368 = arith.constant 1 : i32
        %get3A_1369 = arith.index_cast %get3A_1368 : i32 to index
        %get3A_1370 = arith.index_cast %scan3A_520 : i32 to index
        %get3A_1371 = arith.constant 112 : index
        %get3A_1372 = tpu.vector_load %arg6[%get3A_1369, %get3A_1370, %get3A_1371] {strides = array<i32>} : memref<2x24x192xi32, #tpu.memory_space<vmem>>, vector<16xi32>,
        %mul3A_1373 = arith.constant 8 : i32
        %mul3A_1374 = vector.broadcast %mul3A_1373 : i32 to vector<16xi32>
        %mul3A_1375 = arith.muli %select_n3A_1367, %mul3A_1374 : vector<16xi32>
        %add3A_1376 = arith.addi %mul3A_1375, %get3A_1372 : vector<16xi32>
        %mul3A_1377 = arith.constant 16 : i32
        %mul3A_1378 = vector.broadcast %mul3A_1377 : i32 to vector<16xi32>
        %mul3A_1379 = arith.muli %add3A_1376, %mul3A_1378 : vector<16xi32>
        %add3A_1380 = vector.broadcast %mul3A_513 : i32 to vector<16xi32>
        %add3A_1381 = arith.addi %add3A_1380, %mul3A_1379 : vector<16xi32>
        %add3A_1382 = arith.addi %add3A_1381, %iota3A : vector<16xi32>
        tpu.vector_store_idx %arg7[%add3A_1382], %broadcast_in_dim3A_10 {add = true} : memref<2048xf32, #tpu.memory_space<vmem>>[vector<16xi32>], vector<16xf32>,
        %get3A_1383 = arith.constant 1 : i32
        %get3A_1384 = arith.constant 0 : i32
        %get3A_1385 = arith.index_cast %get3A_1383 : i32 to index
        %get3A_1386 = arith.index_cast %get3A_1384 : i32 to index
        %get3A_1387 = arith.index_cast %scan3A_520 : i32 to index
        %get3A_1388 = arith.constant 128 : index
        %get3A_1389 = tpu.vector_load %arg5[%get3A_1385, %get3A_1386, %get3A_1387, %get3A_1388] {strides = array<i32>} : memref<2x8x24x192xf32, #tpu.memory_space<vmem>>, vector<16xf32>,
        %broadcast_in_dim3A_1390 = arith.constant 0 : i32
        %broadcast_in_dim3A_1391 = vector.broadcast %broadcast_in_dim3A_1390 : i32 to vector<16xi32>
        %get3A_1392 = arith.constant 1 : i32
        %get3A_1393 = arith.constant 1 : i32
        %get3A_1394 = arith.index_cast %get3A_1392 : i32 to index
        %get3A_1395 = arith.index_cast %get3A_1393 : i32 to index
        %get3A_1396 = arith.index_cast %scan3A_520 : i32 to index
        %get3A_1397 = arith.constant 128 : index
        %get3A_1398 = tpu.vector_load %arg5[%get3A_1394, %get3A_1395, %get3A_1396, %get3A_1397] {strides = array<i32>} : memref<2x8x24x192xf32, #tpu.memory_space<vmem>>, vector<16xf32>,
        %gt3A_1399 = arith.cmpf ogt, %get3A_1398, %get3A_1389 : vector<16xf32>
        %select_n3A_1400 = arith.select %gt3A_1399, %get3A_1398, %get3A_1389 : vector<16xi1>, vector<16xf32>
        %broadcast_in_dim3A_1401 = arith.constant 1 : i32
        %broadcast_in_dim3A_1402 = vector.broadcast %broadcast_in_dim3A_1401 : i32 to vector<16xi32>
        %select_n3A_1403 = arith.select %gt3A_1399, %broadcast_in_dim3A_1402, %broadcast_in_dim3A_1391 : vector<16xi1>, vector<16xi32>
        %get3A_1404 = arith.constant 1 : i32
        %get3A_1405 = arith.constant 2 : i32
        %get3A_1406 = arith.index_cast %get3A_1404 : i32 to index
        %get3A_1407 = arith.index_cast %get3A_1405 : i32 to index
        %get3A_1408 = arith.index_cast %scan3A_520 : i32 to index
        %get3A_1409 = arith.constant 128 : index
        %get3A_1410 = tpu.vector_load %arg5[%get3A_1406, %get3A_1407, %get3A_1408, %get3A_1409] {strides = array<i32>} : memref<2x8x24x192xf32, #tpu.memory_space<vmem>>, vector<16xf32>,
        %gt3A_1411 = arith.cmpf ogt, %get3A_1410, %select_n3A_1400 : vector<16xf32>
        %select_n3A_1412 = arith.select %gt3A_1411, %get3A_1410, %select_n3A_1400 : vector<16xi1>, vector<16xf32>
        %broadcast_in_dim3A_1413 = arith.constant 2 : i32
        %broadcast_in_dim3A_1414 = vector.broadcast %broadcast_in_dim3A_1413 : i32 to vector<16xi32>
        %select_n3A_1415 = arith.select %gt3A_1411, %broadcast_in_dim3A_1414, %select_n3A_1403 : vector<16xi1>, vector<16xi32>
        %get3A_1416 = arith.constant 1 : i32
        %get3A_1417 = arith.constant 3 : i32
        %get3A_1418 = arith.index_cast %get3A_1416 : i32 to index
        %get3A_1419 = arith.index_cast %get3A_1417 : i32 to index
        %get3A_1420 = arith.index_cast %scan3A_520 : i32 to index
        %get3A_1421 = arith.constant 128 : index
        %get3A_1422 = tpu.vector_load %arg5[%get3A_1418, %get3A_1419, %get3A_1420, %get3A_1421] {strides = array<i32>} : memref<2x8x24x192xf32, #tpu.memory_space<vmem>>, vector<16xf32>,
        %gt3A_1423 = arith.cmpf ogt, %get3A_1422, %select_n3A_1412 : vector<16xf32>
        %select_n3A_1424 = arith.select %gt3A_1423, %get3A_1422, %select_n3A_1412 : vector<16xi1>, vector<16xf32>
        %broadcast_in_dim3A_1425 = arith.constant 3 : i32
        %broadcast_in_dim3A_1426 = vector.broadcast %broadcast_in_dim3A_1425 : i32 to vector<16xi32>
        %select_n3A_1427 = arith.select %gt3A_1423, %broadcast_in_dim3A_1426, %select_n3A_1415 : vector<16xi1>, vector<16xi32>
        %get3A_1428 = arith.constant 1 : i32
        %get3A_1429 = arith.constant 4 : i32
        %get3A_1430 = arith.index_cast %get3A_1428 : i32 to index
        %get3A_1431 = arith.index_cast %get3A_1429 : i32 to index
        %get3A_1432 = arith.index_cast %scan3A_520 : i32 to index
        %get3A_1433 = arith.constant 128 : index
        %get3A_1434 = tpu.vector_load %arg5[%get3A_1430, %get3A_1431, %get3A_1432, %get3A_1433] {strides = array<i32>} : memref<2x8x24x192xf32, #tpu.memory_space<vmem>>, vector<16xf32>,
        %gt3A_1435 = arith.cmpf ogt, %get3A_1434, %select_n3A_1424 : vector<16xf32>
        %select_n3A_1436 = arith.select %gt3A_1435, %get3A_1434, %select_n3A_1424 : vector<16xi1>, vector<16xf32>
        %broadcast_in_dim3A_1437 = arith.constant 4 : i32
        %broadcast_in_dim3A_1438 = vector.broadcast %broadcast_in_dim3A_1437 : i32 to vector<16xi32>
        %select_n3A_1439 = arith.select %gt3A_1435, %broadcast_in_dim3A_1438, %select_n3A_1427 : vector<16xi1>, vector<16xi32>
        %get3A_1440 = arith.constant 1 : i32
        %get3A_1441 = arith.constant 5 : i32
        %get3A_1442 = arith.index_cast %get3A_1440 : i32 to index
        %get3A_1443 = arith.index_cast %get3A_1441 : i32 to index
        %get3A_1444 = arith.index_cast %scan3A_520 : i32 to index
        %get3A_1445 = arith.constant 128 : index
        %get3A_1446 = tpu.vector_load %arg5[%get3A_1442, %get3A_1443, %get3A_1444, %get3A_1445] {strides = array<i32>} : memref<2x8x24x192xf32, #tpu.memory_space<vmem>>, vector<16xf32>,
        %gt3A_1447 = arith.cmpf ogt, %get3A_1446, %select_n3A_1436 : vector<16xf32>
        %select_n3A_1448 = arith.select %gt3A_1447, %get3A_1446, %select_n3A_1436 : vector<16xi1>, vector<16xf32>
        %broadcast_in_dim3A_1449 = arith.constant 5 : i32
        %broadcast_in_dim3A_1450 = vector.broadcast %broadcast_in_dim3A_1449 : i32 to vector<16xi32>
        %select_n3A_1451 = arith.select %gt3A_1447, %broadcast_in_dim3A_1450, %select_n3A_1439 : vector<16xi1>, vector<16xi32>
        %get3A_1452 = arith.constant 1 : i32
        %get3A_1453 = arith.constant 6 : i32
        %get3A_1454 = arith.index_cast %get3A_1452 : i32 to index
        %get3A_1455 = arith.index_cast %get3A_1453 : i32 to index
        %get3A_1456 = arith.index_cast %scan3A_520 : i32 to index
        %get3A_1457 = arith.constant 128 : index
        %get3A_1458 = tpu.vector_load %arg5[%get3A_1454, %get3A_1455, %get3A_1456, %get3A_1457] {strides = array<i32>} : memref<2x8x24x192xf32, #tpu.memory_space<vmem>>, vector<16xf32>,
        %gt3A_1459 = arith.cmpf ogt, %get3A_1458, %select_n3A_1448 : vector<16xf32>
        %select_n3A_1460 = arith.select %gt3A_1459, %get3A_1458, %select_n3A_1448 : vector<16xi1>, vector<16xf32>
        %broadcast_in_dim3A_1461 = arith.constant 6 : i32
        %broadcast_in_dim3A_1462 = vector.broadcast %broadcast_in_dim3A_1461 : i32 to vector<16xi32>
        %select_n3A_1463 = arith.select %gt3A_1459, %broadcast_in_dim3A_1462, %select_n3A_1451 : vector<16xi1>, vector<16xi32>
        %get3A_1464 = arith.constant 1 : i32
        %get3A_1465 = arith.constant 7 : i32
        %get3A_1466 = arith.index_cast %get3A_1464 : i32 to index
        %get3A_1467 = arith.index_cast %get3A_1465 : i32 to index
        %get3A_1468 = arith.index_cast %scan3A_520 : i32 to index
        %get3A_1469 = arith.constant 128 : index
        %get3A_1470 = tpu.vector_load %arg5[%get3A_1466, %get3A_1467, %get3A_1468, %get3A_1469] {strides = array<i32>} : memref<2x8x24x192xf32, #tpu.memory_space<vmem>>, vector<16xf32>,
        %gt3A_1471 = arith.cmpf ogt, %get3A_1470, %select_n3A_1460 : vector<16xf32>
        %select_n3A_1472 = arith.select %gt3A_1471, %get3A_1470, %select_n3A_1460 : vector<16xi1>, vector<16xf32>
        %broadcast_in_dim3A_1473 = arith.constant 7 : i32
        %broadcast_in_dim3A_1474 = vector.broadcast %broadcast_in_dim3A_1473 : i32 to vector<16xi32>
        %select_n3A_1475 = arith.select %gt3A_1471, %broadcast_in_dim3A_1474, %select_n3A_1463 : vector<16xi1>, vector<16xi32>
        %get3A_1476 = arith.constant 1 : i32
        %get3A_1477 = arith.index_cast %get3A_1476 : i32 to index
        %get3A_1478 = arith.index_cast %scan3A_520 : i32 to index
        %get3A_1479 = arith.constant 128 : index
        %get3A_1480 = tpu.vector_load %arg6[%get3A_1477, %get3A_1478, %get3A_1479] {strides = array<i32>} : memref<2x24x192xi32, #tpu.memory_space<vmem>>, vector<16xi32>,
        %mul3A_1481 = arith.constant 8 : i32
        %mul3A_1482 = vector.broadcast %mul3A_1481 : i32 to vector<16xi32>
        %mul3A_1483 = arith.muli %select_n3A_1475, %mul3A_1482 : vector<16xi32>
        %add3A_1484 = arith.addi %mul3A_1483, %get3A_1480 : vector<16xi32>
        %mul3A_1485 = arith.constant 16 : i32
        %mul3A_1486 = vector.broadcast %mul3A_1485 : i32 to vector<16xi32>
        %mul3A_1487 = arith.muli %add3A_1484, %mul3A_1486 : vector<16xi32>
        %add3A_1488 = vector.broadcast %mul3A_513 : i32 to vector<16xi32>
        %add3A_1489 = arith.addi %add3A_1488, %mul3A_1487 : vector<16xi32>
        %add3A_1490 = arith.addi %add3A_1489, %iota3A : vector<16xi32>
        tpu.vector_store_idx %arg7[%add3A_1490], %broadcast_in_dim3A_10 {add = true} : memref<2048xf32, #tpu.memory_space<vmem>>[vector<16xi32>], vector<16xf32>,
        %get3A_1491 = arith.constant 1 : i32
        %get3A_1492 = arith.constant 0 : i32
        %get3A_1493 = arith.index_cast %get3A_1491 : i32 to index
        %get3A_1494 = arith.index_cast %get3A_1492 : i32 to index
        %get3A_1495 = arith.index_cast %scan3A_520 : i32 to index
        %get3A_1496 = arith.constant 144 : index
        %get3A_1497 = tpu.vector_load %arg5[%get3A_1493, %get3A_1494, %get3A_1495, %get3A_1496] {strides = array<i32>} : memref<2x8x24x192xf32, #tpu.memory_space<vmem>>, vector<16xf32>,
        %broadcast_in_dim3A_1498 = arith.constant 0 : i32
        %broadcast_in_dim3A_1499 = vector.broadcast %broadcast_in_dim3A_1498 : i32 to vector<16xi32>
        %get3A_1500 = arith.constant 1 : i32
        %get3A_1501 = arith.constant 1 : i32
        %get3A_1502 = arith.index_cast %get3A_1500 : i32 to index
        %get3A_1503 = arith.index_cast %get3A_1501 : i32 to index
        %get3A_1504 = arith.index_cast %scan3A_520 : i32 to index
        %get3A_1505 = arith.constant 144 : index
        %get3A_1506 = tpu.vector_load %arg5[%get3A_1502, %get3A_1503, %get3A_1504, %get3A_1505] {strides = array<i32>} : memref<2x8x24x192xf32, #tpu.memory_space<vmem>>, vector<16xf32>,
        %gt3A_1507 = arith.cmpf ogt, %get3A_1506, %get3A_1497 : vector<16xf32>
        %select_n3A_1508 = arith.select %gt3A_1507, %get3A_1506, %get3A_1497 : vector<16xi1>, vector<16xf32>
        %broadcast_in_dim3A_1509 = arith.constant 1 : i32
        %broadcast_in_dim3A_1510 = vector.broadcast %broadcast_in_dim3A_1509 : i32 to vector<16xi32>
        %select_n3A_1511 = arith.select %gt3A_1507, %broadcast_in_dim3A_1510, %broadcast_in_dim3A_1499 : vector<16xi1>, vector<16xi32>
        %get3A_1512 = arith.constant 1 : i32
        %get3A_1513 = arith.constant 2 : i32
        %get3A_1514 = arith.index_cast %get3A_1512 : i32 to index
        %get3A_1515 = arith.index_cast %get3A_1513 : i32 to index
        %get3A_1516 = arith.index_cast %scan3A_520 : i32 to index
        %get3A_1517 = arith.constant 144 : index
        %get3A_1518 = tpu.vector_load %arg5[%get3A_1514, %get3A_1515, %get3A_1516, %get3A_1517] {strides = array<i32>} : memref<2x8x24x192xf32, #tpu.memory_space<vmem>>, vector<16xf32>,
        %gt3A_1519 = arith.cmpf ogt, %get3A_1518, %select_n3A_1508 : vector<16xf32>
        %select_n3A_1520 = arith.select %gt3A_1519, %get3A_1518, %select_n3A_1508 : vector<16xi1>, vector<16xf32>
        %broadcast_in_dim3A_1521 = arith.constant 2 : i32
        %broadcast_in_dim3A_1522 = vector.broadcast %broadcast_in_dim3A_1521 : i32 to vector<16xi32>
        %select_n3A_1523 = arith.select %gt3A_1519, %broadcast_in_dim3A_1522, %select_n3A_1511 : vector<16xi1>, vector<16xi32>
        %get3A_1524 = arith.constant 1 : i32
        %get3A_1525 = arith.constant 3 : i32
        %get3A_1526 = arith.index_cast %get3A_1524 : i32 to index
        %get3A_1527 = arith.index_cast %get3A_1525 : i32 to index
        %get3A_1528 = arith.index_cast %scan3A_520 : i32 to index
        %get3A_1529 = arith.constant 144 : index
        %get3A_1530 = tpu.vector_load %arg5[%get3A_1526, %get3A_1527, %get3A_1528, %get3A_1529] {strides = array<i32>} : memref<2x8x24x192xf32, #tpu.memory_space<vmem>>, vector<16xf32>,
        %gt3A_1531 = arith.cmpf ogt, %get3A_1530, %select_n3A_1520 : vector<16xf32>
        %select_n3A_1532 = arith.select %gt3A_1531, %get3A_1530, %select_n3A_1520 : vector<16xi1>, vector<16xf32>
        %broadcast_in_dim3A_1533 = arith.constant 3 : i32
        %broadcast_in_dim3A_1534 = vector.broadcast %broadcast_in_dim3A_1533 : i32 to vector<16xi32>
        %select_n3A_1535 = arith.select %gt3A_1531, %broadcast_in_dim3A_1534, %select_n3A_1523 : vector<16xi1>, vector<16xi32>
        %get3A_1536 = arith.constant 1 : i32
        %get3A_1537 = arith.constant 4 : i32
        %get3A_1538 = arith.index_cast %get3A_1536 : i32 to index
        %get3A_1539 = arith.index_cast %get3A_1537 : i32 to index
        %get3A_1540 = arith.index_cast %scan3A_520 : i32 to index
        %get3A_1541 = arith.constant 144 : index
        %get3A_1542 = tpu.vector_load %arg5[%get3A_1538, %get3A_1539, %get3A_1540, %get3A_1541] {strides = array<i32>} : memref<2x8x24x192xf32, #tpu.memory_space<vmem>>, vector<16xf32>,
        %gt3A_1543 = arith.cmpf ogt, %get3A_1542, %select_n3A_1532 : vector<16xf32>
        %select_n3A_1544 = arith.select %gt3A_1543, %get3A_1542, %select_n3A_1532 : vector<16xi1>, vector<16xf32>
        %broadcast_in_dim3A_1545 = arith.constant 4 : i32
        %broadcast_in_dim3A_1546 = vector.broadcast %broadcast_in_dim3A_1545 : i32 to vector<16xi32>
        %select_n3A_1547 = arith.select %gt3A_1543, %broadcast_in_dim3A_1546, %select_n3A_1535 : vector<16xi1>, vector<16xi32>
        %get3A_1548 = arith.constant 1 : i32
        %get3A_1549 = arith.constant 5 : i32
        %get3A_1550 = arith.index_cast %get3A_1548 : i32 to index
        %get3A_1551 = arith.index_cast %get3A_1549 : i32 to index
        %get3A_1552 = arith.index_cast %scan3A_520 : i32 to index
        %get3A_1553 = arith.constant 144 : index
        %get3A_1554 = tpu.vector_load %arg5[%get3A_1550, %get3A_1551, %get3A_1552, %get3A_1553] {strides = array<i32>} : memref<2x8x24x192xf32, #tpu.memory_space<vmem>>, vector<16xf32>,
        %gt3A_1555 = arith.cmpf ogt, %get3A_1554, %select_n3A_1544 : vector<16xf32>
        %select_n3A_1556 = arith.select %gt3A_1555, %get3A_1554, %select_n3A_1544 : vector<16xi1>, vector<16xf32>
        %broadcast_in_dim3A_1557 = arith.constant 5 : i32
        %broadcast_in_dim3A_1558 = vector.broadcast %broadcast_in_dim3A_1557 : i32 to vector<16xi32>
        %select_n3A_1559 = arith.select %gt3A_1555, %broadcast_in_dim3A_1558, %select_n3A_1547 : vector<16xi1>, vector<16xi32>
        %get3A_1560 = arith.constant 1 : i32
        %get3A_1561 = arith.constant 6 : i32
        %get3A_1562 = arith.index_cast %get3A_1560 : i32 to index
        %get3A_1563 = arith.index_cast %get3A_1561 : i32 to index
        %get3A_1564 = arith.index_cast %scan3A_520 : i32 to index
        %get3A_1565 = arith.constant 144 : index
        %get3A_1566 = tpu.vector_load %arg5[%get3A_1562, %get3A_1563, %get3A_1564, %get3A_1565] {strides = array<i32>} : memref<2x8x24x192xf32, #tpu.memory_space<vmem>>, vector<16xf32>,
        %gt3A_1567 = arith.cmpf ogt, %get3A_1566, %select_n3A_1556 : vector<16xf32>
        %select_n3A_1568 = arith.select %gt3A_1567, %get3A_1566, %select_n3A_1556 : vector<16xi1>, vector<16xf32>
        %broadcast_in_dim3A_1569 = arith.constant 6 : i32
        %broadcast_in_dim3A_1570 = vector.broadcast %broadcast_in_dim3A_1569 : i32 to vector<16xi32>
        %select_n3A_1571 = arith.select %gt3A_1567, %broadcast_in_dim3A_1570, %select_n3A_1559 : vector<16xi1>, vector<16xi32>
        %get3A_1572 = arith.constant 1 : i32
        %get3A_1573 = arith.constant 7 : i32
        %get3A_1574 = arith.index_cast %get3A_1572 : i32 to index
        %get3A_1575 = arith.index_cast %get3A_1573 : i32 to index
        %get3A_1576 = arith.index_cast %scan3A_520 : i32 to index
        %get3A_1577 = arith.constant 144 : index
        %get3A_1578 = tpu.vector_load %arg5[%get3A_1574, %get3A_1575, %get3A_1576, %get3A_1577] {strides = array<i32>} : memref<2x8x24x192xf32, #tpu.memory_space<vmem>>, vector<16xf32>,
        %gt3A_1579 = arith.cmpf ogt, %get3A_1578, %select_n3A_1568 : vector<16xf32>
        %select_n3A_1580 = arith.select %gt3A_1579, %get3A_1578, %select_n3A_1568 : vector<16xi1>, vector<16xf32>
        %broadcast_in_dim3A_1581 = arith.constant 7 : i32
        %broadcast_in_dim3A_1582 = vector.broadcast %broadcast_in_dim3A_1581 : i32 to vector<16xi32>
        %select_n3A_1583 = arith.select %gt3A_1579, %broadcast_in_dim3A_1582, %select_n3A_1571 : vector<16xi1>, vector<16xi32>
        %get3A_1584 = arith.constant 1 : i32
        %get3A_1585 = arith.index_cast %get3A_1584 : i32 to index
        %get3A_1586 = arith.index_cast %scan3A_520 : i32 to index
        %get3A_1587 = arith.constant 144 : index
        %get3A_1588 = tpu.vector_load %arg6[%get3A_1585, %get3A_1586, %get3A_1587] {strides = array<i32>} : memref<2x24x192xi32, #tpu.memory_space<vmem>>, vector<16xi32>,
        %mul3A_1589 = arith.constant 8 : i32
        %mul3A_1590 = vector.broadcast %mul3A_1589 : i32 to vector<16xi32>
        %mul3A_1591 = arith.muli %select_n3A_1583, %mul3A_1590 : vector<16xi32>
        %add3A_1592 = arith.addi %mul3A_1591, %get3A_1588 : vector<16xi32>
        %mul3A_1593 = arith.constant 16 : i32
        %mul3A_1594 = vector.broadcast %mul3A_1593 : i32 to vector<16xi32>
        %mul3A_1595 = arith.muli %add3A_1592, %mul3A_1594 : vector<16xi32>
        %add3A_1596 = vector.broadcast %mul3A_513 : i32 to vector<16xi32>
        %add3A_1597 = arith.addi %add3A_1596, %mul3A_1595 : vector<16xi32>
        %add3A_1598 = arith.addi %add3A_1597, %iota3A : vector<16xi32>
        tpu.vector_store_idx %arg7[%add3A_1598], %broadcast_in_dim3A_10 {add = true} : memref<2048xf32, #tpu.memory_space<vmem>>[vector<16xi32>], vector<16xf32>,
        %get3A_1599 = arith.constant 1 : i32
        %get3A_1600 = arith.constant 0 : i32
        %get3A_1601 = arith.index_cast %get3A_1599 : i32 to index
        %get3A_1602 = arith.index_cast %get3A_1600 : i32 to index
        %get3A_1603 = arith.index_cast %scan3A_520 : i32 to index
        %get3A_1604 = arith.constant 160 : index
        %get3A_1605 = tpu.vector_load %arg5[%get3A_1601, %get3A_1602, %get3A_1603, %get3A_1604] {strides = array<i32>} : memref<2x8x24x192xf32, #tpu.memory_space<vmem>>, vector<16xf32>,
        %broadcast_in_dim3A_1606 = arith.constant 0 : i32
        %broadcast_in_dim3A_1607 = vector.broadcast %broadcast_in_dim3A_1606 : i32 to vector<16xi32>
        %get3A_1608 = arith.constant 1 : i32
        %get3A_1609 = arith.constant 1 : i32
        %get3A_1610 = arith.index_cast %get3A_1608 : i32 to index
        %get3A_1611 = arith.index_cast %get3A_1609 : i32 to index
        %get3A_1612 = arith.index_cast %scan3A_520 : i32 to index
        %get3A_1613 = arith.constant 160 : index
        %get3A_1614 = tpu.vector_load %arg5[%get3A_1610, %get3A_1611, %get3A_1612, %get3A_1613] {strides = array<i32>} : memref<2x8x24x192xf32, #tpu.memory_space<vmem>>, vector<16xf32>,
        %gt3A_1615 = arith.cmpf ogt, %get3A_1614, %get3A_1605 : vector<16xf32>
        %select_n3A_1616 = arith.select %gt3A_1615, %get3A_1614, %get3A_1605 : vector<16xi1>, vector<16xf32>
        %broadcast_in_dim3A_1617 = arith.constant 1 : i32
        %broadcast_in_dim3A_1618 = vector.broadcast %broadcast_in_dim3A_1617 : i32 to vector<16xi32>
        %select_n3A_1619 = arith.select %gt3A_1615, %broadcast_in_dim3A_1618, %broadcast_in_dim3A_1607 : vector<16xi1>, vector<16xi32>
        %get3A_1620 = arith.constant 1 : i32
        %get3A_1621 = arith.constant 2 : i32
        %get3A_1622 = arith.index_cast %get3A_1620 : i32 to index
        %get3A_1623 = arith.index_cast %get3A_1621 : i32 to index
        %get3A_1624 = arith.index_cast %scan3A_520 : i32 to index
        %get3A_1625 = arith.constant 160 : index
        %get3A_1626 = tpu.vector_load %arg5[%get3A_1622, %get3A_1623, %get3A_1624, %get3A_1625] {strides = array<i32>} : memref<2x8x24x192xf32, #tpu.memory_space<vmem>>, vector<16xf32>,
        %gt3A_1627 = arith.cmpf ogt, %get3A_1626, %select_n3A_1616 : vector<16xf32>
        %select_n3A_1628 = arith.select %gt3A_1627, %get3A_1626, %select_n3A_1616 : vector<16xi1>, vector<16xf32>
        %broadcast_in_dim3A_1629 = arith.constant 2 : i32
        %broadcast_in_dim3A_1630 = vector.broadcast %broadcast_in_dim3A_1629 : i32 to vector<16xi32>
        %select_n3A_1631 = arith.select %gt3A_1627, %broadcast_in_dim3A_1630, %select_n3A_1619 : vector<16xi1>, vector<16xi32>
        %get3A_1632 = arith.constant 1 : i32
        %get3A_1633 = arith.constant 3 : i32
        %get3A_1634 = arith.index_cast %get3A_1632 : i32 to index
        %get3A_1635 = arith.index_cast %get3A_1633 : i32 to index
        %get3A_1636 = arith.index_cast %scan3A_520 : i32 to index
        %get3A_1637 = arith.constant 160 : index
        %get3A_1638 = tpu.vector_load %arg5[%get3A_1634, %get3A_1635, %get3A_1636, %get3A_1637] {strides = array<i32>} : memref<2x8x24x192xf32, #tpu.memory_space<vmem>>, vector<16xf32>,
        %gt3A_1639 = arith.cmpf ogt, %get3A_1638, %select_n3A_1628 : vector<16xf32>
        %select_n3A_1640 = arith.select %gt3A_1639, %get3A_1638, %select_n3A_1628 : vector<16xi1>, vector<16xf32>
        %broadcast_in_dim3A_1641 = arith.constant 3 : i32
        %broadcast_in_dim3A_1642 = vector.broadcast %broadcast_in_dim3A_1641 : i32 to vector<16xi32>
        %select_n3A_1643 = arith.select %gt3A_1639, %broadcast_in_dim3A_1642, %select_n3A_1631 : vector<16xi1>, vector<16xi32>
        %get3A_1644 = arith.constant 1 : i32
        %get3A_1645 = arith.constant 4 : i32
        %get3A_1646 = arith.index_cast %get3A_1644 : i32 to index
        %get3A_1647 = arith.index_cast %get3A_1645 : i32 to index
        %get3A_1648 = arith.index_cast %scan3A_520 : i32 to index
        %get3A_1649 = arith.constant 160 : index
        %get3A_1650 = tpu.vector_load %arg5[%get3A_1646, %get3A_1647, %get3A_1648, %get3A_1649] {strides = array<i32>} : memref<2x8x24x192xf32, #tpu.memory_space<vmem>>, vector<16xf32>,
        %gt3A_1651 = arith.cmpf ogt, %get3A_1650, %select_n3A_1640 : vector<16xf32>
        %select_n3A_1652 = arith.select %gt3A_1651, %get3A_1650, %select_n3A_1640 : vector<16xi1>, vector<16xf32>
        %broadcast_in_dim3A_1653 = arith.constant 4 : i32
        %broadcast_in_dim3A_1654 = vector.broadcast %broadcast_in_dim3A_1653 : i32 to vector<16xi32>
        %select_n3A_1655 = arith.select %gt3A_1651, %broadcast_in_dim3A_1654, %select_n3A_1643 : vector<16xi1>, vector<16xi32>
        %get3A_1656 = arith.constant 1 : i32
        %get3A_1657 = arith.constant 5 : i32
        %get3A_1658 = arith.index_cast %get3A_1656 : i32 to index
        %get3A_1659 = arith.index_cast %get3A_1657 : i32 to index
        %get3A_1660 = arith.index_cast %scan3A_520 : i32 to index
        %get3A_1661 = arith.constant 160 : index
        %get3A_1662 = tpu.vector_load %arg5[%get3A_1658, %get3A_1659, %get3A_1660, %get3A_1661] {strides = array<i32>} : memref<2x8x24x192xf32, #tpu.memory_space<vmem>>, vector<16xf32>,
        %gt3A_1663 = arith.cmpf ogt, %get3A_1662, %select_n3A_1652 : vector<16xf32>
        %select_n3A_1664 = arith.select %gt3A_1663, %get3A_1662, %select_n3A_1652 : vector<16xi1>, vector<16xf32>
        %broadcast_in_dim3A_1665 = arith.constant 5 : i32
        %broadcast_in_dim3A_1666 = vector.broadcast %broadcast_in_dim3A_1665 : i32 to vector<16xi32>
        %select_n3A_1667 = arith.select %gt3A_1663, %broadcast_in_dim3A_1666, %select_n3A_1655 : vector<16xi1>, vector<16xi32>
        %get3A_1668 = arith.constant 1 : i32
        %get3A_1669 = arith.constant 6 : i32
        %get3A_1670 = arith.index_cast %get3A_1668 : i32 to index
        %get3A_1671 = arith.index_cast %get3A_1669 : i32 to index
        %get3A_1672 = arith.index_cast %scan3A_520 : i32 to index
        %get3A_1673 = arith.constant 160 : index
        %get3A_1674 = tpu.vector_load %arg5[%get3A_1670, %get3A_1671, %get3A_1672, %get3A_1673] {strides = array<i32>} : memref<2x8x24x192xf32, #tpu.memory_space<vmem>>, vector<16xf32>,
        %gt3A_1675 = arith.cmpf ogt, %get3A_1674, %select_n3A_1664 : vector<16xf32>
        %select_n3A_1676 = arith.select %gt3A_1675, %get3A_1674, %select_n3A_1664 : vector<16xi1>, vector<16xf32>
        %broadcast_in_dim3A_1677 = arith.constant 6 : i32
        %broadcast_in_dim3A_1678 = vector.broadcast %broadcast_in_dim3A_1677 : i32 to vector<16xi32>
        %select_n3A_1679 = arith.select %gt3A_1675, %broadcast_in_dim3A_1678, %select_n3A_1667 : vector<16xi1>, vector<16xi32>
        %get3A_1680 = arith.constant 1 : i32
        %get3A_1681 = arith.constant 7 : i32
        %get3A_1682 = arith.index_cast %get3A_1680 : i32 to index
        %get3A_1683 = arith.index_cast %get3A_1681 : i32 to index
        %get3A_1684 = arith.index_cast %scan3A_520 : i32 to index
        %get3A_1685 = arith.constant 160 : index
        %get3A_1686 = tpu.vector_load %arg5[%get3A_1682, %get3A_1683, %get3A_1684, %get3A_1685] {strides = array<i32>} : memref<2x8x24x192xf32, #tpu.memory_space<vmem>>, vector<16xf32>,
        %gt3A_1687 = arith.cmpf ogt, %get3A_1686, %select_n3A_1676 : vector<16xf32>
        %select_n3A_1688 = arith.select %gt3A_1687, %get3A_1686, %select_n3A_1676 : vector<16xi1>, vector<16xf32>
        %broadcast_in_dim3A_1689 = arith.constant 7 : i32
        %broadcast_in_dim3A_1690 = vector.broadcast %broadcast_in_dim3A_1689 : i32 to vector<16xi32>
        %select_n3A_1691 = arith.select %gt3A_1687, %broadcast_in_dim3A_1690, %select_n3A_1679 : vector<16xi1>, vector<16xi32>
        %get3A_1692 = arith.constant 1 : i32
        %get3A_1693 = arith.index_cast %get3A_1692 : i32 to index
        %get3A_1694 = arith.index_cast %scan3A_520 : i32 to index
        %get3A_1695 = arith.constant 160 : index
        %get3A_1696 = tpu.vector_load %arg6[%get3A_1693, %get3A_1694, %get3A_1695] {strides = array<i32>} : memref<2x24x192xi32, #tpu.memory_space<vmem>>, vector<16xi32>,
        %mul3A_1697 = arith.constant 8 : i32
        %mul3A_1698 = vector.broadcast %mul3A_1697 : i32 to vector<16xi32>
        %mul3A_1699 = arith.muli %select_n3A_1691, %mul3A_1698 : vector<16xi32>
        %add3A_1700 = arith.addi %mul3A_1699, %get3A_1696 : vector<16xi32>
        %mul3A_1701 = arith.constant 16 : i32
        %mul3A_1702 = vector.broadcast %mul3A_1701 : i32 to vector<16xi32>
        %mul3A_1703 = arith.muli %add3A_1700, %mul3A_1702 : vector<16xi32>
        %add3A_1704 = vector.broadcast %mul3A_513 : i32 to vector<16xi32>
        %add3A_1705 = arith.addi %add3A_1704, %mul3A_1703 : vector<16xi32>
        %add3A_1706 = arith.addi %add3A_1705, %iota3A : vector<16xi32>
        tpu.vector_store_idx %arg7[%add3A_1706], %broadcast_in_dim3A_10 {add = true} : memref<2048xf32, #tpu.memory_space<vmem>>[vector<16xi32>], vector<16xf32>,
        %get3A_1707 = arith.constant 1 : i32
        %get3A_1708 = arith.constant 0 : i32
        %get3A_1709 = arith.index_cast %get3A_1707 : i32 to index
        %get3A_1710 = arith.index_cast %get3A_1708 : i32 to index
        %get3A_1711 = arith.index_cast %scan3A_520 : i32 to index
        %get3A_1712 = arith.constant 176 : index
        %get3A_1713 = tpu.vector_load %arg5[%get3A_1709, %get3A_1710, %get3A_1711, %get3A_1712] {strides = array<i32>} : memref<2x8x24x192xf32, #tpu.memory_space<vmem>>, vector<16xf32>,
        %broadcast_in_dim3A_1714 = arith.constant 0 : i32
        %broadcast_in_dim3A_1715 = vector.broadcast %broadcast_in_dim3A_1714 : i32 to vector<16xi32>
        %get3A_1716 = arith.constant 1 : i32
        %get3A_1717 = arith.constant 1 : i32
        %get3A_1718 = arith.index_cast %get3A_1716 : i32 to index
        %get3A_1719 = arith.index_cast %get3A_1717 : i32 to index
        %get3A_1720 = arith.index_cast %scan3A_520 : i32 to index
        %get3A_1721 = arith.constant 176 : index
        %get3A_1722 = tpu.vector_load %arg5[%get3A_1718, %get3A_1719, %get3A_1720, %get3A_1721] {strides = array<i32>} : memref<2x8x24x192xf32, #tpu.memory_space<vmem>>, vector<16xf32>,
        %gt3A_1723 = arith.cmpf ogt, %get3A_1722, %get3A_1713 : vector<16xf32>
        %select_n3A_1724 = arith.select %gt3A_1723, %get3A_1722, %get3A_1713 : vector<16xi1>, vector<16xf32>
        %broadcast_in_dim3A_1725 = arith.constant 1 : i32
        %broadcast_in_dim3A_1726 = vector.broadcast %broadcast_in_dim3A_1725 : i32 to vector<16xi32>
        %select_n3A_1727 = arith.select %gt3A_1723, %broadcast_in_dim3A_1726, %broadcast_in_dim3A_1715 : vector<16xi1>, vector<16xi32>
        %get3A_1728 = arith.constant 1 : i32
        %get3A_1729 = arith.constant 2 : i32
        %get3A_1730 = arith.index_cast %get3A_1728 : i32 to index
        %get3A_1731 = arith.index_cast %get3A_1729 : i32 to index
        %get3A_1732 = arith.index_cast %scan3A_520 : i32 to index
        %get3A_1733 = arith.constant 176 : index
        %get3A_1734 = tpu.vector_load %arg5[%get3A_1730, %get3A_1731, %get3A_1732, %get3A_1733] {strides = array<i32>} : memref<2x8x24x192xf32, #tpu.memory_space<vmem>>, vector<16xf32>,
        %gt3A_1735 = arith.cmpf ogt, %get3A_1734, %select_n3A_1724 : vector<16xf32>
        %select_n3A_1736 = arith.select %gt3A_1735, %get3A_1734, %select_n3A_1724 : vector<16xi1>, vector<16xf32>
        %broadcast_in_dim3A_1737 = arith.constant 2 : i32
        %broadcast_in_dim3A_1738 = vector.broadcast %broadcast_in_dim3A_1737 : i32 to vector<16xi32>
        %select_n3A_1739 = arith.select %gt3A_1735, %broadcast_in_dim3A_1738, %select_n3A_1727 : vector<16xi1>, vector<16xi32>
        %get3A_1740 = arith.constant 1 : i32
        %get3A_1741 = arith.constant 3 : i32
        %get3A_1742 = arith.index_cast %get3A_1740 : i32 to index
        %get3A_1743 = arith.index_cast %get3A_1741 : i32 to index
        %get3A_1744 = arith.index_cast %scan3A_520 : i32 to index
        %get3A_1745 = arith.constant 176 : index
        %get3A_1746 = tpu.vector_load %arg5[%get3A_1742, %get3A_1743, %get3A_1744, %get3A_1745] {strides = array<i32>} : memref<2x8x24x192xf32, #tpu.memory_space<vmem>>, vector<16xf32>,
        %gt3A_1747 = arith.cmpf ogt, %get3A_1746, %select_n3A_1736 : vector<16xf32>
        %select_n3A_1748 = arith.select %gt3A_1747, %get3A_1746, %select_n3A_1736 : vector<16xi1>, vector<16xf32>
        %broadcast_in_dim3A_1749 = arith.constant 3 : i32
        %broadcast_in_dim3A_1750 = vector.broadcast %broadcast_in_dim3A_1749 : i32 to vector<16xi32>
        %select_n3A_1751 = arith.select %gt3A_1747, %broadcast_in_dim3A_1750, %select_n3A_1739 : vector<16xi1>, vector<16xi32>
        %get3A_1752 = arith.constant 1 : i32
        %get3A_1753 = arith.constant 4 : i32
        %get3A_1754 = arith.index_cast %get3A_1752 : i32 to index
        %get3A_1755 = arith.index_cast %get3A_1753 : i32 to index
        %get3A_1756 = arith.index_cast %scan3A_520 : i32 to index
        %get3A_1757 = arith.constant 176 : index
        %get3A_1758 = tpu.vector_load %arg5[%get3A_1754, %get3A_1755, %get3A_1756, %get3A_1757] {strides = array<i32>} : memref<2x8x24x192xf32, #tpu.memory_space<vmem>>, vector<16xf32>,
        %gt3A_1759 = arith.cmpf ogt, %get3A_1758, %select_n3A_1748 : vector<16xf32>
        %select_n3A_1760 = arith.select %gt3A_1759, %get3A_1758, %select_n3A_1748 : vector<16xi1>, vector<16xf32>
        %broadcast_in_dim3A_1761 = arith.constant 4 : i32
        %broadcast_in_dim3A_1762 = vector.broadcast %broadcast_in_dim3A_1761 : i32 to vector<16xi32>
        %select_n3A_1763 = arith.select %gt3A_1759, %broadcast_in_dim3A_1762, %select_n3A_1751 : vector<16xi1>, vector<16xi32>
        %get3A_1764 = arith.constant 1 : i32
        %get3A_1765 = arith.constant 5 : i32
        %get3A_1766 = arith.index_cast %get3A_1764 : i32 to index
        %get3A_1767 = arith.index_cast %get3A_1765 : i32 to index
        %get3A_1768 = arith.index_cast %scan3A_520 : i32 to index
        %get3A_1769 = arith.constant 176 : index
        %get3A_1770 = tpu.vector_load %arg5[%get3A_1766, %get3A_1767, %get3A_1768, %get3A_1769] {strides = array<i32>} : memref<2x8x24x192xf32, #tpu.memory_space<vmem>>, vector<16xf32>,
        %gt3A_1771 = arith.cmpf ogt, %get3A_1770, %select_n3A_1760 : vector<16xf32>
        %select_n3A_1772 = arith.select %gt3A_1771, %get3A_1770, %select_n3A_1760 : vector<16xi1>, vector<16xf32>
        %broadcast_in_dim3A_1773 = arith.constant 5 : i32
        %broadcast_in_dim3A_1774 = vector.broadcast %broadcast_in_dim3A_1773 : i32 to vector<16xi32>
        %select_n3A_1775 = arith.select %gt3A_1771, %broadcast_in_dim3A_1774, %select_n3A_1763 : vector<16xi1>, vector<16xi32>
        %get3A_1776 = arith.constant 1 : i32
        %get3A_1777 = arith.constant 6 : i32
        %get3A_1778 = arith.index_cast %get3A_1776 : i32 to index
        %get3A_1779 = arith.index_cast %get3A_1777 : i32 to index
        %get3A_1780 = arith.index_cast %scan3A_520 : i32 to index
        %get3A_1781 = arith.constant 176 : index
        %get3A_1782 = tpu.vector_load %arg5[%get3A_1778, %get3A_1779, %get3A_1780, %get3A_1781] {strides = array<i32>} : memref<2x8x24x192xf32, #tpu.memory_space<vmem>>, vector<16xf32>,
        %gt3A_1783 = arith.cmpf ogt, %get3A_1782, %select_n3A_1772 : vector<16xf32>
        %select_n3A_1784 = arith.select %gt3A_1783, %get3A_1782, %select_n3A_1772 : vector<16xi1>, vector<16xf32>
        %broadcast_in_dim3A_1785 = arith.constant 6 : i32
        %broadcast_in_dim3A_1786 = vector.broadcast %broadcast_in_dim3A_1785 : i32 to vector<16xi32>
        %select_n3A_1787 = arith.select %gt3A_1783, %broadcast_in_dim3A_1786, %select_n3A_1775 : vector<16xi1>, vector<16xi32>
        %get3A_1788 = arith.constant 1 : i32
        %get3A_1789 = arith.constant 7 : i32
        %get3A_1790 = arith.index_cast %get3A_1788 : i32 to index
        %get3A_1791 = arith.index_cast %get3A_1789 : i32 to index
        %get3A_1792 = arith.index_cast %scan3A_520 : i32 to index
        %get3A_1793 = arith.constant 176 : index
        %get3A_1794 = tpu.vector_load %arg5[%get3A_1790, %get3A_1791, %get3A_1792, %get3A_1793] {strides = array<i32>} : memref<2x8x24x192xf32, #tpu.memory_space<vmem>>, vector<16xf32>,
        %gt3A_1795 = arith.cmpf ogt, %get3A_1794, %select_n3A_1784 : vector<16xf32>
        %select_n3A_1796 = arith.select %gt3A_1795, %get3A_1794, %select_n3A_1784 : vector<16xi1>, vector<16xf32>
        %broadcast_in_dim3A_1797 = arith.constant 7 : i32
        %broadcast_in_dim3A_1798 = vector.broadcast %broadcast_in_dim3A_1797 : i32 to vector<16xi32>
        %select_n3A_1799 = arith.select %gt3A_1795, %broadcast_in_dim3A_1798, %select_n3A_1787 : vector<16xi1>, vector<16xi32>
        %get3A_1800 = arith.constant 1 : i32
        %get3A_1801 = arith.index_cast %get3A_1800 : i32 to index
        %get3A_1802 = arith.index_cast %scan3A_520 : i32 to index
        %get3A_1803 = arith.constant 176 : index
        %get3A_1804 = tpu.vector_load %arg6[%get3A_1801, %get3A_1802, %get3A_1803] {strides = array<i32>} : memref<2x24x192xi32, #tpu.memory_space<vmem>>, vector<16xi32>,
        %mul3A_1805 = arith.constant 8 : i32
        %mul3A_1806 = vector.broadcast %mul3A_1805 : i32 to vector<16xi32>
        %mul3A_1807 = arith.muli %select_n3A_1799, %mul3A_1806 : vector<16xi32>
        %add3A_1808 = arith.addi %mul3A_1807, %get3A_1804 : vector<16xi32>
        %mul3A_1809 = arith.constant 16 : i32
        %mul3A_1810 = vector.broadcast %mul3A_1809 : i32 to vector<16xi32>
        %mul3A_1811 = arith.muli %add3A_1808, %mul3A_1810 : vector<16xi32>
        %add3A_1812 = vector.broadcast %mul3A_513 : i32 to vector<16xi32>
        %add3A_1813 = arith.addi %add3A_1812, %mul3A_1811 : vector<16xi32>
        %add3A_1814 = arith.addi %add3A_1813, %iota3A : vector<16xi32>
        tpu.vector_store_idx %arg7[%add3A_1814], %broadcast_in_dim3A_10 {add = true} : memref<2048xf32, #tpu.memory_space<vmem>>[vector<16xi32>], vector<16xf32>,
      }
      %scan3A_519 = arith.constant 24 : i32
    }
    %scan3A_123 = arith.constant 6 : i32
    "tpu.region"() ({
      %run_scoped3A = tpu.sem_alloc : memref<!tpu.dma_semaphore, #tpu.memory_space<semaphore_mem>>
      %dma_start3A_124 = arith.constant 0 : i32
      %dma_start3A_125 = tpu.memref_slice %arg4[%add3A, %dma_start3A_124] : memref<32x2048xf32, #tpu.memory_space<hbm>> -> memref<1x2048xf32, #tpu.memory_space<hbm>>
      %dma_start3A_126 = tpu.memref_squeeze %dma_start3A_125 : memref<1x2048xf32, #tpu.memory_space<hbm>> -> memref<2048xf32, #tpu.memory_space<hbm>>
      %dma_start3A_127 = arith.constant 0 : i32
      %dma_start3A_128 = tpu.memref_slice %arg4[%add3A, %dma_start3A_127] : memref<32x2048xf32, #tpu.memory_space<hbm>> -> memref<1x2048xf32, #tpu.memory_space<hbm>>
      %dma_start3A_129 = tpu.memref_squeeze %dma_start3A_128 : memref<1x2048xf32, #tpu.memory_space<hbm>> -> memref<2048xf32, #tpu.memory_space<hbm>>
      tpu.enqueue_dma source(%arg7 : memref<2048xf32, #tpu.memory_space<vmem>>) target(%dma_start3A_129 : memref<2048xf32, #tpu.memory_space<hbm>>) target_semaphore(%run_scoped3A : memref<!tpu.dma_semaphore, #tpu.memory_space<semaphore_mem>>)
      %dma_wait3A = arith.constant 0 : i32
      %dma_wait3A_130 = tpu.memref_slice %arg4[%add3A, %dma_wait3A] : memref<32x2048xf32, #tpu.memory_space<hbm>> -> memref<1x2048xf32, #tpu.memory_space<hbm>>
      %dma_wait3A_131 = tpu.memref_squeeze %dma_wait3A_130 : memref<1x2048xf32, #tpu.memory_space<hbm>> -> memref<2048xf32, #tpu.memory_space<hbm>>
      %dma_wait3A_132 = arith.constant 0 : i32
      %dma_wait3A_133 = tpu.memref_slice %arg4[%add3A, %dma_wait3A_132] : memref<32x2048xf32, #tpu.memory_space<hbm>> -> memref<1x2048xf32, #tpu.memory_space<hbm>>
      %dma_wait3A_134 = tpu.memref_squeeze %dma_wait3A_133 : memref<1x2048xf32, #tpu.memory_space<hbm>> -> memref<2048xf32, #tpu.memory_space<hbm>>
      tpu.wait_dma2 semaphore(%run_scoped3A : memref<!tpu.dma_semaphore, #tpu.memory_space<semaphore_mem>>) src(%arg7 : memref<2048xf32, #tpu.memory_space<vmem>>) dst(%dma_wait3A_134 : memref<2048xf32, #tpu.memory_space<hbm>>)
      tpu.yield
    }) : () -> ()
    return
  }
}

module attributes {stable_mosaic.version = 14 : i64} {
  func.func @_tc_hist_body(%arg0: i32, %arg1: i32, %arg2: memref<1x8x1536x192xf32, #tpu.memory_space<vmem>>, %arg3: memref<1x1536x192xi32, #tpu.memory_space<vmem>>, %arg4: memref<16x128xf32, #tpu.memory_space<vmem>>) attributes {dimension_semantics = [#tpu.dimension_semantics<arbitrary>, #tpu.dimension_semantics<arbitrary>], iteration_bounds = array<i64: 2, 5>, scalar_prefetch = 0 : i64, scratch_operands = 0 : i64, tpu.core_type = #tpu.core_type<tc>, window_params = [{transform_indices = @transform_0, window_bounds = array<i64: 1, 8, 1536, 192>}, {transform_indices = @transform_1, window_bounds = array<i64: 1, 1536, 192>}, {pipeline_mode = #tpu.pipeline_mode<synchronous>, transform_indices = @transform_2, window_bounds = array<i64: 16, 128>}]} {
    %eq3A = arith.constant 0 : i32
    %eq3A_0 = arith.cmpi eq, %arg0, %eq3A : i32
    %eq3A_1 = arith.constant 0 : i32
    %eq3A_2 = arith.cmpi eq, %arg1, %eq3A_1 : i32
    %and3A = arith.andi %eq3A_0, %eq3A_2 : i1
    %convert_element_type3A = arith.extui %and3A : i1 to i32
    %cond3A = arith.constant 0 : i32
    %cond3A_3 = arith.cmpi ne, %convert_element_type3A, %cond3A : i32
    scf.if %cond3A_3 {
      %broadcast_in_dim3A_290 = arith.constant 0.000000e+00 : f32
      %broadcast_in_dim3A_291 = vector.broadcast %broadcast_in_dim3A_290 : f32 to vector<16x128xf32>
      %swap3A_292 = arith.constant 0 : index
      %swap3A_293 = arith.constant 0 : index
      %swap3A_294 = vector.load %arg4[%swap3A_292, %swap3A_293] : memref<16x128xf32, #tpu.memory_space<vmem>>, vector<16x128xf32>
      tpu.vector_store %arg4[%swap3A_292, %swap3A_293], %broadcast_in_dim3A_291 {strides = array<i32>} : memref<16x128xf32, #tpu.memory_space<vmem>>, vector<16x128xf32>,
    } else {
    }
    %broadcast_in_dim3A = arith.constant 0.000000e+00 : f32
    %broadcast_in_dim3A_4 = vector.broadcast %broadcast_in_dim3A : f32 to vector<8x192xf32>
    %scan3A = arith.constant 0 : i32
    %scan3A_5 = arith.constant 192 : i32
    %scan3A_6 = arith.addi %scan3A, %scan3A_5 : i32
    %scan3A_7 = arith.constant 1 : i32
    %scan3A_8:21 = scf.for %scan3A_290 = %scan3A to %scan3A_6 step %scan3A_7 iter_args(%scan3A_291 = %broadcast_in_dim3A_4, %scan3A_292 = %broadcast_in_dim3A_4, %scan3A_293 = %broadcast_in_dim3A_4, %scan3A_294 = %broadcast_in_dim3A_4, %scan3A_295 = %broadcast_in_dim3A_4, %scan3A_296 = %broadcast_in_dim3A_4, %scan3A_297 = %broadcast_in_dim3A_4, %scan3A_298 = %broadcast_in_dim3A_4, %scan3A_299 = %broadcast_in_dim3A_4, %scan3A_300 = %broadcast_in_dim3A_4, %scan3A_301 = %broadcast_in_dim3A_4, %scan3A_302 = %broadcast_in_dim3A_4, %scan3A_303 = %broadcast_in_dim3A_4, %scan3A_304 = %broadcast_in_dim3A_4, %scan3A_305 = %broadcast_in_dim3A_4, %scan3A_306 = %broadcast_in_dim3A_4, %scan3A_307 = %broadcast_in_dim3A_4, %scan3A_308 = %broadcast_in_dim3A_4, %scan3A_309 = %broadcast_in_dim3A_4, %scan3A_310 = %broadcast_in_dim3A_4, %scan3A_311 = %broadcast_in_dim3A_4) -> (vector<8x192xf32>, vector<8x192xf32>, vector<8x192xf32>, vector<8x192xf32>, vector<8x192xf32>, vector<8x192xf32>, vector<8x192xf32>, vector<8x192xf32>, vector<8x192xf32>, vector<8x192xf32>, vector<8x192xf32>, vector<8x192xf32>, vector<8x192xf32>, vector<8x192xf32>, vector<8x192xf32>, vector<8x192xf32>, vector<8x192xf32>, vector<8x192xf32>, vector<8x192xf32>, vector<8x192xf32>, vector<8x192xf32>)  : i32 {
      %mul3A_312 = arith.constant 8 : i32
      %mul3A_313 = arith.muli %scan3A_290, %mul3A_312 : i32
      %get3A_314 = arith.constant 0 : index
      %get3A_315 = arith.constant 0 : index
      %get3A_316 = arith.index_cast %mul3A_313 : i32 to index
      %get3A_317 = arith.constant 0 : index
      %get3A_318 = vector.load %arg2[%get3A_314, %get3A_315, %get3A_316, %get3A_317] : memref<1x8x1536x192xf32, #tpu.memory_space<vmem>>, vector<1x8x8x192xf32>
      %get3A_319 = vector.shape_cast %get3A_318 : vector<1x8x8x192xf32> to vector<8x8x192xf32>
      %mul3A_320 = arith.constant 8 : i32
      %mul3A_321 = arith.muli %scan3A_290, %mul3A_320 : i32
      %get3A_322 = arith.constant 0 : index
      %get3A_323 = arith.index_cast %mul3A_321 : i32 to index
      %get3A_324 = arith.constant 0 : index
      %get3A_325 = vector.load %arg3[%get3A_322, %get3A_323, %get3A_324] : memref<1x1536x192xi32, #tpu.memory_space<vmem>>, vector<1x8x192xi32>
      %get3A_326 = vector.shape_cast %get3A_325 : vector<1x8x192xi32> to vector<8x192xi32>
      %slice3A = vector.extract_strided_slice %get3A_319 {offsets = [0, 0, 0], sizes = [1, 8, 192], strides = [1, 1, 1]} : vector<8x8x192xf32> to vector<1x8x192xf32>
      %squeeze3A = vector.shape_cast %slice3A : vector<1x8x192xf32> to vector<8x192xf32>
      %broadcast_in_dim3A_327 = arith.constant 0 : i32
      %broadcast_in_dim3A_328 = vector.broadcast %broadcast_in_dim3A_327 : i32 to vector<8x192xi32>
      %slice3A_329 = vector.extract_strided_slice %get3A_319 {offsets = [1, 0, 0], sizes = [1, 8, 192], strides = [1, 1, 1]} : vector<8x8x192xf32> to vector<1x8x192xf32>
      %squeeze3A_330 = vector.shape_cast %slice3A_329 : vector<1x8x192xf32> to vector<8x192xf32>
      %gt3A = arith.cmpf ogt, %squeeze3A_330, %squeeze3A : vector<8x192xf32>
      %select_n3A_331 = arith.select %gt3A, %squeeze3A_330, %squeeze3A : vector<8x192xi1>, vector<8x192xf32>
      %jit3A_332 = arith.constant 1 : i32
      %broadcast_in_dim3A_333 = vector.broadcast %jit3A_332 : i32 to vector<8x192xi32>
      %select_n3A_334 = arith.select %gt3A, %broadcast_in_dim3A_333, %broadcast_in_dim3A_328 : vector<8x192xi1>, vector<8x192xi32>
      %slice3A_335 = vector.extract_strided_slice %get3A_319 {offsets = [2, 0, 0], sizes = [1, 8, 192], strides = [1, 1, 1]} : vector<8x8x192xf32> to vector<1x8x192xf32>
      %squeeze3A_336 = vector.shape_cast %slice3A_335 : vector<1x8x192xf32> to vector<8x192xf32>
      %gt3A_337 = arith.cmpf ogt, %squeeze3A_336, %select_n3A_331 : vector<8x192xf32>
      %select_n3A_338 = arith.select %gt3A_337, %squeeze3A_336, %select_n3A_331 : vector<8x192xi1>, vector<8x192xf32>
      %jit3A_339 = arith.constant 2 : i32
      %broadcast_in_dim3A_340 = vector.broadcast %jit3A_339 : i32 to vector<8x192xi32>
      %select_n3A_341 = arith.select %gt3A_337, %broadcast_in_dim3A_340, %select_n3A_334 : vector<8x192xi1>, vector<8x192xi32>
      %slice3A_342 = vector.extract_strided_slice %get3A_319 {offsets = [3, 0, 0], sizes = [1, 8, 192], strides = [1, 1, 1]} : vector<8x8x192xf32> to vector<1x8x192xf32>
      %squeeze3A_343 = vector.shape_cast %slice3A_342 : vector<1x8x192xf32> to vector<8x192xf32>
      %gt3A_344 = arith.cmpf ogt, %squeeze3A_343, %select_n3A_338 : vector<8x192xf32>
      %select_n3A_345 = arith.select %gt3A_344, %squeeze3A_343, %select_n3A_338 : vector<8x192xi1>, vector<8x192xf32>
      %jit3A_346 = arith.constant 3 : i32
      %broadcast_in_dim3A_347 = vector.broadcast %jit3A_346 : i32 to vector<8x192xi32>
      %select_n3A_348 = arith.select %gt3A_344, %broadcast_in_dim3A_347, %select_n3A_341 : vector<8x192xi1>, vector<8x192xi32>
      %slice3A_349 = vector.extract_strided_slice %get3A_319 {offsets = [4, 0, 0], sizes = [1, 8, 192], strides = [1, 1, 1]} : vector<8x8x192xf32> to vector<1x8x192xf32>
      %squeeze3A_350 = vector.shape_cast %slice3A_349 : vector<1x8x192xf32> to vector<8x192xf32>
      %gt3A_351 = arith.cmpf ogt, %squeeze3A_350, %select_n3A_345 : vector<8x192xf32>
      %select_n3A_352 = arith.select %gt3A_351, %squeeze3A_350, %select_n3A_345 : vector<8x192xi1>, vector<8x192xf32>
      %jit3A_353 = arith.constant 4 : i32
      %broadcast_in_dim3A_354 = vector.broadcast %jit3A_353 : i32 to vector<8x192xi32>
      %select_n3A_355 = arith.select %gt3A_351, %broadcast_in_dim3A_354, %select_n3A_348 : vector<8x192xi1>, vector<8x192xi32>
      %slice3A_356 = vector.extract_strided_slice %get3A_319 {offsets = [5, 0, 0], sizes = [1, 8, 192], strides = [1, 1, 1]} : vector<8x8x192xf32> to vector<1x8x192xf32>
      %squeeze3A_357 = vector.shape_cast %slice3A_356 : vector<1x8x192xf32> to vector<8x192xf32>
      %gt3A_358 = arith.cmpf ogt, %squeeze3A_357, %select_n3A_352 : vector<8x192xf32>
      %select_n3A_359 = arith.select %gt3A_358, %squeeze3A_357, %select_n3A_352 : vector<8x192xi1>, vector<8x192xf32>
      %jit3A_360 = arith.constant 5 : i32
      %broadcast_in_dim3A_361 = vector.broadcast %jit3A_360 : i32 to vector<8x192xi32>
      %select_n3A_362 = arith.select %gt3A_358, %broadcast_in_dim3A_361, %select_n3A_355 : vector<8x192xi1>, vector<8x192xi32>
      %slice3A_363 = vector.extract_strided_slice %get3A_319 {offsets = [6, 0, 0], sizes = [1, 8, 192], strides = [1, 1, 1]} : vector<8x8x192xf32> to vector<1x8x192xf32>
      %squeeze3A_364 = vector.shape_cast %slice3A_363 : vector<1x8x192xf32> to vector<8x192xf32>
      %gt3A_365 = arith.cmpf ogt, %squeeze3A_364, %select_n3A_359 : vector<8x192xf32>
      %select_n3A_366 = arith.select %gt3A_365, %squeeze3A_364, %select_n3A_359 : vector<8x192xi1>, vector<8x192xf32>
      %jit3A_367 = arith.constant 6 : i32
      %broadcast_in_dim3A_368 = vector.broadcast %jit3A_367 : i32 to vector<8x192xi32>
      %select_n3A_369 = arith.select %gt3A_365, %broadcast_in_dim3A_368, %select_n3A_362 : vector<8x192xi1>, vector<8x192xi32>
      %slice3A_370 = vector.extract_strided_slice %get3A_319 {offsets = [7, 0, 0], sizes = [1, 8, 192], strides = [1, 1, 1]} : vector<8x8x192xf32> to vector<1x8x192xf32>
      %squeeze3A_371 = vector.shape_cast %slice3A_370 : vector<1x8x192xf32> to vector<8x192xf32>
      %gt3A_372 = arith.cmpf ogt, %squeeze3A_371, %select_n3A_366 : vector<8x192xf32>
      %jit3A_373 = arith.constant 7 : i32
      %broadcast_in_dim3A_374 = vector.broadcast %jit3A_373 : i32 to vector<8x192xi32>
      %select_n3A_375 = arith.select %gt3A_372, %broadcast_in_dim3A_374, %select_n3A_369 : vector<8x192xi1>, vector<8x192xi32>
      %eq3A_376 = arith.constant 1 : i32
      %eq3A_377 = vector.broadcast %eq3A_376 : i32 to vector<8x192xi32>
      %eq3A_378 = arith.cmpi eq, %select_n3A_375, %eq3A_377 : vector<8x192xi32>
      %eq3A_379 = arith.constant 1 : i32
      %eq3A_380 = vector.broadcast %eq3A_379 : i32 to vector<8x192xi32>
      %eq3A_381 = arith.cmpi eq, %get3A_326, %eq3A_380 : vector<8x192xi32>
      %and3A_382 = arith.andi %eq3A_378, %eq3A_381 : vector<8x192xi1>
      %jit3A_383 = arith.constant 1.000000e+00 : f32
      %jit3A_384 = arith.constant 0.000000e+00 : f32
      %broadcast_in_dim3A_385 = vector.broadcast %jit3A_383 : f32 to vector<8x192xf32>
      %broadcast_in_dim3A_386 = vector.broadcast %jit3A_384 : f32 to vector<8x192xf32>
      %select_n3A_387 = arith.select %and3A_382, %broadcast_in_dim3A_385, %broadcast_in_dim3A_386 : vector<8x192xi1>, vector<8x192xf32>
      %add3A_388 = arith.addf %scan3A_291, %select_n3A_387 : vector<8x192xf32>
      %jit3A_389 = arith.constant 1.000000e+00 : f32
      %jit3A_390 = arith.constant 0.000000e+00 : f32
      %broadcast_in_dim3A_391 = vector.broadcast %jit3A_389 : f32 to vector<8x192xf32>
      %broadcast_in_dim3A_392 = vector.broadcast %jit3A_390 : f32 to vector<8x192xf32>
      %select_n3A_393 = arith.select %eq3A_378, %broadcast_in_dim3A_391, %broadcast_in_dim3A_392 : vector<8x192xi1>, vector<8x192xf32>
      %add3A_394 = arith.addf %scan3A_292, %select_n3A_393 : vector<8x192xf32>
      %jit3A_395 = arith.constant 1.000000e+00 : f32
      %jit3A_396 = arith.constant 0.000000e+00 : f32
      %broadcast_in_dim3A_397 = vector.broadcast %jit3A_395 : f32 to vector<8x192xf32>
      %broadcast_in_dim3A_398 = vector.broadcast %jit3A_396 : f32 to vector<8x192xf32>
      %select_n3A_399 = arith.select %eq3A_381, %broadcast_in_dim3A_397, %broadcast_in_dim3A_398 : vector<8x192xi1>, vector<8x192xf32>
      %add3A_400 = arith.addf %scan3A_293, %select_n3A_399 : vector<8x192xf32>
      %eq3A_401 = arith.constant 2 : i32
      %eq3A_402 = vector.broadcast %eq3A_401 : i32 to vector<8x192xi32>
      %eq3A_403 = arith.cmpi eq, %select_n3A_375, %eq3A_402 : vector<8x192xi32>
      %eq3A_404 = arith.constant 2 : i32
      %eq3A_405 = vector.broadcast %eq3A_404 : i32 to vector<8x192xi32>
      %eq3A_406 = arith.cmpi eq, %get3A_326, %eq3A_405 : vector<8x192xi32>
      %and3A_407 = arith.andi %eq3A_403, %eq3A_406 : vector<8x192xi1>
      %jit3A_408 = arith.constant 1.000000e+00 : f32
      %jit3A_409 = arith.constant 0.000000e+00 : f32
      %broadcast_in_dim3A_410 = vector.broadcast %jit3A_408 : f32 to vector<8x192xf32>
      %broadcast_in_dim3A_411 = vector.broadcast %jit3A_409 : f32 to vector<8x192xf32>
      %select_n3A_412 = arith.select %and3A_407, %broadcast_in_dim3A_410, %broadcast_in_dim3A_411 : vector<8x192xi1>, vector<8x192xf32>
      %add3A_413 = arith.addf %scan3A_294, %select_n3A_412 : vector<8x192xf32>
      %jit3A_414 = arith.constant 1.000000e+00 : f32
      %jit3A_415 = arith.constant 0.000000e+00 : f32
      %broadcast_in_dim3A_416 = vector.broadcast %jit3A_414 : f32 to vector<8x192xf32>
      %broadcast_in_dim3A_417 = vector.broadcast %jit3A_415 : f32 to vector<8x192xf32>
      %select_n3A_418 = arith.select %eq3A_403, %broadcast_in_dim3A_416, %broadcast_in_dim3A_417 : vector<8x192xi1>, vector<8x192xf32>
      %add3A_419 = arith.addf %scan3A_295, %select_n3A_418 : vector<8x192xf32>
      %jit3A_420 = arith.constant 1.000000e+00 : f32
      %jit3A_421 = arith.constant 0.000000e+00 : f32
      %broadcast_in_dim3A_422 = vector.broadcast %jit3A_420 : f32 to vector<8x192xf32>
      %broadcast_in_dim3A_423 = vector.broadcast %jit3A_421 : f32 to vector<8x192xf32>
      %select_n3A_424 = arith.select %eq3A_406, %broadcast_in_dim3A_422, %broadcast_in_dim3A_423 : vector<8x192xi1>, vector<8x192xf32>
      %add3A_425 = arith.addf %scan3A_296, %select_n3A_424 : vector<8x192xf32>
      %eq3A_426 = arith.constant 3 : i32
      %eq3A_427 = vector.broadcast %eq3A_426 : i32 to vector<8x192xi32>
      %eq3A_428 = arith.cmpi eq, %select_n3A_375, %eq3A_427 : vector<8x192xi32>
      %eq3A_429 = arith.constant 3 : i32
      %eq3A_430 = vector.broadcast %eq3A_429 : i32 to vector<8x192xi32>
      %eq3A_431 = arith.cmpi eq, %get3A_326, %eq3A_430 : vector<8x192xi32>
      %and3A_432 = arith.andi %eq3A_428, %eq3A_431 : vector<8x192xi1>
      %jit3A_433 = arith.constant 1.000000e+00 : f32
      %jit3A_434 = arith.constant 0.000000e+00 : f32
      %broadcast_in_dim3A_435 = vector.broadcast %jit3A_433 : f32 to vector<8x192xf32>
      %broadcast_in_dim3A_436 = vector.broadcast %jit3A_434 : f32 to vector<8x192xf32>
      %select_n3A_437 = arith.select %and3A_432, %broadcast_in_dim3A_435, %broadcast_in_dim3A_436 : vector<8x192xi1>, vector<8x192xf32>
      %add3A_438 = arith.addf %scan3A_297, %select_n3A_437 : vector<8x192xf32>
      %jit3A_439 = arith.constant 1.000000e+00 : f32
      %jit3A_440 = arith.constant 0.000000e+00 : f32
      %broadcast_in_dim3A_441 = vector.broadcast %jit3A_439 : f32 to vector<8x192xf32>
      %broadcast_in_dim3A_442 = vector.broadcast %jit3A_440 : f32 to vector<8x192xf32>
      %select_n3A_443 = arith.select %eq3A_428, %broadcast_in_dim3A_441, %broadcast_in_dim3A_442 : vector<8x192xi1>, vector<8x192xf32>
      %add3A_444 = arith.addf %scan3A_298, %select_n3A_443 : vector<8x192xf32>
      %jit3A_445 = arith.constant 1.000000e+00 : f32
      %jit3A_446 = arith.constant 0.000000e+00 : f32
      %broadcast_in_dim3A_447 = vector.broadcast %jit3A_445 : f32 to vector<8x192xf32>
      %broadcast_in_dim3A_448 = vector.broadcast %jit3A_446 : f32 to vector<8x192xf32>
      %select_n3A_449 = arith.select %eq3A_431, %broadcast_in_dim3A_447, %broadcast_in_dim3A_448 : vector<8x192xi1>, vector<8x192xf32>
      %add3A_450 = arith.addf %scan3A_299, %select_n3A_449 : vector<8x192xf32>
      %eq3A_451 = arith.constant 4 : i32
      %eq3A_452 = vector.broadcast %eq3A_451 : i32 to vector<8x192xi32>
      %eq3A_453 = arith.cmpi eq, %select_n3A_375, %eq3A_452 : vector<8x192xi32>
      %eq3A_454 = arith.constant 4 : i32
      %eq3A_455 = vector.broadcast %eq3A_454 : i32 to vector<8x192xi32>
      %eq3A_456 = arith.cmpi eq, %get3A_326, %eq3A_455 : vector<8x192xi32>
      %and3A_457 = arith.andi %eq3A_453, %eq3A_456 : vector<8x192xi1>
      %jit3A_458 = arith.constant 1.000000e+00 : f32
      %jit3A_459 = arith.constant 0.000000e+00 : f32
      %broadcast_in_dim3A_460 = vector.broadcast %jit3A_458 : f32 to vector<8x192xf32>
      %broadcast_in_dim3A_461 = vector.broadcast %jit3A_459 : f32 to vector<8x192xf32>
      %select_n3A_462 = arith.select %and3A_457, %broadcast_in_dim3A_460, %broadcast_in_dim3A_461 : vector<8x192xi1>, vector<8x192xf32>
      %add3A_463 = arith.addf %scan3A_300, %select_n3A_462 : vector<8x192xf32>
      %jit3A_464 = arith.constant 1.000000e+00 : f32
      %jit3A_465 = arith.constant 0.000000e+00 : f32
      %broadcast_in_dim3A_466 = vector.broadcast %jit3A_464 : f32 to vector<8x192xf32>
      %broadcast_in_dim3A_467 = vector.broadcast %jit3A_465 : f32 to vector<8x192xf32>
      %select_n3A_468 = arith.select %eq3A_453, %broadcast_in_dim3A_466, %broadcast_in_dim3A_467 : vector<8x192xi1>, vector<8x192xf32>
      %add3A_469 = arith.addf %scan3A_301, %select_n3A_468 : vector<8x192xf32>
      %jit3A_470 = arith.constant 1.000000e+00 : f32
      %jit3A_471 = arith.constant 0.000000e+00 : f32
      %broadcast_in_dim3A_472 = vector.broadcast %jit3A_470 : f32 to vector<8x192xf32>
      %broadcast_in_dim3A_473 = vector.broadcast %jit3A_471 : f32 to vector<8x192xf32>
      %select_n3A_474 = arith.select %eq3A_456, %broadcast_in_dim3A_472, %broadcast_in_dim3A_473 : vector<8x192xi1>, vector<8x192xf32>
      %add3A_475 = arith.addf %scan3A_302, %select_n3A_474 : vector<8x192xf32>
      %eq3A_476 = arith.constant 5 : i32
      %eq3A_477 = vector.broadcast %eq3A_476 : i32 to vector<8x192xi32>
      %eq3A_478 = arith.cmpi eq, %select_n3A_375, %eq3A_477 : vector<8x192xi32>
      %eq3A_479 = arith.constant 5 : i32
      %eq3A_480 = vector.broadcast %eq3A_479 : i32 to vector<8x192xi32>
      %eq3A_481 = arith.cmpi eq, %get3A_326, %eq3A_480 : vector<8x192xi32>
      %and3A_482 = arith.andi %eq3A_478, %eq3A_481 : vector<8x192xi1>
      %jit3A_483 = arith.constant 1.000000e+00 : f32
      %jit3A_484 = arith.constant 0.000000e+00 : f32
      %broadcast_in_dim3A_485 = vector.broadcast %jit3A_483 : f32 to vector<8x192xf32>
      %broadcast_in_dim3A_486 = vector.broadcast %jit3A_484 : f32 to vector<8x192xf32>
      %select_n3A_487 = arith.select %and3A_482, %broadcast_in_dim3A_485, %broadcast_in_dim3A_486 : vector<8x192xi1>, vector<8x192xf32>
      %add3A_488 = arith.addf %scan3A_303, %select_n3A_487 : vector<8x192xf32>
      %jit3A_489 = arith.constant 1.000000e+00 : f32
      %jit3A_490 = arith.constant 0.000000e+00 : f32
      %broadcast_in_dim3A_491 = vector.broadcast %jit3A_489 : f32 to vector<8x192xf32>
      %broadcast_in_dim3A_492 = vector.broadcast %jit3A_490 : f32 to vector<8x192xf32>
      %select_n3A_493 = arith.select %eq3A_478, %broadcast_in_dim3A_491, %broadcast_in_dim3A_492 : vector<8x192xi1>, vector<8x192xf32>
      %add3A_494 = arith.addf %scan3A_304, %select_n3A_493 : vector<8x192xf32>
      %jit3A_495 = arith.constant 1.000000e+00 : f32
      %jit3A_496 = arith.constant 0.000000e+00 : f32
      %broadcast_in_dim3A_497 = vector.broadcast %jit3A_495 : f32 to vector<8x192xf32>
      %broadcast_in_dim3A_498 = vector.broadcast %jit3A_496 : f32 to vector<8x192xf32>
      %select_n3A_499 = arith.select %eq3A_481, %broadcast_in_dim3A_497, %broadcast_in_dim3A_498 : vector<8x192xi1>, vector<8x192xf32>
      %add3A_500 = arith.addf %scan3A_305, %select_n3A_499 : vector<8x192xf32>
      %eq3A_501 = arith.constant 6 : i32
      %eq3A_502 = vector.broadcast %eq3A_501 : i32 to vector<8x192xi32>
      %eq3A_503 = arith.cmpi eq, %select_n3A_375, %eq3A_502 : vector<8x192xi32>
      %eq3A_504 = arith.constant 6 : i32
      %eq3A_505 = vector.broadcast %eq3A_504 : i32 to vector<8x192xi32>
      %eq3A_506 = arith.cmpi eq, %get3A_326, %eq3A_505 : vector<8x192xi32>
      %and3A_507 = arith.andi %eq3A_503, %eq3A_506 : vector<8x192xi1>
      %jit3A_508 = arith.constant 1.000000e+00 : f32
      %jit3A_509 = arith.constant 0.000000e+00 : f32
      %broadcast_in_dim3A_510 = vector.broadcast %jit3A_508 : f32 to vector<8x192xf32>
      %broadcast_in_dim3A_511 = vector.broadcast %jit3A_509 : f32 to vector<8x192xf32>
      %select_n3A_512 = arith.select %and3A_507, %broadcast_in_dim3A_510, %broadcast_in_dim3A_511 : vector<8x192xi1>, vector<8x192xf32>
      %add3A_513 = arith.addf %scan3A_306, %select_n3A_512 : vector<8x192xf32>
      %jit3A_514 = arith.constant 1.000000e+00 : f32
      %jit3A_515 = arith.constant 0.000000e+00 : f32
      %broadcast_in_dim3A_516 = vector.broadcast %jit3A_514 : f32 to vector<8x192xf32>
      %broadcast_in_dim3A_517 = vector.broadcast %jit3A_515 : f32 to vector<8x192xf32>
      %select_n3A_518 = arith.select %eq3A_503, %broadcast_in_dim3A_516, %broadcast_in_dim3A_517 : vector<8x192xi1>, vector<8x192xf32>
      %add3A_519 = arith.addf %scan3A_307, %select_n3A_518 : vector<8x192xf32>
      %jit3A_520 = arith.constant 1.000000e+00 : f32
      %jit3A_521 = arith.constant 0.000000e+00 : f32
      %broadcast_in_dim3A_522 = vector.broadcast %jit3A_520 : f32 to vector<8x192xf32>
      %broadcast_in_dim3A_523 = vector.broadcast %jit3A_521 : f32 to vector<8x192xf32>
      %select_n3A_524 = arith.select %eq3A_506, %broadcast_in_dim3A_522, %broadcast_in_dim3A_523 : vector<8x192xi1>, vector<8x192xf32>
      %add3A_525 = arith.addf %scan3A_308, %select_n3A_524 : vector<8x192xf32>
      %eq3A_526 = arith.constant 7 : i32
      %eq3A_527 = vector.broadcast %eq3A_526 : i32 to vector<8x192xi32>
      %eq3A_528 = arith.cmpi eq, %select_n3A_375, %eq3A_527 : vector<8x192xi32>
      %eq3A_529 = arith.constant 7 : i32
      %eq3A_530 = vector.broadcast %eq3A_529 : i32 to vector<8x192xi32>
      %eq3A_531 = arith.cmpi eq, %get3A_326, %eq3A_530 : vector<8x192xi32>
      %and3A_532 = arith.andi %eq3A_528, %eq3A_531 : vector<8x192xi1>
      %jit3A_533 = arith.constant 1.000000e+00 : f32
      %jit3A_534 = arith.constant 0.000000e+00 : f32
      %broadcast_in_dim3A_535 = vector.broadcast %jit3A_533 : f32 to vector<8x192xf32>
      %broadcast_in_dim3A_536 = vector.broadcast %jit3A_534 : f32 to vector<8x192xf32>
      %select_n3A_537 = arith.select %and3A_532, %broadcast_in_dim3A_535, %broadcast_in_dim3A_536 : vector<8x192xi1>, vector<8x192xf32>
      %add3A_538 = arith.addf %scan3A_309, %select_n3A_537 : vector<8x192xf32>
      %jit3A_539 = arith.constant 1.000000e+00 : f32
      %jit3A_540 = arith.constant 0.000000e+00 : f32
      %broadcast_in_dim3A_541 = vector.broadcast %jit3A_539 : f32 to vector<8x192xf32>
      %broadcast_in_dim3A_542 = vector.broadcast %jit3A_540 : f32 to vector<8x192xf32>
      %select_n3A_543 = arith.select %eq3A_528, %broadcast_in_dim3A_541, %broadcast_in_dim3A_542 : vector<8x192xi1>, vector<8x192xf32>
      %add3A_544 = arith.addf %scan3A_310, %select_n3A_543 : vector<8x192xf32>
      %jit3A_545 = arith.constant 1.000000e+00 : f32
      %jit3A_546 = arith.constant 0.000000e+00 : f32
      %broadcast_in_dim3A_547 = vector.broadcast %jit3A_545 : f32 to vector<8x192xf32>
      %broadcast_in_dim3A_548 = vector.broadcast %jit3A_546 : f32 to vector<8x192xf32>
      %select_n3A_549 = arith.select %eq3A_531, %broadcast_in_dim3A_547, %broadcast_in_dim3A_548 : vector<8x192xi1>, vector<8x192xf32>
      %add3A_550 = arith.addf %scan3A_311, %select_n3A_549 : vector<8x192xf32>
      scf.yield %add3A_388, %add3A_394, %add3A_400, %add3A_413, %add3A_419, %add3A_425, %add3A_438, %add3A_444, %add3A_450, %add3A_463, %add3A_469, %add3A_475, %add3A_488, %add3A_494, %add3A_500, %add3A_513, %add3A_519, %add3A_525, %add3A_538, %add3A_544, %add3A_550 : vector<8x192xf32>, vector<8x192xf32>, vector<8x192xf32>, vector<8x192xf32>, vector<8x192xf32>, vector<8x192xf32>, vector<8x192xf32>, vector<8x192xf32>, vector<8x192xf32>, vector<8x192xf32>, vector<8x192xf32>, vector<8x192xf32>, vector<8x192xf32>, vector<8x192xf32>, vector<8x192xf32>, vector<8x192xf32>, vector<8x192xf32>, vector<8x192xf32>, vector<8x192xf32>, vector<8x192xf32>, vector<8x192xf32>
    }
    %scan3A_9 = arith.constant 192 : i32
    %iota3A = tpu.iota {dimensions = array<i32: 0>} : vector<16x128xi32>
    %iota3A_10 = tpu.iota {dimensions = array<i32: 1>} : vector<16x128xi32>
    %get3A = arith.constant 0 : index
    %get3A_11 = arith.constant 0 : index
    %get3A_12 = vector.load %arg4[%get3A, %get3A_11] : memref<16x128xf32, #tpu.memory_space<vmem>>, vector<16x128xf32>
    %reduce_sum3A = vector.shape_cast %scan3A_8#0 : vector<8x192xf32> to vector<1x8x192xf32>
    %reduce_sum3A_13 = arith.constant dense<0.000000e+00> : vector<1xf32>
    %reduce_sum3A_14 = vector.multi_reduction <add>, %reduce_sum3A, %reduce_sum3A_13 [1, 2] : vector<1x8x192xf32> to vector<1xf32>
    %reduce_sum3A_15 = vector.shape_cast %reduce_sum3A_14 : vector<1xf32> to vector<1x1x1xf32>
    %reduce_sum3A_16 = vector.extract %reduce_sum3A_15[0, 0, 0] : f32 from vector<1x1x1xf32>
    %reduce_sum3A_17 = vector.shape_cast %scan3A_8#1 : vector<8x192xf32> to vector<1x8x192xf32>
    %reduce_sum3A_18 = arith.constant dense<0.000000e+00> : vector<1xf32>
    %reduce_sum3A_19 = vector.multi_reduction <add>, %reduce_sum3A_17, %reduce_sum3A_18 [1, 2] : vector<1x8x192xf32> to vector<1xf32>
    %reduce_sum3A_20 = vector.shape_cast %reduce_sum3A_19 : vector<1xf32> to vector<1x1x1xf32>
    %reduce_sum3A_21 = vector.extract %reduce_sum3A_20[0, 0, 0] : f32 from vector<1x1x1xf32>
    %reduce_sum3A_22 = vector.shape_cast %scan3A_8#2 : vector<8x192xf32> to vector<1x8x192xf32>
    %reduce_sum3A_23 = arith.constant dense<0.000000e+00> : vector<1xf32>
    %reduce_sum3A_24 = vector.multi_reduction <add>, %reduce_sum3A_22, %reduce_sum3A_23 [1, 2] : vector<1x8x192xf32> to vector<1xf32>
    %reduce_sum3A_25 = vector.shape_cast %reduce_sum3A_24 : vector<1xf32> to vector<1x1x1xf32>
    %reduce_sum3A_26 = vector.extract %reduce_sum3A_25[0, 0, 0] : f32 from vector<1x1x1xf32>
    %mul3A = arith.constant 8 : i32
    %mul3A_27 = arith.muli %arg0, %mul3A : i32
    %add3A = arith.constant 1 : i32
    %add3A_28 = arith.addi %mul3A_27, %add3A : i32
    %eq3A_29 = arith.constant 0 : i32
    %eq3A_30 = vector.broadcast %eq3A_29 : i32 to vector<16x128xi32>
    %eq3A_31 = arith.cmpi eq, %iota3A_10, %eq3A_30 : vector<16x128xi32>
    %eq3A_32 = arith.constant 1 : i32
    %eq3A_33 = vector.broadcast %eq3A_32 : i32 to vector<16x128xi32>
    %eq3A_34 = arith.cmpi eq, %iota3A_10, %eq3A_33 : vector<16x128xi32>
    %eq3A_35 = arith.constant 2 : i32
    %eq3A_36 = vector.broadcast %eq3A_35 : i32 to vector<16x128xi32>
    %eq3A_37 = arith.cmpi eq, %iota3A_10, %eq3A_36 : vector<16x128xi32>
    %jit3A = arith.constant 0.000000e+00 : f32
    %broadcast_in_dim3A_38 = vector.broadcast %reduce_sum3A_26 : f32 to vector<16x128xf32>
    %broadcast_in_dim3A_39 = vector.broadcast %jit3A : f32 to vector<16x128xf32>
    %select_n3A = arith.select %eq3A_37, %broadcast_in_dim3A_38, %broadcast_in_dim3A_39 : vector<16x128xi1>, vector<16x128xf32>
    %broadcast_in_dim3A_40 = vector.broadcast %reduce_sum3A_21 : f32 to vector<16x128xf32>
    %select_n3A_41 = arith.select %eq3A_34, %broadcast_in_dim3A_40, %select_n3A : vector<16x128xi1>, vector<16x128xf32>
    %broadcast_in_dim3A_42 = vector.broadcast %reduce_sum3A_16 : f32 to vector<16x128xf32>
    %select_n3A_43 = arith.select %eq3A_31, %broadcast_in_dim3A_42, %select_n3A_41 : vector<16x128xi1>, vector<16x128xf32>
    %eq3A_44 = vector.broadcast %add3A_28 : i32 to vector<16x128xi32>
    %eq3A_45 = arith.cmpi eq, %iota3A, %eq3A_44 : vector<16x128xi32>
    %add3A_46 = arith.addf %get3A_12, %select_n3A_43 : vector<16x128xf32>
    %select_n3A_47 = arith.select %eq3A_45, %add3A_46, %get3A_12 : vector<16x128xi1>, vector<16x128xf32>
    %reduce_sum3A_48 = vector.shape_cast %scan3A_8#3 : vector<8x192xf32> to vector<1x8x192xf32>
    %reduce_sum3A_49 = arith.constant dense<0.000000e+00> : vector<1xf32>
    %reduce_sum3A_50 = vector.multi_reduction <add>, %reduce_sum3A_48, %reduce_sum3A_49 [1, 2] : vector<1x8x192xf32> to vector<1xf32>
    %reduce_sum3A_51 = vector.shape_cast %reduce_sum3A_50 : vector<1xf32> to vector<1x1x1xf32>
    %reduce_sum3A_52 = vector.extract %reduce_sum3A_51[0, 0, 0] : f32 from vector<1x1x1xf32>
    %reduce_sum3A_53 = vector.shape_cast %scan3A_8#4 : vector<8x192xf32> to vector<1x8x192xf32>
    %reduce_sum3A_54 = arith.constant dense<0.000000e+00> : vector<1xf32>
    %reduce_sum3A_55 = vector.multi_reduction <add>, %reduce_sum3A_53, %reduce_sum3A_54 [1, 2] : vector<1x8x192xf32> to vector<1xf32>
    %reduce_sum3A_56 = vector.shape_cast %reduce_sum3A_55 : vector<1xf32> to vector<1x1x1xf32>
    %reduce_sum3A_57 = vector.extract %reduce_sum3A_56[0, 0, 0] : f32 from vector<1x1x1xf32>
    %reduce_sum3A_58 = vector.shape_cast %scan3A_8#5 : vector<8x192xf32> to vector<1x8x192xf32>
    %reduce_sum3A_59 = arith.constant dense<0.000000e+00> : vector<1xf32>
    %reduce_sum3A_60 = vector.multi_reduction <add>, %reduce_sum3A_58, %reduce_sum3A_59 [1, 2] : vector<1x8x192xf32> to vector<1xf32>
    %reduce_sum3A_61 = vector.shape_cast %reduce_sum3A_60 : vector<1xf32> to vector<1x1x1xf32>
    %reduce_sum3A_62 = vector.extract %reduce_sum3A_61[0, 0, 0] : f32 from vector<1x1x1xf32>
    %mul3A_63 = arith.constant 8 : i32
    %mul3A_64 = arith.muli %arg0, %mul3A_63 : i32
    %add3A_65 = arith.constant 2 : i32
    %add3A_66 = arith.addi %mul3A_64, %add3A_65 : i32
    %eq3A_67 = arith.constant 0 : i32
    %eq3A_68 = vector.broadcast %eq3A_67 : i32 to vector<16x128xi32>
    %eq3A_69 = arith.cmpi eq, %iota3A_10, %eq3A_68 : vector<16x128xi32>
    %eq3A_70 = arith.constant 1 : i32
    %eq3A_71 = vector.broadcast %eq3A_70 : i32 to vector<16x128xi32>
    %eq3A_72 = arith.cmpi eq, %iota3A_10, %eq3A_71 : vector<16x128xi32>
    %eq3A_73 = arith.constant 2 : i32
    %eq3A_74 = vector.broadcast %eq3A_73 : i32 to vector<16x128xi32>
    %eq3A_75 = arith.cmpi eq, %iota3A_10, %eq3A_74 : vector<16x128xi32>
    %jit3A_76 = arith.constant 0.000000e+00 : f32
    %broadcast_in_dim3A_77 = vector.broadcast %reduce_sum3A_62 : f32 to vector<16x128xf32>
    %broadcast_in_dim3A_78 = vector.broadcast %jit3A_76 : f32 to vector<16x128xf32>
    %select_n3A_79 = arith.select %eq3A_75, %broadcast_in_dim3A_77, %broadcast_in_dim3A_78 : vector<16x128xi1>, vector<16x128xf32>
    %broadcast_in_dim3A_80 = vector.broadcast %reduce_sum3A_57 : f32 to vector<16x128xf32>
    %select_n3A_81 = arith.select %eq3A_72, %broadcast_in_dim3A_80, %select_n3A_79 : vector<16x128xi1>, vector<16x128xf32>
    %broadcast_in_dim3A_82 = vector.broadcast %reduce_sum3A_52 : f32 to vector<16x128xf32>
    %select_n3A_83 = arith.select %eq3A_69, %broadcast_in_dim3A_82, %select_n3A_81 : vector<16x128xi1>, vector<16x128xf32>
    %eq3A_84 = vector.broadcast %add3A_66 : i32 to vector<16x128xi32>
    %eq3A_85 = arith.cmpi eq, %iota3A, %eq3A_84 : vector<16x128xi32>
    %add3A_86 = arith.addf %select_n3A_47, %select_n3A_83 : vector<16x128xf32>
    %select_n3A_87 = arith.select %eq3A_85, %add3A_86, %select_n3A_47 : vector<16x128xi1>, vector<16x128xf32>
    %reduce_sum3A_88 = vector.shape_cast %scan3A_8#6 : vector<8x192xf32> to vector<1x8x192xf32>
    %reduce_sum3A_89 = arith.constant dense<0.000000e+00> : vector<1xf32>
    %reduce_sum3A_90 = vector.multi_reduction <add>, %reduce_sum3A_88, %reduce_sum3A_89 [1, 2] : vector<1x8x192xf32> to vector<1xf32>
    %reduce_sum3A_91 = vector.shape_cast %reduce_sum3A_90 : vector<1xf32> to vector<1x1x1xf32>
    %reduce_sum3A_92 = vector.extract %reduce_sum3A_91[0, 0, 0] : f32 from vector<1x1x1xf32>
    %reduce_sum3A_93 = vector.shape_cast %scan3A_8#7 : vector<8x192xf32> to vector<1x8x192xf32>
    %reduce_sum3A_94 = arith.constant dense<0.000000e+00> : vector<1xf32>
    %reduce_sum3A_95 = vector.multi_reduction <add>, %reduce_sum3A_93, %reduce_sum3A_94 [1, 2] : vector<1x8x192xf32> to vector<1xf32>
    %reduce_sum3A_96 = vector.shape_cast %reduce_sum3A_95 : vector<1xf32> to vector<1x1x1xf32>
    %reduce_sum3A_97 = vector.extract %reduce_sum3A_96[0, 0, 0] : f32 from vector<1x1x1xf32>
    %reduce_sum3A_98 = vector.shape_cast %scan3A_8#8 : vector<8x192xf32> to vector<1x8x192xf32>
    %reduce_sum3A_99 = arith.constant dense<0.000000e+00> : vector<1xf32>
    %reduce_sum3A_100 = vector.multi_reduction <add>, %reduce_sum3A_98, %reduce_sum3A_99 [1, 2] : vector<1x8x192xf32> to vector<1xf32>
    %reduce_sum3A_101 = vector.shape_cast %reduce_sum3A_100 : vector<1xf32> to vector<1x1x1xf32>
    %reduce_sum3A_102 = vector.extract %reduce_sum3A_101[0, 0, 0] : f32 from vector<1x1x1xf32>
    %mul3A_103 = arith.constant 8 : i32
    %mul3A_104 = arith.muli %arg0, %mul3A_103 : i32
    %add3A_105 = arith.constant 3 : i32
    %add3A_106 = arith.addi %mul3A_104, %add3A_105 : i32
    %eq3A_107 = arith.constant 0 : i32
    %eq3A_108 = vector.broadcast %eq3A_107 : i32 to vector<16x128xi32>
    %eq3A_109 = arith.cmpi eq, %iota3A_10, %eq3A_108 : vector<16x128xi32>
    %eq3A_110 = arith.constant 1 : i32
    %eq3A_111 = vector.broadcast %eq3A_110 : i32 to vector<16x128xi32>
    %eq3A_112 = arith.cmpi eq, %iota3A_10, %eq3A_111 : vector<16x128xi32>
    %eq3A_113 = arith.constant 2 : i32
    %eq3A_114 = vector.broadcast %eq3A_113 : i32 to vector<16x128xi32>
    %eq3A_115 = arith.cmpi eq, %iota3A_10, %eq3A_114 : vector<16x128xi32>
    %jit3A_116 = arith.constant 0.000000e+00 : f32
    %broadcast_in_dim3A_117 = vector.broadcast %reduce_sum3A_102 : f32 to vector<16x128xf32>
    %broadcast_in_dim3A_118 = vector.broadcast %jit3A_116 : f32 to vector<16x128xf32>
    %select_n3A_119 = arith.select %eq3A_115, %broadcast_in_dim3A_117, %broadcast_in_dim3A_118 : vector<16x128xi1>, vector<16x128xf32>
    %broadcast_in_dim3A_120 = vector.broadcast %reduce_sum3A_97 : f32 to vector<16x128xf32>
    %select_n3A_121 = arith.select %eq3A_112, %broadcast_in_dim3A_120, %select_n3A_119 : vector<16x128xi1>, vector<16x128xf32>
    %broadcast_in_dim3A_122 = vector.broadcast %reduce_sum3A_92 : f32 to vector<16x128xf32>
    %select_n3A_123 = arith.select %eq3A_109, %broadcast_in_dim3A_122, %select_n3A_121 : vector<16x128xi1>, vector<16x128xf32>
    %eq3A_124 = vector.broadcast %add3A_106 : i32 to vector<16x128xi32>
    %eq3A_125 = arith.cmpi eq, %iota3A, %eq3A_124 : vector<16x128xi32>
    %add3A_126 = arith.addf %select_n3A_87, %select_n3A_123 : vector<16x128xf32>
    %select_n3A_127 = arith.select %eq3A_125, %add3A_126, %select_n3A_87 : vector<16x128xi1>, vector<16x128xf32>
    %reduce_sum3A_128 = vector.shape_cast %scan3A_8#9 : vector<8x192xf32> to vector<1x8x192xf32>
    %reduce_sum3A_129 = arith.constant dense<0.000000e+00> : vector<1xf32>
    %reduce_sum3A_130 = vector.multi_reduction <add>, %reduce_sum3A_128, %reduce_sum3A_129 [1, 2] : vector<1x8x192xf32> to vector<1xf32>
    %reduce_sum3A_131 = vector.shape_cast %reduce_sum3A_130 : vector<1xf32> to vector<1x1x1xf32>
    %reduce_sum3A_132 = vector.extract %reduce_sum3A_131[0, 0, 0] : f32 from vector<1x1x1xf32>
    %reduce_sum3A_133 = vector.shape_cast %scan3A_8#10 : vector<8x192xf32> to vector<1x8x192xf32>
    %reduce_sum3A_134 = arith.constant dense<0.000000e+00> : vector<1xf32>
    %reduce_sum3A_135 = vector.multi_reduction <add>, %reduce_sum3A_133, %reduce_sum3A_134 [1, 2] : vector<1x8x192xf32> to vector<1xf32>
    %reduce_sum3A_136 = vector.shape_cast %reduce_sum3A_135 : vector<1xf32> to vector<1x1x1xf32>
    %reduce_sum3A_137 = vector.extract %reduce_sum3A_136[0, 0, 0] : f32 from vector<1x1x1xf32>
    %reduce_sum3A_138 = vector.shape_cast %scan3A_8#11 : vector<8x192xf32> to vector<1x8x192xf32>
    %reduce_sum3A_139 = arith.constant dense<0.000000e+00> : vector<1xf32>
    %reduce_sum3A_140 = vector.multi_reduction <add>, %reduce_sum3A_138, %reduce_sum3A_139 [1, 2] : vector<1x8x192xf32> to vector<1xf32>
    %reduce_sum3A_141 = vector.shape_cast %reduce_sum3A_140 : vector<1xf32> to vector<1x1x1xf32>
    %reduce_sum3A_142 = vector.extract %reduce_sum3A_141[0, 0, 0] : f32 from vector<1x1x1xf32>
    %mul3A_143 = arith.constant 8 : i32
    %mul3A_144 = arith.muli %arg0, %mul3A_143 : i32
    %add3A_145 = arith.constant 4 : i32
    %add3A_146 = arith.addi %mul3A_144, %add3A_145 : i32
    %eq3A_147 = arith.constant 0 : i32
    %eq3A_148 = vector.broadcast %eq3A_147 : i32 to vector<16x128xi32>
    %eq3A_149 = arith.cmpi eq, %iota3A_10, %eq3A_148 : vector<16x128xi32>
    %eq3A_150 = arith.constant 1 : i32
    %eq3A_151 = vector.broadcast %eq3A_150 : i32 to vector<16x128xi32>
    %eq3A_152 = arith.cmpi eq, %iota3A_10, %eq3A_151 : vector<16x128xi32>
    %eq3A_153 = arith.constant 2 : i32
    %eq3A_154 = vector.broadcast %eq3A_153 : i32 to vector<16x128xi32>
    %eq3A_155 = arith.cmpi eq, %iota3A_10, %eq3A_154 : vector<16x128xi32>
    %jit3A_156 = arith.constant 0.000000e+00 : f32
    %broadcast_in_dim3A_157 = vector.broadcast %reduce_sum3A_142 : f32 to vector<16x128xf32>
    %broadcast_in_dim3A_158 = vector.broadcast %jit3A_156 : f32 to vector<16x128xf32>
    %select_n3A_159 = arith.select %eq3A_155, %broadcast_in_dim3A_157, %broadcast_in_dim3A_158 : vector<16x128xi1>, vector<16x128xf32>
    %broadcast_in_dim3A_160 = vector.broadcast %reduce_sum3A_137 : f32 to vector<16x128xf32>
    %select_n3A_161 = arith.select %eq3A_152, %broadcast_in_dim3A_160, %select_n3A_159 : vector<16x128xi1>, vector<16x128xf32>
    %broadcast_in_dim3A_162 = vector.broadcast %reduce_sum3A_132 : f32 to vector<16x128xf32>
    %select_n3A_163 = arith.select %eq3A_149, %broadcast_in_dim3A_162, %select_n3A_161 : vector<16x128xi1>, vector<16x128xf32>
    %eq3A_164 = vector.broadcast %add3A_146 : i32 to vector<16x128xi32>
    %eq3A_165 = arith.cmpi eq, %iota3A, %eq3A_164 : vector<16x128xi32>
    %add3A_166 = arith.addf %select_n3A_127, %select_n3A_163 : vector<16x128xf32>
    %select_n3A_167 = arith.select %eq3A_165, %add3A_166, %select_n3A_127 : vector<16x128xi1>, vector<16x128xf32>
    %reduce_sum3A_168 = vector.shape_cast %scan3A_8#12 : vector<8x192xf32> to vector<1x8x192xf32>
    %reduce_sum3A_169 = arith.constant dense<0.000000e+00> : vector<1xf32>
    %reduce_sum3A_170 = vector.multi_reduction <add>, %reduce_sum3A_168, %reduce_sum3A_169 [1, 2] : vector<1x8x192xf32> to vector<1xf32>
    %reduce_sum3A_171 = vector.shape_cast %reduce_sum3A_170 : vector<1xf32> to vector<1x1x1xf32>
    %reduce_sum3A_172 = vector.extract %reduce_sum3A_171[0, 0, 0] : f32 from vector<1x1x1xf32>
    %reduce_sum3A_173 = vector.shape_cast %scan3A_8#13 : vector<8x192xf32> to vector<1x8x192xf32>
    %reduce_sum3A_174 = arith.constant dense<0.000000e+00> : vector<1xf32>
    %reduce_sum3A_175 = vector.multi_reduction <add>, %reduce_sum3A_173, %reduce_sum3A_174 [1, 2] : vector<1x8x192xf32> to vector<1xf32>
    %reduce_sum3A_176 = vector.shape_cast %reduce_sum3A_175 : vector<1xf32> to vector<1x1x1xf32>
    %reduce_sum3A_177 = vector.extract %reduce_sum3A_176[0, 0, 0] : f32 from vector<1x1x1xf32>
    %reduce_sum3A_178 = vector.shape_cast %scan3A_8#14 : vector<8x192xf32> to vector<1x8x192xf32>
    %reduce_sum3A_179 = arith.constant dense<0.000000e+00> : vector<1xf32>
    %reduce_sum3A_180 = vector.multi_reduction <add>, %reduce_sum3A_178, %reduce_sum3A_179 [1, 2] : vector<1x8x192xf32> to vector<1xf32>
    %reduce_sum3A_181 = vector.shape_cast %reduce_sum3A_180 : vector<1xf32> to vector<1x1x1xf32>
    %reduce_sum3A_182 = vector.extract %reduce_sum3A_181[0, 0, 0] : f32 from vector<1x1x1xf32>
    %mul3A_183 = arith.constant 8 : i32
    %mul3A_184 = arith.muli %arg0, %mul3A_183 : i32
    %add3A_185 = arith.constant 5 : i32
    %add3A_186 = arith.addi %mul3A_184, %add3A_185 : i32
    %eq3A_187 = arith.constant 0 : i32
    %eq3A_188 = vector.broadcast %eq3A_187 : i32 to vector<16x128xi32>
    %eq3A_189 = arith.cmpi eq, %iota3A_10, %eq3A_188 : vector<16x128xi32>
    %eq3A_190 = arith.constant 1 : i32
    %eq3A_191 = vector.broadcast %eq3A_190 : i32 to vector<16x128xi32>
    %eq3A_192 = arith.cmpi eq, %iota3A_10, %eq3A_191 : vector<16x128xi32>
    %eq3A_193 = arith.constant 2 : i32
    %eq3A_194 = vector.broadcast %eq3A_193 : i32 to vector<16x128xi32>
    %eq3A_195 = arith.cmpi eq, %iota3A_10, %eq3A_194 : vector<16x128xi32>
    %jit3A_196 = arith.constant 0.000000e+00 : f32
    %broadcast_in_dim3A_197 = vector.broadcast %reduce_sum3A_182 : f32 to vector<16x128xf32>
    %broadcast_in_dim3A_198 = vector.broadcast %jit3A_196 : f32 to vector<16x128xf32>
    %select_n3A_199 = arith.select %eq3A_195, %broadcast_in_dim3A_197, %broadcast_in_dim3A_198 : vector<16x128xi1>, vector<16x128xf32>
    %broadcast_in_dim3A_200 = vector.broadcast %reduce_sum3A_177 : f32 to vector<16x128xf32>
    %select_n3A_201 = arith.select %eq3A_192, %broadcast_in_dim3A_200, %select_n3A_199 : vector<16x128xi1>, vector<16x128xf32>
    %broadcast_in_dim3A_202 = vector.broadcast %reduce_sum3A_172 : f32 to vector<16x128xf32>
    %select_n3A_203 = arith.select %eq3A_189, %broadcast_in_dim3A_202, %select_n3A_201 : vector<16x128xi1>, vector<16x128xf32>
    %eq3A_204 = vector.broadcast %add3A_186 : i32 to vector<16x128xi32>
    %eq3A_205 = arith.cmpi eq, %iota3A, %eq3A_204 : vector<16x128xi32>
    %add3A_206 = arith.addf %select_n3A_167, %select_n3A_203 : vector<16x128xf32>
    %select_n3A_207 = arith.select %eq3A_205, %add3A_206, %select_n3A_167 : vector<16x128xi1>, vector<16x128xf32>
    %reduce_sum3A_208 = vector.shape_cast %scan3A_8#15 : vector<8x192xf32> to vector<1x8x192xf32>
    %reduce_sum3A_209 = arith.constant dense<0.000000e+00> : vector<1xf32>
    %reduce_sum3A_210 = vector.multi_reduction <add>, %reduce_sum3A_208, %reduce_sum3A_209 [1, 2] : vector<1x8x192xf32> to vector<1xf32>
    %reduce_sum3A_211 = vector.shape_cast %reduce_sum3A_210 : vector<1xf32> to vector<1x1x1xf32>
    %reduce_sum3A_212 = vector.extract %reduce_sum3A_211[0, 0, 0] : f32 from vector<1x1x1xf32>
    %reduce_sum3A_213 = vector.shape_cast %scan3A_8#16 : vector<8x192xf32> to vector<1x8x192xf32>
    %reduce_sum3A_214 = arith.constant dense<0.000000e+00> : vector<1xf32>
    %reduce_sum3A_215 = vector.multi_reduction <add>, %reduce_sum3A_213, %reduce_sum3A_214 [1, 2] : vector<1x8x192xf32> to vector<1xf32>
    %reduce_sum3A_216 = vector.shape_cast %reduce_sum3A_215 : vector<1xf32> to vector<1x1x1xf32>
    %reduce_sum3A_217 = vector.extract %reduce_sum3A_216[0, 0, 0] : f32 from vector<1x1x1xf32>
    %reduce_sum3A_218 = vector.shape_cast %scan3A_8#17 : vector<8x192xf32> to vector<1x8x192xf32>
    %reduce_sum3A_219 = arith.constant dense<0.000000e+00> : vector<1xf32>
    %reduce_sum3A_220 = vector.multi_reduction <add>, %reduce_sum3A_218, %reduce_sum3A_219 [1, 2] : vector<1x8x192xf32> to vector<1xf32>
    %reduce_sum3A_221 = vector.shape_cast %reduce_sum3A_220 : vector<1xf32> to vector<1x1x1xf32>
    %reduce_sum3A_222 = vector.extract %reduce_sum3A_221[0, 0, 0] : f32 from vector<1x1x1xf32>
    %mul3A_223 = arith.constant 8 : i32
    %mul3A_224 = arith.muli %arg0, %mul3A_223 : i32
    %add3A_225 = arith.constant 6 : i32
    %add3A_226 = arith.addi %mul3A_224, %add3A_225 : i32
    %eq3A_227 = arith.constant 0 : i32
    %eq3A_228 = vector.broadcast %eq3A_227 : i32 to vector<16x128xi32>
    %eq3A_229 = arith.cmpi eq, %iota3A_10, %eq3A_228 : vector<16x128xi32>
    %eq3A_230 = arith.constant 1 : i32
    %eq3A_231 = vector.broadcast %eq3A_230 : i32 to vector<16x128xi32>
    %eq3A_232 = arith.cmpi eq, %iota3A_10, %eq3A_231 : vector<16x128xi32>
    %eq3A_233 = arith.constant 2 : i32
    %eq3A_234 = vector.broadcast %eq3A_233 : i32 to vector<16x128xi32>
    %eq3A_235 = arith.cmpi eq, %iota3A_10, %eq3A_234 : vector<16x128xi32>
    %jit3A_236 = arith.constant 0.000000e+00 : f32
    %broadcast_in_dim3A_237 = vector.broadcast %reduce_sum3A_222 : f32 to vector<16x128xf32>
    %broadcast_in_dim3A_238 = vector.broadcast %jit3A_236 : f32 to vector<16x128xf32>
    %select_n3A_239 = arith.select %eq3A_235, %broadcast_in_dim3A_237, %broadcast_in_dim3A_238 : vector<16x128xi1>, vector<16x128xf32>
    %broadcast_in_dim3A_240 = vector.broadcast %reduce_sum3A_217 : f32 to vector<16x128xf32>
    %select_n3A_241 = arith.select %eq3A_232, %broadcast_in_dim3A_240, %select_n3A_239 : vector<16x128xi1>, vector<16x128xf32>
    %broadcast_in_dim3A_242 = vector.broadcast %reduce_sum3A_212 : f32 to vector<16x128xf32>
    %select_n3A_243 = arith.select %eq3A_229, %broadcast_in_dim3A_242, %select_n3A_241 : vector<16x128xi1>, vector<16x128xf32>
    %eq3A_244 = vector.broadcast %add3A_226 : i32 to vector<16x128xi32>
    %eq3A_245 = arith.cmpi eq, %iota3A, %eq3A_244 : vector<16x128xi32>
    %add3A_246 = arith.addf %select_n3A_207, %select_n3A_243 : vector<16x128xf32>
    %select_n3A_247 = arith.select %eq3A_245, %add3A_246, %select_n3A_207 : vector<16x128xi1>, vector<16x128xf32>
    %reduce_sum3A_248 = vector.shape_cast %scan3A_8#18 : vector<8x192xf32> to vector<1x8x192xf32>
    %reduce_sum3A_249 = arith.constant dense<0.000000e+00> : vector<1xf32>
    %reduce_sum3A_250 = vector.multi_reduction <add>, %reduce_sum3A_248, %reduce_sum3A_249 [1, 2] : vector<1x8x192xf32> to vector<1xf32>
    %reduce_sum3A_251 = vector.shape_cast %reduce_sum3A_250 : vector<1xf32> to vector<1x1x1xf32>
    %reduce_sum3A_252 = vector.extract %reduce_sum3A_251[0, 0, 0] : f32 from vector<1x1x1xf32>
    %reduce_sum3A_253 = vector.shape_cast %scan3A_8#19 : vector<8x192xf32> to vector<1x8x192xf32>
    %reduce_sum3A_254 = arith.constant dense<0.000000e+00> : vector<1xf32>
    %reduce_sum3A_255 = vector.multi_reduction <add>, %reduce_sum3A_253, %reduce_sum3A_254 [1, 2] : vector<1x8x192xf32> to vector<1xf32>
    %reduce_sum3A_256 = vector.shape_cast %reduce_sum3A_255 : vector<1xf32> to vector<1x1x1xf32>
    %reduce_sum3A_257 = vector.extract %reduce_sum3A_256[0, 0, 0] : f32 from vector<1x1x1xf32>
    %reduce_sum3A_258 = vector.shape_cast %scan3A_8#20 : vector<8x192xf32> to vector<1x8x192xf32>
    %reduce_sum3A_259 = arith.constant dense<0.000000e+00> : vector<1xf32>
    %reduce_sum3A_260 = vector.multi_reduction <add>, %reduce_sum3A_258, %reduce_sum3A_259 [1, 2] : vector<1x8x192xf32> to vector<1xf32>
    %reduce_sum3A_261 = vector.shape_cast %reduce_sum3A_260 : vector<1xf32> to vector<1x1x1xf32>
    %reduce_sum3A_262 = vector.extract %reduce_sum3A_261[0, 0, 0] : f32 from vector<1x1x1xf32>
    %mul3A_263 = arith.constant 8 : i32
    %mul3A_264 = arith.muli %arg0, %mul3A_263 : i32
    %add3A_265 = arith.constant 7 : i32
    %add3A_266 = arith.addi %mul3A_264, %add3A_265 : i32
    %eq3A_267 = arith.constant 0 : i32
    %eq3A_268 = vector.broadcast %eq3A_267 : i32 to vector<16x128xi32>
    %eq3A_269 = arith.cmpi eq, %iota3A_10, %eq3A_268 : vector<16x128xi32>
    %eq3A_270 = arith.constant 1 : i32
    %eq3A_271 = vector.broadcast %eq3A_270 : i32 to vector<16x128xi32>
    %eq3A_272 = arith.cmpi eq, %iota3A_10, %eq3A_271 : vector<16x128xi32>
    %eq3A_273 = arith.constant 2 : i32
    %eq3A_274 = vector.broadcast %eq3A_273 : i32 to vector<16x128xi32>
    %eq3A_275 = arith.cmpi eq, %iota3A_10, %eq3A_274 : vector<16x128xi32>
    %jit3A_276 = arith.constant 0.000000e+00 : f32
    %broadcast_in_dim3A_277 = vector.broadcast %reduce_sum3A_262 : f32 to vector<16x128xf32>
    %broadcast_in_dim3A_278 = vector.broadcast %jit3A_276 : f32 to vector<16x128xf32>
    %select_n3A_279 = arith.select %eq3A_275, %broadcast_in_dim3A_277, %broadcast_in_dim3A_278 : vector<16x128xi1>, vector<16x128xf32>
    %broadcast_in_dim3A_280 = vector.broadcast %reduce_sum3A_257 : f32 to vector<16x128xf32>
    %select_n3A_281 = arith.select %eq3A_272, %broadcast_in_dim3A_280, %select_n3A_279 : vector<16x128xi1>, vector<16x128xf32>
    %broadcast_in_dim3A_282 = vector.broadcast %reduce_sum3A_252 : f32 to vector<16x128xf32>
    %select_n3A_283 = arith.select %eq3A_269, %broadcast_in_dim3A_282, %select_n3A_281 : vector<16x128xi1>, vector<16x128xf32>
    %eq3A_284 = vector.broadcast %add3A_266 : i32 to vector<16x128xi32>
    %eq3A_285 = arith.cmpi eq, %iota3A, %eq3A_284 : vector<16x128xi32>
    %add3A_286 = arith.addf %select_n3A_247, %select_n3A_283 : vector<16x128xf32>
    %select_n3A_287 = arith.select %eq3A_285, %add3A_286, %select_n3A_247 : vector<16x128xi1>, vector<16x128xf32>
    %swap3A = arith.constant 0 : index
    %swap3A_288 = arith.constant 0 : index
    %swap3A_289 = vector.load %arg4[%swap3A, %swap3A_288] : memref<16x128xf32, #tpu.memory_space<vmem>>, vector<16x128xf32>
    tpu.vector_store %arg4[%swap3A, %swap3A_288], %select_n3A_287 {strides = array<i32>} : memref<16x128xf32, #tpu.memory_space<vmem>>, vector<16x128xf32>,
    return
  }
  func.func @transform_0(%arg0: i32, %arg1: i32) -> (i32, i32, i32, i32) {
    %add3A = arith.constant 3 : i32
    %add3A_0 = arith.addi %add3A, %arg1 : i32
    %c0_i32 = arith.constant 0 : i32
    %c0_i32_1 = arith.constant 0 : i32
    %c0_i32_2 = arith.constant 0 : i32
    return %arg0, %c0_i32, %add3A_0, %c0_i32_1 : i32, i32, i32, i32
  }
  func.func @transform_1(%arg0: i32, %arg1: i32) -> (i32, i32, i32) {
    %add3A = arith.constant 3 : i32
    %add3A_0 = arith.addi %add3A, %arg1 : i32
    %c0_i32 = arith.constant 0 : i32
    %c0_i32_1 = arith.constant 0 : i32
    return %arg0, %add3A_0, %c0_i32 : i32, i32, i32
  }
  func.func @transform_2(%arg0: i32, %arg1: i32) -> (i32, i32) {
    %c0_i32 = arith.constant 0 : i32
    %c0_i32_0 = arith.constant 0 : i32
    %c0_i32_1 = arith.constant 0 : i32
    return %c0_i32, %c0_i32_0 : i32, i32
  }
}

module attributes {stable_mosaic.version = 14 : i64} {
  func.func @_dice_body(%arg0: memref<32x2048xf32, #tpu.memory_space<vmem>>, %arg1: memref<16x128xf32, #tpu.memory_space<vmem>>, %arg2: memref<8x128xf32, #tpu.memory_space<vmem>>) attributes {dimension_semantics = [], scalar_prefetch = 0 : i64, scratch_operands = 0 : i64, tpu.core_type = #tpu.core_type<tc>} {
    %get3A = arith.constant 0 : index
    %get3A_0 = arith.constant 0 : index
    %get3A_1 = vector.load %arg0[%get3A, %get3A_0] : memref<32x2048xf32, #tpu.memory_space<vmem>>, vector<32x2048xf32>
    %reduce_sum3A = arith.constant dense<0.000000e+00> : vector<2048xf32>
    %reduce_sum3A_2 = vector.multi_reduction <add>, %get3A_1, %reduce_sum3A [0] : vector<32x2048xf32> to vector<2048xf32>
    %broadcast_in_dim3A = vector.shape_cast %reduce_sum3A_2 : vector<2048xf32> to vector<1x2048xf32>
    %iota3A = tpu.iota {dimensions = array<i32: 1>} : vector<1x2048xi32>
    %jit3A = arith.constant 16 : i32
    %div3A = vector.broadcast %jit3A : i32 to vector<1x2048xi32>
    %div3A_3 = arith.divsi %iota3A, %div3A : vector<1x2048xi32>
    %sign3A = arith.constant 0 : i32
    %sign3A_4 = vector.broadcast %sign3A : i32 to vector<1x2048xi32>
    %sign3A_5 = arith.cmpi sgt, %iota3A, %sign3A_4 : vector<1x2048xi32>
    %sign3A_6 = arith.extui %sign3A_5 : vector<1x2048xi1> to vector<1x2048xi32>
    %sign3A_7 = arith.constant 0 : i32
    %sign3A_8 = vector.broadcast %sign3A_7 : i32 to vector<1x2048xi32>
    %sign3A_9 = arith.cmpi slt, %iota3A, %sign3A_8 : vector<1x2048xi32>
    %sign3A_10 = arith.extui %sign3A_9 : vector<1x2048xi1> to vector<1x2048xi32>
    %sign3A_11 = arith.subi %sign3A_6, %sign3A_10 : vector<1x2048xi32>
    %sign3A_12 = arith.constant 0 : i32
    %sign3A_13 = arith.cmpi sgt, %jit3A, %sign3A_12 : i32
    %sign3A_14 = arith.extui %sign3A_13 : i1 to i32
    %sign3A_15 = arith.constant 0 : i32
    %sign3A_16 = arith.cmpi slt, %jit3A, %sign3A_15 : i32
    %sign3A_17 = arith.extui %sign3A_16 : i1 to i32
    %sign3A_18 = arith.subi %sign3A_14, %sign3A_17 : i32
    %ne3A = vector.broadcast %sign3A_18 : i32 to vector<1x2048xi32>
    %ne3A_19 = arith.cmpi ne, %sign3A_11, %ne3A : vector<1x2048xi32>
    %rem3A = vector.broadcast %jit3A : i32 to vector<1x2048xi32>
    %rem3A_20 = arith.remsi %iota3A, %rem3A : vector<1x2048xi32>
    %ne3A_21 = arith.constant 0 : i32
    %ne3A_22 = vector.broadcast %ne3A_21 : i32 to vector<1x2048xi32>
    %ne3A_23 = arith.cmpi ne, %rem3A_20, %ne3A_22 : vector<1x2048xi32>
    %and3A = arith.andi %ne3A_19, %ne3A_23 : vector<1x2048xi1>
    %sub3A = arith.constant 1 : i32
    %sub3A_24 = vector.broadcast %sub3A : i32 to vector<1x2048xi32>
    %sub3A_25 = arith.subi %div3A_3, %sub3A_24 : vector<1x2048xi32>
    %select_n3A = arith.select %and3A, %sub3A_25, %div3A_3 : vector<1x2048xi1>, vector<1x2048xi32>
    %jit3A_26 = arith.constant 64 : i32
    %div3A_27 = vector.broadcast %jit3A_26 : i32 to vector<1x2048xi32>
    %div3A_28 = arith.divsi %select_n3A, %div3A_27 : vector<1x2048xi32>
    %sign3A_29 = arith.constant 0 : i32
    %sign3A_30 = vector.broadcast %sign3A_29 : i32 to vector<1x2048xi32>
    %sign3A_31 = arith.cmpi sgt, %select_n3A, %sign3A_30 : vector<1x2048xi32>
    %sign3A_32 = arith.extui %sign3A_31 : vector<1x2048xi1> to vector<1x2048xi32>
    %sign3A_33 = arith.constant 0 : i32
    %sign3A_34 = vector.broadcast %sign3A_33 : i32 to vector<1x2048xi32>
    %sign3A_35 = arith.cmpi slt, %select_n3A, %sign3A_34 : vector<1x2048xi32>
    %sign3A_36 = arith.extui %sign3A_35 : vector<1x2048xi1> to vector<1x2048xi32>
    %sign3A_37 = arith.subi %sign3A_32, %sign3A_36 : vector<1x2048xi32>
    %sign3A_38 = arith.constant 0 : i32
    %sign3A_39 = arith.cmpi sgt, %jit3A_26, %sign3A_38 : i32
    %sign3A_40 = arith.extui %sign3A_39 : i1 to i32
    %sign3A_41 = arith.constant 0 : i32
    %sign3A_42 = arith.cmpi slt, %jit3A_26, %sign3A_41 : i32
    %sign3A_43 = arith.extui %sign3A_42 : i1 to i32
    %sign3A_44 = arith.subi %sign3A_40, %sign3A_43 : i32
    %ne3A_45 = vector.broadcast %sign3A_44 : i32 to vector<1x2048xi32>
    %ne3A_46 = arith.cmpi ne, %sign3A_37, %ne3A_45 : vector<1x2048xi32>
    %rem3A_47 = vector.broadcast %jit3A_26 : i32 to vector<1x2048xi32>
    %rem3A_48 = arith.remsi %select_n3A, %rem3A_47 : vector<1x2048xi32>
    %ne3A_49 = arith.constant 0 : i32
    %ne3A_50 = vector.broadcast %ne3A_49 : i32 to vector<1x2048xi32>
    %ne3A_51 = arith.cmpi ne, %rem3A_48, %ne3A_50 : vector<1x2048xi32>
    %and3A_52 = arith.andi %ne3A_46, %ne3A_51 : vector<1x2048xi1>
    %sub3A_53 = arith.constant 1 : i32
    %sub3A_54 = vector.broadcast %sub3A_53 : i32 to vector<1x2048xi32>
    %sub3A_55 = arith.subi %div3A_28, %sub3A_54 : vector<1x2048xi32>
    %select_n3A_56 = arith.select %and3A_52, %sub3A_55, %div3A_28 : vector<1x2048xi1>, vector<1x2048xi32>
    %jit3A_57 = arith.constant 8 : i32
    %div3A_58 = vector.broadcast %jit3A_57 : i32 to vector<1x2048xi32>
    %div3A_59 = arith.divsi %select_n3A, %div3A_58 : vector<1x2048xi32>
    %sign3A_60 = arith.constant 0 : i32
    %sign3A_61 = vector.broadcast %sign3A_60 : i32 to vector<1x2048xi32>
    %sign3A_62 = arith.cmpi sgt, %select_n3A, %sign3A_61 : vector<1x2048xi32>
    %sign3A_63 = arith.extui %sign3A_62 : vector<1x2048xi1> to vector<1x2048xi32>
    %sign3A_64 = arith.constant 0 : i32
    %sign3A_65 = vector.broadcast %sign3A_64 : i32 to vector<1x2048xi32>
    %sign3A_66 = arith.cmpi slt, %select_n3A, %sign3A_65 : vector<1x2048xi32>
    %sign3A_67 = arith.extui %sign3A_66 : vector<1x2048xi1> to vector<1x2048xi32>
    %sign3A_68 = arith.subi %sign3A_63, %sign3A_67 : vector<1x2048xi32>
    %sign3A_69 = arith.constant 0 : i32
    %sign3A_70 = arith.cmpi sgt, %jit3A_57, %sign3A_69 : i32
    %sign3A_71 = arith.extui %sign3A_70 : i1 to i32
    %sign3A_72 = arith.constant 0 : i32
    %sign3A_73 = arith.cmpi slt, %jit3A_57, %sign3A_72 : i32
    %sign3A_74 = arith.extui %sign3A_73 : i1 to i32
    %sign3A_75 = arith.subi %sign3A_71, %sign3A_74 : i32
    %ne3A_76 = vector.broadcast %sign3A_75 : i32 to vector<1x2048xi32>
    %ne3A_77 = arith.cmpi ne, %sign3A_68, %ne3A_76 : vector<1x2048xi32>
    %rem3A_78 = vector.broadcast %jit3A_57 : i32 to vector<1x2048xi32>
    %rem3A_79 = arith.remsi %select_n3A, %rem3A_78 : vector<1x2048xi32>
    %ne3A_80 = arith.constant 0 : i32
    %ne3A_81 = vector.broadcast %ne3A_80 : i32 to vector<1x2048xi32>
    %ne3A_82 = arith.cmpi ne, %rem3A_79, %ne3A_81 : vector<1x2048xi32>
    %and3A_83 = arith.andi %ne3A_77, %ne3A_82 : vector<1x2048xi1>
    %sub3A_84 = arith.constant 1 : i32
    %sub3A_85 = vector.broadcast %sub3A_84 : i32 to vector<1x2048xi32>
    %sub3A_86 = arith.subi %div3A_59, %sub3A_85 : vector<1x2048xi32>
    %select_n3A_87 = arith.select %and3A_83, %sub3A_86, %div3A_59 : vector<1x2048xi1>, vector<1x2048xi32>
    %jit3A_88 = arith.constant 8 : i32
    %eq3A = arith.constant 0 : i32
    %eq3A_89 = arith.cmpi eq, %jit3A_88, %eq3A : i32
    %jit3A_90 = arith.constant 1 : i32
    %select_n3A_91 = arith.select %eq3A_89, %jit3A_90, %jit3A_88 : i32
    %rem3A_92 = vector.broadcast %select_n3A_91 : i32 to vector<1x2048xi32>
    %rem3A_93 = arith.remsi %select_n3A_87, %rem3A_92 : vector<1x2048xi32>
    %ne3A_94 = arith.constant 0 : i32
    %ne3A_95 = vector.broadcast %ne3A_94 : i32 to vector<1x2048xi32>
    %ne3A_96 = arith.cmpi ne, %rem3A_93, %ne3A_95 : vector<1x2048xi32>
    %lt3A = arith.constant 0 : i32
    %lt3A_97 = vector.broadcast %lt3A : i32 to vector<1x2048xi32>
    %lt3A_98 = arith.cmpi slt, %rem3A_93, %lt3A_97 : vector<1x2048xi32>
    %lt3A_99 = arith.constant 0 : i32
    %lt3A_100 = arith.cmpi slt, %select_n3A_91, %lt3A_99 : i32
    %ne3A_101 = vector.broadcast %lt3A_100 : i1 to vector<1x2048xi1>
    %ne3A_102 = vector.broadcast %ne3A_101 : vector<1x2048xi1> to vector<1x2048xi1>
    %ne3A_103 = arith.xori %lt3A_98, %ne3A_102 : vector<1x2048xi1>
    %and3A_104 = arith.andi %ne3A_103, %ne3A_96 : vector<1x2048xi1>
    %add3A = vector.broadcast %select_n3A_91 : i32 to vector<1x2048xi32>
    %add3A_105 = arith.addi %rem3A_93, %add3A : vector<1x2048xi32>
    %select_n3A_106 = arith.select %and3A_104, %add3A_105, %rem3A_93 : vector<1x2048xi1>, vector<1x2048xi32>
    %jit3A_107 = arith.constant 8 : i32
    %eq3A_108 = arith.constant 0 : i32
    %eq3A_109 = arith.cmpi eq, %jit3A_107, %eq3A_108 : i32
    %jit3A_110 = arith.constant 1 : i32
    %select_n3A_111 = arith.select %eq3A_109, %jit3A_110, %jit3A_107 : i32
    %rem3A_112 = vector.broadcast %select_n3A_111 : i32 to vector<1x2048xi32>
    %rem3A_113 = arith.remsi %select_n3A, %rem3A_112 : vector<1x2048xi32>
    %ne3A_114 = arith.constant 0 : i32
    %ne3A_115 = vector.broadcast %ne3A_114 : i32 to vector<1x2048xi32>
    %ne3A_116 = arith.cmpi ne, %rem3A_113, %ne3A_115 : vector<1x2048xi32>
    %lt3A_117 = arith.constant 0 : i32
    %lt3A_118 = vector.broadcast %lt3A_117 : i32 to vector<1x2048xi32>
    %lt3A_119 = arith.cmpi slt, %rem3A_113, %lt3A_118 : vector<1x2048xi32>
    %lt3A_120 = arith.constant 0 : i32
    %lt3A_121 = arith.cmpi slt, %select_n3A_111, %lt3A_120 : i32
    %ne3A_122 = vector.broadcast %lt3A_121 : i1 to vector<1x2048xi1>
    %ne3A_123 = vector.broadcast %ne3A_122 : vector<1x2048xi1> to vector<1x2048xi1>
    %ne3A_124 = arith.xori %lt3A_119, %ne3A_123 : vector<1x2048xi1>
    %and3A_125 = arith.andi %ne3A_124, %ne3A_116 : vector<1x2048xi1>
    %add3A_126 = vector.broadcast %select_n3A_111 : i32 to vector<1x2048xi32>
    %add3A_127 = arith.addi %rem3A_113, %add3A_126 : vector<1x2048xi32>
    %select_n3A_128 = arith.select %and3A_125, %add3A_127, %rem3A_113 : vector<1x2048xi1>, vector<1x2048xi32>
    %get3A_129 = arith.constant 0 : index
    %get3A_130 = arith.constant 0 : index
    %get3A_131 = vector.load %arg1[%get3A_129, %get3A_130] : memref<16x128xf32, #tpu.memory_space<vmem>>, vector<16x128xf32>
    %eq3A_132 = arith.constant 0 : i32
    %eq3A_133 = vector.broadcast %eq3A_132 : i32 to vector<1x2048xi32>
    %eq3A_134 = arith.cmpi eq, %select_n3A_56, %eq3A_133 : vector<1x2048xi32>
    %eq3A_135 = arith.constant 1 : i32
    %eq3A_136 = vector.broadcast %eq3A_135 : i32 to vector<1x2048xi32>
    %eq3A_137 = arith.cmpi eq, %select_n3A_106, %eq3A_136 : vector<1x2048xi32>
    %and3A_138 = arith.andi %eq3A_134, %eq3A_137 : vector<1x2048xi1>
    %eq3A_139 = arith.constant 1 : i32
    %eq3A_140 = vector.broadcast %eq3A_139 : i32 to vector<1x2048xi32>
    %eq3A_141 = arith.cmpi eq, %select_n3A_128, %eq3A_140 : vector<1x2048xi32>
    %and3A_142 = arith.andi %and3A_138, %eq3A_141 : vector<1x2048xi1>
    %jit3A_143 = arith.constant 0.000000e+00 : f32
    %broadcast_in_dim3A_144 = vector.broadcast %jit3A_143 : f32 to vector<1x2048xf32>
    %select_n3A_145 = arith.select %and3A_142, %broadcast_in_dim3A, %broadcast_in_dim3A_144 : vector<1x2048xi1>, vector<1x2048xf32>
    %reduce_sum3A_146 = vector.shape_cast %select_n3A_145 : vector<1x2048xf32> to vector<1x1x2048xf32>
    %reduce_sum3A_147 = arith.constant dense<0.000000e+00> : vector<1xf32>
    %reduce_sum3A_148 = vector.multi_reduction <add>, %reduce_sum3A_146, %reduce_sum3A_147 [1, 2] : vector<1x1x2048xf32> to vector<1xf32>
    %reduce_sum3A_149 = vector.shape_cast %reduce_sum3A_148 : vector<1xf32> to vector<1x1x1xf32>
    %reduce_sum3A_150 = vector.extract %reduce_sum3A_149[0, 0, 0] : f32 from vector<1x1x1xf32>
    %slice3A = vector.extract_strided_slice %get3A_131 {offsets = [1, 0], sizes = [1, 1], strides = [1, 1]} : vector<16x128xf32> to vector<1x1xf32>
    %squeeze3A = vector.extract %slice3A[0, 0] : f32 from vector<1x1xf32>
    %add3A_151 = arith.addf %reduce_sum3A_150, %squeeze3A : f32
    %eq3A_152 = arith.constant 1 : i32
    %eq3A_153 = vector.broadcast %eq3A_152 : i32 to vector<1x2048xi32>
    %eq3A_154 = arith.cmpi eq, %select_n3A_106, %eq3A_153 : vector<1x2048xi32>
    %and3A_155 = arith.andi %eq3A_134, %eq3A_154 : vector<1x2048xi1>
    %jit3A_156 = arith.constant 0.000000e+00 : f32
    %broadcast_in_dim3A_157 = vector.broadcast %jit3A_156 : f32 to vector<1x2048xf32>
    %select_n3A_158 = arith.select %and3A_155, %broadcast_in_dim3A, %broadcast_in_dim3A_157 : vector<1x2048xi1>, vector<1x2048xf32>
    %reduce_sum3A_159 = vector.shape_cast %select_n3A_158 : vector<1x2048xf32> to vector<1x1x2048xf32>
    %reduce_sum3A_160 = arith.constant dense<0.000000e+00> : vector<1xf32>
    %reduce_sum3A_161 = vector.multi_reduction <add>, %reduce_sum3A_159, %reduce_sum3A_160 [1, 2] : vector<1x1x2048xf32> to vector<1xf32>
    %reduce_sum3A_162 = vector.shape_cast %reduce_sum3A_161 : vector<1xf32> to vector<1x1x1xf32>
    %reduce_sum3A_163 = vector.extract %reduce_sum3A_162[0, 0, 0] : f32 from vector<1x1x1xf32>
    %slice3A_164 = vector.extract_strided_slice %get3A_131 {offsets = [1, 1], sizes = [1, 1], strides = [1, 1]} : vector<16x128xf32> to vector<1x1xf32>
    %squeeze3A_165 = vector.extract %slice3A_164[0, 0] : f32 from vector<1x1xf32>
    %add3A_166 = arith.addf %reduce_sum3A_163, %squeeze3A_165 : f32
    %eq3A_167 = arith.constant 1 : i32
    %eq3A_168 = vector.broadcast %eq3A_167 : i32 to vector<1x2048xi32>
    %eq3A_169 = arith.cmpi eq, %select_n3A_128, %eq3A_168 : vector<1x2048xi32>
    %and3A_170 = arith.andi %eq3A_134, %eq3A_169 : vector<1x2048xi1>
    %jit3A_171 = arith.constant 0.000000e+00 : f32
    %broadcast_in_dim3A_172 = vector.broadcast %jit3A_171 : f32 to vector<1x2048xf32>
    %select_n3A_173 = arith.select %and3A_170, %broadcast_in_dim3A, %broadcast_in_dim3A_172 : vector<1x2048xi1>, vector<1x2048xf32>
    %reduce_sum3A_174 = vector.shape_cast %select_n3A_173 : vector<1x2048xf32> to vector<1x1x2048xf32>
    %reduce_sum3A_175 = arith.constant dense<0.000000e+00> : vector<1xf32>
    %reduce_sum3A_176 = vector.multi_reduction <add>, %reduce_sum3A_174, %reduce_sum3A_175 [1, 2] : vector<1x1x2048xf32> to vector<1xf32>
    %reduce_sum3A_177 = vector.shape_cast %reduce_sum3A_176 : vector<1xf32> to vector<1x1x1xf32>
    %reduce_sum3A_178 = vector.extract %reduce_sum3A_177[0, 0, 0] : f32 from vector<1x1x1xf32>
    %slice3A_179 = vector.extract_strided_slice %get3A_131 {offsets = [1, 2], sizes = [1, 1], strides = [1, 1]} : vector<16x128xf32> to vector<1x1xf32>
    %squeeze3A_180 = vector.extract %slice3A_179[0, 0] : f32 from vector<1x1xf32>
    %add3A_181 = arith.addf %reduce_sum3A_178, %squeeze3A_180 : f32
    %mul3A = arith.constant 2.000000e+00 : f32
    %mul3A_182 = arith.mulf %mul3A, %add3A_151 : f32
    %add3A_183 = arith.addf %add3A_166, %add3A_181 : f32
    %add3A_184 = arith.constant 9.99999974E-6 : f32
    %add3A_185 = arith.addf %add3A_183, %add3A_184 : f32
    %div3A_186 = arith.divf %mul3A_182, %add3A_185 : f32
    %add3A_187 = arith.constant 0.000000e+00 : f32
    %add3A_188 = arith.addf %add3A_187, %div3A_186 : f32
    %eq3A_189 = arith.constant 2 : i32
    %eq3A_190 = vector.broadcast %eq3A_189 : i32 to vector<1x2048xi32>
    %eq3A_191 = arith.cmpi eq, %select_n3A_106, %eq3A_190 : vector<1x2048xi32>
    %and3A_192 = arith.andi %eq3A_134, %eq3A_191 : vector<1x2048xi1>
    %eq3A_193 = arith.constant 2 : i32
    %eq3A_194 = vector.broadcast %eq3A_193 : i32 to vector<1x2048xi32>
    %eq3A_195 = arith.cmpi eq, %select_n3A_128, %eq3A_194 : vector<1x2048xi32>
    %and3A_196 = arith.andi %and3A_192, %eq3A_195 : vector<1x2048xi1>
    %jit3A_197 = arith.constant 0.000000e+00 : f32
    %broadcast_in_dim3A_198 = vector.broadcast %jit3A_197 : f32 to vector<1x2048xf32>
    %select_n3A_199 = arith.select %and3A_196, %broadcast_in_dim3A, %broadcast_in_dim3A_198 : vector<1x2048xi1>, vector<1x2048xf32>
    %reduce_sum3A_200 = vector.shape_cast %select_n3A_199 : vector<1x2048xf32> to vector<1x1x2048xf32>
    %reduce_sum3A_201 = arith.constant dense<0.000000e+00> : vector<1xf32>
    %reduce_sum3A_202 = vector.multi_reduction <add>, %reduce_sum3A_200, %reduce_sum3A_201 [1, 2] : vector<1x1x2048xf32> to vector<1xf32>
    %reduce_sum3A_203 = vector.shape_cast %reduce_sum3A_202 : vector<1xf32> to vector<1x1x1xf32>
    %reduce_sum3A_204 = vector.extract %reduce_sum3A_203[0, 0, 0] : f32 from vector<1x1x1xf32>
    %slice3A_205 = vector.extract_strided_slice %get3A_131 {offsets = [2, 0], sizes = [1, 1], strides = [1, 1]} : vector<16x128xf32> to vector<1x1xf32>
    %squeeze3A_206 = vector.extract %slice3A_205[0, 0] : f32 from vector<1x1xf32>
    %add3A_207 = arith.addf %reduce_sum3A_204, %squeeze3A_206 : f32
    %eq3A_208 = arith.constant 2 : i32
    %eq3A_209 = vector.broadcast %eq3A_208 : i32 to vector<1x2048xi32>
    %eq3A_210 = arith.cmpi eq, %select_n3A_106, %eq3A_209 : vector<1x2048xi32>
    %and3A_211 = arith.andi %eq3A_134, %eq3A_210 : vector<1x2048xi1>
    %jit3A_212 = arith.constant 0.000000e+00 : f32
    %broadcast_in_dim3A_213 = vector.broadcast %jit3A_212 : f32 to vector<1x2048xf32>
    %select_n3A_214 = arith.select %and3A_211, %broadcast_in_dim3A, %broadcast_in_dim3A_213 : vector<1x2048xi1>, vector<1x2048xf32>
    %reduce_sum3A_215 = vector.shape_cast %select_n3A_214 : vector<1x2048xf32> to vector<1x1x2048xf32>
    %reduce_sum3A_216 = arith.constant dense<0.000000e+00> : vector<1xf32>
    %reduce_sum3A_217 = vector.multi_reduction <add>, %reduce_sum3A_215, %reduce_sum3A_216 [1, 2] : vector<1x1x2048xf32> to vector<1xf32>
    %reduce_sum3A_218 = vector.shape_cast %reduce_sum3A_217 : vector<1xf32> to vector<1x1x1xf32>
    %reduce_sum3A_219 = vector.extract %reduce_sum3A_218[0, 0, 0] : f32 from vector<1x1x1xf32>
    %slice3A_220 = vector.extract_strided_slice %get3A_131 {offsets = [2, 1], sizes = [1, 1], strides = [1, 1]} : vector<16x128xf32> to vector<1x1xf32>
    %squeeze3A_221 = vector.extract %slice3A_220[0, 0] : f32 from vector<1x1xf32>
    %add3A_222 = arith.addf %reduce_sum3A_219, %squeeze3A_221 : f32
    %eq3A_223 = arith.constant 2 : i32
    %eq3A_224 = vector.broadcast %eq3A_223 : i32 to vector<1x2048xi32>
    %eq3A_225 = arith.cmpi eq, %select_n3A_128, %eq3A_224 : vector<1x2048xi32>
    %and3A_226 = arith.andi %eq3A_134, %eq3A_225 : vector<1x2048xi1>
    %jit3A_227 = arith.constant 0.000000e+00 : f32
    %broadcast_in_dim3A_228 = vector.broadcast %jit3A_227 : f32 to vector<1x2048xf32>
    %select_n3A_229 = arith.select %and3A_226, %broadcast_in_dim3A, %broadcast_in_dim3A_228 : vector<1x2048xi1>, vector<1x2048xf32>
    %reduce_sum3A_230 = vector.shape_cast %select_n3A_229 : vector<1x2048xf32> to vector<1x1x2048xf32>
    %reduce_sum3A_231 = arith.constant dense<0.000000e+00> : vector<1xf32>
    %reduce_sum3A_232 = vector.multi_reduction <add>, %reduce_sum3A_230, %reduce_sum3A_231 [1, 2] : vector<1x1x2048xf32> to vector<1xf32>
    %reduce_sum3A_233 = vector.shape_cast %reduce_sum3A_232 : vector<1xf32> to vector<1x1x1xf32>
    %reduce_sum3A_234 = vector.extract %reduce_sum3A_233[0, 0, 0] : f32 from vector<1x1x1xf32>
    %slice3A_235 = vector.extract_strided_slice %get3A_131 {offsets = [2, 2], sizes = [1, 1], strides = [1, 1]} : vector<16x128xf32> to vector<1x1xf32>
    %squeeze3A_236 = vector.extract %slice3A_235[0, 0] : f32 from vector<1x1xf32>
    %add3A_237 = arith.addf %reduce_sum3A_234, %squeeze3A_236 : f32
    %mul3A_238 = arith.constant 2.000000e+00 : f32
    %mul3A_239 = arith.mulf %mul3A_238, %add3A_207 : f32
    %add3A_240 = arith.addf %add3A_222, %add3A_237 : f32
    %add3A_241 = arith.constant 9.99999974E-6 : f32
    %add3A_242 = arith.addf %add3A_240, %add3A_241 : f32
    %div3A_243 = arith.divf %mul3A_239, %add3A_242 : f32
    %add3A_244 = arith.addf %add3A_188, %div3A_243 : f32
    %eq3A_245 = arith.constant 3 : i32
    %eq3A_246 = vector.broadcast %eq3A_245 : i32 to vector<1x2048xi32>
    %eq3A_247 = arith.cmpi eq, %select_n3A_106, %eq3A_246 : vector<1x2048xi32>
    %and3A_248 = arith.andi %eq3A_134, %eq3A_247 : vector<1x2048xi1>
    %eq3A_249 = arith.constant 3 : i32
    %eq3A_250 = vector.broadcast %eq3A_249 : i32 to vector<1x2048xi32>
    %eq3A_251 = arith.cmpi eq, %select_n3A_128, %eq3A_250 : vector<1x2048xi32>
    %and3A_252 = arith.andi %and3A_248, %eq3A_251 : vector<1x2048xi1>
    %jit3A_253 = arith.constant 0.000000e+00 : f32
    %broadcast_in_dim3A_254 = vector.broadcast %jit3A_253 : f32 to vector<1x2048xf32>
    %select_n3A_255 = arith.select %and3A_252, %broadcast_in_dim3A, %broadcast_in_dim3A_254 : vector<1x2048xi1>, vector<1x2048xf32>
    %reduce_sum3A_256 = vector.shape_cast %select_n3A_255 : vector<1x2048xf32> to vector<1x1x2048xf32>
    %reduce_sum3A_257 = arith.constant dense<0.000000e+00> : vector<1xf32>
    %reduce_sum3A_258 = vector.multi_reduction <add>, %reduce_sum3A_256, %reduce_sum3A_257 [1, 2] : vector<1x1x2048xf32> to vector<1xf32>
    %reduce_sum3A_259 = vector.shape_cast %reduce_sum3A_258 : vector<1xf32> to vector<1x1x1xf32>
    %reduce_sum3A_260 = vector.extract %reduce_sum3A_259[0, 0, 0] : f32 from vector<1x1x1xf32>
    %slice3A_261 = vector.extract_strided_slice %get3A_131 {offsets = [3, 0], sizes = [1, 1], strides = [1, 1]} : vector<16x128xf32> to vector<1x1xf32>
    %squeeze3A_262 = vector.extract %slice3A_261[0, 0] : f32 from vector<1x1xf32>
    %add3A_263 = arith.addf %reduce_sum3A_260, %squeeze3A_262 : f32
    %eq3A_264 = arith.constant 3 : i32
    %eq3A_265 = vector.broadcast %eq3A_264 : i32 to vector<1x2048xi32>
    %eq3A_266 = arith.cmpi eq, %select_n3A_106, %eq3A_265 : vector<1x2048xi32>
    %and3A_267 = arith.andi %eq3A_134, %eq3A_266 : vector<1x2048xi1>
    %jit3A_268 = arith.constant 0.000000e+00 : f32
    %broadcast_in_dim3A_269 = vector.broadcast %jit3A_268 : f32 to vector<1x2048xf32>
    %select_n3A_270 = arith.select %and3A_267, %broadcast_in_dim3A, %broadcast_in_dim3A_269 : vector<1x2048xi1>, vector<1x2048xf32>
    %reduce_sum3A_271 = vector.shape_cast %select_n3A_270 : vector<1x2048xf32> to vector<1x1x2048xf32>
    %reduce_sum3A_272 = arith.constant dense<0.000000e+00> : vector<1xf32>
    %reduce_sum3A_273 = vector.multi_reduction <add>, %reduce_sum3A_271, %reduce_sum3A_272 [1, 2] : vector<1x1x2048xf32> to vector<1xf32>
    %reduce_sum3A_274 = vector.shape_cast %reduce_sum3A_273 : vector<1xf32> to vector<1x1x1xf32>
    %reduce_sum3A_275 = vector.extract %reduce_sum3A_274[0, 0, 0] : f32 from vector<1x1x1xf32>
    %slice3A_276 = vector.extract_strided_slice %get3A_131 {offsets = [3, 1], sizes = [1, 1], strides = [1, 1]} : vector<16x128xf32> to vector<1x1xf32>
    %squeeze3A_277 = vector.extract %slice3A_276[0, 0] : f32 from vector<1x1xf32>
    %add3A_278 = arith.addf %reduce_sum3A_275, %squeeze3A_277 : f32
    %eq3A_279 = arith.constant 3 : i32
    %eq3A_280 = vector.broadcast %eq3A_279 : i32 to vector<1x2048xi32>
    %eq3A_281 = arith.cmpi eq, %select_n3A_128, %eq3A_280 : vector<1x2048xi32>
    %and3A_282 = arith.andi %eq3A_134, %eq3A_281 : vector<1x2048xi1>
    %jit3A_283 = arith.constant 0.000000e+00 : f32
    %broadcast_in_dim3A_284 = vector.broadcast %jit3A_283 : f32 to vector<1x2048xf32>
    %select_n3A_285 = arith.select %and3A_282, %broadcast_in_dim3A, %broadcast_in_dim3A_284 : vector<1x2048xi1>, vector<1x2048xf32>
    %reduce_sum3A_286 = vector.shape_cast %select_n3A_285 : vector<1x2048xf32> to vector<1x1x2048xf32>
    %reduce_sum3A_287 = arith.constant dense<0.000000e+00> : vector<1xf32>
    %reduce_sum3A_288 = vector.multi_reduction <add>, %reduce_sum3A_286, %reduce_sum3A_287 [1, 2] : vector<1x1x2048xf32> to vector<1xf32>
    %reduce_sum3A_289 = vector.shape_cast %reduce_sum3A_288 : vector<1xf32> to vector<1x1x1xf32>
    %reduce_sum3A_290 = vector.extract %reduce_sum3A_289[0, 0, 0] : f32 from vector<1x1x1xf32>
    %slice3A_291 = vector.extract_strided_slice %get3A_131 {offsets = [3, 2], sizes = [1, 1], strides = [1, 1]} : vector<16x128xf32> to vector<1x1xf32>
    %squeeze3A_292 = vector.extract %slice3A_291[0, 0] : f32 from vector<1x1xf32>
    %add3A_293 = arith.addf %reduce_sum3A_290, %squeeze3A_292 : f32
    %mul3A_294 = arith.constant 2.000000e+00 : f32
    %mul3A_295 = arith.mulf %mul3A_294, %add3A_263 : f32
    %add3A_296 = arith.addf %add3A_278, %add3A_293 : f32
    %add3A_297 = arith.constant 9.99999974E-6 : f32
    %add3A_298 = arith.addf %add3A_296, %add3A_297 : f32
    %div3A_299 = arith.divf %mul3A_295, %add3A_298 : f32
    %add3A_300 = arith.addf %add3A_244, %div3A_299 : f32
    %eq3A_301 = arith.constant 4 : i32
    %eq3A_302 = vector.broadcast %eq3A_301 : i32 to vector<1x2048xi32>
    %eq3A_303 = arith.cmpi eq, %select_n3A_106, %eq3A_302 : vector<1x2048xi32>
    %and3A_304 = arith.andi %eq3A_134, %eq3A_303 : vector<1x2048xi1>
    %eq3A_305 = arith.constant 4 : i32
    %eq3A_306 = vector.broadcast %eq3A_305 : i32 to vector<1x2048xi32>
    %eq3A_307 = arith.cmpi eq, %select_n3A_128, %eq3A_306 : vector<1x2048xi32>
    %and3A_308 = arith.andi %and3A_304, %eq3A_307 : vector<1x2048xi1>
    %jit3A_309 = arith.constant 0.000000e+00 : f32
    %broadcast_in_dim3A_310 = vector.broadcast %jit3A_309 : f32 to vector<1x2048xf32>
    %select_n3A_311 = arith.select %and3A_308, %broadcast_in_dim3A, %broadcast_in_dim3A_310 : vector<1x2048xi1>, vector<1x2048xf32>
    %reduce_sum3A_312 = vector.shape_cast %select_n3A_311 : vector<1x2048xf32> to vector<1x1x2048xf32>
    %reduce_sum3A_313 = arith.constant dense<0.000000e+00> : vector<1xf32>
    %reduce_sum3A_314 = vector.multi_reduction <add>, %reduce_sum3A_312, %reduce_sum3A_313 [1, 2] : vector<1x1x2048xf32> to vector<1xf32>
    %reduce_sum3A_315 = vector.shape_cast %reduce_sum3A_314 : vector<1xf32> to vector<1x1x1xf32>
    %reduce_sum3A_316 = vector.extract %reduce_sum3A_315[0, 0, 0] : f32 from vector<1x1x1xf32>
    %slice3A_317 = vector.extract_strided_slice %get3A_131 {offsets = [4, 0], sizes = [1, 1], strides = [1, 1]} : vector<16x128xf32> to vector<1x1xf32>
    %squeeze3A_318 = vector.extract %slice3A_317[0, 0] : f32 from vector<1x1xf32>
    %add3A_319 = arith.addf %reduce_sum3A_316, %squeeze3A_318 : f32
    %eq3A_320 = arith.constant 4 : i32
    %eq3A_321 = vector.broadcast %eq3A_320 : i32 to vector<1x2048xi32>
    %eq3A_322 = arith.cmpi eq, %select_n3A_106, %eq3A_321 : vector<1x2048xi32>
    %and3A_323 = arith.andi %eq3A_134, %eq3A_322 : vector<1x2048xi1>
    %jit3A_324 = arith.constant 0.000000e+00 : f32
    %broadcast_in_dim3A_325 = vector.broadcast %jit3A_324 : f32 to vector<1x2048xf32>
    %select_n3A_326 = arith.select %and3A_323, %broadcast_in_dim3A, %broadcast_in_dim3A_325 : vector<1x2048xi1>, vector<1x2048xf32>
    %reduce_sum3A_327 = vector.shape_cast %select_n3A_326 : vector<1x2048xf32> to vector<1x1x2048xf32>
    %reduce_sum3A_328 = arith.constant dense<0.000000e+00> : vector<1xf32>
    %reduce_sum3A_329 = vector.multi_reduction <add>, %reduce_sum3A_327, %reduce_sum3A_328 [1, 2] : vector<1x1x2048xf32> to vector<1xf32>
    %reduce_sum3A_330 = vector.shape_cast %reduce_sum3A_329 : vector<1xf32> to vector<1x1x1xf32>
    %reduce_sum3A_331 = vector.extract %reduce_sum3A_330[0, 0, 0] : f32 from vector<1x1x1xf32>
    %slice3A_332 = vector.extract_strided_slice %get3A_131 {offsets = [4, 1], sizes = [1, 1], strides = [1, 1]} : vector<16x128xf32> to vector<1x1xf32>
    %squeeze3A_333 = vector.extract %slice3A_332[0, 0] : f32 from vector<1x1xf32>
    %add3A_334 = arith.addf %reduce_sum3A_331, %squeeze3A_333 : f32
    %eq3A_335 = arith.constant 4 : i32
    %eq3A_336 = vector.broadcast %eq3A_335 : i32 to vector<1x2048xi32>
    %eq3A_337 = arith.cmpi eq, %select_n3A_128, %eq3A_336 : vector<1x2048xi32>
    %and3A_338 = arith.andi %eq3A_134, %eq3A_337 : vector<1x2048xi1>
    %jit3A_339 = arith.constant 0.000000e+00 : f32
    %broadcast_in_dim3A_340 = vector.broadcast %jit3A_339 : f32 to vector<1x2048xf32>
    %select_n3A_341 = arith.select %and3A_338, %broadcast_in_dim3A, %broadcast_in_dim3A_340 : vector<1x2048xi1>, vector<1x2048xf32>
    %reduce_sum3A_342 = vector.shape_cast %select_n3A_341 : vector<1x2048xf32> to vector<1x1x2048xf32>
    %reduce_sum3A_343 = arith.constant dense<0.000000e+00> : vector<1xf32>
    %reduce_sum3A_344 = vector.multi_reduction <add>, %reduce_sum3A_342, %reduce_sum3A_343 [1, 2] : vector<1x1x2048xf32> to vector<1xf32>
    %reduce_sum3A_345 = vector.shape_cast %reduce_sum3A_344 : vector<1xf32> to vector<1x1x1xf32>
    %reduce_sum3A_346 = vector.extract %reduce_sum3A_345[0, 0, 0] : f32 from vector<1x1x1xf32>
    %slice3A_347 = vector.extract_strided_slice %get3A_131 {offsets = [4, 2], sizes = [1, 1], strides = [1, 1]} : vector<16x128xf32> to vector<1x1xf32>
    %squeeze3A_348 = vector.extract %slice3A_347[0, 0] : f32 from vector<1x1xf32>
    %add3A_349 = arith.addf %reduce_sum3A_346, %squeeze3A_348 : f32
    %mul3A_350 = arith.constant 2.000000e+00 : f32
    %mul3A_351 = arith.mulf %mul3A_350, %add3A_319 : f32
    %add3A_352 = arith.addf %add3A_334, %add3A_349 : f32
    %add3A_353 = arith.constant 9.99999974E-6 : f32
    %add3A_354 = arith.addf %add3A_352, %add3A_353 : f32
    %div3A_355 = arith.divf %mul3A_351, %add3A_354 : f32
    %add3A_356 = arith.addf %add3A_300, %div3A_355 : f32
    %eq3A_357 = arith.constant 5 : i32
    %eq3A_358 = vector.broadcast %eq3A_357 : i32 to vector<1x2048xi32>
    %eq3A_359 = arith.cmpi eq, %select_n3A_106, %eq3A_358 : vector<1x2048xi32>
    %and3A_360 = arith.andi %eq3A_134, %eq3A_359 : vector<1x2048xi1>
    %eq3A_361 = arith.constant 5 : i32
    %eq3A_362 = vector.broadcast %eq3A_361 : i32 to vector<1x2048xi32>
    %eq3A_363 = arith.cmpi eq, %select_n3A_128, %eq3A_362 : vector<1x2048xi32>
    %and3A_364 = arith.andi %and3A_360, %eq3A_363 : vector<1x2048xi1>
    %jit3A_365 = arith.constant 0.000000e+00 : f32
    %broadcast_in_dim3A_366 = vector.broadcast %jit3A_365 : f32 to vector<1x2048xf32>
    %select_n3A_367 = arith.select %and3A_364, %broadcast_in_dim3A, %broadcast_in_dim3A_366 : vector<1x2048xi1>, vector<1x2048xf32>
    %reduce_sum3A_368 = vector.shape_cast %select_n3A_367 : vector<1x2048xf32> to vector<1x1x2048xf32>
    %reduce_sum3A_369 = arith.constant dense<0.000000e+00> : vector<1xf32>
    %reduce_sum3A_370 = vector.multi_reduction <add>, %reduce_sum3A_368, %reduce_sum3A_369 [1, 2] : vector<1x1x2048xf32> to vector<1xf32>
    %reduce_sum3A_371 = vector.shape_cast %reduce_sum3A_370 : vector<1xf32> to vector<1x1x1xf32>
    %reduce_sum3A_372 = vector.extract %reduce_sum3A_371[0, 0, 0] : f32 from vector<1x1x1xf32>
    %slice3A_373 = vector.extract_strided_slice %get3A_131 {offsets = [5, 0], sizes = [1, 1], strides = [1, 1]} : vector<16x128xf32> to vector<1x1xf32>
    %squeeze3A_374 = vector.extract %slice3A_373[0, 0] : f32 from vector<1x1xf32>
    %add3A_375 = arith.addf %reduce_sum3A_372, %squeeze3A_374 : f32
    %eq3A_376 = arith.constant 5 : i32
    %eq3A_377 = vector.broadcast %eq3A_376 : i32 to vector<1x2048xi32>
    %eq3A_378 = arith.cmpi eq, %select_n3A_106, %eq3A_377 : vector<1x2048xi32>
    %and3A_379 = arith.andi %eq3A_134, %eq3A_378 : vector<1x2048xi1>
    %jit3A_380 = arith.constant 0.000000e+00 : f32
    %broadcast_in_dim3A_381 = vector.broadcast %jit3A_380 : f32 to vector<1x2048xf32>
    %select_n3A_382 = arith.select %and3A_379, %broadcast_in_dim3A, %broadcast_in_dim3A_381 : vector<1x2048xi1>, vector<1x2048xf32>
    %reduce_sum3A_383 = vector.shape_cast %select_n3A_382 : vector<1x2048xf32> to vector<1x1x2048xf32>
    %reduce_sum3A_384 = arith.constant dense<0.000000e+00> : vector<1xf32>
    %reduce_sum3A_385 = vector.multi_reduction <add>, %reduce_sum3A_383, %reduce_sum3A_384 [1, 2] : vector<1x1x2048xf32> to vector<1xf32>
    %reduce_sum3A_386 = vector.shape_cast %reduce_sum3A_385 : vector<1xf32> to vector<1x1x1xf32>
    %reduce_sum3A_387 = vector.extract %reduce_sum3A_386[0, 0, 0] : f32 from vector<1x1x1xf32>
    %slice3A_388 = vector.extract_strided_slice %get3A_131 {offsets = [5, 1], sizes = [1, 1], strides = [1, 1]} : vector<16x128xf32> to vector<1x1xf32>
    %squeeze3A_389 = vector.extract %slice3A_388[0, 0] : f32 from vector<1x1xf32>
    %add3A_390 = arith.addf %reduce_sum3A_387, %squeeze3A_389 : f32
    %eq3A_391 = arith.constant 5 : i32
    %eq3A_392 = vector.broadcast %eq3A_391 : i32 to vector<1x2048xi32>
    %eq3A_393 = arith.cmpi eq, %select_n3A_128, %eq3A_392 : vector<1x2048xi32>
    %and3A_394 = arith.andi %eq3A_134, %eq3A_393 : vector<1x2048xi1>
    %jit3A_395 = arith.constant 0.000000e+00 : f32
    %broadcast_in_dim3A_396 = vector.broadcast %jit3A_395 : f32 to vector<1x2048xf32>
    %select_n3A_397 = arith.select %and3A_394, %broadcast_in_dim3A, %broadcast_in_dim3A_396 : vector<1x2048xi1>, vector<1x2048xf32>
    %reduce_sum3A_398 = vector.shape_cast %select_n3A_397 : vector<1x2048xf32> to vector<1x1x2048xf32>
    %reduce_sum3A_399 = arith.constant dense<0.000000e+00> : vector<1xf32>
    %reduce_sum3A_400 = vector.multi_reduction <add>, %reduce_sum3A_398, %reduce_sum3A_399 [1, 2] : vector<1x1x2048xf32> to vector<1xf32>
    %reduce_sum3A_401 = vector.shape_cast %reduce_sum3A_400 : vector<1xf32> to vector<1x1x1xf32>
    %reduce_sum3A_402 = vector.extract %reduce_sum3A_401[0, 0, 0] : f32 from vector<1x1x1xf32>
    %slice3A_403 = vector.extract_strided_slice %get3A_131 {offsets = [5, 2], sizes = [1, 1], strides = [1, 1]} : vector<16x128xf32> to vector<1x1xf32>
    %squeeze3A_404 = vector.extract %slice3A_403[0, 0] : f32 from vector<1x1xf32>
    %add3A_405 = arith.addf %reduce_sum3A_402, %squeeze3A_404 : f32
    %mul3A_406 = arith.constant 2.000000e+00 : f32
    %mul3A_407 = arith.mulf %mul3A_406, %add3A_375 : f32
    %add3A_408 = arith.addf %add3A_390, %add3A_405 : f32
    %add3A_409 = arith.constant 9.99999974E-6 : f32
    %add3A_410 = arith.addf %add3A_408, %add3A_409 : f32
    %div3A_411 = arith.divf %mul3A_407, %add3A_410 : f32
    %add3A_412 = arith.addf %add3A_356, %div3A_411 : f32
    %eq3A_413 = arith.constant 6 : i32
    %eq3A_414 = vector.broadcast %eq3A_413 : i32 to vector<1x2048xi32>
    %eq3A_415 = arith.cmpi eq, %select_n3A_106, %eq3A_414 : vector<1x2048xi32>
    %and3A_416 = arith.andi %eq3A_134, %eq3A_415 : vector<1x2048xi1>
    %eq3A_417 = arith.constant 6 : i32
    %eq3A_418 = vector.broadcast %eq3A_417 : i32 to vector<1x2048xi32>
    %eq3A_419 = arith.cmpi eq, %select_n3A_128, %eq3A_418 : vector<1x2048xi32>
    %and3A_420 = arith.andi %and3A_416, %eq3A_419 : vector<1x2048xi1>
    %jit3A_421 = arith.constant 0.000000e+00 : f32
    %broadcast_in_dim3A_422 = vector.broadcast %jit3A_421 : f32 to vector<1x2048xf32>
    %select_n3A_423 = arith.select %and3A_420, %broadcast_in_dim3A, %broadcast_in_dim3A_422 : vector<1x2048xi1>, vector<1x2048xf32>
    %reduce_sum3A_424 = vector.shape_cast %select_n3A_423 : vector<1x2048xf32> to vector<1x1x2048xf32>
    %reduce_sum3A_425 = arith.constant dense<0.000000e+00> : vector<1xf32>
    %reduce_sum3A_426 = vector.multi_reduction <add>, %reduce_sum3A_424, %reduce_sum3A_425 [1, 2] : vector<1x1x2048xf32> to vector<1xf32>
    %reduce_sum3A_427 = vector.shape_cast %reduce_sum3A_426 : vector<1xf32> to vector<1x1x1xf32>
    %reduce_sum3A_428 = vector.extract %reduce_sum3A_427[0, 0, 0] : f32 from vector<1x1x1xf32>
    %slice3A_429 = vector.extract_strided_slice %get3A_131 {offsets = [6, 0], sizes = [1, 1], strides = [1, 1]} : vector<16x128xf32> to vector<1x1xf32>
    %squeeze3A_430 = vector.extract %slice3A_429[0, 0] : f32 from vector<1x1xf32>
    %add3A_431 = arith.addf %reduce_sum3A_428, %squeeze3A_430 : f32
    %eq3A_432 = arith.constant 6 : i32
    %eq3A_433 = vector.broadcast %eq3A_432 : i32 to vector<1x2048xi32>
    %eq3A_434 = arith.cmpi eq, %select_n3A_106, %eq3A_433 : vector<1x2048xi32>
    %and3A_435 = arith.andi %eq3A_134, %eq3A_434 : vector<1x2048xi1>
    %jit3A_436 = arith.constant 0.000000e+00 : f32
    %broadcast_in_dim3A_437 = vector.broadcast %jit3A_436 : f32 to vector<1x2048xf32>
    %select_n3A_438 = arith.select %and3A_435, %broadcast_in_dim3A, %broadcast_in_dim3A_437 : vector<1x2048xi1>, vector<1x2048xf32>
    %reduce_sum3A_439 = vector.shape_cast %select_n3A_438 : vector<1x2048xf32> to vector<1x1x2048xf32>
    %reduce_sum3A_440 = arith.constant dense<0.000000e+00> : vector<1xf32>
    %reduce_sum3A_441 = vector.multi_reduction <add>, %reduce_sum3A_439, %reduce_sum3A_440 [1, 2] : vector<1x1x2048xf32> to vector<1xf32>
    %reduce_sum3A_442 = vector.shape_cast %reduce_sum3A_441 : vector<1xf32> to vector<1x1x1xf32>
    %reduce_sum3A_443 = vector.extract %reduce_sum3A_442[0, 0, 0] : f32 from vector<1x1x1xf32>
    %slice3A_444 = vector.extract_strided_slice %get3A_131 {offsets = [6, 1], sizes = [1, 1], strides = [1, 1]} : vector<16x128xf32> to vector<1x1xf32>
    %squeeze3A_445 = vector.extract %slice3A_444[0, 0] : f32 from vector<1x1xf32>
    %add3A_446 = arith.addf %reduce_sum3A_443, %squeeze3A_445 : f32
    %eq3A_447 = arith.constant 6 : i32
    %eq3A_448 = vector.broadcast %eq3A_447 : i32 to vector<1x2048xi32>
    %eq3A_449 = arith.cmpi eq, %select_n3A_128, %eq3A_448 : vector<1x2048xi32>
    %and3A_450 = arith.andi %eq3A_134, %eq3A_449 : vector<1x2048xi1>
    %jit3A_451 = arith.constant 0.000000e+00 : f32
    %broadcast_in_dim3A_452 = vector.broadcast %jit3A_451 : f32 to vector<1x2048xf32>
    %select_n3A_453 = arith.select %and3A_450, %broadcast_in_dim3A, %broadcast_in_dim3A_452 : vector<1x2048xi1>, vector<1x2048xf32>
    %reduce_sum3A_454 = vector.shape_cast %select_n3A_453 : vector<1x2048xf32> to vector<1x1x2048xf32>
    %reduce_sum3A_455 = arith.constant dense<0.000000e+00> : vector<1xf32>
    %reduce_sum3A_456 = vector.multi_reduction <add>, %reduce_sum3A_454, %reduce_sum3A_455 [1, 2] : vector<1x1x2048xf32> to vector<1xf32>
    %reduce_sum3A_457 = vector.shape_cast %reduce_sum3A_456 : vector<1xf32> to vector<1x1x1xf32>
    %reduce_sum3A_458 = vector.extract %reduce_sum3A_457[0, 0, 0] : f32 from vector<1x1x1xf32>
    %slice3A_459 = vector.extract_strided_slice %get3A_131 {offsets = [6, 2], sizes = [1, 1], strides = [1, 1]} : vector<16x128xf32> to vector<1x1xf32>
    %squeeze3A_460 = vector.extract %slice3A_459[0, 0] : f32 from vector<1x1xf32>
    %add3A_461 = arith.addf %reduce_sum3A_458, %squeeze3A_460 : f32
    %mul3A_462 = arith.constant 2.000000e+00 : f32
    %mul3A_463 = arith.mulf %mul3A_462, %add3A_431 : f32
    %add3A_464 = arith.addf %add3A_446, %add3A_461 : f32
    %add3A_465 = arith.constant 9.99999974E-6 : f32
    %add3A_466 = arith.addf %add3A_464, %add3A_465 : f32
    %div3A_467 = arith.divf %mul3A_463, %add3A_466 : f32
    %add3A_468 = arith.addf %add3A_412, %div3A_467 : f32
    %eq3A_469 = arith.constant 7 : i32
    %eq3A_470 = vector.broadcast %eq3A_469 : i32 to vector<1x2048xi32>
    %eq3A_471 = arith.cmpi eq, %select_n3A_106, %eq3A_470 : vector<1x2048xi32>
    %and3A_472 = arith.andi %eq3A_134, %eq3A_471 : vector<1x2048xi1>
    %eq3A_473 = arith.constant 7 : i32
    %eq3A_474 = vector.broadcast %eq3A_473 : i32 to vector<1x2048xi32>
    %eq3A_475 = arith.cmpi eq, %select_n3A_128, %eq3A_474 : vector<1x2048xi32>
    %and3A_476 = arith.andi %and3A_472, %eq3A_475 : vector<1x2048xi1>
    %jit3A_477 = arith.constant 0.000000e+00 : f32
    %broadcast_in_dim3A_478 = vector.broadcast %jit3A_477 : f32 to vector<1x2048xf32>
    %select_n3A_479 = arith.select %and3A_476, %broadcast_in_dim3A, %broadcast_in_dim3A_478 : vector<1x2048xi1>, vector<1x2048xf32>
    %reduce_sum3A_480 = vector.shape_cast %select_n3A_479 : vector<1x2048xf32> to vector<1x1x2048xf32>
    %reduce_sum3A_481 = arith.constant dense<0.000000e+00> : vector<1xf32>
    %reduce_sum3A_482 = vector.multi_reduction <add>, %reduce_sum3A_480, %reduce_sum3A_481 [1, 2] : vector<1x1x2048xf32> to vector<1xf32>
    %reduce_sum3A_483 = vector.shape_cast %reduce_sum3A_482 : vector<1xf32> to vector<1x1x1xf32>
    %reduce_sum3A_484 = vector.extract %reduce_sum3A_483[0, 0, 0] : f32 from vector<1x1x1xf32>
    %slice3A_485 = vector.extract_strided_slice %get3A_131 {offsets = [7, 0], sizes = [1, 1], strides = [1, 1]} : vector<16x128xf32> to vector<1x1xf32>
    %squeeze3A_486 = vector.extract %slice3A_485[0, 0] : f32 from vector<1x1xf32>
    %add3A_487 = arith.addf %reduce_sum3A_484, %squeeze3A_486 : f32
    %eq3A_488 = arith.constant 7 : i32
    %eq3A_489 = vector.broadcast %eq3A_488 : i32 to vector<1x2048xi32>
    %eq3A_490 = arith.cmpi eq, %select_n3A_106, %eq3A_489 : vector<1x2048xi32>
    %and3A_491 = arith.andi %eq3A_134, %eq3A_490 : vector<1x2048xi1>
    %jit3A_492 = arith.constant 0.000000e+00 : f32
    %broadcast_in_dim3A_493 = vector.broadcast %jit3A_492 : f32 to vector<1x2048xf32>
    %select_n3A_494 = arith.select %and3A_491, %broadcast_in_dim3A, %broadcast_in_dim3A_493 : vector<1x2048xi1>, vector<1x2048xf32>
    %reduce_sum3A_495 = vector.shape_cast %select_n3A_494 : vector<1x2048xf32> to vector<1x1x2048xf32>
    %reduce_sum3A_496 = arith.constant dense<0.000000e+00> : vector<1xf32>
    %reduce_sum3A_497 = vector.multi_reduction <add>, %reduce_sum3A_495, %reduce_sum3A_496 [1, 2] : vector<1x1x2048xf32> to vector<1xf32>
    %reduce_sum3A_498 = vector.shape_cast %reduce_sum3A_497 : vector<1xf32> to vector<1x1x1xf32>
    %reduce_sum3A_499 = vector.extract %reduce_sum3A_498[0, 0, 0] : f32 from vector<1x1x1xf32>
    %slice3A_500 = vector.extract_strided_slice %get3A_131 {offsets = [7, 1], sizes = [1, 1], strides = [1, 1]} : vector<16x128xf32> to vector<1x1xf32>
    %squeeze3A_501 = vector.extract %slice3A_500[0, 0] : f32 from vector<1x1xf32>
    %add3A_502 = arith.addf %reduce_sum3A_499, %squeeze3A_501 : f32
    %eq3A_503 = arith.constant 7 : i32
    %eq3A_504 = vector.broadcast %eq3A_503 : i32 to vector<1x2048xi32>
    %eq3A_505 = arith.cmpi eq, %select_n3A_128, %eq3A_504 : vector<1x2048xi32>
    %and3A_506 = arith.andi %eq3A_134, %eq3A_505 : vector<1x2048xi1>
    %jit3A_507 = arith.constant 0.000000e+00 : f32
    %broadcast_in_dim3A_508 = vector.broadcast %jit3A_507 : f32 to vector<1x2048xf32>
    %select_n3A_509 = arith.select %and3A_506, %broadcast_in_dim3A, %broadcast_in_dim3A_508 : vector<1x2048xi1>, vector<1x2048xf32>
    %reduce_sum3A_510 = vector.shape_cast %select_n3A_509 : vector<1x2048xf32> to vector<1x1x2048xf32>
    %reduce_sum3A_511 = arith.constant dense<0.000000e+00> : vector<1xf32>
    %reduce_sum3A_512 = vector.multi_reduction <add>, %reduce_sum3A_510, %reduce_sum3A_511 [1, 2] : vector<1x1x2048xf32> to vector<1xf32>
    %reduce_sum3A_513 = vector.shape_cast %reduce_sum3A_512 : vector<1xf32> to vector<1x1x1xf32>
    %reduce_sum3A_514 = vector.extract %reduce_sum3A_513[0, 0, 0] : f32 from vector<1x1x1xf32>
    %slice3A_515 = vector.extract_strided_slice %get3A_131 {offsets = [7, 2], sizes = [1, 1], strides = [1, 1]} : vector<16x128xf32> to vector<1x1xf32>
    %squeeze3A_516 = vector.extract %slice3A_515[0, 0] : f32 from vector<1x1xf32>
    %add3A_517 = arith.addf %reduce_sum3A_514, %squeeze3A_516 : f32
    %mul3A_518 = arith.constant 2.000000e+00 : f32
    %mul3A_519 = arith.mulf %mul3A_518, %add3A_487 : f32
    %add3A_520 = arith.addf %add3A_502, %add3A_517 : f32
    %add3A_521 = arith.constant 9.99999974E-6 : f32
    %add3A_522 = arith.addf %add3A_520, %add3A_521 : f32
    %div3A_523 = arith.divf %mul3A_519, %add3A_522 : f32
    %add3A_524 = arith.addf %add3A_468, %div3A_523 : f32
    %div3A_525 = arith.constant 7.000000e+00 : f32
    %div3A_526 = arith.divf %add3A_524, %div3A_525 : f32
    %eq3A_527 = arith.constant 1 : i32
    %eq3A_528 = vector.broadcast %eq3A_527 : i32 to vector<1x2048xi32>
    %eq3A_529 = arith.cmpi eq, %select_n3A_56, %eq3A_528 : vector<1x2048xi32>
    %eq3A_530 = arith.constant 1 : i32
    %eq3A_531 = vector.broadcast %eq3A_530 : i32 to vector<1x2048xi32>
    %eq3A_532 = arith.cmpi eq, %select_n3A_106, %eq3A_531 : vector<1x2048xi32>
    %and3A_533 = arith.andi %eq3A_529, %eq3A_532 : vector<1x2048xi1>
    %eq3A_534 = arith.constant 1 : i32
    %eq3A_535 = vector.broadcast %eq3A_534 : i32 to vector<1x2048xi32>
    %eq3A_536 = arith.cmpi eq, %select_n3A_128, %eq3A_535 : vector<1x2048xi32>
    %and3A_537 = arith.andi %and3A_533, %eq3A_536 : vector<1x2048xi1>
    %jit3A_538 = arith.constant 0.000000e+00 : f32
    %broadcast_in_dim3A_539 = vector.broadcast %jit3A_538 : f32 to vector<1x2048xf32>
    %select_n3A_540 = arith.select %and3A_537, %broadcast_in_dim3A, %broadcast_in_dim3A_539 : vector<1x2048xi1>, vector<1x2048xf32>
    %reduce_sum3A_541 = vector.shape_cast %select_n3A_540 : vector<1x2048xf32> to vector<1x1x2048xf32>
    %reduce_sum3A_542 = arith.constant dense<0.000000e+00> : vector<1xf32>
    %reduce_sum3A_543 = vector.multi_reduction <add>, %reduce_sum3A_541, %reduce_sum3A_542 [1, 2] : vector<1x1x2048xf32> to vector<1xf32>
    %reduce_sum3A_544 = vector.shape_cast %reduce_sum3A_543 : vector<1xf32> to vector<1x1x1xf32>
    %reduce_sum3A_545 = vector.extract %reduce_sum3A_544[0, 0, 0] : f32 from vector<1x1x1xf32>
    %slice3A_546 = vector.extract_strided_slice %get3A_131 {offsets = [9, 0], sizes = [1, 1], strides = [1, 1]} : vector<16x128xf32> to vector<1x1xf32>
    %squeeze3A_547 = vector.extract %slice3A_546[0, 0] : f32 from vector<1x1xf32>
    %add3A_548 = arith.addf %reduce_sum3A_545, %squeeze3A_547 : f32
    %eq3A_549 = arith.constant 1 : i32
    %eq3A_550 = vector.broadcast %eq3A_549 : i32 to vector<1x2048xi32>
    %eq3A_551 = arith.cmpi eq, %select_n3A_106, %eq3A_550 : vector<1x2048xi32>
    %and3A_552 = arith.andi %eq3A_529, %eq3A_551 : vector<1x2048xi1>
    %jit3A_553 = arith.constant 0.000000e+00 : f32
    %broadcast_in_dim3A_554 = vector.broadcast %jit3A_553 : f32 to vector<1x2048xf32>
    %select_n3A_555 = arith.select %and3A_552, %broadcast_in_dim3A, %broadcast_in_dim3A_554 : vector<1x2048xi1>, vector<1x2048xf32>
    %reduce_sum3A_556 = vector.shape_cast %select_n3A_555 : vector<1x2048xf32> to vector<1x1x2048xf32>
    %reduce_sum3A_557 = arith.constant dense<0.000000e+00> : vector<1xf32>
    %reduce_sum3A_558 = vector.multi_reduction <add>, %reduce_sum3A_556, %reduce_sum3A_557 [1, 2] : vector<1x1x2048xf32> to vector<1xf32>
    %reduce_sum3A_559 = vector.shape_cast %reduce_sum3A_558 : vector<1xf32> to vector<1x1x1xf32>
    %reduce_sum3A_560 = vector.extract %reduce_sum3A_559[0, 0, 0] : f32 from vector<1x1x1xf32>
    %slice3A_561 = vector.extract_strided_slice %get3A_131 {offsets = [9, 1], sizes = [1, 1], strides = [1, 1]} : vector<16x128xf32> to vector<1x1xf32>
    %squeeze3A_562 = vector.extract %slice3A_561[0, 0] : f32 from vector<1x1xf32>
    %add3A_563 = arith.addf %reduce_sum3A_560, %squeeze3A_562 : f32
    %eq3A_564 = arith.constant 1 : i32
    %eq3A_565 = vector.broadcast %eq3A_564 : i32 to vector<1x2048xi32>
    %eq3A_566 = arith.cmpi eq, %select_n3A_128, %eq3A_565 : vector<1x2048xi32>
    %and3A_567 = arith.andi %eq3A_529, %eq3A_566 : vector<1x2048xi1>
    %jit3A_568 = arith.constant 0.000000e+00 : f32
    %broadcast_in_dim3A_569 = vector.broadcast %jit3A_568 : f32 to vector<1x2048xf32>
    %select_n3A_570 = arith.select %and3A_567, %broadcast_in_dim3A, %broadcast_in_dim3A_569 : vector<1x2048xi1>, vector<1x2048xf32>
    %reduce_sum3A_571 = vector.shape_cast %select_n3A_570 : vector<1x2048xf32> to vector<1x1x2048xf32>
    %reduce_sum3A_572 = arith.constant dense<0.000000e+00> : vector<1xf32>
    %reduce_sum3A_573 = vector.multi_reduction <add>, %reduce_sum3A_571, %reduce_sum3A_572 [1, 2] : vector<1x1x2048xf32> to vector<1xf32>
    %reduce_sum3A_574 = vector.shape_cast %reduce_sum3A_573 : vector<1xf32> to vector<1x1x1xf32>
    %reduce_sum3A_575 = vector.extract %reduce_sum3A_574[0, 0, 0] : f32 from vector<1x1x1xf32>
    %slice3A_576 = vector.extract_strided_slice %get3A_131 {offsets = [9, 2], sizes = [1, 1], strides = [1, 1]} : vector<16x128xf32> to vector<1x1xf32>
    %squeeze3A_577 = vector.extract %slice3A_576[0, 0] : f32 from vector<1x1xf32>
    %add3A_578 = arith.addf %reduce_sum3A_575, %squeeze3A_577 : f32
    %mul3A_579 = arith.constant 2.000000e+00 : f32
    %mul3A_580 = arith.mulf %mul3A_579, %add3A_548 : f32
    %add3A_581 = arith.addf %add3A_563, %add3A_578 : f32
    %add3A_582 = arith.constant 9.99999974E-6 : f32
    %add3A_583 = arith.addf %add3A_581, %add3A_582 : f32
    %div3A_584 = arith.divf %mul3A_580, %add3A_583 : f32
    %add3A_585 = arith.constant 0.000000e+00 : f32
    %add3A_586 = arith.addf %add3A_585, %div3A_584 : f32
    %eq3A_587 = arith.constant 2 : i32
    %eq3A_588 = vector.broadcast %eq3A_587 : i32 to vector<1x2048xi32>
    %eq3A_589 = arith.cmpi eq, %select_n3A_106, %eq3A_588 : vector<1x2048xi32>
    %and3A_590 = arith.andi %eq3A_529, %eq3A_589 : vector<1x2048xi1>
    %eq3A_591 = arith.constant 2 : i32
    %eq3A_592 = vector.broadcast %eq3A_591 : i32 to vector<1x2048xi32>
    %eq3A_593 = arith.cmpi eq, %select_n3A_128, %eq3A_592 : vector<1x2048xi32>
    %and3A_594 = arith.andi %and3A_590, %eq3A_593 : vector<1x2048xi1>
    %jit3A_595 = arith.constant 0.000000e+00 : f32
    %broadcast_in_dim3A_596 = vector.broadcast %jit3A_595 : f32 to vector<1x2048xf32>
    %select_n3A_597 = arith.select %and3A_594, %broadcast_in_dim3A, %broadcast_in_dim3A_596 : vector<1x2048xi1>, vector<1x2048xf32>
    %reduce_sum3A_598 = vector.shape_cast %select_n3A_597 : vector<1x2048xf32> to vector<1x1x2048xf32>
    %reduce_sum3A_599 = arith.constant dense<0.000000e+00> : vector<1xf32>
    %reduce_sum3A_600 = vector.multi_reduction <add>, %reduce_sum3A_598, %reduce_sum3A_599 [1, 2] : vector<1x1x2048xf32> to vector<1xf32>
    %reduce_sum3A_601 = vector.shape_cast %reduce_sum3A_600 : vector<1xf32> to vector<1x1x1xf32>
    %reduce_sum3A_602 = vector.extract %reduce_sum3A_601[0, 0, 0] : f32 from vector<1x1x1xf32>
    %slice3A_603 = vector.extract_strided_slice %get3A_131 {offsets = [10, 0], sizes = [1, 1], strides = [1, 1]} : vector<16x128xf32> to vector<1x1xf32>
    %squeeze3A_604 = vector.extract %slice3A_603[0, 0] : f32 from vector<1x1xf32>
    %add3A_605 = arith.addf %reduce_sum3A_602, %squeeze3A_604 : f32
    %eq3A_606 = arith.constant 2 : i32
    %eq3A_607 = vector.broadcast %eq3A_606 : i32 to vector<1x2048xi32>
    %eq3A_608 = arith.cmpi eq, %select_n3A_106, %eq3A_607 : vector<1x2048xi32>
    %and3A_609 = arith.andi %eq3A_529, %eq3A_608 : vector<1x2048xi1>
    %jit3A_610 = arith.constant 0.000000e+00 : f32
    %broadcast_in_dim3A_611 = vector.broadcast %jit3A_610 : f32 to vector<1x2048xf32>
    %select_n3A_612 = arith.select %and3A_609, %broadcast_in_dim3A, %broadcast_in_dim3A_611 : vector<1x2048xi1>, vector<1x2048xf32>
    %reduce_sum3A_613 = vector.shape_cast %select_n3A_612 : vector<1x2048xf32> to vector<1x1x2048xf32>
    %reduce_sum3A_614 = arith.constant dense<0.000000e+00> : vector<1xf32>
    %reduce_sum3A_615 = vector.multi_reduction <add>, %reduce_sum3A_613, %reduce_sum3A_614 [1, 2] : vector<1x1x2048xf32> to vector<1xf32>
    %reduce_sum3A_616 = vector.shape_cast %reduce_sum3A_615 : vector<1xf32> to vector<1x1x1xf32>
    %reduce_sum3A_617 = vector.extract %reduce_sum3A_616[0, 0, 0] : f32 from vector<1x1x1xf32>
    %slice3A_618 = vector.extract_strided_slice %get3A_131 {offsets = [10, 1], sizes = [1, 1], strides = [1, 1]} : vector<16x128xf32> to vector<1x1xf32>
    %squeeze3A_619 = vector.extract %slice3A_618[0, 0] : f32 from vector<1x1xf32>
    %add3A_620 = arith.addf %reduce_sum3A_617, %squeeze3A_619 : f32
    %eq3A_621 = arith.constant 2 : i32
    %eq3A_622 = vector.broadcast %eq3A_621 : i32 to vector<1x2048xi32>
    %eq3A_623 = arith.cmpi eq, %select_n3A_128, %eq3A_622 : vector<1x2048xi32>
    %and3A_624 = arith.andi %eq3A_529, %eq3A_623 : vector<1x2048xi1>
    %jit3A_625 = arith.constant 0.000000e+00 : f32
    %broadcast_in_dim3A_626 = vector.broadcast %jit3A_625 : f32 to vector<1x2048xf32>
    %select_n3A_627 = arith.select %and3A_624, %broadcast_in_dim3A, %broadcast_in_dim3A_626 : vector<1x2048xi1>, vector<1x2048xf32>
    %reduce_sum3A_628 = vector.shape_cast %select_n3A_627 : vector<1x2048xf32> to vector<1x1x2048xf32>
    %reduce_sum3A_629 = arith.constant dense<0.000000e+00> : vector<1xf32>
    %reduce_sum3A_630 = vector.multi_reduction <add>, %reduce_sum3A_628, %reduce_sum3A_629 [1, 2] : vector<1x1x2048xf32> to vector<1xf32>
    %reduce_sum3A_631 = vector.shape_cast %reduce_sum3A_630 : vector<1xf32> to vector<1x1x1xf32>
    %reduce_sum3A_632 = vector.extract %reduce_sum3A_631[0, 0, 0] : f32 from vector<1x1x1xf32>
    %slice3A_633 = vector.extract_strided_slice %get3A_131 {offsets = [10, 2], sizes = [1, 1], strides = [1, 1]} : vector<16x128xf32> to vector<1x1xf32>
    %squeeze3A_634 = vector.extract %slice3A_633[0, 0] : f32 from vector<1x1xf32>
    %add3A_635 = arith.addf %reduce_sum3A_632, %squeeze3A_634 : f32
    %mul3A_636 = arith.constant 2.000000e+00 : f32
    %mul3A_637 = arith.mulf %mul3A_636, %add3A_605 : f32
    %add3A_638 = arith.addf %add3A_620, %add3A_635 : f32
    %add3A_639 = arith.constant 9.99999974E-6 : f32
    %add3A_640 = arith.addf %add3A_638, %add3A_639 : f32
    %div3A_641 = arith.divf %mul3A_637, %add3A_640 : f32
    %add3A_642 = arith.addf %add3A_586, %div3A_641 : f32
    %eq3A_643 = arith.constant 3 : i32
    %eq3A_644 = vector.broadcast %eq3A_643 : i32 to vector<1x2048xi32>
    %eq3A_645 = arith.cmpi eq, %select_n3A_106, %eq3A_644 : vector<1x2048xi32>
    %and3A_646 = arith.andi %eq3A_529, %eq3A_645 : vector<1x2048xi1>
    %eq3A_647 = arith.constant 3 : i32
    %eq3A_648 = vector.broadcast %eq3A_647 : i32 to vector<1x2048xi32>
    %eq3A_649 = arith.cmpi eq, %select_n3A_128, %eq3A_648 : vector<1x2048xi32>
    %and3A_650 = arith.andi %and3A_646, %eq3A_649 : vector<1x2048xi1>
    %jit3A_651 = arith.constant 0.000000e+00 : f32
    %broadcast_in_dim3A_652 = vector.broadcast %jit3A_651 : f32 to vector<1x2048xf32>
    %select_n3A_653 = arith.select %and3A_650, %broadcast_in_dim3A, %broadcast_in_dim3A_652 : vector<1x2048xi1>, vector<1x2048xf32>
    %reduce_sum3A_654 = vector.shape_cast %select_n3A_653 : vector<1x2048xf32> to vector<1x1x2048xf32>
    %reduce_sum3A_655 = arith.constant dense<0.000000e+00> : vector<1xf32>
    %reduce_sum3A_656 = vector.multi_reduction <add>, %reduce_sum3A_654, %reduce_sum3A_655 [1, 2] : vector<1x1x2048xf32> to vector<1xf32>
    %reduce_sum3A_657 = vector.shape_cast %reduce_sum3A_656 : vector<1xf32> to vector<1x1x1xf32>
    %reduce_sum3A_658 = vector.extract %reduce_sum3A_657[0, 0, 0] : f32 from vector<1x1x1xf32>
    %slice3A_659 = vector.extract_strided_slice %get3A_131 {offsets = [11, 0], sizes = [1, 1], strides = [1, 1]} : vector<16x128xf32> to vector<1x1xf32>
    %squeeze3A_660 = vector.extract %slice3A_659[0, 0] : f32 from vector<1x1xf32>
    %add3A_661 = arith.addf %reduce_sum3A_658, %squeeze3A_660 : f32
    %eq3A_662 = arith.constant 3 : i32
    %eq3A_663 = vector.broadcast %eq3A_662 : i32 to vector<1x2048xi32>
    %eq3A_664 = arith.cmpi eq, %select_n3A_106, %eq3A_663 : vector<1x2048xi32>
    %and3A_665 = arith.andi %eq3A_529, %eq3A_664 : vector<1x2048xi1>
    %jit3A_666 = arith.constant 0.000000e+00 : f32
    %broadcast_in_dim3A_667 = vector.broadcast %jit3A_666 : f32 to vector<1x2048xf32>
    %select_n3A_668 = arith.select %and3A_665, %broadcast_in_dim3A, %broadcast_in_dim3A_667 : vector<1x2048xi1>, vector<1x2048xf32>
    %reduce_sum3A_669 = vector.shape_cast %select_n3A_668 : vector<1x2048xf32> to vector<1x1x2048xf32>
    %reduce_sum3A_670 = arith.constant dense<0.000000e+00> : vector<1xf32>
    %reduce_sum3A_671 = vector.multi_reduction <add>, %reduce_sum3A_669, %reduce_sum3A_670 [1, 2] : vector<1x1x2048xf32> to vector<1xf32>
    %reduce_sum3A_672 = vector.shape_cast %reduce_sum3A_671 : vector<1xf32> to vector<1x1x1xf32>
    %reduce_sum3A_673 = vector.extract %reduce_sum3A_672[0, 0, 0] : f32 from vector<1x1x1xf32>
    %slice3A_674 = vector.extract_strided_slice %get3A_131 {offsets = [11, 1], sizes = [1, 1], strides = [1, 1]} : vector<16x128xf32> to vector<1x1xf32>
    %squeeze3A_675 = vector.extract %slice3A_674[0, 0] : f32 from vector<1x1xf32>
    %add3A_676 = arith.addf %reduce_sum3A_673, %squeeze3A_675 : f32
    %eq3A_677 = arith.constant 3 : i32
    %eq3A_678 = vector.broadcast %eq3A_677 : i32 to vector<1x2048xi32>
    %eq3A_679 = arith.cmpi eq, %select_n3A_128, %eq3A_678 : vector<1x2048xi32>
    %and3A_680 = arith.andi %eq3A_529, %eq3A_679 : vector<1x2048xi1>
    %jit3A_681 = arith.constant 0.000000e+00 : f32
    %broadcast_in_dim3A_682 = vector.broadcast %jit3A_681 : f32 to vector<1x2048xf32>
    %select_n3A_683 = arith.select %and3A_680, %broadcast_in_dim3A, %broadcast_in_dim3A_682 : vector<1x2048xi1>, vector<1x2048xf32>
    %reduce_sum3A_684 = vector.shape_cast %select_n3A_683 : vector<1x2048xf32> to vector<1x1x2048xf32>
    %reduce_sum3A_685 = arith.constant dense<0.000000e+00> : vector<1xf32>
    %reduce_sum3A_686 = vector.multi_reduction <add>, %reduce_sum3A_684, %reduce_sum3A_685 [1, 2] : vector<1x1x2048xf32> to vector<1xf32>
    %reduce_sum3A_687 = vector.shape_cast %reduce_sum3A_686 : vector<1xf32> to vector<1x1x1xf32>
    %reduce_sum3A_688 = vector.extract %reduce_sum3A_687[0, 0, 0] : f32 from vector<1x1x1xf32>
    %slice3A_689 = vector.extract_strided_slice %get3A_131 {offsets = [11, 2], sizes = [1, 1], strides = [1, 1]} : vector<16x128xf32> to vector<1x1xf32>
    %squeeze3A_690 = vector.extract %slice3A_689[0, 0] : f32 from vector<1x1xf32>
    %add3A_691 = arith.addf %reduce_sum3A_688, %squeeze3A_690 : f32
    %mul3A_692 = arith.constant 2.000000e+00 : f32
    %mul3A_693 = arith.mulf %mul3A_692, %add3A_661 : f32
    %add3A_694 = arith.addf %add3A_676, %add3A_691 : f32
    %add3A_695 = arith.constant 9.99999974E-6 : f32
    %add3A_696 = arith.addf %add3A_694, %add3A_695 : f32
    %div3A_697 = arith.divf %mul3A_693, %add3A_696 : f32
    %add3A_698 = arith.addf %add3A_642, %div3A_697 : f32
    %eq3A_699 = arith.constant 4 : i32
    %eq3A_700 = vector.broadcast %eq3A_699 : i32 to vector<1x2048xi32>
    %eq3A_701 = arith.cmpi eq, %select_n3A_106, %eq3A_700 : vector<1x2048xi32>
    %and3A_702 = arith.andi %eq3A_529, %eq3A_701 : vector<1x2048xi1>
    %eq3A_703 = arith.constant 4 : i32
    %eq3A_704 = vector.broadcast %eq3A_703 : i32 to vector<1x2048xi32>
    %eq3A_705 = arith.cmpi eq, %select_n3A_128, %eq3A_704 : vector<1x2048xi32>
    %and3A_706 = arith.andi %and3A_702, %eq3A_705 : vector<1x2048xi1>
    %jit3A_707 = arith.constant 0.000000e+00 : f32
    %broadcast_in_dim3A_708 = vector.broadcast %jit3A_707 : f32 to vector<1x2048xf32>
    %select_n3A_709 = arith.select %and3A_706, %broadcast_in_dim3A, %broadcast_in_dim3A_708 : vector<1x2048xi1>, vector<1x2048xf32>
    %reduce_sum3A_710 = vector.shape_cast %select_n3A_709 : vector<1x2048xf32> to vector<1x1x2048xf32>
    %reduce_sum3A_711 = arith.constant dense<0.000000e+00> : vector<1xf32>
    %reduce_sum3A_712 = vector.multi_reduction <add>, %reduce_sum3A_710, %reduce_sum3A_711 [1, 2] : vector<1x1x2048xf32> to vector<1xf32>
    %reduce_sum3A_713 = vector.shape_cast %reduce_sum3A_712 : vector<1xf32> to vector<1x1x1xf32>
    %reduce_sum3A_714 = vector.extract %reduce_sum3A_713[0, 0, 0] : f32 from vector<1x1x1xf32>
    %slice3A_715 = vector.extract_strided_slice %get3A_131 {offsets = [12, 0], sizes = [1, 1], strides = [1, 1]} : vector<16x128xf32> to vector<1x1xf32>
    %squeeze3A_716 = vector.extract %slice3A_715[0, 0] : f32 from vector<1x1xf32>
    %add3A_717 = arith.addf %reduce_sum3A_714, %squeeze3A_716 : f32
    %eq3A_718 = arith.constant 4 : i32
    %eq3A_719 = vector.broadcast %eq3A_718 : i32 to vector<1x2048xi32>
    %eq3A_720 = arith.cmpi eq, %select_n3A_106, %eq3A_719 : vector<1x2048xi32>
    %and3A_721 = arith.andi %eq3A_529, %eq3A_720 : vector<1x2048xi1>
    %jit3A_722 = arith.constant 0.000000e+00 : f32
    %broadcast_in_dim3A_723 = vector.broadcast %jit3A_722 : f32 to vector<1x2048xf32>
    %select_n3A_724 = arith.select %and3A_721, %broadcast_in_dim3A, %broadcast_in_dim3A_723 : vector<1x2048xi1>, vector<1x2048xf32>
    %reduce_sum3A_725 = vector.shape_cast %select_n3A_724 : vector<1x2048xf32> to vector<1x1x2048xf32>
    %reduce_sum3A_726 = arith.constant dense<0.000000e+00> : vector<1xf32>
    %reduce_sum3A_727 = vector.multi_reduction <add>, %reduce_sum3A_725, %reduce_sum3A_726 [1, 2] : vector<1x1x2048xf32> to vector<1xf32>
    %reduce_sum3A_728 = vector.shape_cast %reduce_sum3A_727 : vector<1xf32> to vector<1x1x1xf32>
    %reduce_sum3A_729 = vector.extract %reduce_sum3A_728[0, 0, 0] : f32 from vector<1x1x1xf32>
    %slice3A_730 = vector.extract_strided_slice %get3A_131 {offsets = [12, 1], sizes = [1, 1], strides = [1, 1]} : vector<16x128xf32> to vector<1x1xf32>
    %squeeze3A_731 = vector.extract %slice3A_730[0, 0] : f32 from vector<1x1xf32>
    %add3A_732 = arith.addf %reduce_sum3A_729, %squeeze3A_731 : f32
    %eq3A_733 = arith.constant 4 : i32
    %eq3A_734 = vector.broadcast %eq3A_733 : i32 to vector<1x2048xi32>
    %eq3A_735 = arith.cmpi eq, %select_n3A_128, %eq3A_734 : vector<1x2048xi32>
    %and3A_736 = arith.andi %eq3A_529, %eq3A_735 : vector<1x2048xi1>
    %jit3A_737 = arith.constant 0.000000e+00 : f32
    %broadcast_in_dim3A_738 = vector.broadcast %jit3A_737 : f32 to vector<1x2048xf32>
    %select_n3A_739 = arith.select %and3A_736, %broadcast_in_dim3A, %broadcast_in_dim3A_738 : vector<1x2048xi1>, vector<1x2048xf32>
    %reduce_sum3A_740 = vector.shape_cast %select_n3A_739 : vector<1x2048xf32> to vector<1x1x2048xf32>
    %reduce_sum3A_741 = arith.constant dense<0.000000e+00> : vector<1xf32>
    %reduce_sum3A_742 = vector.multi_reduction <add>, %reduce_sum3A_740, %reduce_sum3A_741 [1, 2] : vector<1x1x2048xf32> to vector<1xf32>
    %reduce_sum3A_743 = vector.shape_cast %reduce_sum3A_742 : vector<1xf32> to vector<1x1x1xf32>
    %reduce_sum3A_744 = vector.extract %reduce_sum3A_743[0, 0, 0] : f32 from vector<1x1x1xf32>
    %slice3A_745 = vector.extract_strided_slice %get3A_131 {offsets = [12, 2], sizes = [1, 1], strides = [1, 1]} : vector<16x128xf32> to vector<1x1xf32>
    %squeeze3A_746 = vector.extract %slice3A_745[0, 0] : f32 from vector<1x1xf32>
    %add3A_747 = arith.addf %reduce_sum3A_744, %squeeze3A_746 : f32
    %mul3A_748 = arith.constant 2.000000e+00 : f32
    %mul3A_749 = arith.mulf %mul3A_748, %add3A_717 : f32
    %add3A_750 = arith.addf %add3A_732, %add3A_747 : f32
    %add3A_751 = arith.constant 9.99999974E-6 : f32
    %add3A_752 = arith.addf %add3A_750, %add3A_751 : f32
    %div3A_753 = arith.divf %mul3A_749, %add3A_752 : f32
    %add3A_754 = arith.addf %add3A_698, %div3A_753 : f32
    %eq3A_755 = arith.constant 5 : i32
    %eq3A_756 = vector.broadcast %eq3A_755 : i32 to vector<1x2048xi32>
    %eq3A_757 = arith.cmpi eq, %select_n3A_106, %eq3A_756 : vector<1x2048xi32>
    %and3A_758 = arith.andi %eq3A_529, %eq3A_757 : vector<1x2048xi1>
    %eq3A_759 = arith.constant 5 : i32
    %eq3A_760 = vector.broadcast %eq3A_759 : i32 to vector<1x2048xi32>
    %eq3A_761 = arith.cmpi eq, %select_n3A_128, %eq3A_760 : vector<1x2048xi32>
    %and3A_762 = arith.andi %and3A_758, %eq3A_761 : vector<1x2048xi1>
    %jit3A_763 = arith.constant 0.000000e+00 : f32
    %broadcast_in_dim3A_764 = vector.broadcast %jit3A_763 : f32 to vector<1x2048xf32>
    %select_n3A_765 = arith.select %and3A_762, %broadcast_in_dim3A, %broadcast_in_dim3A_764 : vector<1x2048xi1>, vector<1x2048xf32>
    %reduce_sum3A_766 = vector.shape_cast %select_n3A_765 : vector<1x2048xf32> to vector<1x1x2048xf32>
    %reduce_sum3A_767 = arith.constant dense<0.000000e+00> : vector<1xf32>
    %reduce_sum3A_768 = vector.multi_reduction <add>, %reduce_sum3A_766, %reduce_sum3A_767 [1, 2] : vector<1x1x2048xf32> to vector<1xf32>
    %reduce_sum3A_769 = vector.shape_cast %reduce_sum3A_768 : vector<1xf32> to vector<1x1x1xf32>
    %reduce_sum3A_770 = vector.extract %reduce_sum3A_769[0, 0, 0] : f32 from vector<1x1x1xf32>
    %slice3A_771 = vector.extract_strided_slice %get3A_131 {offsets = [13, 0], sizes = [1, 1], strides = [1, 1]} : vector<16x128xf32> to vector<1x1xf32>
    %squeeze3A_772 = vector.extract %slice3A_771[0, 0] : f32 from vector<1x1xf32>
    %add3A_773 = arith.addf %reduce_sum3A_770, %squeeze3A_772 : f32
    %eq3A_774 = arith.constant 5 : i32
    %eq3A_775 = vector.broadcast %eq3A_774 : i32 to vector<1x2048xi32>
    %eq3A_776 = arith.cmpi eq, %select_n3A_106, %eq3A_775 : vector<1x2048xi32>
    %and3A_777 = arith.andi %eq3A_529, %eq3A_776 : vector<1x2048xi1>
    %jit3A_778 = arith.constant 0.000000e+00 : f32
    %broadcast_in_dim3A_779 = vector.broadcast %jit3A_778 : f32 to vector<1x2048xf32>
    %select_n3A_780 = arith.select %and3A_777, %broadcast_in_dim3A, %broadcast_in_dim3A_779 : vector<1x2048xi1>, vector<1x2048xf32>
    %reduce_sum3A_781 = vector.shape_cast %select_n3A_780 : vector<1x2048xf32> to vector<1x1x2048xf32>
    %reduce_sum3A_782 = arith.constant dense<0.000000e+00> : vector<1xf32>
    %reduce_sum3A_783 = vector.multi_reduction <add>, %reduce_sum3A_781, %reduce_sum3A_782 [1, 2] : vector<1x1x2048xf32> to vector<1xf32>
    %reduce_sum3A_784 = vector.shape_cast %reduce_sum3A_783 : vector<1xf32> to vector<1x1x1xf32>
    %reduce_sum3A_785 = vector.extract %reduce_sum3A_784[0, 0, 0] : f32 from vector<1x1x1xf32>
    %slice3A_786 = vector.extract_strided_slice %get3A_131 {offsets = [13, 1], sizes = [1, 1], strides = [1, 1]} : vector<16x128xf32> to vector<1x1xf32>
    %squeeze3A_787 = vector.extract %slice3A_786[0, 0] : f32 from vector<1x1xf32>
    %add3A_788 = arith.addf %reduce_sum3A_785, %squeeze3A_787 : f32
    %eq3A_789 = arith.constant 5 : i32
    %eq3A_790 = vector.broadcast %eq3A_789 : i32 to vector<1x2048xi32>
    %eq3A_791 = arith.cmpi eq, %select_n3A_128, %eq3A_790 : vector<1x2048xi32>
    %and3A_792 = arith.andi %eq3A_529, %eq3A_791 : vector<1x2048xi1>
    %jit3A_793 = arith.constant 0.000000e+00 : f32
    %broadcast_in_dim3A_794 = vector.broadcast %jit3A_793 : f32 to vector<1x2048xf32>
    %select_n3A_795 = arith.select %and3A_792, %broadcast_in_dim3A, %broadcast_in_dim3A_794 : vector<1x2048xi1>, vector<1x2048xf32>
    %reduce_sum3A_796 = vector.shape_cast %select_n3A_795 : vector<1x2048xf32> to vector<1x1x2048xf32>
    %reduce_sum3A_797 = arith.constant dense<0.000000e+00> : vector<1xf32>
    %reduce_sum3A_798 = vector.multi_reduction <add>, %reduce_sum3A_796, %reduce_sum3A_797 [1, 2] : vector<1x1x2048xf32> to vector<1xf32>
    %reduce_sum3A_799 = vector.shape_cast %reduce_sum3A_798 : vector<1xf32> to vector<1x1x1xf32>
    %reduce_sum3A_800 = vector.extract %reduce_sum3A_799[0, 0, 0] : f32 from vector<1x1x1xf32>
    %slice3A_801 = vector.extract_strided_slice %get3A_131 {offsets = [13, 2], sizes = [1, 1], strides = [1, 1]} : vector<16x128xf32> to vector<1x1xf32>
    %squeeze3A_802 = vector.extract %slice3A_801[0, 0] : f32 from vector<1x1xf32>
    %add3A_803 = arith.addf %reduce_sum3A_800, %squeeze3A_802 : f32
    %mul3A_804 = arith.constant 2.000000e+00 : f32
    %mul3A_805 = arith.mulf %mul3A_804, %add3A_773 : f32
    %add3A_806 = arith.addf %add3A_788, %add3A_803 : f32
    %add3A_807 = arith.constant 9.99999974E-6 : f32
    %add3A_808 = arith.addf %add3A_806, %add3A_807 : f32
    %div3A_809 = arith.divf %mul3A_805, %add3A_808 : f32
    %add3A_810 = arith.addf %add3A_754, %div3A_809 : f32
    %eq3A_811 = arith.constant 6 : i32
    %eq3A_812 = vector.broadcast %eq3A_811 : i32 to vector<1x2048xi32>
    %eq3A_813 = arith.cmpi eq, %select_n3A_106, %eq3A_812 : vector<1x2048xi32>
    %and3A_814 = arith.andi %eq3A_529, %eq3A_813 : vector<1x2048xi1>
    %eq3A_815 = arith.constant 6 : i32
    %eq3A_816 = vector.broadcast %eq3A_815 : i32 to vector<1x2048xi32>
    %eq3A_817 = arith.cmpi eq, %select_n3A_128, %eq3A_816 : vector<1x2048xi32>
    %and3A_818 = arith.andi %and3A_814, %eq3A_817 : vector<1x2048xi1>
    %jit3A_819 = arith.constant 0.000000e+00 : f32
    %broadcast_in_dim3A_820 = vector.broadcast %jit3A_819 : f32 to vector<1x2048xf32>
    %select_n3A_821 = arith.select %and3A_818, %broadcast_in_dim3A, %broadcast_in_dim3A_820 : vector<1x2048xi1>, vector<1x2048xf32>
    %reduce_sum3A_822 = vector.shape_cast %select_n3A_821 : vector<1x2048xf32> to vector<1x1x2048xf32>
    %reduce_sum3A_823 = arith.constant dense<0.000000e+00> : vector<1xf32>
    %reduce_sum3A_824 = vector.multi_reduction <add>, %reduce_sum3A_822, %reduce_sum3A_823 [1, 2] : vector<1x1x2048xf32> to vector<1xf32>
    %reduce_sum3A_825 = vector.shape_cast %reduce_sum3A_824 : vector<1xf32> to vector<1x1x1xf32>
    %reduce_sum3A_826 = vector.extract %reduce_sum3A_825[0, 0, 0] : f32 from vector<1x1x1xf32>
    %slice3A_827 = vector.extract_strided_slice %get3A_131 {offsets = [14, 0], sizes = [1, 1], strides = [1, 1]} : vector<16x128xf32> to vector<1x1xf32>
    %squeeze3A_828 = vector.extract %slice3A_827[0, 0] : f32 from vector<1x1xf32>
    %add3A_829 = arith.addf %reduce_sum3A_826, %squeeze3A_828 : f32
    %eq3A_830 = arith.constant 6 : i32
    %eq3A_831 = vector.broadcast %eq3A_830 : i32 to vector<1x2048xi32>
    %eq3A_832 = arith.cmpi eq, %select_n3A_106, %eq3A_831 : vector<1x2048xi32>
    %and3A_833 = arith.andi %eq3A_529, %eq3A_832 : vector<1x2048xi1>
    %jit3A_834 = arith.constant 0.000000e+00 : f32
    %broadcast_in_dim3A_835 = vector.broadcast %jit3A_834 : f32 to vector<1x2048xf32>
    %select_n3A_836 = arith.select %and3A_833, %broadcast_in_dim3A, %broadcast_in_dim3A_835 : vector<1x2048xi1>, vector<1x2048xf32>
    %reduce_sum3A_837 = vector.shape_cast %select_n3A_836 : vector<1x2048xf32> to vector<1x1x2048xf32>
    %reduce_sum3A_838 = arith.constant dense<0.000000e+00> : vector<1xf32>
    %reduce_sum3A_839 = vector.multi_reduction <add>, %reduce_sum3A_837, %reduce_sum3A_838 [1, 2] : vector<1x1x2048xf32> to vector<1xf32>
    %reduce_sum3A_840 = vector.shape_cast %reduce_sum3A_839 : vector<1xf32> to vector<1x1x1xf32>
    %reduce_sum3A_841 = vector.extract %reduce_sum3A_840[0, 0, 0] : f32 from vector<1x1x1xf32>
    %slice3A_842 = vector.extract_strided_slice %get3A_131 {offsets = [14, 1], sizes = [1, 1], strides = [1, 1]} : vector<16x128xf32> to vector<1x1xf32>
    %squeeze3A_843 = vector.extract %slice3A_842[0, 0] : f32 from vector<1x1xf32>
    %add3A_844 = arith.addf %reduce_sum3A_841, %squeeze3A_843 : f32
    %eq3A_845 = arith.constant 6 : i32
    %eq3A_846 = vector.broadcast %eq3A_845 : i32 to vector<1x2048xi32>
    %eq3A_847 = arith.cmpi eq, %select_n3A_128, %eq3A_846 : vector<1x2048xi32>
    %and3A_848 = arith.andi %eq3A_529, %eq3A_847 : vector<1x2048xi1>
    %jit3A_849 = arith.constant 0.000000e+00 : f32
    %broadcast_in_dim3A_850 = vector.broadcast %jit3A_849 : f32 to vector<1x2048xf32>
    %select_n3A_851 = arith.select %and3A_848, %broadcast_in_dim3A, %broadcast_in_dim3A_850 : vector<1x2048xi1>, vector<1x2048xf32>
    %reduce_sum3A_852 = vector.shape_cast %select_n3A_851 : vector<1x2048xf32> to vector<1x1x2048xf32>
    %reduce_sum3A_853 = arith.constant dense<0.000000e+00> : vector<1xf32>
    %reduce_sum3A_854 = vector.multi_reduction <add>, %reduce_sum3A_852, %reduce_sum3A_853 [1, 2] : vector<1x1x2048xf32> to vector<1xf32>
    %reduce_sum3A_855 = vector.shape_cast %reduce_sum3A_854 : vector<1xf32> to vector<1x1x1xf32>
    %reduce_sum3A_856 = vector.extract %reduce_sum3A_855[0, 0, 0] : f32 from vector<1x1x1xf32>
    %slice3A_857 = vector.extract_strided_slice %get3A_131 {offsets = [14, 2], sizes = [1, 1], strides = [1, 1]} : vector<16x128xf32> to vector<1x1xf32>
    %squeeze3A_858 = vector.extract %slice3A_857[0, 0] : f32 from vector<1x1xf32>
    %add3A_859 = arith.addf %reduce_sum3A_856, %squeeze3A_858 : f32
    %mul3A_860 = arith.constant 2.000000e+00 : f32
    %mul3A_861 = arith.mulf %mul3A_860, %add3A_829 : f32
    %add3A_862 = arith.addf %add3A_844, %add3A_859 : f32
    %add3A_863 = arith.constant 9.99999974E-6 : f32
    %add3A_864 = arith.addf %add3A_862, %add3A_863 : f32
    %div3A_865 = arith.divf %mul3A_861, %add3A_864 : f32
    %add3A_866 = arith.addf %add3A_810, %div3A_865 : f32
    %eq3A_867 = arith.constant 7 : i32
    %eq3A_868 = vector.broadcast %eq3A_867 : i32 to vector<1x2048xi32>
    %eq3A_869 = arith.cmpi eq, %select_n3A_106, %eq3A_868 : vector<1x2048xi32>
    %and3A_870 = arith.andi %eq3A_529, %eq3A_869 : vector<1x2048xi1>
    %eq3A_871 = arith.constant 7 : i32
    %eq3A_872 = vector.broadcast %eq3A_871 : i32 to vector<1x2048xi32>
    %eq3A_873 = arith.cmpi eq, %select_n3A_128, %eq3A_872 : vector<1x2048xi32>
    %and3A_874 = arith.andi %and3A_870, %eq3A_873 : vector<1x2048xi1>
    %jit3A_875 = arith.constant 0.000000e+00 : f32
    %broadcast_in_dim3A_876 = vector.broadcast %jit3A_875 : f32 to vector<1x2048xf32>
    %select_n3A_877 = arith.select %and3A_874, %broadcast_in_dim3A, %broadcast_in_dim3A_876 : vector<1x2048xi1>, vector<1x2048xf32>
    %reduce_sum3A_878 = vector.shape_cast %select_n3A_877 : vector<1x2048xf32> to vector<1x1x2048xf32>
    %reduce_sum3A_879 = arith.constant dense<0.000000e+00> : vector<1xf32>
    %reduce_sum3A_880 = vector.multi_reduction <add>, %reduce_sum3A_878, %reduce_sum3A_879 [1, 2] : vector<1x1x2048xf32> to vector<1xf32>
    %reduce_sum3A_881 = vector.shape_cast %reduce_sum3A_880 : vector<1xf32> to vector<1x1x1xf32>
    %reduce_sum3A_882 = vector.extract %reduce_sum3A_881[0, 0, 0] : f32 from vector<1x1x1xf32>
    %slice3A_883 = vector.extract_strided_slice %get3A_131 {offsets = [15, 0], sizes = [1, 1], strides = [1, 1]} : vector<16x128xf32> to vector<1x1xf32>
    %squeeze3A_884 = vector.extract %slice3A_883[0, 0] : f32 from vector<1x1xf32>
    %add3A_885 = arith.addf %reduce_sum3A_882, %squeeze3A_884 : f32
    %eq3A_886 = arith.constant 7 : i32
    %eq3A_887 = vector.broadcast %eq3A_886 : i32 to vector<1x2048xi32>
    %eq3A_888 = arith.cmpi eq, %select_n3A_106, %eq3A_887 : vector<1x2048xi32>
    %and3A_889 = arith.andi %eq3A_529, %eq3A_888 : vector<1x2048xi1>
    %jit3A_890 = arith.constant 0.000000e+00 : f32
    %broadcast_in_dim3A_891 = vector.broadcast %jit3A_890 : f32 to vector<1x2048xf32>
    %select_n3A_892 = arith.select %and3A_889, %broadcast_in_dim3A, %broadcast_in_dim3A_891 : vector<1x2048xi1>, vector<1x2048xf32>
    %reduce_sum3A_893 = vector.shape_cast %select_n3A_892 : vector<1x2048xf32> to vector<1x1x2048xf32>
    %reduce_sum3A_894 = arith.constant dense<0.000000e+00> : vector<1xf32>
    %reduce_sum3A_895 = vector.multi_reduction <add>, %reduce_sum3A_893, %reduce_sum3A_894 [1, 2] : vector<1x1x2048xf32> to vector<1xf32>
    %reduce_sum3A_896 = vector.shape_cast %reduce_sum3A_895 : vector<1xf32> to vector<1x1x1xf32>
    %reduce_sum3A_897 = vector.extract %reduce_sum3A_896[0, 0, 0] : f32 from vector<1x1x1xf32>
    %slice3A_898 = vector.extract_strided_slice %get3A_131 {offsets = [15, 1], sizes = [1, 1], strides = [1, 1]} : vector<16x128xf32> to vector<1x1xf32>
    %squeeze3A_899 = vector.extract %slice3A_898[0, 0] : f32 from vector<1x1xf32>
    %add3A_900 = arith.addf %reduce_sum3A_897, %squeeze3A_899 : f32
    %eq3A_901 = arith.constant 7 : i32
    %eq3A_902 = vector.broadcast %eq3A_901 : i32 to vector<1x2048xi32>
    %eq3A_903 = arith.cmpi eq, %select_n3A_128, %eq3A_902 : vector<1x2048xi32>
    %and3A_904 = arith.andi %eq3A_529, %eq3A_903 : vector<1x2048xi1>
    %jit3A_905 = arith.constant 0.000000e+00 : f32
    %broadcast_in_dim3A_906 = vector.broadcast %jit3A_905 : f32 to vector<1x2048xf32>
    %select_n3A_907 = arith.select %and3A_904, %broadcast_in_dim3A, %broadcast_in_dim3A_906 : vector<1x2048xi1>, vector<1x2048xf32>
    %reduce_sum3A_908 = vector.shape_cast %select_n3A_907 : vector<1x2048xf32> to vector<1x1x2048xf32>
    %reduce_sum3A_909 = arith.constant dense<0.000000e+00> : vector<1xf32>
    %reduce_sum3A_910 = vector.multi_reduction <add>, %reduce_sum3A_908, %reduce_sum3A_909 [1, 2] : vector<1x1x2048xf32> to vector<1xf32>
    %reduce_sum3A_911 = vector.shape_cast %reduce_sum3A_910 : vector<1xf32> to vector<1x1x1xf32>
    %reduce_sum3A_912 = vector.extract %reduce_sum3A_911[0, 0, 0] : f32 from vector<1x1x1xf32>
    %slice3A_913 = vector.extract_strided_slice %get3A_131 {offsets = [15, 2], sizes = [1, 1], strides = [1, 1]} : vector<16x128xf32> to vector<1x1xf32>
    %squeeze3A_914 = vector.extract %slice3A_913[0, 0] : f32 from vector<1x1xf32>
    %add3A_915 = arith.addf %reduce_sum3A_912, %squeeze3A_914 : f32
    %mul3A_916 = arith.constant 2.000000e+00 : f32
    %mul3A_917 = arith.mulf %mul3A_916, %add3A_885 : f32
    %add3A_918 = arith.addf %add3A_900, %add3A_915 : f32
    %add3A_919 = arith.constant 9.99999974E-6 : f32
    %add3A_920 = arith.addf %add3A_918, %add3A_919 : f32
    %div3A_921 = arith.divf %mul3A_917, %add3A_920 : f32
    %add3A_922 = arith.addf %add3A_866, %div3A_921 : f32
    %div3A_923 = arith.constant 7.000000e+00 : f32
    %div3A_924 = arith.divf %add3A_922, %div3A_923 : f32
    %iota3A_925 = tpu.iota {dimensions = array<i32: 0>} : vector<8x128xi32>
    %iota3A_926 = tpu.iota {dimensions = array<i32: 1>} : vector<8x128xi32>
    %eq3A_927 = arith.constant 0 : i32
    %eq3A_928 = vector.broadcast %eq3A_927 : i32 to vector<8x128xi32>
    %eq3A_929 = arith.cmpi eq, %iota3A_925, %eq3A_928 : vector<8x128xi32>
    %eq3A_930 = arith.constant 0 : i32
    %eq3A_931 = vector.broadcast %eq3A_930 : i32 to vector<8x128xi32>
    %eq3A_932 = arith.cmpi eq, %iota3A_926, %eq3A_931 : vector<8x128xi32>
    %and3A_933 = arith.andi %eq3A_929, %eq3A_932 : vector<8x128xi1>
    %jit3A_934 = arith.constant 0.000000e+00 : f32
    %broadcast_in_dim3A_935 = vector.broadcast %div3A_526 : f32 to vector<8x128xf32>
    %broadcast_in_dim3A_936 = vector.broadcast %jit3A_934 : f32 to vector<8x128xf32>
    %select_n3A_937 = arith.select %and3A_933, %broadcast_in_dim3A_935, %broadcast_in_dim3A_936 : vector<8x128xi1>, vector<8x128xf32>
    %eq3A_938 = arith.constant 1 : i32
    %eq3A_939 = vector.broadcast %eq3A_938 : i32 to vector<8x128xi32>
    %eq3A_940 = arith.cmpi eq, %iota3A_925, %eq3A_939 : vector<8x128xi32>
    %eq3A_941 = arith.constant 0 : i32
    %eq3A_942 = vector.broadcast %eq3A_941 : i32 to vector<8x128xi32>
    %eq3A_943 = arith.cmpi eq, %iota3A_926, %eq3A_942 : vector<8x128xi32>
    %and3A_944 = arith.andi %eq3A_940, %eq3A_943 : vector<8x128xi1>
    %broadcast_in_dim3A_945 = vector.broadcast %div3A_924 : f32 to vector<8x128xf32>
    %select_n3A_946 = arith.select %and3A_944, %broadcast_in_dim3A_945, %select_n3A_937 : vector<8x128xi1>, vector<8x128xf32>
    %swap3A = arith.constant 0 : index
    %swap3A_947 = arith.constant 0 : index
    %swap3A_948 = vector.load %arg2[%swap3A, %swap3A_947] : memref<8x128xf32, #tpu.memory_space<vmem>>, vector<8x128xf32>
    tpu.vector_store %arg2[%swap3A, %swap3A_947], %select_n3A_946 {strides = array<i32>} : memref<8x128xf32, #tpu.memory_space<vmem>>, vector<8x128xf32>,
    return
  }
}

</mosaic_0001>

<sc_bundles>
// kernel: kernel.5.cloned.1.call-start
scs
__scs_entry_jumppad:
0x0: {  	(pc) =	sbr.rel $0x88, $3  }
0x1: {  	(tag) =	ssettag $0x0;
	lr =	simm.s32 $0x1  }
0x2: {  	[smem:$0x3F9F] =	sst lr;
	_ =	strace $0xD0000000  }
0x3: {  	_ = 	snop  }
0x4: {  	_ = 	snop  }
0x5: {  	_ = 	snop  }
0x6: {  	_ = 	snop  }
0x7: {  	_ = 	snop  }
__scs_overlays_trampoline_lowered:
0x8: {  	[smem:$0x3FAE] =	sst s0  }
0x9: {  	[smem:$0x3FAF] =	sst s1  }
0xa: {  	[smem:$0x3FB0] =	sst s2  }
0xb: {  	[smem:$0x3FB1] =	sst s3  }
0xc: {  	[smem:$0x3FB2] =	sst s4  }
0xd: {  	[smem:$0x3FB3] =	sst s5  }
0xe: {  	[smem:$0x3FB4] =	sst s6  }
0xf: {  	[smem:$0x3FB5] =	sst s7  }
0x10: {  	[smem:$0x3FB6] =	sst s8  }
0x11: {  	[smem:$0x3FB7] =	sst s9;
	s0 =	simm.s32 @!p0 $0x0  }
0x12: {  	s1 =	sld [smem:$0x3F9D];
	s0 =	simm.s32 @p0 $0x1  }
0x13: {  	[smem:$0x3FB8] =	sst s0;
	s0 =	simm.s32 @!p1 $0x0  }
0x14: {  	s2 =	sld [smem:$0x3F9C];
	s0 =	simm.s32 @p1 $0x1  }
0x15: {  	[smem:$0x3FB9] =	sst s0;
	s0 =	simm.s32 @!p2 $0x0  }
0x16: {  	s3 =	sld [smem:$0x3FDB];
	s0 =	simm.s32 @p2 $0x1  }
0x17: {  	s4 =	simm.s32 $0x1BF5;
	[smem:$0x3FBB] =	sst s0  }
0x18: {  	s0 =	sld [smem:$0x3F9E];
	_ =	swait.ge [sflag:s4], $0x0  }
0x19: {  	s7 =	sld [smem:$0x3F9F]  }
0x1a: {  	s8 =	sadd.s32 $0xFFFFE003, lr  }
0x1b: {  	s9 =	sadd.s32 $0xFFFFFEF7, lr;
	s5 =	simm.s32 $0xFFFFFFFF;
	p2 =	slt.u32 s8, $0xFFFFF086  }
0x1c: {  	p1 =	slt.u32 s9, $0xF7A;
	s5 =	simm.s32 @!p2 $0x0  }
0x1d: {  	s5 =	simm.s32 @p1 $0x1;
	p0 =	seq.s32 s7, s2  }
0x1e: {  	s7 =	smul.u32 @!p0 $0xF7A, s2;
	p2 =	seq.s32 @!p0 s5, $0x0  }
0x1f: {  	s9 =	smul.u32 $0xF7A, s1;
	s8 =	simm.s32 @!p0 $0x1BF5;
	p2 =	por !p2, p0  }
0x20: {  	[sflag:s8] =	ssyncset.s32 @!p0 $0xFFFFF086;
	s6 =	sadd.s32 @!p0 s3, s7;
	s7 =	simm.s32 @!p0 $0x108  }
0x21: {  	s3 =	sadd.s32 s3, s9;
	s6 =	sadd.s32 @!p0 $0x88, s6;
	s7 =	simm.s32 @p2 $0x1082  }
0x22: {  	[simem:s7], [sflag:s8] =	dma.local @!p0 [hbm:s6], $0xF7A  }
0x23: {  	s9 =	sor.u32 $0xD0000000, s2;
	s6 =	simm.s32 $0x108;
	_ =	swait.ge @!p0 [sflag:s8], $0x0  }
0x24: {  	s3 =	sadd.s32 $0x88, s3;
	s6 =	simm.s32 @!p1 $0x1082;
	[sflag:s4] =	ssyncset.s32 $0xFFFFF086  }
0x25: {  	[simem:s6], [sflag:s4] =	dma.local [hbm:s3], $0xF7A  }
0x26: {  	[smem:$0x3F9F] =	sst s1;
	(tag) =	ssettag s2;
	_ =	strace s9  }
0x27: {  	s1 =	sld [smem:$0x3FAF]  }
0x28: {  	s2 =	sld [smem:$0x3FB0]  }
0x29: {  	s4 =	sld [smem:$0x3FB2]  }
0x2a: {  	p0 =	seq.s32 s5, $0x0;
	s5 =	sld [smem:$0x3FB3]  }
0x2b: {  	s6 =	sld [smem:$0x3FB4]  }
0x2c: {  	s7 =	sld [smem:$0x3FB5]  }
0x2d: {  	s3 =	simm.s32 $0x108;
	s8 =	sld [smem:$0x3FB6]  }
0x2e: {  	s3 =	simm.s32 @!p0 $0x1082;
	s9 =	sld [smem:$0x3FB7]  }
0x2f: {  	lr =	sadd.s32 s0, s3;
	s0 =	sld [smem:$0x3FAE]  }
0x30: {  	s3 =	sld [smem:$0x3FB1]  }
0x31: {  	[smem:$0x3FBA] =	sst s10  }
0x32: {  	s10 =	sld [smem:$0x3FB8];
	_ =	sdelay $0x3  }
0x33: {  	p0 =	seq.s32 s10, $0x1;
	s10 =	sld [smem:$0x3FBA];
	_ =	sdelay $0x3  }
0x34: {  	[smem:$0x3FBA] =	sst s10  }
0x35: {  	s10 =	sld [smem:$0x3FB9];
	_ =	sdelay $0x3  }
0x36: {  	p1 =	seq.s32 s10, $0x1;
	s10 =	sld [smem:$0x3FBA];
	_ =	sdelay $0x3  }
0x37: {  	[smem:$0x3FBA] =	sst s10  }
0x38: {  	s10 =	sld [smem:$0x3FBB]  }
0x39: {  	_ = 	snop;
	(pc) =	sbr.ind lr, $3  }
0x3a: {  	_ = 	snop  }
0x3b: {  	_ = 	snop  }
0x3c: {  	p2 =	seq.s32 s10, $0x1;
	s10 =	sld [smem:$0x3FBA]  }
0x3d: {  	_ =	shalt  }
0x3e: {  	_ =	shalt  }
0x3f: {  	_ =	shalt  }
0x40: {  	_ =	shalt  }
0x41: {  	_ =	shalt  }
0x42: {  	_ =	shalt  }
0x43: {  	_ =	shalt  }
0x44: {  	_ =	shalt  }
0x45: {  	_ =	shalt  }
0x46: {  	_ =	shalt  }
0x47: {  	_ =	shalt  }
0x48: {  	_ =	shalt  }
0x49: {  	_ =	shalt  }
0x4a: {  	_ =	shalt  }
0x4b: {  	_ =	shalt  }
0x4c: {  	_ =	shalt  }
0x4d: {  	_ =	shalt  }
0x4e: {  	_ =	shalt  }
0x4f: {  	_ =	shalt  }
0x50: {  	_ =	shalt  }
0x51: {  	_ =	shalt  }
0x52: {  	_ =	shalt  }
0x53: {  	_ =	shalt  }
0x54: {  	_ =	shalt  }
0x55: {  	_ =	shalt  }
0x56: {  	_ =	shalt  }
0x57: {  	_ =	shalt  }
0x58: {  	_ =	shalt  }
0x59: {  	_ =	shalt  }
0x5a: {  	_ =	shalt  }
0x5b: {  	_ =	shalt  }
0x5c: {  	_ =	shalt  }
0x5d: {  	_ =	shalt  }
0x5e: {  	_ =	shalt  }
0x5f: {  	_ =	shalt  }
0x60: {  	_ =	shalt  }
0x61: {  	_ =	shalt  }
0x62: {  	_ =	shalt  }
0x63: {  	_ =	shalt  }
0x64: {  	_ =	shalt  }
0x65: {  	_ =	shalt  }
0x66: {  	_ =	shalt  }
0x67: {  	_ =	shalt  }
0x68: {  	_ =	shalt  }
0x69: {  	_ =	shalt  }
0x6a: {  	_ =	shalt  }
0x6b: {  	_ =	shalt  }
0x6c: {  	_ =	shalt  }
0x6d: {  	_ =	shalt  }
0x6e: {  	_ =	shalt  }
0x6f: {  	_ =	shalt  }
0x70: {  	_ =	shalt  }
0x71: {  	_ =	shalt  }
0x72: {  	_ =	shalt  }
0x73: {  	_ =	shalt  }
0x74: {  	_ =	shalt  }
0x75: {  	_ =	shalt  }
0x76: {  	_ =	shalt  }
0x77: {  	_ =	shalt  }
0x78: {  	_ =	shalt  }
0x79: {  	_ =	shalt  }
0x7a: {  	_ =	shalt  }
0x7b: {  	_ =	shalt  }
0x7c: {  	_ =	shalt  }
0x7d: {  	_ =	shalt  }
0x7e: {  	_ =	shalt  }
0x7f: {  	_ =	shalt  }
0x80: {  	_ =	shalt  }
0x81: {  	_ =	shalt  }
0x82: {  	_ =	shalt  }
0x83: {  	_ =	shalt  }
0x84: {  	_ =	shalt  }
0x85: {  	_ =	shalt  }
0x86: {  	_ =	shalt  }
0x87: {  	_ =	shalt  }
.Lfunc_end0:
.L_simem_size_0:
called_computation_lowered:
.L_overlay_start_0:
0x88: {  	s2 =	sld [smem:$0x3FD9]  }
0x89: {  	s3 =	sld [smem:$0x3FFE];
	_ =	sdelay $0x1  }
0x8a: {  	s1 =	srdreg.scid  }
0x8b: {  	s0 =	sand.u32 $0x1, s1  }
0x8c: {  	s17 =	sshll.u32 s0, $0xA;
	s2 =	sadd.s32 s3, s2  }
0x8d: {  	s2 =	sadd.s32 s2, s17  }
0x8e: {  	[smem:$0x3FC6] =	sst s2  }
0x8f: {  	_ = 	snop  }
0x90: {  	s2 =	sld [smem:$0x3FC9]  }
0x91: {  	s18 =	sld [smem:$0x3FC8];
	(tm) =	ssettm $0x1  }
0x92: {  	s4 =	sld [smem:$0x3FFB];
	_ =	sdelay $0x3  }
0x93: {  	_ =	strace s4  }
0x94: {  	s4 =	sld [smem:$0x3FFC];
	_ =	sdelay $0x3  }
0x95: {  	_ =	strace s4  }
0x96: {  	s4 =	sld [smem:$0x3FFD];
	_ =	sdelay $0x3  }
0x97: {  	_ =	strace s4  }
0x98: {  	_ =	strace $0x8FFFFFFF  }
0x99: {  	s19 =	sld [smem:$0x3FDB];
	_ =	sdelay $0x1  }
0x9a: {  	s5 =	simm.s32 $_scs_section_size  }
0x9b: {  	s6 =	simm.s32 $_size__tile_overlayer_lowered;
	s7 =	simm.s32 $_tile_overlayer_lowered  }
0x9c: {  	s22 =	simm.s32 $0x1BFF;
	s21 =	sshll.u32 s7, $0x1;
	s4 =	sadd.s32 s5, s19  }
0x9d: {  	s8 =	simm.s32 $0x0;
	s20 =	sshll.u32 s6, $0x1;
	s6 =	sadd.s32 s21, s4  }
0x9e: {  	[timem:s8], [sflag:s22] =	dma.local [hbm:s6], s20  }
0x9f: {  	_ =	swait.ge [sflag:s22], s20  }
0xa0: {  	s5 =	ssub.s32 $0x0, s20;
	[sflag:s22] =	ssyncset.done $0x0  }
0xa1: {  	[sflag:s22] =	ssyncadd.s32 s5;
	_ =	sdelay $0x1  }
0xa2: {  	s23 =	simm.s32 $0x1B8B  }
0xa3: {  	_ =	swait.ge [sflag:s23], $0x1  }
0xa4: {  	[sflag:s23] =	ssyncset.done $0x0  }
0xa5: {  	s25 =	simm.s32 $0x1B8E;
	s24 =	sld [smem:$0x3FFE];
	[sflag:s23] =	ssyncadd.s32 $0xFFFFFFFF  }
0xa6: {  	s26 =	simm.s32 $execute0_lowered;
	[smem:$0x3FD2] =	sst s25  }
0xa7: {  	s6 =	sshll.u32 s26, $0x1;
	_ =	strace $0x80000046;
	[dreg:$0x1] =	wrdreg $0xFFFFFFFF  }
0xa8: {  	s28 =	simm.s32 $_size_execute0_lowered;
	s4 =	sadd.s32 s4, s6;
	[dreg:$0x0] =	wrdreg $0x0  }
0xa9: {  	s6 =	sshll.u32 s28, $0x1;
	[dreg:$0x2] =	wrdreg s4  }
0xaa: {  	[dreg:$0x3] =	wrdreg s6  }
0xab: {  	[dreg:$0x4] =	wrdreg $0xC0  }
0xac: {  	_ =	task [dreg:s8], $0x5FFFF  }
0xad: {  	[dreg:$0x1] =	wrdreg $0xFFFFFFFF  }
0xae: {  	[dreg:$0x0] =	wrdreg $0x60  }
0xaf: {  	[dreg:$0x2] =	wrdreg s2  }
0xb0: {  	[dreg:$0x3] =	wrdreg s18  }
0xb1: {  	[dreg:$0x4] =	wrdreg s24  }
0xb2: {  	[dreg:$0x5] =	wrdreg $0x9  }
0xb3: {  	_ =	task.clear_ibuf [dreg:s8], $0x6FFFF;
	_ =	strace $0x90000046  }
0xb4: {  	s29 =	simm.s32 $0x9;
	_ =	strace $0x80000048  }
0xb5: {  	_ =	swait.ge [sflag:s29], $0x1  }
0xb6: {  	[sflag:s29] =	ssyncadd.s32 $0xFFFFFFFF  }
0xb7: {  	_ =	strace $0x90000048  }
0xb8: {  	_ =	sfence  }
0xb9: {  	s30 =	sld [smem:$0x0];
	_ =	sdelay $0x2  }
0xba: {  	s31 =	sshll.u32 s1, $0xD;
	s1 =	sshrl.u32 s1, $0x2  }
0xbb: {  	s3 =	sand.u32 $0x4000, s31;
	s1 =	sadd.s32 s1, s30  }
0xbc: {  	s0 =	sor.u32 s3, s0;
	s1 =	sshll.u32 s1, $0x11  }
0xbd: {  	s0 =	sor.u32 s1, s0  }
0xbe: {  	s0 =	sadd.s32 $0x8F2B, s0  }
0xbf: {  	[sflag:s0] =	ssyncadd.remote.s32 $0x1  }
0xc0: {  	_ =	sfence.sel $0xFFFF  }
0xc1: {  	[dreg:$0x0] =	wrdreg $0xFFFFFFFF;
	(pc) =	sbr.abs _section_cstart, $3  }
0xc2: {  	[dreg:$0x1] =	wrdreg $0xFFFFFFFF  }
0xc3: {  	_ =	task.clear_ibuf [dreg:s8], $0x2FFFF;
	_ =	strace $0x9FFFFFFF  }
0xc4: {  	(tm) =	ssettm $0x7FFFFFFF  }
0xc5: {  	_ =	shalt  }
tec
execute0_lowered:
.L_overlay_start_1:
0x0: {  	(tag) =	ssettag $0x1  }
0x1: {  	s0 =	stileid.u32;
	s2 =	rddreg [dreg:$0x0]  }
0x2: {  	s1 =	srdreg.scid;
	s7 =	rddreg [dreg:$0x2]  }
0x3: {  	s5 =	simm.s32 $0x0;
	s14 =	simm.s32 $0xC000;
	s15 =	simm.s32 $0x19800  }
0x4: {  	s16 =	simm.s32 $0x1;
	s17 =	simm.s32 $0x1B000;
	s18 =	simm.s32 $0x2  }
0x5: {  	s19 =	simm.s32 $0x80;
	s1 =	sand.u32 $0x1, s1;
	s3 =	sshll.u32 s0, $0x1  }
0x6: {  	s20 =	simm.s32 $0x400;
	s21 =	simm.s32 $0x3;
	s6 =	sor.u32 s1, s3  }
0x7: {  	s9 =	sshrl.u32 s0, $0x3;
	[smem:$0x7FF] =	sst s5;
	s4 =	smul.u32 $0xC, s6  }
0x8: {  	s12 =	sshll.u32 s0, $0x9;
	s3 =	rddreg [dreg:$0x1];
	s10 =	smul.u32 $0x1800000, s9  }
0x9: {  	_ =	strace $0x80000047;
	s1 =	ssub.s32 $0x2, s1;
	s8 =	sadd.s32 $0xFFFFFF40, s4  }
0xa: {  	s12 =	sand.u32 $0x1800, s12;
	s9 =	smul.u32 $0x300000, s9;
	s8 =	smin.u32 s4, s8  }
0xb: {  	s13 =	sshrl.u32 s1, $0x1;
	s7 =	sadd.s32 s12, s7;
	s11 =	sshrl.u32 s8, $0x3  }
0xc: {  	s6 =	sshll.u32 s6, $0x4;
	s8 =	sand.u32 $0x4, s8;
	s11 =	smul.u32 $0xC000, s11  }
0xd: {  	s12 =	simm.s32 $0x300000;
	s1 =	ssub.s32 s1, s13;
	s8 =	smul.u32 $0x1800, s8  }
0xe: {  	s31 =	sand.u32 $0x70, s6;
	s13 =	simm.s32 $0x18000;
	s10 =	sor.u32 s10, s11  }
0xf: {  	s9 =	sadd.s32 s9, s11;
	s11 =	simm.s32 $0x1800;
	s10 =	sadd.s32 s8, s10  }
0x10: {  	s8 =	sadd.s32 s8, s9;
	s9 =	sadd.s32 s31, s7;
	s10 =	sshrl.u32 s10, $0x3  }
0x11: {  	v0 =	vimm.f32 $0.0e+00;
	s8 =	sshrl.u32 s8, $0x3;
	s9 =	sadd.s32 $0x200, s9;
	s6 =	sadd.s32 s2, s10  }
0x12: {  	v1 =	vimm.s32 $0x0;
	v2 =	vlaneseq.u32;
	v3 =	vimm.f32 $1.000000000e+00;
	s7 =	sadd.s32 s3, s8;
	s8 =	sor.u32 $0x2, s4;
	s10 =	smax.u32 s1, $0x1  }
.LBB2_1:
0x13: {  	s1 =	simm.s32 $0x40;
	s22 =	simm.s32 $0x0  }
.LBB2_2:
0x14: {  	p0 =	sne.s32 s1, $0x1FC0;
	[tilespmem:s22+$0x1B000] =	vst v0;
	s22 =	smov.u32 s1;
	s1 =	sadd.s32 $0x40, s1  }
.Ltmp0:
0x15: {  	(pc) =	sbr.rel @p0 .LBB2_2-.Ltmp0, $2  }
0x16: {  	_ =	sdelay $0x2  }
0x17: {  	s22 =	sshra.s32 s22, $0x2  }
0x18: {  	[tilespmem:s22+$0x1B000] =	vst v0;
	s22 =	simm.s32 $0x0  }
0x19: {  	[tilespmem:s22], [sflag:$0x1] =	stream.strided.gather [hbm4b:s6+s11], $0xC000, s12, s11, $0x38;
	[tilespmem:$0x1B800] =	vst v63  }
0x1a: {  	s23 =	simm.s32 $0x0  }
0x1b: {  	[tilespmem:s13], [sflag:$0x1] =	stream.linear.gather [hbm4b:s7+s22], $0x1800, $0x38;
	[tilespmem:$0x1B800] =	vst v63  }
.LBB2_4:
0x1c: {  	s25 =	sshll.u32 s23, $0x1  }
0x1d: {  	s1 =	sadd.s32 s4, s25  }
0x1e: {  	s26 =	sadd.s32 $0x1, s1  }
0x1f: {  	s24 =	smulhi.u32 $0xAAAAAAAB, s26;
	_ =	sdelay $0x1  }
0x20: {  	s24 =	sshrl.u32 s24, $0x7  }
0x21: {  	s28 =	smul.u32 $0xC0, s24;
	_ =	sdelay $0x1  }
0x22: {  	s26 =	ssub.s32 s26, s28  }
0x23: {  	s28 =	smul.u32 $0x1800000, s24;
	s29 =	sshrl.u32 s26, $0x3  }
0x24: {  	s26 =	sand.u32 $0x7, s26;
	s29 =	smul.u32 $0xC000, s29  }
0x25: {  	s26 =	smul.u32 $0x1800, s26  }
0x26: {  	s28 =	sor.u32 s28, s29  }
0x27: {  	s28 =	sadd.s32 s26, s28  }
0x28: {  	s28 =	sshrl.u32 s28, $0x3  }
0x29: {  	s30 =	smul.u32 $0x300000, s24;
	s28 =	sadd.s32 s2, s28  }
0x2a: {  	[tilespmem:s14], [sflag:$0x2] =	stream.strided.gather [hbm4b:s28+s11], $0xC000, s12, s11, $0x38;
	[tilespmem:$0x1B800] =	vst v63  }
0x2b: {  	s28 =	sadd.s32 s30, s29  }
0x2c: {  	s26 =	sadd.s32 s26, s28  }
0x2d: {  	s26 =	sshrl.u32 s26, $0x3  }
0x2e: {  	s26 =	sadd.s32 s3, s26  }
0x2f: {  	[tilespmem:s15], [sflag:$0x2] =	stream.linear.gather [hbm4b:s26+s22], $0x1800, $0x38;
	[tilespmem:$0x1B800] =	vst v63  }
0x30: {  	_ =	swait.ge [sflag:s16], $0xC000  }
0x31: {  	s1 =	smulhi.u32 $0xAAAAAAAB, s1;
	[sflag:s16] =	ssyncset.done $0x0  }
0x32: {  	[sflag:s16] =	ssyncadd.s32 $0xFFFF4000  }
0x33: {  	s1 =	sshll.u32 s1, $0x3;
	_ =	swait.ge [sflag:s16], $0x1800  }
0x34: {  	s1 =	sand.u32 $0xFFFFFC00, s1;
	[sflag:s16] =	ssyncset.done $0x0  }
0x35: {  	v4 =	vmov s1;
	s28 =	simm.s32 $0x0;
	s26 =	simm.s32 $0x0;
	[sflag:s16] =	ssyncadd.s32 $0xFFFFE800  }
.LBB2_5:
0x36: {  	s1 =	sand.u32 $0x1800, s28;
	s29 =	sand.u32 $0x380, s26  }
0x37: {  	s29 =	sor.u32 s29, s1  }
0x38: {  	v5 =	vld [tilespmem:s29+$0x0]  }
0x39: {  	v6 =	vld [tilespmem:s29+$0x1800];
	_ =	sdelay $0x1  }
0x3a: {  	v7 =	vld [tilespmem:s29+$0x3000];
	_ =	sdelay $0x1  }
0x3b: {  	v8 =	vld [tilespmem:s29+$0x4800]  }
0x3c: {  	vm0 =	vgt.f32 v6, v5  }
0x3d: {  	v5 =	vsel vm0, v6, v5;
	v6 =	vld [tilespmem:s29+$0x6000]  }
0x3e: {  	vm1 =	vgt.f32 v7, v5  }
0x3f: {  	v5 =	vsel vm1, v7, v5;
	v7 =	vld [tilespmem:s29+$0x7800]  }
0x40: {  	vm2 =	vgt.f32 v8, v5  }
0x41: {  	v18 =	vld [tilespmem:s29+$0x9000];
	v5 =	vsel vm2, v8, v5  }
0x42: {  	vm3 =	vgt.f32 v6, v5  }
0x43: {  	v9 =	vsel vm0, $0x8, v1;
	v5 =	vsel vm3, v6, v5;
	v6 =	vld [tilespmem:s29+$0xA800]  }
0x44: {  	v9 =	vsel vm1, $0x10, v9;
	vm9 =	vgt.f32 v7, v5  }
0x45: {  	v9 =	vsel vm2, $0x18, v9;
	v5 =	vsel vm9, v7, v5;
	v7 =	vld [tilespmem:s29+$0x18000]  }
0x46: {  	v9 =	vsel vm3, $0x20, v9;
	vm10 =	vgt.f32 v18, v5  }
0x47: {  	v19 =	vsel vm9, $0x28, v9;
	v5 =	vsel vm10, v18, v5  }
0x48: {  	vm11 =	vgt.f32 v6, v5;
	v5 =	vsel vm10, $0x30, v19  }
0x49: {  	v5 =	vsel vm11, $0x38, v5  }
0x4a: {  	v5 =	vadd.s32 v7, v5  }
0x4b: {  	v5 =	vshll.u32 v5, $0x4  }
0x4c: {  	v6 =	vadd.s32 v4, v5;
	v5 =	vor.u32 v2, v5  }
0x4d: {  	v6 =	vand.u32 $0xFFFFFF80, v6;
	v5 =	vand.u32 $0x7F, v5  }
0x4e: {  	v5 =	vor.u32 v5, v6;
	_ =	sdelay $0x4  }
0x4f: {  	[tilespmem:v5+s17+$0x0] =	vst.idx.add.f32.msk $0xffff, v3  }
0x50: {  	v5 =	vld [tilespmem:s29+$0x10]  }
0x51: {  	v6 =	vld [tilespmem:s29+$0x1810];
	_ =	sdelay $0x1  }
0x52: {  	v7 =	vld [tilespmem:s29+$0x3010];
	_ =	sdelay $0x1  }
0x53: {  	v20 =	vld [tilespmem:s29+$0x4810]  }
0x54: {  	vm12 =	vgt.f32 v6, v5  }
0x55: {  	v5 =	vsel vm12, v6, v5;
	v6 =	vld [tilespmem:s29+$0x6010]  }
0x56: {  	vm13 =	vgt.f32 v7, v5  }
0x57: {  	v5 =	vsel vm13, v7, v5;
	v7 =	vld [tilespmem:s29+$0x7810]  }
0x58: {  	vm14 =	vgt.f32 v20, v5  }
0x59: {  	v21 =	vld [tilespmem:s29+$0x9010];
	v5 =	vsel vm14, v20, v5  }
0x5a: {  	vm15 =	vgt.f32 v6, v5  }
0x5b: {  	v22 =	vsel vm12, $0x8, v1;
	v5 =	vsel vm15, v6, v5;
	v6 =	vld [tilespmem:s29+$0xA810]  }
0x5c: {  	v9 =	vsel vm13, $0x10, v22;
	vm5 =	vgt.f32 v7, v5  }
0x5d: {  	v9 =	vsel vm14, $0x18, v9;
	v5 =	vsel vm5, v7, v5;
	v7 =	vld [tilespmem:s29+$0x18010]  }
0x5e: {  	v9 =	vsel vm15, $0x20, v9;
	vm6 =	vgt.f32 v21, v5  }
0x5f: {  	v23 =	vsel vm5, $0x28, v9;
	v5 =	vsel vm6, v21, v5  }
0x60: {  	vm7 =	vgt.f32 v6, v5;
	v5 =	vsel vm6, $0x30, v23  }
0x61: {  	v5 =	vsel vm7, $0x38, v5  }
0x62: {  	v5 =	vadd.s32 v7, v5  }
0x63: {  	v5 =	vshll.u32 v5, $0x4  }
0x64: {  	v6 =	vadd.s32 v4, v5;
	v5 =	vor.u32 v2, v5  }
0x65: {  	v6 =	vand.u32 $0xFFFFFF80, v6;
	v5 =	vand.u32 $0x7F, v5  }
0x66: {  	v5 =	vor.u32 v5, v6;
	_ =	sdelay $0x4  }
0x67: {  	[tilespmem:v5+s17+$0x0] =	vst.idx.add.f32.msk $0xffff, v3  }
0x68: {  	v5 =	vld [tilespmem:s29+$0x20]  }
0x69: {  	v6 =	vld [tilespmem:s29+$0x1820];
	_ =	sdelay $0x1  }
0x6a: {  	v7 =	vld [tilespmem:s29+$0x3020];
	_ =	sdelay $0x1  }
0x6b: {  	v24 =	vld [tilespmem:s29+$0x4820]  }
0x6c: {  	vm8 =	vgt.f32 v6, v5  }
0x6d: {  	v5 =	vsel vm8, v6, v5;
	v6 =	vld [tilespmem:s29+$0x6020]  }
0x6e: {  	vm9 =	vgt.f32 v7, v5  }
0x6f: {  	v5 =	vsel vm9, v7, v5;
	v7 =	vld [tilespmem:s29+$0x7820]  }
0x70: {  	vm10 =	vgt.f32 v24, v5  }
0x71: {  	v25 =	vld [tilespmem:s29+$0x9020];
	v5 =	vsel vm10, v24, v5  }
0x72: {  	vm11 =	vgt.f32 v6, v5  }
0x73: {  	v26 =	vsel vm8, $0x8, v1;
	v5 =	vsel vm11, v6, v5;
	v6 =	vld [tilespmem:s29+$0xA820]  }
0x74: {  	v9 =	vsel vm9, $0x10, v26;
	vm12 =	vgt.f32 v7, v5  }
0x75: {  	v9 =	vsel vm10, $0x18, v9;
	v5 =	vsel vm12, v7, v5;
	v7 =	vld [tilespmem:s29+$0x18020]  }
0x76: {  	v9 =	vsel vm11, $0x20, v9;
	vm13 =	vgt.f32 v25, v5  }
0x77: {  	v27 =	vsel vm12, $0x28, v9;
	v5 =	vsel vm13, v25, v5  }
0x78: {  	vm14 =	vgt.f32 v6, v5;
	v5 =	vsel vm13, $0x30, v27  }
0x79: {  	v5 =	vsel vm14, $0x38, v5  }
0x7a: {  	v5 =	vadd.s32 v7, v5  }
0x7b: {  	v5 =	vshll.u32 v5, $0x4  }
0x7c: {  	v6 =	vadd.s32 v4, v5;
	v5 =	vor.u32 v2, v5  }
0x7d: {  	v6 =	vand.u32 $0xFFFFFF80, v6;
	v5 =	vand.u32 $0x7F, v5  }
0x7e: {  	v5 =	vor.u32 v5, v6;
	_ =	sdelay $0x4  }
0x7f: {  	[tilespmem:v5+s17+$0x0] =	vst.idx.add.f32.msk $0xffff, v3  }
0x80: {  	v5 =	vld [tilespmem:s29+$0x30]  }
0x81: {  	v6 =	vld [tilespmem:s29+$0x1830];
	_ =	sdelay $0x1  }
0x82: {  	v7 =	vld [tilespmem:s29+$0x3030];
	_ =	sdelay $0x1  }
0x83: {  	v28 =	vld [tilespmem:s29+$0x4830]  }
0x84: {  	vm15 =	vgt.f32 v6, v5  }
0x85: {  	v5 =	vsel vm15, v6, v5;
	v6 =	vld [tilespmem:s29+$0x6030]  }
0x86: {  	vm6 =	vgt.f32 v7, v5  }
0x87: {  	v5 =	vsel vm6, v7, v5;
	v7 =	vld [tilespmem:s29+$0x7830]  }
0x88: {  	vm7 =	vgt.f32 v28, v5  }
0x89: {  	v29 =	vld [tilespmem:s29+$0x9030];
	v5 =	vsel vm7, v28, v5  }
0x8a: {  	vm8 =	vgt.f32 v6, v5  }
0x8b: {  	v30 =	vsel vm15, $0x8, v1;
	v5 =	vsel vm8, v6, v5;
	v6 =	vld [tilespmem:s29+$0xA830]  }
0x8c: {  	v9 =	vsel vm6, $0x10, v30;
	vm9 =	vgt.f32 v7, v5  }
0x8d: {  	v9 =	vsel vm7, $0x18, v9;
	v5 =	vsel vm9, v7, v5;
	v7 =	vld [tilespmem:s29+$0x18030]  }
0x8e: {  	v9 =	vsel vm8, $0x20, v9;
	vm10 =	vgt.f32 v29, v5  }
0x8f: {  	v31 =	vsel vm9, $0x28, v9;
	v5 =	vsel vm10, v29, v5  }
0x90: {  	vm11 =	vgt.f32 v6, v5;
	v5 =	vsel vm10, $0x30, v31  }
0x91: {  	v5 =	vsel vm11, $0x38, v5  }
0x92: {  	v5 =	vadd.s32 v7, v5  }
0x93: {  	v5 =	vshll.u32 v5, $0x4  }
0x94: {  	v6 =	vadd.s32 v4, v5;
	v5 =	vor.u32 v2, v5  }
0x95: {  	v6 =	vand.u32 $0xFFFFFF80, v6;
	v5 =	vand.u32 $0x7F, v5  }
0x96: {  	v5 =	vor.u32 v5, v6;
	_ =	sdelay $0x4  }
0x97: {  	[tilespmem:v5+s17+$0x0] =	vst.idx.add.f32.msk $0xffff, v3  }
0x98: {  	v5 =	vld [tilespmem:s29+$0x40]  }
0x99: {  	v6 =	vld [tilespmem:s29+$0x1840];
	_ =	sdelay $0x1  }
0x9a: {  	v7 =	vld [tilespmem:s29+$0x3040];
	_ =	sdelay $0x1  }
0x9b: {  	v32 =	vld [tilespmem:s29+$0x4840]  }
0x9c: {  	vm12 =	vgt.f32 v6, v5  }
0x9d: {  	v5 =	vsel vm12, v6, v5;
	v6 =	vld [tilespmem:s29+$0x6040]  }
0x9e: {  	vm13 =	vgt.f32 v7, v5  }
0x9f: {  	v5 =	vsel vm13, v7, v5;
	v7 =	vld [tilespmem:s29+$0x7840]  }
0xa0: {  	vm14 =	vgt.f32 v32, v5  }
0xa1: {  	v33 =	vld [tilespmem:s29+$0x9040];
	v5 =	vsel vm14, v32, v5  }
0xa2: {  	vm15 =	vgt.f32 v6, v5  }
0xa3: {  	v34 =	vsel vm12, $0x8, v1;
	v5 =	vsel vm15, v6, v5;
	v6 =	vld [tilespmem:s29+$0xA840]  }
0xa4: {  	v9 =	vsel vm13, $0x10, v34;
	vm5 =	vgt.f32 v7, v5  }
0xa5: {  	v9 =	vsel vm14, $0x18, v9;
	v5 =	vsel vm5, v7, v5;
	v7 =	vld [tilespmem:s29+$0x18040]  }
0xa6: {  	v9 =	vsel vm15, $0x20, v9;
	vm6 =	vgt.f32 v33, v5  }
0xa7: {  	v35 =	vsel vm5, $0x28, v9;
	v5 =	vsel vm6, v33, v5  }
0xa8: {  	vm7 =	vgt.f32 v6, v5;
	v5 =	vsel vm6, $0x30, v35  }
0xa9: {  	v5 =	vsel vm7, $0x38, v5  }
0xaa: {  	v5 =	vadd.s32 v7, v5  }
0xab: {  	v5 =	vshll.u32 v5, $0x4  }
0xac: {  	v6 =	vadd.s32 v4, v5;
	v5 =	vor.u32 v2, v5  }
0xad: {  	v6 =	vand.u32 $0xFFFFFF80, v6;
	v5 =	vand.u32 $0x7F, v5  }
0xae: {  	v5 =	vor.u32 v5, v6;
	_ =	sdelay $0x4  }
0xaf: {  	[tilespmem:v5+s17+$0x0] =	vst.idx.add.f32.msk $0xffff, v3  }
0xb0: {  	v5 =	vld [tilespmem:s29+$0x50]  }
0xb1: {  	v6 =	vld [tilespmem:s29+$0x1850];
	_ =	sdelay $0x1  }
0xb2: {  	v7 =	vld [tilespmem:s29+$0x3050];
	_ =	sdelay $0x1  }
0xb3: {  	v36 =	vld [tilespmem:s29+$0x4850]  }
0xb4: {  	vm8 =	vgt.f32 v6, v5  }
0xb5: {  	v5 =	vsel vm8, v6, v5;
	v6 =	vld [tilespmem:s29+$0x6050]  }
0xb6: {  	vm9 =	vgt.f32 v7, v5  }
0xb7: {  	v5 =	vsel vm9, v7, v5;
	v7 =	vld [tilespmem:s29+$0x7850]  }
0xb8: {  	vm10 =	vgt.f32 v36, v5  }
0xb9: {  	v37 =	vld [tilespmem:s29+$0x9050];
	v5 =	vsel vm10, v36, v5  }
0xba: {  	vm11 =	vgt.f32 v6, v5  }
0xbb: {  	v38 =	vsel vm8, $0x8, v1;
	v5 =	vsel vm11, v6, v5;
	v6 =	vld [tilespmem:s29+$0xA850]  }
0xbc: {  	v9 =	vsel vm9, $0x10, v38;
	vm12 =	vgt.f32 v7, v5  }
0xbd: {  	v9 =	vsel vm10, $0x18, v9;
	v5 =	vsel vm12, v7, v5;
	v7 =	vld [tilespmem:s29+$0x18050]  }
0xbe: {  	v9 =	vsel vm11, $0x20, v9;
	vm13 =	vgt.f32 v37, v5  }
0xbf: {  	v39 =	vsel vm12, $0x28, v9;
	v5 =	vsel vm13, v37, v5  }
0xc0: {  	vm14 =	vgt.f32 v6, v5;
	v5 =	vsel vm13, $0x30, v39  }
0xc1: {  	v5 =	vsel vm14, $0x38, v5  }
0xc2: {  	v5 =	vadd.s32 v7, v5  }
0xc3: {  	v5 =	vshll.u32 v5, $0x4  }
0xc4: {  	v6 =	vadd.s32 v4, v5;
	v5 =	vor.u32 v2, v5  }
0xc5: {  	v6 =	vand.u32 $0xFFFFFF80, v6;
	v5 =	vand.u32 $0x7F, v5  }
0xc6: {  	v5 =	vor.u32 v5, v6;
	_ =	sdelay $0x4  }
0xc7: {  	[tilespmem:v5+s17+$0x0] =	vst.idx.add.f32.msk $0xffff, v3  }
0xc8: {  	v5 =	vld [tilespmem:s29+$0x60]  }
0xc9: {  	v6 =	vld [tilespmem:s29+$0x1860];
	_ =	sdelay $0x1  }
0xca: {  	v7 =	vld [tilespmem:s29+$0x3060];
	_ =	sdelay $0x1  }
0xcb: {  	v40 =	vld [tilespmem:s29+$0x4860]  }
0xcc: {  	vm15 =	vgt.f32 v6, v5  }
0xcd: {  	v5 =	vsel vm15, v6, v5;
	v6 =	vld [tilespmem:s29+$0x6060]  }
0xce: {  	vm6 =	vgt.f32 v7, v5  }
0xcf: {  	v5 =	vsel vm6, v7, v5;
	v7 =	vld [tilespmem:s29+$0x7860]  }
0xd0: {  	vm7 =	vgt.f32 v40, v5  }
0xd1: {  	v41 =	vld [tilespmem:s29+$0x9060];
	v5 =	vsel vm7, v40, v5  }
0xd2: {  	vm8 =	vgt.f32 v6, v5  }
0xd3: {  	v42 =	vsel vm15, $0x8, v1;
	v5 =	vsel vm8, v6, v5;
	v6 =	vld [tilespmem:s29+$0xA860]  }
0xd4: {  	v9 =	vsel vm6, $0x10, v42;
	vm9 =	vgt.f32 v7, v5  }
0xd5: {  	v9 =	vsel vm7, $0x18, v9;
	v5 =	vsel vm9, v7, v5;
	v7 =	vld [tilespmem:s29+$0x18060]  }
0xd6: {  	v9 =	vsel vm8, $0x20, v9;
	vm10 =	vgt.f32 v41, v5  }
0xd7: {  	v43 =	vsel vm9, $0x28, v9;
	v5 =	vsel vm10, v41, v5  }
0xd8: {  	vm11 =	vgt.f32 v6, v5;
	v5 =	vsel vm10, $0x30, v43  }
0xd9: {  	v5 =	vsel vm11, $0x38, v5  }
0xda: {  	v5 =	vadd.s32 v7, v5  }
0xdb: {  	v5 =	vshll.u32 v5, $0x4  }
0xdc: {  	v6 =	vadd.s32 v4, v5;
	v5 =	vor.u32 v2, v5  }
0xdd: {  	v6 =	vand.u32 $0xFFFFFF80, v6;
	v5 =	vand.u32 $0x7F, v5  }
0xde: {  	v5 =	vor.u32 v5, v6;
	_ =	sdelay $0x4  }
0xdf: {  	[tilespmem:v5+s17+$0x0] =	vst.idx.add.f32.msk $0xffff, v3  }
0xe0: {  	v5 =	vld [tilespmem:s29+$0x70]  }
0xe1: {  	v6 =	vld [tilespmem:s29+$0x1870];
	_ =	sdelay $0x1  }
0xe2: {  	v7 =	vld [tilespmem:s29+$0x3070];
	_ =	sdelay $0x1  }
0xe3: {  	v44 =	vld [tilespmem:s29+$0x4870]  }
0xe4: {  	vm12 =	vgt.f32 v6, v5  }
0xe5: {  	v5 =	vsel vm12, v6, v5;
	v6 =	vld [tilespmem:s29+$0x6070]  }
0xe6: {  	vm13 =	vgt.f32 v7, v5  }
0xe7: {  	v5 =	vsel vm13, v7, v5;
	v7 =	vld [tilespmem:s29+$0x7870]  }
0xe8: {  	vm14 =	vgt.f32 v44, v5  }
0xe9: {  	v45 =	vld [tilespmem:s29+$0x9070];
	v5 =	vsel vm14, v44, v5  }
0xea: {  	vm15 =	vgt.f32 v6, v5  }
0xeb: {  	v46 =	vsel vm12, $0x8, v1;
	v5 =	vsel vm15, v6, v5;
	v6 =	vld [tilespmem:s29+$0xA870]  }
0xec: {  	v9 =	vsel vm13, $0x10, v46;
	vm5 =	vgt.f32 v7, v5  }
0xed: {  	v9 =	vsel vm14, $0x18, v9;
	v5 =	vsel vm5, v7, v5;
	v7 =	vld [tilespmem:s29+$0x18070]  }
0xee: {  	v9 =	vsel vm15, $0x20, v9;
	vm6 =	vgt.f32 v45, v5  }
0xef: {  	v47 =	vsel vm5, $0x28, v9;
	v5 =	vsel vm6, v45, v5  }
0xf0: {  	vm7 =	vgt.f32 v6, v5;
	v5 =	vsel vm6, $0x30, v47  }
0xf1: {  	v5 =	vsel vm7, $0x38, v5  }
0xf2: {  	v5 =	vadd.s32 v7, v5  }
0xf3: {  	v5 =	vshll.u32 v5, $0x4  }
0xf4: {  	v6 =	vadd.s32 v4, v5;
	v5 =	vor.u32 v2, v5  }
0xf5: {  	v6 =	vand.u32 $0xFFFFFF80, v6;
	v5 =	vand.u32 $0x7F, v5  }
0xf6: {  	v5 =	vor.u32 v5, v6;
	_ =	sdelay $0x4  }
0xf7: {  	[tilespmem:v5+s17+$0x0] =	vst.idx.add.f32.msk $0xffff, v3  }
0xf8: {  	v5 =	vld [tilespmem:s29+$0x400]  }
0xf9: {  	v6 =	vld [tilespmem:s29+$0x1C00];
	_ =	sdelay $0x1  }
0xfa: {  	v7 =	vld [tilespmem:s29+$0x3400];
	_ =	sdelay $0x1  }
0xfb: {  	v48 =	vld [tilespmem:s29+$0x4C00]  }
0xfc: {  	vm8 =	vgt.f32 v6, v5  }
0xfd: {  	v5 =	vsel vm8, v6, v5;
	v6 =	vld [tilespmem:s29+$0x6400]  }
0xfe: {  	vm9 =	vgt.f32 v7, v5  }
0xff: {  	v5 =	vsel vm9, v7, v5;
	v7 =	vld [tilespmem:s29+$0x7C00]  }
0x100: {  	vm10 =	vgt.f32 v48, v5  }
0x101: {  	v49 =	vld [tilespmem:s29+$0x9400];
	v5 =	vsel vm10, v48, v5  }
0x102: {  	vm11 =	vgt.f32 v6, v5  }
0x103: {  	v50 =	vsel vm8, $0x8, v1;
	v5 =	vsel vm11, v6, v5;
	v6 =	vld [tilespmem:s29+$0xAC00]  }
0x104: {  	v9 =	vsel vm9, $0x10, v50;
	vm12 =	vgt.f32 v7, v5  }
0x105: {  	v9 =	vsel vm10, $0x18, v9;
	v5 =	vsel vm12, v7, v5;
	v7 =	vld [tilespmem:s29+$0x18400]  }
0x106: {  	v9 =	vsel vm11, $0x20, v9;
	vm13 =	vgt.f32 v49, v5  }
0x107: {  	v51 =	vsel vm12, $0x28, v9;
	v5 =	vsel vm13, v49, v5  }
0x108: {  	vm14 =	vgt.f32 v6, v5;
	v5 =	vsel vm13, $0x30, v51  }
0x109: {  	v5 =	vsel vm14, $0x38, v5  }
0x10a: {  	v5 =	vadd.s32 v7, v5  }
0x10b: {  	v5 =	vshll.u32 v5, $0x4  }
0x10c: {  	v6 =	vadd.s32 v4, v5;
	v5 =	vor.u32 v2, v5  }
0x10d: {  	v6 =	vand.u32 $0xFFFFFF80, v6;
	v5 =	vand.u32 $0x7F, v5  }
0x10e: {  	v5 =	vor.u32 v5, v6;
	_ =	sdelay $0x4  }
0x10f: {  	[tilespmem:v5+s17+$0x0] =	vst.idx.add.f32.msk $0xffff, v3  }
0x110: {  	v5 =	vld [tilespmem:s29+$0x410]  }
0x111: {  	v6 =	vld [tilespmem:s29+$0x1C10];
	_ =	sdelay $0x1  }
0x112: {  	v7 =	vld [tilespmem:s29+$0x3410];
	_ =	sdelay $0x1  }
0x113: {  	v52 =	vld [tilespmem:s29+$0x4C10]  }
0x114: {  	vm15 =	vgt.f32 v6, v5  }
0x115: {  	v5 =	vsel vm15, v6, v5;
	v6 =	vld [tilespmem:s29+$0x6410]  }
0x116: {  	vm6 =	vgt.f32 v7, v5  }
0x117: {  	v5 =	vsel vm6, v7, v5;
	v7 =	vld [tilespmem:s29+$0x7C10]  }
0x118: {  	vm7 =	vgt.f32 v52, v5  }
0x119: {  	v53 =	vld [tilespmem:s29+$0x9410];
	v5 =	vsel vm7, v52, v5  }
0x11a: {  	vm8 =	vgt.f32 v6, v5  }
0x11b: {  	v54 =	vsel vm15, $0x8, v1;
	v5 =	vsel vm8, v6, v5;
	v6 =	vld [tilespmem:s29+$0xAC10]  }
0x11c: {  	v9 =	vsel vm6, $0x10, v54;
	vm9 =	vgt.f32 v7, v5  }
0x11d: {  	v9 =	vsel vm7, $0x18, v9;
	v5 =	vsel vm9, v7, v5;
	v7 =	vld [tilespmem:s29+$0x18410]  }
0x11e: {  	v9 =	vsel vm8, $0x20, v9;
	vm10 =	vgt.f32 v53, v5  }
0x11f: {  	v55 =	vsel vm9, $0x28, v9;
	v5 =	vsel vm10, v53, v5  }
0x120: {  	vm11 =	vgt.f32 v6, v5;
	v5 =	vsel vm10, $0x30, v55  }
0x121: {  	v5 =	vsel vm11, $0x38, v5  }
0x122: {  	v5 =	vadd.s32 v7, v5  }
0x123: {  	v5 =	vshll.u32 v5, $0x4  }
0x124: {  	v6 =	vadd.s32 v4, v5;
	v5 =	vor.u32 v2, v5  }
0x125: {  	v6 =	vand.u32 $0xFFFFFF80, v6;
	v5 =	vand.u32 $0x7F, v5  }
0x126: {  	v5 =	vor.u32 v5, v6;
	_ =	sdelay $0x4  }
0x127: {  	[tilespmem:v5+s17+$0x0] =	vst.idx.add.f32.msk $0xffff, v3  }
0x128: {  	v5 =	vld [tilespmem:s29+$0x420]  }
0x129: {  	v6 =	vld [tilespmem:s29+$0x1C20];
	_ =	sdelay $0x1  }
0x12a: {  	v7 =	vld [tilespmem:s29+$0x3420];
	_ =	sdelay $0x1  }
0x12b: {  	v56 =	vld [tilespmem:s29+$0x4C20]  }
0x12c: {  	vm12 =	vgt.f32 v6, v5  }
0x12d: {  	v5 =	vsel vm12, v6, v5;
	v6 =	vld [tilespmem:s29+$0x6420]  }
0x12e: {  	vm13 =	vgt.f32 v7, v5  }
0x12f: {  	v5 =	vsel vm13, v7, v5;
	v7 =	vld [tilespmem:s29+$0x7C20]  }
0x130: {  	vm14 =	vgt.f32 v56, v5  }
0x131: {  	v57 =	vld [tilespmem:s29+$0x9420];
	v5 =	vsel vm14, v56, v5  }
0x132: {  	vm15 =	vgt.f32 v6, v5  }
0x133: {  	v58 =	vsel vm12, $0x8, v1;
	v5 =	vsel vm15, v6, v5;
	v6 =	vld [tilespmem:s29+$0xAC20]  }
0x134: {  	v9 =	vsel vm13, $0x10, v58;
	vm6 =	vgt.f32 v7, v5  }
0x135: {  	v9 =	vsel vm14, $0x18, v9;
	v5 =	vsel vm6, v7, v5;
	v7 =	vld [tilespmem:s29+$0x18420]  }
0x136: {  	v9 =	vsel vm15, $0x20, v9;
	vm7 =	vgt.f32 v57, v5  }
0x137: {  	v59 =	vsel vm6, $0x28, v9;
	v5 =	vsel vm7, v57, v5  }
0x138: {  	vm8 =	vgt.f32 v6, v5;
	v5 =	vsel vm7, $0x30, v59  }
0x139: {  	v5 =	vsel vm8, $0x38, v5  }
0x13a: {  	v5 =	vadd.s32 v7, v5  }
0x13b: {  	v5 =	vshll.u32 v5, $0x4  }
0x13c: {  	v6 =	vadd.s32 v4, v5;
	v5 =	vor.u32 v2, v5  }
0x13d: {  	v6 =	vand.u32 $0xFFFFFF80, v6;
	v5 =	vand.u32 $0x7F, v5  }
0x13e: {  	v5 =	vor.u32 v5, v6;
	_ =	sdelay $0x4  }
0x13f: {  	[tilespmem:v5+s17+$0x0] =	vst.idx.add.f32.msk $0xffff, v3  }
0x140: {  	v5 =	vld [tilespmem:s29+$0x430]  }
0x141: {  	v6 =	vld [tilespmem:s29+$0x1C30];
	_ =	sdelay $0x1  }
0x142: {  	v7 =	vld [tilespmem:s29+$0x3430];
	_ =	sdelay $0x1  }
0x143: {  	v60 =	vld [tilespmem:s29+$0x4C30]  }
0x144: {  	vm9 =	vgt.f32 v6, v5  }
0x145: {  	v5 =	vsel vm9, v6, v5;
	v6 =	vld [tilespmem:s29+$0x6430]  }
0x146: {  	vm10 =	vgt.f32 v7, v5  }
0x147: {  	v5 =	vsel vm10, v7, v5;
	v7 =	vld [tilespmem:s29+$0x7C30]  }
0x148: {  	vm11 =	vgt.f32 v60, v5  }
0x149: {  	v61 =	vld [tilespmem:s29+$0x9430];
	v5 =	vsel vm11, v60, v5  }
0x14a: {  	vm12 =	vgt.f32 v6, v5  }
0x14b: {  	v62 =	vsel vm9, $0x8, v1;
	v5 =	vsel vm12, v6, v5;
	v6 =	vld [tilespmem:s29+$0xAC30]  }
0x14c: {  	v9 =	vsel vm10, $0x10, v62;
	vm13 =	vgt.f32 v7, v5  }
0x14d: {  	v9 =	vsel vm11, $0x18, v9;
	v5 =	vsel vm13, v7, v5;
	v7 =	vld [tilespmem:s29+$0x18430]  }
0x14e: {  	v9 =	vsel vm12, $0x20, v9;
	vm14 =	vgt.f32 v61, v5  }
0x14f: {  	v63 =	vsel vm13, $0x28, v9;
	v5 =	vsel vm14, v61, v5  }
0x150: {  	vm15 =	vgt.f32 v6, v5;
	v5 =	vsel vm14, $0x30, v63  }
0x151: {  	v5 =	vsel vm15, $0x38, v5  }
0x152: {  	v5 =	vadd.s32 v7, v5  }
0x153: {  	v5 =	vshll.u32 v5, $0x4  }
0x154: {  	v6 =	vadd.s32 v4, v5;
	v5 =	vor.u32 v2, v5  }
0x155: {  	v6 =	vand.u32 $0xFFFFFF80, v6;
	v5 =	vand.u32 $0x7F, v5  }
0x156: {  	p0 =	sne.s32 s28, $0x1700;
	v5 =	vor.u32 v5, v6  }
.Ltmp1:
0x157: {  	_ = 	snop;
	(pc) =	sbr.rel @p0 .LBB2_5-.Ltmp1, $2  }
0x158: {  	_ =	sdelay $0x2  }
0x159: {  	s26 =	sadd.s32 $0x80, s26;
	s28 =	sadd.s32 $0x100, s28;
	[tilespmem:v5+s17+$0x0] =	vst.idx.add.f32.msk $0xffff, v3  }
0x15a: {  	p0 =	seq.s32 s23, $0x5  }
0x15b: {  	s1 =	sadd.s32 @!p0 s25, s8  }
0x15c: {  	s25 =	smulhi.u32 @!p0 $0xAAAAAAAB, s1;
	_ =	sdelay $0x1  }
0x15d: {  	s25 =	sshrl.u32 @!p0 s25, $0x7  }
0x15e: {  	s26 =	smul.u32 @!p0 $0xC0, s25;
	_ =	sdelay $0x1  }
0x15f: {  	s1 =	ssub.s32 @!p0 s1, s26;
	s26 =	smul.u32 @!p0 $0x1800000, s25  }
0x160: {  	s25 =	smul.u32 @!p0 $0x300000, s25;
	s28 =	sshrl.u32 @!p0 s1, $0x3  }
0x161: {  	s1 =	sand.u32 @!p0 $0x6, s1;
	s28 =	smul.u32 @!p0 $0xC000, s28  }
0x162: {  	s1 =	smul.u32 @!p0 $0x1800, s1  }
0x163: {  	s26 =	sor.u32 @!p0 s26, s28  }
0x164: {  	s29 =	simm.s32 @!p0 $0x1800;
	s25 =	sadd.s32 @!p0 s25, s28;
	s26 =	sadd.s32 @!p0 s1, s26  }
0x165: {  	s30 =	simm.s32 @!p0 $0x300000;
	s1 =	sadd.s32 @!p0 s1, s25;
	s26 =	sshrl.u32 @!p0 s26, $0x3  }
0x166: {  	s31 =	simm.s32 @!p0 $0x0;
	s1 =	sshrl.u32 @!p0 s1, $0x3;
	s26 =	sadd.s32 @!p0 s2, s26  }
0x167: {  	[tilespmem:s31], [sflag:$0x1] =	stream.strided.gather @!p0 [hbm4b:s26+s29], $0xC000, s30, s29, $0x38;
	[tilespmem:$0x1B800] =	vst v63  }
0x168: {  	s25 =	simm.s32 @!p0 $0x18000;
	s1 =	sadd.s32 @!p0 s3, s1  }
0x169: {  	[tilespmem:s25], [sflag:$0x1] =	stream.linear.gather @!p0 [hbm4b:s1+s31], $0x1800, $0x38;
	[tilespmem:$0x1B800] =	vst v63  }
0x16a: {  	_ =	swait.ge [sflag:s18], $0xC000  }
0x16b: {  	[sflag:s18] =	ssyncset.done $0x0  }
0x16c: {  	[sflag:s18] =	ssyncadd.s32 $0xFFFF4000  }
0x16d: {  	_ =	swait.ge [sflag:s18], $0x1800  }
0x16e: {  	s31 =	sshll.u32 s24, $0xA;
	[sflag:s18] =	ssyncset.done $0x0  }
0x16f: {  	s24 =	simm.s32 $0x0;
	s25 =	simm.s32 $0x0;
	v4 =	vmov s31;
	[sflag:s18] =	ssyncadd.s32 $0xFFFFE800  }
.LBB2_7:
0x170: {  	s1 =	sand.u32 $0x1800, s25;
	s26 =	sand.u32 $0x380, s24  }
0x171: {  	s26 =	sor.u32 s26, s1  }
0x172: {  	v5 =	vld [tilespmem:s26+$0xC000]  }
0x173: {  	v6 =	vld [tilespmem:s26+$0xD800];
	_ =	sdelay $0x1  }
0x174: {  	v7 =	vld [tilespmem:s26+$0xF000];
	_ =	sdelay $0x1  }
0x175: {  	v8 =	vld [tilespmem:s26+$0x10800]  }
0x176: {  	vm0 =	vgt.f32 v6, v5  }
0x177: {  	v5 =	vsel vm0, v6, v5;
	v6 =	vld [tilespmem:s26+$0x12000]  }
0x178: {  	vm1 =	vgt.f32 v7, v5  }
0x179: {  	v5 =	vsel vm1, v7, v5;
	v7 =	vld [tilespmem:s26+$0x13800]  }
0x17a: {  	vm2 =	vgt.f32 v8, v5  }
0x17b: {  	v18 =	vld [tilespmem:s26+$0x15000];
	v5 =	vsel vm2, v8, v5  }
0x17c: {  	vm3 =	vgt.f32 v6, v5  }
0x17d: {  	v9 =	vsel vm0, $0x8, v1;
	v5 =	vsel vm3, v6, v5;
	v6 =	vld [tilespmem:s26+$0x16800]  }
0x17e: {  	v9 =	vsel vm1, $0x10, v9;
	vm9 =	vgt.f32 v7, v5  }
0x17f: {  	v9 =	vsel vm2, $0x18, v9;
	v5 =	vsel vm9, v7, v5;
	v7 =	vld [tilespmem:s26+$0x19800]  }
0x180: {  	v9 =	vsel vm3, $0x20, v9;
	vm10 =	vgt.f32 v18, v5  }
0x181: {  	v19 =	vsel vm9, $0x28, v9;
	v5 =	vsel vm10, v18, v5  }
0x182: {  	vm11 =	vgt.f32 v6, v5;
	v5 =	vsel vm10, $0x30, v19  }
0x183: {  	v5 =	vsel vm11, $0x38, v5  }
0x184: {  	v5 =	vadd.s32 v7, v5  }
0x185: {  	v5 =	vshll.u32 v5, $0x4  }
0x186: {  	v6 =	vadd.s32 v4, v5;
	v5 =	vor.u32 v2, v5  }
0x187: {  	v6 =	vand.u32 $0xFFFFFF80, v6;
	v5 =	vand.u32 $0x7F, v5  }
0x188: {  	v5 =	vor.u32 v5, v6;
	_ =	sdelay $0x4  }
0x189: {  	[tilespmem:v5+s17+$0x0] =	vst.idx.add.f32.msk $0xffff, v3  }
0x18a: {  	v5 =	vld [tilespmem:s26+$0xC010]  }
0x18b: {  	v6 =	vld [tilespmem:s26+$0xD810];
	_ =	sdelay $0x1  }
0x18c: {  	v7 =	vld [tilespmem:s26+$0xF010]  }
0x18d: {  	s29 =	sadd.s32 $0x10800, s26  }
0x18e: {  	v20 =	vld [tilespmem:s29+$0x10]  }
0x18f: {  	vm12 =	vgt.f32 v6, v5  }
0x190: {  	v5 =	vsel vm12, v6, v5;
	v6 =	vld [tilespmem:s26+$0x12010]  }
0x191: {  	s28 =	sadd.s32 $0x13800, s26;
	vm13 =	vgt.f32 v7, v5  }
0x192: {  	v5 =	vsel vm13, v7, v5;
	v7 =	vld [tilespmem:s28+$0x10]  }
0x193: {  	s30 =	sadd.s32 $0x15000, s26;
	vm14 =	vgt.f32 v20, v5  }
0x194: {  	v21 =	vld [tilespmem:s30+$0x10];
	v5 =	vsel vm14, v20, v5  }
0x195: {  	s31 =	sadd.s32 $0x16800, s26;
	vm15 =	vgt.f32 v6, v5  }
0x196: {  	v22 =	vsel vm12, $0x8, v1;
	v5 =	vsel vm15, v6, v5;
	v6 =	vld [tilespmem:s31+$0x10]  }
0x197: {  	s1 =	sadd.s32 $0x19800, s26;
	v9 =	vsel vm13, $0x10, v22;
	vm5 =	vgt.f32 v7, v5  }
0x198: {  	v9 =	vsel vm14, $0x18, v9;
	v5 =	vsel vm5, v7, v5;
	v7 =	vld [tilespmem:s1+$0x10]  }
0x199: {  	v9 =	vsel vm15, $0x20, v9;
	vm6 =	vgt.f32 v21, v5  }
0x19a: {  	v23 =	vsel vm5, $0x28, v9;
	v5 =	vsel vm6, v21, v5  }
0x19b: {  	vm7 =	vgt.f32 v6, v5;
	v5 =	vsel vm6, $0x30, v23  }
0x19c: {  	v5 =	vsel vm7, $0x38, v5  }
0x19d: {  	v5 =	vadd.s32 v7, v5  }
0x19e: {  	v5 =	vshll.u32 v5, $0x4  }
0x19f: {  	v6 =	vadd.s32 v4, v5;
	v5 =	vor.u32 v2, v5  }
0x1a0: {  	v6 =	vand.u32 $0xFFFFFF80, v6;
	v5 =	vand.u32 $0x7F, v5  }
0x1a1: {  	v5 =	vor.u32 v5, v6;
	_ =	sdelay $0x4  }
0x1a2: {  	[tilespmem:v5+s17+$0x0] =	vst.idx.add.f32.msk $0xffff, v3  }
0x1a3: {  	v5 =	vld [tilespmem:s26+$0xC020]  }
0x1a4: {  	v6 =	vld [tilespmem:s26+$0xD820];
	_ =	sdelay $0x1  }
0x1a5: {  	v7 =	vld [tilespmem:s26+$0xF020];
	_ =	sdelay $0x1  }
0x1a6: {  	v24 =	vld [tilespmem:s29+$0x20]  }
0x1a7: {  	vm8 =	vgt.f32 v6, v5  }
0x1a8: {  	v5 =	vsel vm8, v6, v5;
	v6 =	vld [tilespmem:s26+$0x12020]  }
0x1a9: {  	vm9 =	vgt.f32 v7, v5  }
0x1aa: {  	v5 =	vsel vm9, v7, v5;
	v7 =	vld [tilespmem:s28+$0x20]  }
0x1ab: {  	vm10 =	vgt.f32 v24, v5  }
0x1ac: {  	v25 =	vld [tilespmem:s30+$0x20];
	v5 =	vsel vm10, v24, v5  }
0x1ad: {  	vm11 =	vgt.f32 v6, v5  }
0x1ae: {  	v26 =	vsel vm8, $0x8, v1;
	v5 =	vsel vm11, v6, v5;
	v6 =	vld [tilespmem:s31+$0x20]  }
0x1af: {  	v9 =	vsel vm9, $0x10, v26;
	vm12 =	vgt.f32 v7, v5  }
0x1b0: {  	v9 =	vsel vm10, $0x18, v9;
	v5 =	vsel vm12, v7, v5;
	v7 =	vld [tilespmem:s1+$0x20]  }
0x1b1: {  	v9 =	vsel vm11, $0x20, v9;
	vm13 =	vgt.f32 v25, v5  }
0x1b2: {  	v27 =	vsel vm12, $0x28, v9;
	v5 =	vsel vm13, v25, v5  }
0x1b3: {  	vm14 =	vgt.f32 v6, v5;
	v5 =	vsel vm13, $0x30, v27  }
0x1b4: {  	v5 =	vsel vm14, $0x38, v5  }
0x1b5: {  	v5 =	vadd.s32 v7, v5  }
0x1b6: {  	v5 =	vshll.u32 v5, $0x4  }
0x1b7: {  	v6 =	vadd.s32 v4, v5;
	v5 =	vor.u32 v2, v5  }
0x1b8: {  	v6 =	vand.u32 $0xFFFFFF80, v6;
	v5 =	vand.u32 $0x7F, v5  }
0x1b9: {  	v5 =	vor.u32 v5, v6;
	_ =	sdelay $0x4  }
0x1ba: {  	[tilespmem:v5+s17+$0x0] =	vst.idx.add.f32.msk $0xffff, v3  }
0x1bb: {  	v5 =	vld [tilespmem:s26+$0xC030]  }
0x1bc: {  	v6 =	vld [tilespmem:s26+$0xD830];
	_ =	sdelay $0x1  }
0x1bd: {  	v7 =	vld [tilespmem:s26+$0xF030];
	_ =	sdelay $0x1  }
0x1be: {  	v28 =	vld [tilespmem:s29+$0x30]  }
0x1bf: {  	vm15 =	vgt.f32 v6, v5  }
0x1c0: {  	v5 =	vsel vm15, v6, v5;
	v6 =	vld [tilespmem:s26+$0x12030]  }
0x1c1: {  	vm6 =	vgt.f32 v7, v5  }
0x1c2: {  	v5 =	vsel vm6, v7, v5;
	v7 =	vld [tilespmem:s28+$0x30]  }
0x1c3: {  	vm7 =	vgt.f32 v28, v5  }
0x1c4: {  	v29 =	vld [tilespmem:s30+$0x30];
	v5 =	vsel vm7, v28, v5  }
0x1c5: {  	vm8 =	vgt.f32 v6, v5  }
0x1c6: {  	v30 =	vsel vm15, $0x8, v1;
	v5 =	vsel vm8, v6, v5;
	v6 =	vld [tilespmem:s31+$0x30]  }
0x1c7: {  	v9 =	vsel vm6, $0x10, v30;
	vm9 =	vgt.f32 v7, v5  }
0x1c8: {  	v9 =	vsel vm7, $0x18, v9;
	v5 =	vsel vm9, v7, v5;
	v7 =	vld [tilespmem:s1+$0x30]  }
0x1c9: {  	v9 =	vsel vm8, $0x20, v9;
	vm10 =	vgt.f32 v29, v5  }
0x1ca: {  	v31 =	vsel vm9, $0x28, v9;
	v5 =	vsel vm10, v29, v5  }
0x1cb: {  	vm11 =	vgt.f32 v6, v5;
	v5 =	vsel vm10, $0x30, v31  }
0x1cc: {  	v5 =	vsel vm11, $0x38, v5  }
0x1cd: {  	v5 =	vadd.s32 v7, v5  }
0x1ce: {  	v5 =	vshll.u32 v5, $0x4  }
0x1cf: {  	v6 =	vadd.s32 v4, v5;
	v5 =	vor.u32 v2, v5  }
0x1d0: {  	v6 =	vand.u32 $0xFFFFFF80, v6;
	v5 =	vand.u32 $0x7F, v5  }
0x1d1: {  	v5 =	vor.u32 v5, v6;
	_ =	sdelay $0x4  }
0x1d2: {  	[tilespmem:v5+s17+$0x0] =	vst.idx.add.f32.msk $0xffff, v3  }
0x1d3: {  	v5 =	vld [tilespmem:s26+$0xC040]  }
0x1d4: {  	v6 =	vld [tilespmem:s26+$0xD840];
	_ =	sdelay $0x1  }
0x1d5: {  	v7 =	vld [tilespmem:s26+$0xF040];
	_ =	sdelay $0x1  }
0x1d6: {  	v32 =	vld [tilespmem:s29+$0x40]  }
0x1d7: {  	vm12 =	vgt.f32 v6, v5  }
0x1d8: {  	v5 =	vsel vm12, v6, v5;
	v6 =	vld [tilespmem:s26+$0x12040]  }
0x1d9: {  	vm13 =	vgt.f32 v7, v5  }
0x1da: {  	v5 =	vsel vm13, v7, v5;
	v7 =	vld [tilespmem:s28+$0x40]  }
0x1db: {  	vm14 =	vgt.f32 v32, v5  }
0x1dc: {  	v33 =	vld [tilespmem:s30+$0x40];
	v5 =	vsel vm14, v32, v5  }
0x1dd: {  	vm15 =	vgt.f32 v6, v5  }
0x1de: {  	v34 =	vsel vm12, $0x8, v1;
	v5 =	vsel vm15, v6, v5;
	v6 =	vld [tilespmem:s31+$0x40]  }
0x1df: {  	v9 =	vsel vm13, $0x10, v34;
	vm5 =	vgt.f32 v7, v5  }
0x1e0: {  	v9 =	vsel vm14, $0x18, v9;
	v5 =	vsel vm5, v7, v5;
	v7 =	vld [tilespmem:s1+$0x40]  }
0x1e1: {  	v9 =	vsel vm15, $0x20, v9;
	vm6 =	vgt.f32 v33, v5  }
0x1e2: {  	v35 =	vsel vm5, $0x28, v9;
	v5 =	vsel vm6, v33, v5  }
0x1e3: {  	vm7 =	vgt.f32 v6, v5;
	v5 =	vsel vm6, $0x30, v35  }
0x1e4: {  	v5 =	vsel vm7, $0x38, v5  }
0x1e5: {  	v5 =	vadd.s32 v7, v5  }
0x1e6: {  	v5 =	vshll.u32 v5, $0x4  }
0x1e7: {  	v6 =	vadd.s32 v4, v5;
	v5 =	vor.u32 v2, v5  }
0x1e8: {  	v6 =	vand.u32 $0xFFFFFF80, v6;
	v5 =	vand.u32 $0x7F, v5  }
0x1e9: {  	v5 =	vor.u32 v5, v6;
	_ =	sdelay $0x4  }
0x1ea: {  	[tilespmem:v5+s17+$0x0] =	vst.idx.add.f32.msk $0xffff, v3  }
0x1eb: {  	v5 =	vld [tilespmem:s26+$0xC050]  }
0x1ec: {  	v6 =	vld [tilespmem:s26+$0xD850];
	_ =	sdelay $0x1  }
0x1ed: {  	v7 =	vld [tilespmem:s26+$0xF050];
	_ =	sdelay $0x1  }
0x1ee: {  	v36 =	vld [tilespmem:s29+$0x50]  }
0x1ef: {  	vm8 =	vgt.f32 v6, v5  }
0x1f0: {  	v5 =	vsel vm8, v6, v5;
	v6 =	vld [tilespmem:s26+$0x12050]  }
0x1f1: {  	vm9 =	vgt.f32 v7, v5  }
0x1f2: {  	v5 =	vsel vm9, v7, v5;
	v7 =	vld [tilespmem:s28+$0x50]  }
0x1f3: {  	vm10 =	vgt.f32 v36, v5  }
0x1f4: {  	v37 =	vld [tilespmem:s30+$0x50];
	v5 =	vsel vm10, v36, v5  }
0x1f5: {  	vm11 =	vgt.f32 v6, v5  }
0x1f6: {  	v38 =	vsel vm8, $0x8, v1;
	v5 =	vsel vm11, v6, v5;
	v6 =	vld [tilespmem:s31+$0x50]  }
0x1f7: {  	v9 =	vsel vm9, $0x10, v38;
	vm12 =	vgt.f32 v7, v5  }
0x1f8: {  	v9 =	vsel vm10, $0x18, v9;
	v5 =	vsel vm12, v7, v5;
	v7 =	vld [tilespmem:s1+$0x50]  }
0x1f9: {  	v9 =	vsel vm11, $0x20, v9;
	vm13 =	vgt.f32 v37, v5  }
0x1fa: {  	v39 =	vsel vm12, $0x28, v9;
	v5 =	vsel vm13, v37, v5  }
0x1fb: {  	vm14 =	vgt.f32 v6, v5;
	v5 =	vsel vm13, $0x30, v39  }
0x1fc: {  	v5 =	vsel vm14, $0x38, v5  }
0x1fd: {  	v5 =	vadd.s32 v7, v5  }
0x1fe: {  	v5 =	vshll.u32 v5, $0x4  }
0x1ff: {  	v6 =	vadd.s32 v4, v5;
	v5 =	vor.u32 v2, v5  }
0x200: {  	v6 =	vand.u32 $0xFFFFFF80, v6;
	v5 =	vand.u32 $0x7F, v5  }
0x201: {  	v5 =	vor.u32 v5, v6;
	_ =	sdelay $0x4  }
0x202: {  	[tilespmem:v5+s17+$0x0] =	vst.idx.add.f32.msk $0xffff, v3  }
0x203: {  	v5 =	vld [tilespmem:s26+$0xC060]  }
0x204: {  	v6 =	vld [tilespmem:s26+$0xD860];
	_ =	sdelay $0x1  }
0x205: {  	v7 =	vld [tilespmem:s26+$0xF060];
	_ =	sdelay $0x1  }
0x206: {  	v40 =	vld [tilespmem:s29+$0x60]  }
0x207: {  	vm15 =	vgt.f32 v6, v5  }
0x208: {  	v5 =	vsel vm15, v6, v5;
	v6 =	vld [tilespmem:s26+$0x12060]  }
0x209: {  	vm6 =	vgt.f32 v7, v5  }
0x20a: {  	v5 =	vsel vm6, v7, v5;
	v7 =	vld [tilespmem:s28+$0x60]  }
0x20b: {  	vm7 =	vgt.f32 v40, v5  }
0x20c: {  	v41 =	vld [tilespmem:s30+$0x60];
	v5 =	vsel vm7, v40, v5  }
0x20d: {  	vm8 =	vgt.f32 v6, v5  }
0x20e: {  	v42 =	vsel vm15, $0x8, v1;
	v5 =	vsel vm8, v6, v5;
	v6 =	vld [tilespmem:s31+$0x60]  }
0x20f: {  	v9 =	vsel vm6, $0x10, v42;
	vm9 =	vgt.f32 v7, v5  }
0x210: {  	v9 =	vsel vm7, $0x18, v9;
	v5 =	vsel vm9, v7, v5;
	v7 =	vld [tilespmem:s1+$0x60]  }
0x211: {  	v9 =	vsel vm8, $0x20, v9;
	vm10 =	vgt.f32 v41, v5  }
0x212: {  	v43 =	vsel vm9, $0x28, v9;
	v5 =	vsel vm10, v41, v5  }
0x213: {  	vm11 =	vgt.f32 v6, v5;
	v5 =	vsel vm10, $0x30, v43  }
0x214: {  	v5 =	vsel vm11, $0x38, v5  }
0x215: {  	v5 =	vadd.s32 v7, v5  }
0x216: {  	v5 =	vshll.u32 v5, $0x4  }
0x217: {  	v6 =	vadd.s32 v4, v5;
	v5 =	vor.u32 v2, v5  }
0x218: {  	v6 =	vand.u32 $0xFFFFFF80, v6;
	v5 =	vand.u32 $0x7F, v5  }
0x219: {  	v5 =	vor.u32 v5, v6;
	_ =	sdelay $0x4  }
0x21a: {  	[tilespmem:v5+s17+$0x0] =	vst.idx.add.f32.msk $0xffff, v3  }
0x21b: {  	v5 =	vld [tilespmem:s26+$0xC070]  }
0x21c: {  	v6 =	vld [tilespmem:s26+$0xD870];
	_ =	sdelay $0x1  }
0x21d: {  	v7 =	vld [tilespmem:s26+$0xF070];
	_ =	sdelay $0x1  }
0x21e: {  	v44 =	vld [tilespmem:s29+$0x70]  }
0x21f: {  	vm12 =	vgt.f32 v6, v5  }
0x220: {  	v5 =	vsel vm12, v6, v5;
	v6 =	vld [tilespmem:s26+$0x12070]  }
0x221: {  	vm13 =	vgt.f32 v7, v5  }
0x222: {  	v5 =	vsel vm13, v7, v5;
	v7 =	vld [tilespmem:s28+$0x70]  }
0x223: {  	vm14 =	vgt.f32 v44, v5  }
0x224: {  	v45 =	vld [tilespmem:s30+$0x70];
	v5 =	vsel vm14, v44, v5  }
0x225: {  	vm15 =	vgt.f32 v6, v5  }
0x226: {  	v46 =	vsel vm12, $0x8, v1;
	v5 =	vsel vm15, v6, v5;
	v6 =	vld [tilespmem:s31+$0x70]  }
0x227: {  	v9 =	vsel vm13, $0x10, v46;
	vm5 =	vgt.f32 v7, v5  }
0x228: {  	v9 =	vsel vm14, $0x18, v9;
	v5 =	vsel vm5, v7, v5;
	v7 =	vld [tilespmem:s1+$0x70]  }
0x229: {  	v9 =	vsel vm15, $0x20, v9;
	vm6 =	vgt.f32 v45, v5  }
0x22a: {  	v47 =	vsel vm5, $0x28, v9;
	v5 =	vsel vm6, v45, v5  }
0x22b: {  	vm7 =	vgt.f32 v6, v5;
	v5 =	vsel vm6, $0x30, v47  }
0x22c: {  	v5 =	vsel vm7, $0x38, v5  }
0x22d: {  	v5 =	vadd.s32 v7, v5  }
0x22e: {  	v5 =	vshll.u32 v5, $0x4  }
0x22f: {  	v6 =	vadd.s32 v4, v5;
	v5 =	vor.u32 v2, v5  }
0x230: {  	v6 =	vand.u32 $0xFFFFFF80, v6;
	v5 =	vand.u32 $0x7F, v5  }
0x231: {  	v5 =	vor.u32 v5, v6;
	_ =	sdelay $0x4  }
0x232: {  	[tilespmem:v5+s17+$0x0] =	vst.idx.add.f32.msk $0xffff, v3  }
0x233: {  	v5 =	vld [tilespmem:s26+$0xC400]  }
0x234: {  	v6 =	vld [tilespmem:s26+$0xDC00];
	_ =	sdelay $0x1  }
0x235: {  	v7 =	vld [tilespmem:s26+$0xF400];
	_ =	sdelay $0x1  }
0x236: {  	v48 =	vld [tilespmem:s26+$0x10C00]  }
0x237: {  	vm8 =	vgt.f32 v6, v5  }
0x238: {  	v5 =	vsel vm8, v6, v5;
	v6 =	vld [tilespmem:s26+$0x12400]  }
0x239: {  	vm9 =	vgt.f32 v7, v5  }
0x23a: {  	v5 =	vsel vm9, v7, v5;
	v7 =	vld [tilespmem:s26+$0x13C00]  }
0x23b: {  	vm10 =	vgt.f32 v48, v5  }
0x23c: {  	v49 =	vld [tilespmem:s26+$0x15400];
	v5 =	vsel vm10, v48, v5  }
0x23d: {  	vm11 =	vgt.f32 v6, v5  }
0x23e: {  	v50 =	vsel vm8, $0x8, v1;
	v5 =	vsel vm11, v6, v5;
	v6 =	vld [tilespmem:s26+$0x16C00]  }
0x23f: {  	v9 =	vsel vm9, $0x10, v50;
	vm12 =	vgt.f32 v7, v5  }
0x240: {  	v9 =	vsel vm10, $0x18, v9;
	v5 =	vsel vm12, v7, v5;
	v7 =	vld [tilespmem:s26+$0x19C00]  }
0x241: {  	v9 =	vsel vm11, $0x20, v9;
	vm13 =	vgt.f32 v49, v5  }
0x242: {  	v51 =	vsel vm12, $0x28, v9;
	v5 =	vsel vm13, v49, v5  }
0x243: {  	vm14 =	vgt.f32 v6, v5;
	v5 =	vsel vm13, $0x30, v51  }
0x244: {  	v5 =	vsel vm14, $0x38, v5  }
0x245: {  	v5 =	vadd.s32 v7, v5  }
0x246: {  	v5 =	vshll.u32 v5, $0x4  }
0x247: {  	v6 =	vadd.s32 v4, v5;
	v5 =	vor.u32 v2, v5  }
0x248: {  	v6 =	vand.u32 $0xFFFFFF80, v6;
	v5 =	vand.u32 $0x7F, v5  }
0x249: {  	v5 =	vor.u32 v5, v6;
	_ =	sdelay $0x4  }
0x24a: {  	[tilespmem:v5+s17+$0x0] =	vst.idx.add.f32.msk $0xffff, v3  }
0x24b: {  	v5 =	vld [tilespmem:s26+$0xC410]  }
0x24c: {  	v6 =	vld [tilespmem:s26+$0xDC10];
	_ =	sdelay $0x1  }
0x24d: {  	v7 =	vld [tilespmem:s26+$0xF410]  }
0x24e: {  	s28 =	sadd.s32 $0x10C00, s26  }
0x24f: {  	v52 =	vld [tilespmem:s28+$0x10]  }
0x250: {  	vm15 =	vgt.f32 v6, v5  }
0x251: {  	v5 =	vsel vm15, v6, v5;
	v6 =	vld [tilespmem:s26+$0x12410]  }
0x252: {  	s1 =	sadd.s32 $0x13C00, s26;
	vm6 =	vgt.f32 v7, v5  }
0x253: {  	v5 =	vsel vm6, v7, v5;
	v7 =	vld [tilespmem:s1+$0x10]  }
0x254: {  	s29 =	sadd.s32 $0x15400, s26;
	vm7 =	vgt.f32 v52, v5  }
0x255: {  	v53 =	vld [tilespmem:s29+$0x10];
	v5 =	vsel vm7, v52, v5  }
0x256: {  	s30 =	sadd.s32 $0x16C00, s26;
	vm8 =	vgt.f32 v6, v5  }
0x257: {  	v54 =	vsel vm15, $0x8, v1;
	v5 =	vsel vm8, v6, v5;
	v6 =	vld [tilespmem:s30+$0x10]  }
0x258: {  	s31 =	sadd.s32 $0x19C00, s26;
	v9 =	vsel vm6, $0x10, v54;
	vm9 =	vgt.f32 v7, v5  }
0x259: {  	v9 =	vsel vm7, $0x18, v9;
	v5 =	vsel vm9, v7, v5;
	v7 =	vld [tilespmem:s31+$0x10]  }
0x25a: {  	v9 =	vsel vm8, $0x20, v9;
	vm10 =	vgt.f32 v53, v5  }
0x25b: {  	v55 =	vsel vm9, $0x28, v9;
	v5 =	vsel vm10, v53, v5  }
0x25c: {  	vm11 =	vgt.f32 v6, v5;
	v5 =	vsel vm10, $0x30, v55  }
0x25d: {  	v5 =	vsel vm11, $0x38, v5  }
0x25e: {  	v5 =	vadd.s32 v7, v5  }
0x25f: {  	v5 =	vshll.u32 v5, $0x4  }
0x260: {  	v6 =	vadd.s32 v4, v5;
	v5 =	vor.u32 v2, v5  }
0x261: {  	v6 =	vand.u32 $0xFFFFFF80, v6;
	v5 =	vand.u32 $0x7F, v5  }
0x262: {  	v5 =	vor.u32 v5, v6;
	_ =	sdelay $0x4  }
0x263: {  	[tilespmem:v5+s17+$0x0] =	vst.idx.add.f32.msk $0xffff, v3  }
0x264: {  	v5 =	vld [tilespmem:s26+$0xC420]  }
0x265: {  	v6 =	vld [tilespmem:s26+$0xDC20];
	_ =	sdelay $0x1  }
0x266: {  	v7 =	vld [tilespmem:s26+$0xF420];
	_ =	sdelay $0x1  }
0x267: {  	v56 =	vld [tilespmem:s28+$0x20]  }
0x268: {  	vm12 =	vgt.f32 v6, v5  }
0x269: {  	v5 =	vsel vm12, v6, v5;
	v6 =	vld [tilespmem:s26+$0x12420]  }
0x26a: {  	vm13 =	vgt.f32 v7, v5  }
0x26b: {  	v5 =	vsel vm13, v7, v5;
	v7 =	vld [tilespmem:s1+$0x20]  }
0x26c: {  	vm14 =	vgt.f32 v56, v5  }
0x26d: {  	v57 =	vld [tilespmem:s29+$0x20];
	v5 =	vsel vm14, v56, v5  }
0x26e: {  	vm15 =	vgt.f32 v6, v5  }
0x26f: {  	v58 =	vsel vm12, $0x8, v1;
	v5 =	vsel vm15, v6, v5;
	v6 =	vld [tilespmem:s30+$0x20]  }
0x270: {  	v9 =	vsel vm13, $0x10, v58;
	vm6 =	vgt.f32 v7, v5  }
0x271: {  	v9 =	vsel vm14, $0x18, v9;
	v5 =	vsel vm6, v7, v5;
	v7 =	vld [tilespmem:s31+$0x20]  }
0x272: {  	v9 =	vsel vm15, $0x20, v9;
	vm7 =	vgt.f32 v57, v5  }
0x273: {  	v59 =	vsel vm6, $0x28, v9;
	v5 =	vsel vm7, v57, v5  }
0x274: {  	vm8 =	vgt.f32 v6, v5;
	v5 =	vsel vm7, $0x30, v59  }
0x275: {  	v5 =	vsel vm8, $0x38, v5  }
0x276: {  	v5 =	vadd.s32 v7, v5  }
0x277: {  	v5 =	vshll.u32 v5, $0x4  }
0x278: {  	v6 =	vadd.s32 v4, v5;
	v5 =	vor.u32 v2, v5  }
0x279: {  	v6 =	vand.u32 $0xFFFFFF80, v6;
	v5 =	vand.u32 $0x7F, v5  }
0x27a: {  	v5 =	vor.u32 v5, v6;
	_ =	sdelay $0x4  }
0x27b: {  	[tilespmem:v5+s17+$0x0] =	vst.idx.add.f32.msk $0xffff, v3  }
0x27c: {  	v5 =	vld [tilespmem:s26+$0xC430]  }
0x27d: {  	v6 =	vld [tilespmem:s26+$0xDC30];
	_ =	sdelay $0x1  }
0x27e: {  	v7 =	vld [tilespmem:s26+$0xF430];
	_ =	sdelay $0x1  }
0x27f: {  	v60 =	vld [tilespmem:s28+$0x30]  }
0x280: {  	vm9 =	vgt.f32 v6, v5  }
0x281: {  	v5 =	vsel vm9, v6, v5;
	v6 =	vld [tilespmem:s26+$0x12430]  }
0x282: {  	vm10 =	vgt.f32 v7, v5  }
0x283: {  	v5 =	vsel vm10, v7, v5;
	v7 =	vld [tilespmem:s1+$0x30]  }
0x284: {  	vm11 =	vgt.f32 v60, v5  }
0x285: {  	v61 =	vld [tilespmem:s29+$0x30];
	v5 =	vsel vm11, v60, v5  }
0x286: {  	vm12 =	vgt.f32 v6, v5  }
0x287: {  	v62 =	vsel vm9, $0x8, v1;
	v5 =	vsel vm12, v6, v5;
	v6 =	vld [tilespmem:s30+$0x30]  }
0x288: {  	v9 =	vsel vm10, $0x10, v62;
	vm13 =	vgt.f32 v7, v5  }
0x289: {  	v9 =	vsel vm11, $0x18, v9;
	v5 =	vsel vm13, v7, v5;
	v7 =	vld [tilespmem:s31+$0x30]  }
0x28a: {  	v9 =	vsel vm12, $0x20, v9;
	vm14 =	vgt.f32 v61, v5  }
0x28b: {  	v63 =	vsel vm13, $0x28, v9;
	v5 =	vsel vm14, v61, v5  }
0x28c: {  	vm15 =	vgt.f32 v6, v5;
	v5 =	vsel vm14, $0x30, v63  }
0x28d: {  	v5 =	vsel vm15, $0x38, v5  }
0x28e: {  	v5 =	vadd.s32 v7, v5  }
0x28f: {  	v5 =	vshll.u32 v5, $0x4  }
0x290: {  	v6 =	vadd.s32 v4, v5;
	v5 =	vor.u32 v2, v5  }
0x291: {  	v6 =	vand.u32 $0xFFFFFF80, v6;
	v5 =	vand.u32 $0x7F, v5  }
0x292: {  	p0 =	sne.s32 s25, $0x1700;
	v5 =	vor.u32 v5, v6  }
.Ltmp2:
0x293: {  	_ = 	snop;
	(pc) =	sbr.rel @p0 .LBB2_7-.Ltmp2, $2  }
0x294: {  	_ =	sdelay $0x2  }
0x295: {  	s24 =	sadd.s32 $0x80, s24;
	s25 =	sadd.s32 $0x100, s25;
	[tilespmem:v5+s17+$0x0] =	vst.idx.add.f32.msk $0xffff, v3  }
0x296: {  	s23 =	sadd.s32 $0x1, s23  }
0x297: {  	p0 =	sne.s32 s23, $0x6  }
.Ltmp3:
0x298: {  	_ = 	snop;
	(pc) =	sbr.rel @p0 .LBB2_4-.Ltmp3, $1  }
0x299: {  	_ =	sdelay $0x3  }
0x29a: {  	s5 =	sadd.s32 $0x1, s5  }
0x29b: {  	p0 =	sne.s32 s5, s10  }
.Ltmp4:
0x29c: {  	_ = 	snop;
	(pc) =	sbr.rel @p0 .LBB2_1-.Ltmp4, $4  }
0x29d: {  	[hbm4b:s9+s19] =	stream.strided.scatter [tilespmem:s17], [sflag:$0x3], $0x800, s20, s19, $0x38;
	[tilespmem:$0x1B800] =	vst v63  }
0x29e: {  	_ =	swait.ge [sflag:s21], $0x800  }
0x29f: {  	[sflag:s21] =	ssyncset.done $0x0  }
0x2a0: {  	[sflag:s21] =	ssyncadd.s32 $0xFFFFF800  }
0x2a1: {  	_ =	sfence.sel $0x180000  }
0x2a2: {  	[bflag:$0x0] =	sbarrier.arrive $0xFFFF  }
0x2a3: {  	_ =	strace $0x90000047  }
0x2a4: {  	[bflag:$0x2] =	sbarrier.arrive $0xFFFF  }
0x2a5: {  	p0 =	sne.s32 s0, $0x0;
	s0 =	rddreg [dreg:$0x3]  }
0x2a6: {  	s0 =	sadd.s32 @!p0 $0x100000, s0  }
0x2a7: {  	[sflag:s0] =	ssyncadd.tile.s32 @!p0 $0x1;
	_ =	shalt  }
.Lfunc_end2:
_tile_overlayer_lowered:
.L_overlay_start_2:
0x2a8: {  	(tag) =	ssettag $0x2  }
0x2a9: {  	s0 =	rddreg [dreg:$0x0];
	s2 =	stileid.u32  }
0x2aa: {  	s1 =	rddreg [dreg:$0x1];
	p0 =	sne.s32 s2, $0x0  }
0x2ab: {  	s3 =	rddreg [dreg:$0x2];
	[bflag:$0x3] =	sbarrier.arrive $0xFFFF;
	s2 =	simm.s32 @!p0 $0x1C03  }
0x2ac: {  	[timem:s3], [sflag:s2] =	dma.local @!p0 [hbm:s0], s1  }
0x2ad: {  	s0 =	simm.s32 @!p0 $0x3  }
0x2ae: {  	_ =	swait.ge @!p0 [sflag:s0], s1  }
0x2af: {  	s1 =	ssub.s32 @!p0 $0x0, s1;
	[sflag:s0] =	ssyncset.done @!p0 $0x0  }
0x2b0: {  	[sflag:s0] =	ssyncadd.s32 @!p0 s1  }
0x2b1: {  	[bflag:$0x3] =	sbarrier.arrive $0xFFFF  }
0x2b2: {  	_ =	shalt  }

</sc_bundles>
